<compile_context>
chip_gen: v7x
topology: tpu7x:2x2x1
jax: 0.10.2.dev20260603
libtpu: 0.0.44.dev20260713+nightly
codegen_flags: <defaults>
</compile_context>

<pallas_src>
import functools

import jax
import jax.numpy as jnp
from jax import lax
from jax.experimental import pallas as pl
from jax.experimental.pallas import tpu as pltpu
from jax.experimental.pallas import tpu_sc as plsc

N = 10000
E = 320000
D_IN = 128
HID = 16
FS = 4

NC = 2
NS = 16
NW = NC * NS
L = 16

EPT = 10240
E_PAD = NW * EPT

_f32 = jnp.float32
_i32 = jnp.int32



def _t_matmul(w_ref, x_ref):
  return lax.dot_general(w_ref[:], x_ref[:], (((0,), (0,)), ((), ())),
                         preferred_element_type=_f32)


def _dense_in_body(h_ref, w_ref, asrc_ref, adst_ref, xw_out, as_out, ad_out):
  xw_t = lax.dot_general(w_ref[:], h_ref[:], (((0,), (1,)), ((), ())),
                         preferred_element_type=_f32)
  xw_out[:] = xw_t
  as_out[:] = jnp.dot(asrc_ref[:], xw_t, preferred_element_type=_f32)
  ad_out[:] = jnp.dot(adst_ref[:], xw_t, preferred_element_type=_f32)


def _dense_in(h, w, asrc, adst):
  return pl.pallas_call(
      _dense_in_body,
      out_shape=[
          jax.ShapeDtypeStruct((HID, N), _f32),
          jax.ShapeDtypeStruct((1, N), _f32),
          jax.ShapeDtypeStruct((1, N), _f32),
      ],
  )(h, w, asrc, adst)


def _combine(nump_ref, denp_ref, b_ref):
  num = jnp.sum(nump_ref[:], axis=1)
  den = jnp.sum(denp_ref[:], axis=0)
  return jnp.maximum(num / (den[None, :] + 1e-16) + b_ref[:], 0.0)


def _dense_mid_body(nump_ref, denp_ref, b_ref, w_ref, asrc_ref, adst_ref,
                    xw_out, as_out, ad_out):
  x_t = _combine(nump_ref, denp_ref, b_ref)
  xw_t = _t_matmul(w_ref, x_t)
  xw_out[:] = xw_t
  as_out[:] = jnp.dot(asrc_ref[:], xw_t, preferred_element_type=_f32)
  ad_out[:] = jnp.dot(adst_ref[:], xw_t, preferred_element_type=_f32)


def _dense_mid(nump, denp, b, w, asrc, adst):
  return pl.pallas_call(
      _dense_mid_body,
      out_shape=[
          jax.ShapeDtypeStruct((HID, N), _f32),
          jax.ShapeDtypeStruct((1, N), _f32),
          jax.ShapeDtypeStruct((1, N), _f32),
      ],
  )(nump, denp, b, w, asrc, adst)


def _dense_out_body(nump_ref, denp_ref, b_ref, w_ref, bout_ref, out_ref):
  x_t = _combine(nump_ref, denp_ref, b_ref)
  out_ref[:] = _t_matmul(w_ref, x_t) + bout_ref[:]


def _dense_out(nump, denp, b, w, bout):
  return pl.pallas_call(
      _dense_out_body,
      out_shape=jax.ShapeDtypeStruct((1, N), _f32),
  )(nump, denp, b, w, bout)



def _edge_body(src_hbm, dst_hbm, asrc_hbm, adst_hbm, xwt_hbm,
               num_out, den_out,
               src_v, dst_v, ex_v, xw_v, acc_v):
  cid = lax.axis_index("c")
  sid = lax.axis_index("s")
  wid = sid * NC + cid
  e0 = pl.multiple_of(wid * EPT, 8)

  pltpu.sync_copy(src_hbm.at[pl.ds(e0, EPT)], src_v)
  pltpu.sync_copy(dst_hbm.at[pl.ds(e0, EPT)], dst_v)
  pltpu.sync_copy(asrc_hbm, xw_v.at[0])
  pltpu.sync_copy(adst_hbm, xw_v.at[1])

  zero16 = jnp.zeros((L,), _f32)

  def _zden(i, carry):
    xw_v[2, pl.ds(i * L, L)] = zero16
    return carry
  lax.fori_loop(0, N // L, _zden, 0)

  iota = lax.iota(_i32, L)
  ebase = wid * EPT
  b0 = jnp.full((L,), 0, _i32)
  b1 = jnp.full((L,), 1, _i32)
  b2 = jnp.full((L,), 2, _i32)

  def _attn_chunk(j, carry):
    s_vec = src_v[pl.ds(j * L, L)]
    d_vec = dst_v[pl.ds(j * L, L)]
    a = (plsc.load_gather(xw_v, [b0, s_vec]) +
         plsc.load_gather(xw_v, [b1, d_vec]))
    a = jnp.maximum(a, a * 0.2)
    ex = jnp.exp(a)
    ex = jnp.where(ebase + j * L + iota < E, ex, 0.0)
    plsc.addupdate_scatter(xw_v, [b2, d_vec], ex)
    ex_v[pl.ds(j * L, L)] = ex
    return carry
  lax.fori_loop(0, EPT // L, _attn_chunk, 0, unroll=4)

  d0 = pl.multiple_of(wid * N, 8)
  pltpu.sync_copy(xw_v.at[2], den_out.at[pl.ds(d0, N)])

  n0 = pl.multiple_of(wid * N, 8)
  for s in range(HID // FS):
    pltpu.sync_copy(xwt_hbm.at[pl.ds(s * FS, FS)], xw_v)

    def _zacc(i, carry):
      acc_v[i % FS, pl.ds((i // FS) * L, L)] = zero16
      return carry
    lax.fori_loop(0, FS * (N // L), _zacc, 0)

    def _msg_chunk(j, carry):
      s_vec = src_v[pl.ds(j * L, L)]
      d_vec = dst_v[pl.ds(j * L, L)]
      exv = ex_v[pl.ds(j * L, L)]
      for k in range(FS):
        bk = jnp.full((L,), k, _i32)
        xg = plsc.load_gather(xw_v, [bk, s_vec])
        plsc.addupdate_scatter(acc_v, [bk, d_vec], xg * exv)
      return carry
    lax.fori_loop(0, EPT // L, _msg_chunk, 0, unroll=4)

    for k in range(FS):
      pltpu.sync_copy(acc_v.at[k], num_out.at[s * FS + k, pl.ds(n0, N)])


def _edge_phase(src_f, dst_f, alpha_src, alpha_dst, xw_t):
  mesh = plsc.VectorSubcoreMesh(core_axis_name="c", subcore_axis_name="s")
  kernel_fn = functools.partial(
      pl.kernel,
      out_type=[
          jax.ShapeDtypeStruct((HID, NW * N), _f32),
          jax.ShapeDtypeStruct((NW * N,), _f32),
      ],
      mesh=mesh,
      scratch_types=[
          pltpu.VMEM((EPT,), _i32),
          pltpu.VMEM((EPT,), _i32),
          pltpu.VMEM((EPT,), _f32),
          pltpu.VMEM((FS, N), _f32),
          pltpu.VMEM((FS, N), _f32),
      ],
      compiler_params=pltpu.CompilerParams(needs_layout_passes=False,
                                           use_tc_tiling_on_sc=False),
  )(_edge_body)
  return kernel_fn(src_f, dst_f, alpha_src, alpha_dst, xw_t)



def kernel(h, edge_index, W1, a_src1, a_dst1, b1, W2, a_src2, a_dst2, b2,
           W_out, b_out):
  src = edge_index[0].astype(_i32)
  dst = edge_index[1].astype(_i32)
  pad = jnp.zeros((E_PAD - E,), _i32)
  src_f = jnp.concatenate([src, pad])
  dst_f = jnp.concatenate([dst, pad])

  asrc1 = a_src1.reshape(1, HID)
  adst1 = a_dst1.reshape(1, HID)
  asrc2 = a_src2.reshape(1, HID)
  adst2 = a_dst2.reshape(1, HID)

  def layer_edge(xw_t, as_row, ad_row):
    nump, denp = _edge_phase(src_f, dst_f, as_row.reshape(N),
                             ad_row.reshape(N), xw_t)
    return nump.reshape(HID, NW, N), denp.reshape(NW, N)

  xw1, as1, ad1 = _dense_in(h, W1, asrc1, adst1)
  num1, den1 = layer_edge(xw1, as1, ad1)
  xw2, as2, ad2 = _dense_mid(num1, den1, b1.reshape(HID, 1),
                             W2, asrc2, adst2)
  num2, den2 = layer_edge(xw2, as2, ad2)
  out_t = _dense_out(num2, den2, b2.reshape(HID, 1), W_out,
                     b_out.reshape(1, 1))
  return out_t.reshape(N, 1)

# --- scband reference (transcript-rebuilt; emitter-appended) ---
"""Pipeline reference for scband-gat-38603166056516 (READ-ONLY COPY).

The authoritative reference and input builder live on the scoring server;
editing this copy changes nothing except your own understanding.
"""

import jax, jax.numpy as jnp
import numpy as np

N = 10000
E = 320000
D_IN = 128
HID = 16
HEADS = 1
D_OUT = 1


def setup_inputs(seed: int = 0) -> dict:
    key = jax.random.key(seed)
    ks = jax.random.split(key, 12)
    h = jax.random.normal(ks[0], (N, D_IN), dtype=jnp.float32)
    edge_index = jax.random.randint(ks[1], (2, E), 0, N)
    W1 = jax.random.normal(ks[2], (D_IN, HEADS * HID), dtype=jnp.float32) * (1.0 / np.sqrt(D_IN))
    a_src1 = jax.random.normal(ks[3], (1, HEADS, HID), dtype=jnp.float32) * (1.0 / np.sqrt(HID))
    a_dst1 = jax.random.normal(ks[4], (1, HEADS, HID), dtype=jnp.float32) * (1.0 / np.sqrt(HID))
    b1 = jnp.zeros((HEADS * HID,), dtype=jnp.float32)
    W2 = jax.random.normal(ks[5], (HEADS * HID, HEADS * HID), dtype=jnp.float32) * (1.0 / np.sqrt(HEADS * HID))
    a_src2 = jax.random.normal(ks[6], (1, HEADS, HID), dtype=jnp.float32) * (1.0 / np.sqrt(HID))
    a_dst2 = jax.random.normal(ks[7], (1, HEADS, HID), dtype=jnp.float32) * (1.0 / np.sqrt(HID))
    b2 = jnp.zeros((HEADS * HID,), dtype=jnp.float32)
    W_out = jax.random.normal(ks[8], (HEADS * HID, D_OUT), dtype=jnp.float32) * (1.0 / np.sqrt(HEADS * HID))
    b_out = jnp.zeros((D_OUT,), dtype=jnp.float32)
    return {"h": h, "edge_index": edge_index, "W1": W1, "a_src1": a_src1, "a_dst1": a_dst1, "b1": b1,
            "W2": W2, "a_src2": a_src2, "a_dst2": a_dst2, "b2": b2, "W_out": W_out, "b_out": b_out}


def gat_conv(x, edge_index, W, a_src, a_dst, b):
    # Faithful PyG-style GATConv: linear -> per-node attention logits -> edge
    # logits -> leaky_relu -> softmax over incoming edges of dst -> weighted
    # scatter-add aggregation -> bias.
    n = x.shape[0]
    src = edge_index[0]
    dst = edge_index[1]
    hid = a_src.shape[-1]
    heads = a_src.shape[1]
    xw = (x @ W).reshape(n, heads, hid)
    alpha_src = (xw * a_src).sum(-1)  # [N, H]
    alpha_dst = (xw * a_dst).sum(-1)  # [N, H]
    alpha = alpha_src[src] + alpha_dst[dst]  # [E, H]
    alpha = jax.nn.leaky_relu(alpha, negative_slope=0.2)
    # numerically stable segment softmax over edges grouped by dst
    amax = jax.ops.segment_max(alpha, dst, num_segments=n)
    amax = jnp.where(jnp.isfinite(amax), amax, 0.0)
    ex = jnp.exp(alpha - amax[dst])
    denom = jax.ops.segment_sum(ex, dst, num_segments=n)
    attn = ex / (denom[dst] + 1e-16)  # [E, H]
    msg = xw[src] * attn[:, :, None]  # [E, H, hid]
    out = jax.ops.segment_sum(msg, dst, num_segments=n)  # [N, H, hid]
    return out.reshape(n, heads * hid) + b


def reference(h, edge_index, W1, a_src1, a_dst1, b1, W2, a_src2, a_dst2, b2, W_out, b_out):
    x = gat_conv(h, edge_index, W1, a_src1, a_dst1, b1)
    x = jax.nn.relu(x)
    x = gat_conv(x, edge_index, W2, a_src2, a_dst2, b2)
    x = jax.nn.relu(x)
    return x @ W_out + b_out

if __name__ == "__main__":
    import jax
    _d = setup_inputs()
    print(jax.jit(kernel)(*tuple(_d.values())))

</pallas_src>

<mosaic_0001>
#map = affine_map<(d0, d1) -> (0)>
#map1 = affine_map<(d0, d1) -> (0, 0)>
module attributes {stable_mosaic.version = 14 : i64} {
  func.func @_edge_body(%arg0: i32, %arg1: i32, %arg2: memref<327680xi32, #tpu.memory_space<hbm>>, %arg3: memref<327680xi32, #tpu.memory_space<hbm>>, %arg4: memref<10000xf32, #tpu.memory_space<hbm>>, %arg5: memref<10000xf32, #tpu.memory_space<hbm>>, %arg6: memref<16x10000xf32, #tpu.memory_space<hbm>>, %arg7: memref<16x320000xf32, #tpu.memory_space<hbm>>, %arg8: memref<320000xf32, #tpu.memory_space<hbm>>, %arg9: memref<10240xi32, #tpu.memory_space<vmem>>, %arg10: memref<10240xi32, #tpu.memory_space<vmem>>, %arg11: memref<10240xf32, #tpu.memory_space<vmem>>, %arg12: memref<4x10000xf32, #tpu.memory_space<vmem>>, %arg13: memref<4x10000xf32, #tpu.memory_space<vmem>>) attributes {dimension_semantics = [#tpu.dimension_semantics<core_parallel>, #tpu.dimension_semantics<subcore_parallel>], iteration_bounds = array<i64: 2, 16>, scalar_prefetch = 0 : i64, scratch_operands = 5 : i64, tpu.core_type = #tpu.core_type<sc_vector_subcore>, window_params = [{transform_indices = #map}, {transform_indices = #map}, {transform_indices = #map}, {transform_indices = #map}, {transform_indices = #map1}, {transform_indices = #map1}, {transform_indices = #map}]} {
    %mul3A = arith.constant 2 : i32
    %mul3A_0 = arith.muli %arg1, %mul3A : i32
    %add3A = arith.addi %mul3A_0, %arg0 : i32
    %mul3A_1 = arith.constant 10240 : i32
    %mul3A_2 = arith.muli %add3A, %mul3A_1 : i32
    %multiple_of3A = tpu.assume_multiple %mul3A_2, 8 : i32
    "tpu.region"() ({
      %run_scoped3A_111 = tpu.sem_alloc : memref<!tpu.dma_semaphore, #tpu.memory_space<semaphore_mem>>
      %dma_start3A = tpu.memref_slice %arg2[%multiple_of3A] : memref<327680xi32, #tpu.memory_space<hbm>> -> memref<10240xi32, #tpu.memory_space<hbm>>
      %dma_start3A_112 = tpu.memref_slice %arg2[%multiple_of3A] : memref<327680xi32, #tpu.memory_space<hbm>> -> memref<10240xi32, #tpu.memory_space<hbm>>
      tpu.enqueue_dma source(%dma_start3A_112 : memref<10240xi32, #tpu.memory_space<hbm>>) target(%arg9 : memref<10240xi32, #tpu.memory_space<vmem>>) target_semaphore(%run_scoped3A_111 : memref<!tpu.dma_semaphore, #tpu.memory_space<semaphore_mem>>)
      %dma_wait3A = tpu.memref_slice %arg2[%multiple_of3A] : memref<327680xi32, #tpu.memory_space<hbm>> -> memref<10240xi32, #tpu.memory_space<hbm>>
      %dma_wait3A_113 = tpu.memref_slice %arg2[%multiple_of3A] : memref<327680xi32, #tpu.memory_space<hbm>> -> memref<10240xi32, #tpu.memory_space<hbm>>
      tpu.wait_dma2 semaphore(%run_scoped3A_111 : memref<!tpu.dma_semaphore, #tpu.memory_space<semaphore_mem>>) src(%dma_wait3A_113 : memref<10240xi32, #tpu.memory_space<hbm>>) dst(%arg9 : memref<10240xi32, #tpu.memory_space<vmem>>)
      tpu.yield
    }) : () -> ()
    "tpu.region"() ({
      %run_scoped3A_111 = tpu.sem_alloc : memref<!tpu.dma_semaphore, #tpu.memory_space<semaphore_mem>>
      %dma_start3A = tpu.memref_slice %arg3[%multiple_of3A] : memref<327680xi32, #tpu.memory_space<hbm>> -> memref<10240xi32, #tpu.memory_space<hbm>>
      %dma_start3A_112 = tpu.memref_slice %arg3[%multiple_of3A] : memref<327680xi32, #tpu.memory_space<hbm>> -> memref<10240xi32, #tpu.memory_space<hbm>>
      tpu.enqueue_dma source(%dma_start3A_112 : memref<10240xi32, #tpu.memory_space<hbm>>) target(%arg10 : memref<10240xi32, #tpu.memory_space<vmem>>) target_semaphore(%run_scoped3A_111 : memref<!tpu.dma_semaphore, #tpu.memory_space<semaphore_mem>>)
      %dma_wait3A = tpu.memref_slice %arg3[%multiple_of3A] : memref<327680xi32, #tpu.memory_space<hbm>> -> memref<10240xi32, #tpu.memory_space<hbm>>
      %dma_wait3A_113 = tpu.memref_slice %arg3[%multiple_of3A] : memref<327680xi32, #tpu.memory_space<hbm>> -> memref<10240xi32, #tpu.memory_space<hbm>>
      tpu.wait_dma2 semaphore(%run_scoped3A_111 : memref<!tpu.dma_semaphore, #tpu.memory_space<semaphore_mem>>) src(%dma_wait3A_113 : memref<10240xi32, #tpu.memory_space<hbm>>) dst(%arg10 : memref<10240xi32, #tpu.memory_space<vmem>>)
      tpu.yield
    }) : () -> ()
    %run_scoped3A = arith.constant 0 : i32
    "tpu.region"() ({
      %run_scoped3A_111 = tpu.sem_alloc : memref<!tpu.dma_semaphore, #tpu.memory_space<semaphore_mem>>
      %dma_start3A = arith.constant 0 : i32
      %dma_start3A_112 = tpu.memref_slice %arg12[%run_scoped3A, %dma_start3A] : memref<4x10000xf32, #tpu.memory_space<vmem>> -> memref<1x10000xf32, #tpu.memory_space<vmem>>
      %dma_start3A_113 = tpu.memref_squeeze %dma_start3A_112 : memref<1x10000xf32, #tpu.memory_space<vmem>> -> memref<10000xf32, #tpu.memory_space<vmem>>
      %dma_start3A_114 = arith.constant 0 : i32
      %dma_start3A_115 = tpu.memref_slice %arg12[%run_scoped3A, %dma_start3A_114] : memref<4x10000xf32, #tpu.memory_space<vmem>> -> memref<1x10000xf32, #tpu.memory_space<vmem>>
      %dma_start3A_116 = tpu.memref_squeeze %dma_start3A_115 : memref<1x10000xf32, #tpu.memory_space<vmem>> -> memref<10000xf32, #tpu.memory_space<vmem>>
      tpu.enqueue_dma source(%arg4 : memref<10000xf32, #tpu.memory_space<hbm>>) target(%dma_start3A_116 : memref<10000xf32, #tpu.memory_space<vmem>>) target_semaphore(%run_scoped3A_111 : memref<!tpu.dma_semaphore, #tpu.memory_space<semaphore_mem>>)
      %dma_wait3A = arith.constant 0 : i32
      %dma_wait3A_117 = tpu.memref_slice %arg12[%run_scoped3A, %dma_wait3A] : memref<4x10000xf32, #tpu.memory_space<vmem>> -> memref<1x10000xf32, #tpu.memory_space<vmem>>
      %dma_wait3A_118 = tpu.memref_squeeze %dma_wait3A_117 : memref<1x10000xf32, #tpu.memory_space<vmem>> -> memref<10000xf32, #tpu.memory_space<vmem>>
      %dma_wait3A_119 = arith.constant 0 : i32
      %dma_wait3A_120 = tpu.memref_slice %arg12[%run_scoped3A, %dma_wait3A_119] : memref<4x10000xf32, #tpu.memory_space<vmem>> -> memref<1x10000xf32, #tpu.memory_space<vmem>>
      %dma_wait3A_121 = tpu.memref_squeeze %dma_wait3A_120 : memref<1x10000xf32, #tpu.memory_space<vmem>> -> memref<10000xf32, #tpu.memory_space<vmem>>
      tpu.wait_dma2 semaphore(%run_scoped3A_111 : memref<!tpu.dma_semaphore, #tpu.memory_space<semaphore_mem>>) src(%arg4 : memref<10000xf32, #tpu.memory_space<hbm>>) dst(%dma_wait3A_121 : memref<10000xf32, #tpu.memory_space<vmem>>)
      tpu.yield
    }) : () -> ()
    %run_scoped3A_3 = arith.constant 1 : i32
    "tpu.region"() ({
      %run_scoped3A_111 = tpu.sem_alloc : memref<!tpu.dma_semaphore, #tpu.memory_space<semaphore_mem>>
      %dma_start3A = arith.constant 0 : i32
      %dma_start3A_112 = tpu.memref_slice %arg12[%run_scoped3A_3, %dma_start3A] : memref<4x10000xf32, #tpu.memory_space<vmem>> -> memref<1x10000xf32, #tpu.memory_space<vmem>>
      %dma_start3A_113 = tpu.memref_squeeze %dma_start3A_112 : memref<1x10000xf32, #tpu.memory_space<vmem>> -> memref<10000xf32, #tpu.memory_space<vmem>>
      %dma_start3A_114 = arith.constant 0 : i32
      %dma_start3A_115 = tpu.memref_slice %arg12[%run_scoped3A_3, %dma_start3A_114] : memref<4x10000xf32, #tpu.memory_space<vmem>> -> memref<1x10000xf32, #tpu.memory_space<vmem>>
      %dma_start3A_116 = tpu.memref_squeeze %dma_start3A_115 : memref<1x10000xf32, #tpu.memory_space<vmem>> -> memref<10000xf32, #tpu.memory_space<vmem>>
      tpu.enqueue_dma source(%arg5 : memref<10000xf32, #tpu.memory_space<hbm>>) target(%dma_start3A_116 : memref<10000xf32, #tpu.memory_space<vmem>>) target_semaphore(%run_scoped3A_111 : memref<!tpu.dma_semaphore, #tpu.memory_space<semaphore_mem>>)
      %dma_wait3A = arith.constant 0 : i32
      %dma_wait3A_117 = tpu.memref_slice %arg12[%run_scoped3A_3, %dma_wait3A] : memref<4x10000xf32, #tpu.memory_space<vmem>> -> memref<1x10000xf32, #tpu.memory_space<vmem>>
      %dma_wait3A_118 = tpu.memref_squeeze %dma_wait3A_117 : memref<1x10000xf32, #tpu.memory_space<vmem>> -> memref<10000xf32, #tpu.memory_space<vmem>>
      %dma_wait3A_119 = arith.constant 0 : i32
      %dma_wait3A_120 = tpu.memref_slice %arg12[%run_scoped3A_3, %dma_wait3A_119] : memref<4x10000xf32, #tpu.memory_space<vmem>> -> memref<1x10000xf32, #tpu.memory_space<vmem>>
      %dma_wait3A_121 = tpu.memref_squeeze %dma_wait3A_120 : memref<1x10000xf32, #tpu.memory_space<vmem>> -> memref<10000xf32, #tpu.memory_space<vmem>>
      tpu.wait_dma2 semaphore(%run_scoped3A_111 : memref<!tpu.dma_semaphore, #tpu.memory_space<semaphore_mem>>) src(%arg5 : memref<10000xf32, #tpu.memory_space<hbm>>) dst(%dma_wait3A_121 : memref<10000xf32, #tpu.memory_space<vmem>>)
      tpu.yield
    }) : () -> ()
    %broadcast_in_dim3A = arith.constant 0.000000e+00 : f32
    %broadcast_in_dim3A_4 = vector.broadcast %broadcast_in_dim3A : f32 to vector<16xf32>
    %scan3A = arith.constant 0 : i32
    %scan3A_5 = arith.constant 0 : i32
    %scan3A_6 = arith.constant 625 : i32
    %scan3A_7 = arith.addi %scan3A_5, %scan3A_6 : i32
    %scan3A_8 = arith.constant 1 : i32
    scf.for %scan3A_111 = %scan3A_5 to %scan3A_7 step %scan3A_8  : i32 {
      %mul3A_112 = arith.constant 16 : i32
      %mul3A_113 = arith.muli %scan3A_111, %mul3A_112 : i32
      %swap3A = arith.constant 2 : i32
      %swap3A_114 = arith.index_cast %swap3A : i32 to index
      %swap3A_115 = arith.index_cast %mul3A_113 : i32 to index
      %swap3A_116 = tpu.vector_load %arg12[%swap3A_114, %swap3A_115] {strides = array<i32>} : memref<4x10000xf32, #tpu.memory_space<vmem>>, vector<16xf32>,
      tpu.vector_store %arg12[%swap3A_114, %swap3A_115], %broadcast_in_dim3A_4 {strides = array<i32>} : memref<4x10000xf32, #tpu.memory_space<vmem>>, vector<16xf32>,
    }
    %scan3A_9 = arith.constant 625 : i32
    %iota3A = tpu.iota {dimensions = array<i32: 0>} : vector<16xi32>
    %mul3A_10 = arith.constant 10240 : i32
    %mul3A_11 = arith.muli %add3A, %mul3A_10 : i32
    %broadcast_in_dim3A_12 = arith.constant 0 : i32
    %broadcast_in_dim3A_13 = vector.broadcast %broadcast_in_dim3A_12 : i32 to vector<16xi32>
    %broadcast_in_dim3A_14 = arith.constant 1 : i32
    %broadcast_in_dim3A_15 = vector.broadcast %broadcast_in_dim3A_14 : i32 to vector<16xi32>
    %broadcast_in_dim3A_16 = arith.constant 2 : i32
    %broadcast_in_dim3A_17 = vector.broadcast %broadcast_in_dim3A_16 : i32 to vector<16xi32>
    %scan3A_18 = arith.constant 0 : i32
    %scan3A_19 = arith.constant 0 : i32
    %scan3A_20 = arith.constant 640 : i32
    %scan3A_21 = arith.addi %scan3A_19, %scan3A_20 : i32
    %scan3A_22 = arith.constant 4 : i32
    scf.for %scan3A_111 = %scan3A_19 to %scan3A_21 step %scan3A_22  : i32 {
      %mul3A_112 = arith.constant 16 : i32
      %mul3A_113 = arith.muli %scan3A_111, %mul3A_112 : i32
      %get3A = arith.index_cast %mul3A_113 : i32 to index
      %get3A_114 = tpu.vector_load %arg9[%get3A] {strides = array<i32>} : memref<10240xi32, #tpu.memory_space<vmem>>, vector<16xi32>,
      %mul3A_115 = arith.constant 16 : i32
      %mul3A_116 = arith.muli %scan3A_111, %mul3A_115 : i32
      %get3A_117 = arith.index_cast %mul3A_116 : i32 to index
      %get3A_118 = tpu.vector_load %arg10[%get3A_117] {strides = array<i32>} : memref<10240xi32, #tpu.memory_space<vmem>>, vector<16xi32>,
      %gather3A = tpu.vector_load_idx %arg12[%broadcast_in_dim3A_13, %get3A_114] : memref<4x10000xf32, #tpu.memory_space<vmem>>[vector<16xi32>, vector<16xi32>], vector<16xf32>,
      %gather3A_119 = tpu.vector_load_idx %arg12[%broadcast_in_dim3A_15, %get3A_118] : memref<4x10000xf32, #tpu.memory_space<vmem>>[vector<16xi32>, vector<16xi32>], vector<16xf32>,
      %add3A_120 = arith.addf %gather3A, %gather3A_119 : vector<16xf32>
      %mul3A_121 = arith.constant 2.000000e-01 : f32
      %mul3A_122 = vector.broadcast %mul3A_121 : f32 to vector<16xf32>
      %mul3A_123 = arith.mulf %add3A_120, %mul3A_122 : vector<16xf32>
      %max3A = arith.maximumf %add3A_120, %mul3A_123 : vector<16xf32>
      %exp3A = math.exp %max3A : vector<16xf32>
      %mul3A_124 = arith.constant 16 : i32
      %mul3A_125 = arith.muli %scan3A_111, %mul3A_124 : i32
      %add3A_126 = arith.addi %mul3A_11, %mul3A_125 : i32
      %add3A_127 = vector.broadcast %add3A_126 : i32 to vector<16xi32>
      %add3A_128 = arith.addi %add3A_127, %iota3A : vector<16xi32>
      %lt3A = arith.constant 320000 : i32
      %lt3A_129 = vector.broadcast %lt3A : i32 to vector<16xi32>
      %lt3A_130 = arith.cmpi slt, %add3A_128, %lt3A_129 : vector<16xi32>
      %jit3A = arith.constant 0.000000e+00 : f32
      %broadcast_in_dim3A_131 = vector.broadcast %jit3A : f32 to vector<16xf32>
      %select_n3A = arith.select %lt3A_130, %exp3A, %broadcast_in_dim3A_131 : vector<16xi1>, vector<16xf32>
      tpu.vector_store_idx %arg12[%broadcast_in_dim3A_17, %get3A_118], %select_n3A {add = true} : memref<4x10000xf32, #tpu.memory_space<vmem>>[vector<16xi32>, vector<16xi32>], vector<16xf32>,
      %mul3A_132 = arith.constant 16 : i32
      %mul3A_133 = arith.muli %scan3A_111, %mul3A_132 : i32
      %swap3A = arith.index_cast %mul3A_133 : i32 to index
      %swap3A_134 = tpu.vector_load %arg11[%swap3A] {strides = array<i32>} : memref<10240xf32, #tpu.memory_space<vmem>>, vector<16xf32>,
      tpu.vector_store %arg11[%swap3A], %select_n3A {strides = array<i32>} : memref<10240xf32, #tpu.memory_space<vmem>>, vector<16xf32>,
      %scan3A_135 = arith.constant 1 : i32
      %scan3A_136 = arith.addi %scan3A_111, %scan3A_135 : i32
      %mul3A_137 = arith.constant 16 : i32
      %mul3A_138 = arith.muli %scan3A_136, %mul3A_137 : i32
      %get3A_139 = arith.index_cast %mul3A_138 : i32 to index
      %get3A_140 = tpu.vector_load %arg9[%get3A_139] {strides = array<i32>} : memref<10240xi32, #tpu.memory_space<vmem>>, vector<16xi32>,
      %mul3A_141 = arith.constant 16 : i32
      %mul3A_142 = arith.muli %scan3A_136, %mul3A_141 : i32
      %get3A_143 = arith.index_cast %mul3A_142 : i32 to index
      %get3A_144 = tpu.vector_load %arg10[%get3A_143] {strides = array<i32>} : memref<10240xi32, #tpu.memory_space<vmem>>, vector<16xi32>,
      %gather3A_145 = tpu.vector_load_idx %arg12[%broadcast_in_dim3A_13, %get3A_140] : memref<4x10000xf32, #tpu.memory_space<vmem>>[vector<16xi32>, vector<16xi32>], vector<16xf32>,
      %gather3A_146 = tpu.vector_load_idx %arg12[%broadcast_in_dim3A_15, %get3A_144] : memref<4x10000xf32, #tpu.memory_space<vmem>>[vector<16xi32>, vector<16xi32>], vector<16xf32>,
      %add3A_147 = arith.addf %gather3A_145, %gather3A_146 : vector<16xf32>
      %mul3A_148 = arith.constant 2.000000e-01 : f32
      %mul3A_149 = vector.broadcast %mul3A_148 : f32 to vector<16xf32>
      %mul3A_150 = arith.mulf %add3A_147, %mul3A_149 : vector<16xf32>
      %max3A_151 = arith.maximumf %add3A_147, %mul3A_150 : vector<16xf32>
      %exp3A_152 = math.exp %max3A_151 : vector<16xf32>
      %mul3A_153 = arith.constant 16 : i32
      %mul3A_154 = arith.muli %scan3A_136, %mul3A_153 : i32
      %add3A_155 = arith.addi %mul3A_11, %mul3A_154 : i32
      %add3A_156 = vector.broadcast %add3A_155 : i32 to vector<16xi32>
      %add3A_157 = arith.addi %add3A_156, %iota3A : vector<16xi32>
      %lt3A_158 = arith.constant 320000 : i32
      %lt3A_159 = vector.broadcast %lt3A_158 : i32 to vector<16xi32>
      %lt3A_160 = arith.cmpi slt, %add3A_157, %lt3A_159 : vector<16xi32>
      %jit3A_161 = arith.constant 0.000000e+00 : f32
      %broadcast_in_dim3A_162 = vector.broadcast %jit3A_161 : f32 to vector<16xf32>
      %select_n3A_163 = arith.select %lt3A_160, %exp3A_152, %broadcast_in_dim3A_162 : vector<16xi1>, vector<16xf32>
      tpu.vector_store_idx %arg12[%broadcast_in_dim3A_17, %get3A_144], %select_n3A_163 {add = true} : memref<4x10000xf32, #tpu.memory_space<vmem>>[vector<16xi32>, vector<16xi32>], vector<16xf32>,
      %mul3A_164 = arith.constant 16 : i32
      %mul3A_165 = arith.muli %scan3A_136, %mul3A_164 : i32
      %swap3A_166 = arith.index_cast %mul3A_165 : i32 to index
      %swap3A_167 = tpu.vector_load %arg11[%swap3A_166] {strides = array<i32>} : memref<10240xf32, #tpu.memory_space<vmem>>, vector<16xf32>,
      tpu.vector_store %arg11[%swap3A_166], %select_n3A_163 {strides = array<i32>} : memref<10240xf32, #tpu.memory_space<vmem>>, vector<16xf32>,
      %scan3A_168 = arith.constant 2 : i32
      %scan3A_169 = arith.addi %scan3A_111, %scan3A_168 : i32
      %mul3A_170 = arith.constant 16 : i32
      %mul3A_171 = arith.muli %scan3A_169, %mul3A_170 : i32
      %get3A_172 = arith.index_cast %mul3A_171 : i32 to index
      %get3A_173 = tpu.vector_load %arg9[%get3A_172] {strides = array<i32>} : memref<10240xi32, #tpu.memory_space<vmem>>, vector<16xi32>,
      %mul3A_174 = arith.constant 16 : i32
      %mul3A_175 = arith.muli %scan3A_169, %mul3A_174 : i32
      %get3A_176 = arith.index_cast %mul3A_175 : i32 to index
      %get3A_177 = tpu.vector_load %arg10[%get3A_176] {strides = array<i32>} : memref<10240xi32, #tpu.memory_space<vmem>>, vector<16xi32>,
      %gather3A_178 = tpu.vector_load_idx %arg12[%broadcast_in_dim3A_13, %get3A_173] : memref<4x10000xf32, #tpu.memory_space<vmem>>[vector<16xi32>, vector<16xi32>], vector<16xf32>,
      %gather3A_179 = tpu.vector_load_idx %arg12[%broadcast_in_dim3A_15, %get3A_177] : memref<4x10000xf32, #tpu.memory_space<vmem>>[vector<16xi32>, vector<16xi32>], vector<16xf32>,
      %add3A_180 = arith.addf %gather3A_178, %gather3A_179 : vector<16xf32>
      %mul3A_181 = arith.constant 2.000000e-01 : f32
      %mul3A_182 = vector.broadcast %mul3A_181 : f32 to vector<16xf32>
      %mul3A_183 = arith.mulf %add3A_180, %mul3A_182 : vector<16xf32>
      %max3A_184 = arith.maximumf %add3A_180, %mul3A_183 : vector<16xf32>
      %exp3A_185 = math.exp %max3A_184 : vector<16xf32>
      %mul3A_186 = arith.constant 16 : i32
      %mul3A_187 = arith.muli %scan3A_169, %mul3A_186 : i32
      %add3A_188 = arith.addi %mul3A_11, %mul3A_187 : i32
      %add3A_189 = vector.broadcast %add3A_188 : i32 to vector<16xi32>
      %add3A_190 = arith.addi %add3A_189, %iota3A : vector<16xi32>
      %lt3A_191 = arith.constant 320000 : i32
      %lt3A_192 = vector.broadcast %lt3A_191 : i32 to vector<16xi32>
      %lt3A_193 = arith.cmpi slt, %add3A_190, %lt3A_192 : vector<16xi32>
      %jit3A_194 = arith.constant 0.000000e+00 : f32
      %broadcast_in_dim3A_195 = vector.broadcast %jit3A_194 : f32 to vector<16xf32>
      %select_n3A_196 = arith.select %lt3A_193, %exp3A_185, %broadcast_in_dim3A_195 : vector<16xi1>, vector<16xf32>
      tpu.vector_store_idx %arg12[%broadcast_in_dim3A_17, %get3A_177], %select_n3A_196 {add = true} : memref<4x10000xf32, #tpu.memory_space<vmem>>[vector<16xi32>, vector<16xi32>], vector<16xf32>,
      %mul3A_197 = arith.constant 16 : i32
      %mul3A_198 = arith.muli %scan3A_169, %mul3A_197 : i32
      %swap3A_199 = arith.index_cast %mul3A_198 : i32 to index
      %swap3A_200 = tpu.vector_load %arg11[%swap3A_199] {strides = array<i32>} : memref<10240xf32, #tpu.memory_space<vmem>>, vector<16xf32>,
      tpu.vector_store %arg11[%swap3A_199], %select_n3A_196 {strides = array<i32>} : memref<10240xf32, #tpu.memory_space<vmem>>, vector<16xf32>,
      %scan3A_201 = arith.constant 3 : i32
      %scan3A_202 = arith.addi %scan3A_111, %scan3A_201 : i32
      %mul3A_203 = arith.constant 16 : i32
      %mul3A_204 = arith.muli %scan3A_202, %mul3A_203 : i32
      %get3A_205 = arith.index_cast %mul3A_204 : i32 to index
      %get3A_206 = tpu.vector_load %arg9[%get3A_205] {strides = array<i32>} : memref<10240xi32, #tpu.memory_space<vmem>>, vector<16xi32>,
      %mul3A_207 = arith.constant 16 : i32
      %mul3A_208 = arith.muli %scan3A_202, %mul3A_207 : i32
      %get3A_209 = arith.index_cast %mul3A_208 : i32 to index
      %get3A_210 = tpu.vector_load %arg10[%get3A_209] {strides = array<i32>} : memref<10240xi32, #tpu.memory_space<vmem>>, vector<16xi32>,
      %gather3A_211 = tpu.vector_load_idx %arg12[%broadcast_in_dim3A_13, %get3A_206] : memref<4x10000xf32, #tpu.memory_space<vmem>>[vector<16xi32>, vector<16xi32>], vector<16xf32>,
      %gather3A_212 = tpu.vector_load_idx %arg12[%broadcast_in_dim3A_15, %get3A_210] : memref<4x10000xf32, #tpu.memory_space<vmem>>[vector<16xi32>, vector<16xi32>], vector<16xf32>,
      %add3A_213 = arith.addf %gather3A_211, %gather3A_212 : vector<16xf32>
      %mul3A_214 = arith.constant 2.000000e-01 : f32
      %mul3A_215 = vector.broadcast %mul3A_214 : f32 to vector<16xf32>
      %mul3A_216 = arith.mulf %add3A_213, %mul3A_215 : vector<16xf32>
      %max3A_217 = arith.maximumf %add3A_213, %mul3A_216 : vector<16xf32>
      %exp3A_218 = math.exp %max3A_217 : vector<16xf32>
      %mul3A_219 = arith.constant 16 : i32
      %mul3A_220 = arith.muli %scan3A_202, %mul3A_219 : i32
      %add3A_221 = arith.addi %mul3A_11, %mul3A_220 : i32
      %add3A_222 = vector.broadcast %add3A_221 : i32 to vector<16xi32>
      %add3A_223 = arith.addi %add3A_222, %iota3A : vector<16xi32>
      %lt3A_224 = arith.constant 320000 : i32
      %lt3A_225 = vector.broadcast %lt3A_224 : i32 to vector<16xi32>
      %lt3A_226 = arith.cmpi slt, %add3A_223, %lt3A_225 : vector<16xi32>
      %jit3A_227 = arith.constant 0.000000e+00 : f32
      %broadcast_in_dim3A_228 = vector.broadcast %jit3A_227 : f32 to vector<16xf32>
      %select_n3A_229 = arith.select %lt3A_226, %exp3A_218, %broadcast_in_dim3A_228 : vector<16xi1>, vector<16xf32>
      tpu.vector_store_idx %arg12[%broadcast_in_dim3A_17, %get3A_210], %select_n3A_229 {add = true} : memref<4x10000xf32, #tpu.memory_space<vmem>>[vector<16xi32>, vector<16xi32>], vector<16xf32>,
      %mul3A_230 = arith.constant 16 : i32
      %mul3A_231 = arith.muli %scan3A_202, %mul3A_230 : i32
      %swap3A_232 = arith.index_cast %mul3A_231 : i32 to index
      %swap3A_233 = tpu.vector_load %arg11[%swap3A_232] {strides = array<i32>} : memref<10240xf32, #tpu.memory_space<vmem>>, vector<16xf32>,
      tpu.vector_store %arg11[%swap3A_232], %select_n3A_229 {strides = array<i32>} : memref<10240xf32, #tpu.memory_space<vmem>>, vector<16xf32>,
    }
    %scan3A_23 = arith.constant 640 : i32
    %mul3A_24 = arith.constant 10000 : i32
    %mul3A_25 = arith.muli %add3A, %mul3A_24 : i32
    %multiple_of3A_26 = tpu.assume_multiple %mul3A_25, 8 : i32
    %run_scoped3A_27 = arith.constant 2 : i32
    "tpu.region"() ({
      %run_scoped3A_111 = tpu.sem_alloc : memref<!tpu.dma_semaphore, #tpu.memory_space<semaphore_mem>>
      %dma_start3A = arith.constant 0 : i32
      %dma_start3A_112 = tpu.memref_slice %arg12[%run_scoped3A_27, %dma_start3A] : memref<4x10000xf32, #tpu.memory_space<vmem>> -> memref<1x10000xf32, #tpu.memory_space<vmem>>
      %dma_start3A_113 = tpu.memref_squeeze %dma_start3A_112 : memref<1x10000xf32, #tpu.memory_space<vmem>> -> memref<10000xf32, #tpu.memory_space<vmem>>
      %dma_start3A_114 = tpu.memref_slice %arg8[%multiple_of3A_26] : memref<320000xf32, #tpu.memory_space<hbm>> -> memref<10000xf32, #tpu.memory_space<hbm>>
      %dma_start3A_115 = tpu.memref_slice %arg8[%multiple_of3A_26] : memref<320000xf32, #tpu.memory_space<hbm>> -> memref<10000xf32, #tpu.memory_space<hbm>>
      %dma_start3A_116 = arith.constant 0 : i32
      %dma_start3A_117 = tpu.memref_slice %arg12[%run_scoped3A_27, %dma_start3A_116] : memref<4x10000xf32, #tpu.memory_space<vmem>> -> memref<1x10000xf32, #tpu.memory_space<vmem>>
      %dma_start3A_118 = tpu.memref_squeeze %dma_start3A_117 : memref<1x10000xf32, #tpu.memory_space<vmem>> -> memref<10000xf32, #tpu.memory_space<vmem>>
      tpu.enqueue_dma source(%dma_start3A_118 : memref<10000xf32, #tpu.memory_space<vmem>>) target(%dma_start3A_115 : memref<10000xf32, #tpu.memory_space<hbm>>) target_semaphore(%run_scoped3A_111 : memref<!tpu.dma_semaphore, #tpu.memory_space<semaphore_mem>>)
      %dma_wait3A = arith.constant 0 : i32
      %dma_wait3A_119 = tpu.memref_slice %arg12[%run_scoped3A_27, %dma_wait3A] : memref<4x10000xf32, #tpu.memory_space<vmem>> -> memref<1x10000xf32, #tpu.memory_space<vmem>>
      %dma_wait3A_120 = tpu.memref_squeeze %dma_wait3A_119 : memref<1x10000xf32, #tpu.memory_space<vmem>> -> memref<10000xf32, #tpu.memory_space<vmem>>
      %dma_wait3A_121 = tpu.memref_slice %arg8[%multiple_of3A_26] : memref<320000xf32, #tpu.memory_space<hbm>> -> memref<10000xf32, #tpu.memory_space<hbm>>
      %dma_wait3A_122 = tpu.memref_slice %arg8[%multiple_of3A_26] : memref<320000xf32, #tpu.memory_space<hbm>> -> memref<10000xf32, #tpu.memory_space<hbm>>
      %dma_wait3A_123 = arith.constant 0 : i32
      %dma_wait3A_124 = tpu.memref_slice %arg12[%run_scoped3A_27, %dma_wait3A_123] : memref<4x10000xf32, #tpu.memory_space<vmem>> -> memref<1x10000xf32, #tpu.memory_space<vmem>>
      %dma_wait3A_125 = tpu.memref_squeeze %dma_wait3A_124 : memref<1x10000xf32, #tpu.memory_space<vmem>> -> memref<10000xf32, #tpu.memory_space<vmem>>
      tpu.wait_dma2 semaphore(%run_scoped3A_111 : memref<!tpu.dma_semaphore, #tpu.memory_space<semaphore_mem>>) src(%dma_wait3A_125 : memref<10000xf32, #tpu.memory_space<vmem>>) dst(%dma_wait3A_122 : memref<10000xf32, #tpu.memory_space<hbm>>)
      tpu.yield
    }) : () -> ()
    %mul3A_28 = arith.constant 10000 : i32
    %mul3A_29 = arith.muli %add3A, %mul3A_28 : i32
    %multiple_of3A_30 = tpu.assume_multiple %mul3A_29, 8 : i32
    "tpu.region"() ({
      %run_scoped3A_111 = tpu.sem_alloc : memref<!tpu.dma_semaphore, #tpu.memory_space<semaphore_mem>>
      %dma_start3A = arith.constant 0 : i32
      %dma_start3A_112 = arith.constant 0 : i32
      %dma_start3A_113 = tpu.memref_slice %arg6[%dma_start3A, %dma_start3A_112] : memref<16x10000xf32, #tpu.memory_space<hbm>> -> memref<4x10000xf32, #tpu.memory_space<hbm>>
      %dma_start3A_114 = arith.constant 0 : i32
      %dma_start3A_115 = arith.constant 0 : i32
      %dma_start3A_116 = tpu.memref_slice %arg6[%dma_start3A_114, %dma_start3A_115] : memref<16x10000xf32, #tpu.memory_space<hbm>> -> memref<4x10000xf32, #tpu.memory_space<hbm>>
      tpu.enqueue_dma source(%dma_start3A_116 : memref<4x10000xf32, #tpu.memory_space<hbm>>) target(%arg12 : memref<4x10000xf32, #tpu.memory_space<vmem>>) target_semaphore(%run_scoped3A_111 : memref<!tpu.dma_semaphore, #tpu.memory_space<semaphore_mem>>)
      %dma_wait3A = arith.constant 0 : i32
      %dma_wait3A_117 = arith.constant 0 : i32
      %dma_wait3A_118 = tpu.memref_slice %arg6[%dma_wait3A, %dma_wait3A_117] : memref<16x10000xf32, #tpu.memory_space<hbm>> -> memref<4x10000xf32, #tpu.memory_space<hbm>>
      %dma_wait3A_119 = arith.constant 0 : i32
      %dma_wait3A_120 = arith.constant 0 : i32
      %dma_wait3A_121 = tpu.memref_slice %arg6[%dma_wait3A_119, %dma_wait3A_120] : memref<16x10000xf32, #tpu.memory_space<hbm>> -> memref<4x10000xf32, #tpu.memory_space<hbm>>
      tpu.wait_dma2 semaphore(%run_scoped3A_111 : memref<!tpu.dma_semaphore, #tpu.memory_space<semaphore_mem>>) src(%dma_wait3A_121 : memref<4x10000xf32, #tpu.memory_space<hbm>>) dst(%arg12 : memref<4x10000xf32, #tpu.memory_space<vmem>>)
      tpu.yield
    }) : () -> ()
    %scan3A_31 = arith.constant 0 : i32
    %scan3A_32 = arith.constant 0 : i32
    %scan3A_33 = arith.constant 2500 : i32
    %scan3A_34 = arith.addi %scan3A_32, %scan3A_33 : i32
    %scan3A_35 = arith.constant 1 : i32
    scf.for %scan3A_111 = %scan3A_32 to %scan3A_34 step %scan3A_35  : i32 {
      %jit3A = arith.constant 4 : i32
      %eq3A = arith.constant 0 : i32
      %eq3A_112 = arith.cmpi eq, %jit3A, %eq3A : i32
      %jit3A_113 = arith.constant 1 : i32
      %select_n3A = arith.select %eq3A_112, %jit3A_113, %jit3A : i32
      %rem3A = arith.remsi %scan3A_111, %select_n3A : i32
      %ne3A = arith.constant 0 : i32
      %ne3A_114 = arith.cmpi ne, %rem3A, %ne3A : i32
      %lt3A = arith.constant 0 : i32
      %lt3A_115 = arith.cmpi slt, %rem3A, %lt3A : i32
      %lt3A_116 = arith.constant 0 : i32
      %lt3A_117 = arith.cmpi slt, %select_n3A, %lt3A_116 : i32
      %ne3A_118 = arith.xori %lt3A_115, %lt3A_117 : i1
      %and3A = arith.andi %ne3A_118, %ne3A_114 : i1
      %add3A_119 = arith.addi %rem3A, %select_n3A : i32
      %select_n3A_120 = arith.select %and3A, %add3A_119, %rem3A : i32
      %jit3A_121 = arith.constant 4 : i32
      %div3A = arith.divsi %scan3A_111, %jit3A_121 : i32
      %sign3A = arith.constant 0 : i32
      %sign3A_122 = arith.cmpi sgt, %scan3A_111, %sign3A : i32
      %sign3A_123 = arith.extui %sign3A_122 : i1 to i32
      %sign3A_124 = arith.constant 0 : i32
      %sign3A_125 = arith.cmpi slt, %scan3A_111, %sign3A_124 : i32
      %sign3A_126 = arith.extui %sign3A_125 : i1 to i32
      %sign3A_127 = arith.subi %sign3A_123, %sign3A_126 : i32
      %sign3A_128 = arith.constant 0 : i32
      %sign3A_129 = arith.cmpi sgt, %jit3A_121, %sign3A_128 : i32
      %sign3A_130 = arith.extui %sign3A_129 : i1 to i32
      %sign3A_131 = arith.constant 0 : i32
      %sign3A_132 = arith.cmpi slt, %jit3A_121, %sign3A_131 : i32
      %sign3A_133 = arith.extui %sign3A_132 : i1 to i32
      %sign3A_134 = arith.subi %sign3A_130, %sign3A_133 : i32
      %ne3A_135 = arith.cmpi ne, %sign3A_127, %sign3A_134 : i32
      %rem3A_136 = arith.remsi %scan3A_111, %jit3A_121 : i32
      %ne3A_137 = arith.constant 0 : i32
      %ne3A_138 = arith.cmpi ne, %rem3A_136, %ne3A_137 : i32
      %and3A_139 = arith.andi %ne3A_135, %ne3A_138 : i1
      %sub3A = arith.constant 1 : i32
      %sub3A_140 = arith.subi %div3A, %sub3A : i32
      %select_n3A_141 = arith.select %and3A_139, %sub3A_140, %div3A : i32
      %mul3A_142 = arith.constant 16 : i32
      %mul3A_143 = arith.muli %select_n3A_141, %mul3A_142 : i32
      %swap3A = arith.index_cast %select_n3A_120 : i32 to index
      %swap3A_144 = arith.index_cast %mul3A_143 : i32 to index
      %swap3A_145 = tpu.vector_load %arg13[%swap3A, %swap3A_144] {strides = array<i32>} : memref<4x10000xf32, #tpu.memory_space<vmem>>, vector<16xf32>,
      tpu.vector_store %arg13[%swap3A, %swap3A_144], %broadcast_in_dim3A_4 {strides = array<i32>} : memref<4x10000xf32, #tpu.memory_space<vmem>>, vector<16xf32>,
    }
    %scan3A_36 = arith.constant 2500 : i32
    %scan3A_37 = arith.constant 0 : i32
    %scan3A_38 = arith.constant 0 : i32
    %scan3A_39 = arith.constant 640 : i32
    %scan3A_40 = arith.addi %scan3A_38, %scan3A_39 : i32
    %scan3A_41 = arith.constant 4 : i32
    scf.for %scan3A_111 = %scan3A_38 to %scan3A_40 step %scan3A_41  : i32 {
      %mul3A_112 = arith.constant 16 : i32
      %mul3A_113 = arith.muli %scan3A_111, %mul3A_112 : i32
      %get3A = arith.index_cast %mul3A_113 : i32 to index
      %get3A_114 = tpu.vector_load %arg9[%get3A] {strides = array<i32>} : memref<10240xi32, #tpu.memory_space<vmem>>, vector<16xi32>,
      %mul3A_115 = arith.constant 16 : i32
      %mul3A_116 = arith.muli %scan3A_111, %mul3A_115 : i32
      %get3A_117 = arith.index_cast %mul3A_116 : i32 to index
      %get3A_118 = tpu.vector_load %arg10[%get3A_117] {strides = array<i32>} : memref<10240xi32, #tpu.memory_space<vmem>>, vector<16xi32>,
      %mul3A_119 = arith.constant 16 : i32
      %mul3A_120 = arith.muli %scan3A_111, %mul3A_119 : i32
      %get3A_121 = arith.index_cast %mul3A_120 : i32 to index
      %get3A_122 = tpu.vector_load %arg11[%get3A_121] {strides = array<i32>} : memref<10240xf32, #tpu.memory_space<vmem>>, vector<16xf32>,
      %broadcast_in_dim3A_123 = arith.constant 0 : i32
      %broadcast_in_dim3A_124 = vector.broadcast %broadcast_in_dim3A_123 : i32 to vector<16xi32>
      %gather3A = tpu.vector_load_idx %arg12[%broadcast_in_dim3A_124, %get3A_114] : memref<4x10000xf32, #tpu.memory_space<vmem>>[vector<16xi32>, vector<16xi32>], vector<16xf32>,
      %mul3A_125 = arith.mulf %gather3A, %get3A_122 : vector<16xf32>
      tpu.vector_store_idx %arg13[%broadcast_in_dim3A_124, %get3A_118], %mul3A_125 {add = true} : memref<4x10000xf32, #tpu.memory_space<vmem>>[vector<16xi32>, vector<16xi32>], vector<16xf32>,
      %broadcast_in_dim3A_126 = arith.constant 1 : i32
      %broadcast_in_dim3A_127 = vector.broadcast %broadcast_in_dim3A_126 : i32 to vector<16xi32>
      %gather3A_128 = tpu.vector_load_idx %arg12[%broadcast_in_dim3A_127, %get3A_114] : memref<4x10000xf32, #tpu.memory_space<vmem>>[vector<16xi32>, vector<16xi32>], vector<16xf32>,
      %mul3A_129 = arith.mulf %gather3A_128, %get3A_122 : vector<16xf32>
      tpu.vector_store_idx %arg13[%broadcast_in_dim3A_127, %get3A_118], %mul3A_129 {add = true} : memref<4x10000xf32, #tpu.memory_space<vmem>>[vector<16xi32>, vector<16xi32>], vector<16xf32>,
      %broadcast_in_dim3A_130 = arith.constant 2 : i32
      %broadcast_in_dim3A_131 = vector.broadcast %broadcast_in_dim3A_130 : i32 to vector<16xi32>
      %gather3A_132 = tpu.vector_load_idx %arg12[%broadcast_in_dim3A_131, %get3A_114] : memref<4x10000xf32, #tpu.memory_space<vmem>>[vector<16xi32>, vector<16xi32>], vector<16xf32>,
      %mul3A_133 = arith.mulf %gather3A_132, %get3A_122 : vector<16xf32>
      tpu.vector_store_idx %arg13[%broadcast_in_dim3A_131, %get3A_118], %mul3A_133 {add = true} : memref<4x10000xf32, #tpu.memory_space<vmem>>[vector<16xi32>, vector<16xi32>], vector<16xf32>,
      %broadcast_in_dim3A_134 = arith.constant 3 : i32
      %broadcast_in_dim3A_135 = vector.broadcast %broadcast_in_dim3A_134 : i32 to vector<16xi32>
      %gather3A_136 = tpu.vector_load_idx %arg12[%broadcast_in_dim3A_135, %get3A_114] : memref<4x10000xf32, #tpu.memory_space<vmem>>[vector<16xi32>, vector<16xi32>], vector<16xf32>,
      %mul3A_137 = arith.mulf %gather3A_136, %get3A_122 : vector<16xf32>
      tpu.vector_store_idx %arg13[%broadcast_in_dim3A_135, %get3A_118], %mul3A_137 {add = true} : memref<4x10000xf32, #tpu.memory_space<vmem>>[vector<16xi32>, vector<16xi32>], vector<16xf32>,
      %scan3A_138 = arith.constant 1 : i32
      %scan3A_139 = arith.addi %scan3A_111, %scan3A_138 : i32
      %mul3A_140 = arith.constant 16 : i32
      %mul3A_141 = arith.muli %scan3A_139, %mul3A_140 : i32
      %get3A_142 = arith.index_cast %mul3A_141 : i32 to index
      %get3A_143 = tpu.vector_load %arg9[%get3A_142] {strides = array<i32>} : memref<10240xi32, #tpu.memory_space<vmem>>, vector<16xi32>,
      %mul3A_144 = arith.constant 16 : i32
      %mul3A_145 = arith.muli %scan3A_139, %mul3A_144 : i32
      %get3A_146 = arith.index_cast %mul3A_145 : i32 to index
      %get3A_147 = tpu.vector_load %arg10[%get3A_146] {strides = array<i32>} : memref<10240xi32, #tpu.memory_space<vmem>>, vector<16xi32>,
      %mul3A_148 = arith.constant 16 : i32
      %mul3A_149 = arith.muli %scan3A_139, %mul3A_148 : i32
      %get3A_150 = arith.index_cast %mul3A_149 : i32 to index
      %get3A_151 = tpu.vector_load %arg11[%get3A_150] {strides = array<i32>} : memref<10240xf32, #tpu.memory_space<vmem>>, vector<16xf32>,
      %broadcast_in_dim3A_152 = arith.constant 0 : i32
      %broadcast_in_dim3A_153 = vector.broadcast %broadcast_in_dim3A_152 : i32 to vector<16xi32>
      %gather3A_154 = tpu.vector_load_idx %arg12[%broadcast_in_dim3A_153, %get3A_143] : memref<4x10000xf32, #tpu.memory_space<vmem>>[vector<16xi32>, vector<16xi32>], vector<16xf32>,
      %mul3A_155 = arith.mulf %gather3A_154, %get3A_151 : vector<16xf32>
      tpu.vector_store_idx %arg13[%broadcast_in_dim3A_153, %get3A_147], %mul3A_155 {add = true} : memref<4x10000xf32, #tpu.memory_space<vmem>>[vector<16xi32>, vector<16xi32>], vector<16xf32>,
      %broadcast_in_dim3A_156 = arith.constant 1 : i32
      %broadcast_in_dim3A_157 = vector.broadcast %broadcast_in_dim3A_156 : i32 to vector<16xi32>
      %gather3A_158 = tpu.vector_load_idx %arg12[%broadcast_in_dim3A_157, %get3A_143] : memref<4x10000xf32, #tpu.memory_space<vmem>>[vector<16xi32>, vector<16xi32>], vector<16xf32>,
      %mul3A_159 = arith.mulf %gather3A_158, %get3A_151 : vector<16xf32>
      tpu.vector_store_idx %arg13[%broadcast_in_dim3A_157, %get3A_147], %mul3A_159 {add = true} : memref<4x10000xf32, #tpu.memory_space<vmem>>[vector<16xi32>, vector<16xi32>], vector<16xf32>,
      %broadcast_in_dim3A_160 = arith.constant 2 : i32
      %broadcast_in_dim3A_161 = vector.broadcast %broadcast_in_dim3A_160 : i32 to vector<16xi32>
      %gather3A_162 = tpu.vector_load_idx %arg12[%broadcast_in_dim3A_161, %get3A_143] : memref<4x10000xf32, #tpu.memory_space<vmem>>[vector<16xi32>, vector<16xi32>], vector<16xf32>,
      %mul3A_163 = arith.mulf %gather3A_162, %get3A_151 : vector<16xf32>
      tpu.vector_store_idx %arg13[%broadcast_in_dim3A_161, %get3A_147], %mul3A_163 {add = true} : memref<4x10000xf32, #tpu.memory_space<vmem>>[vector<16xi32>, vector<16xi32>], vector<16xf32>,
      %broadcast_in_dim3A_164 = arith.constant 3 : i32
      %broadcast_in_dim3A_165 = vector.broadcast %broadcast_in_dim3A_164 : i32 to vector<16xi32>
      %gather3A_166 = tpu.vector_load_idx %arg12[%broadcast_in_dim3A_165, %get3A_143] : memref<4x10000xf32, #tpu.memory_space<vmem>>[vector<16xi32>, vector<16xi32>], vector<16xf32>,
      %mul3A_167 = arith.mulf %gather3A_166, %get3A_151 : vector<16xf32>
      tpu.vector_store_idx %arg13[%broadcast_in_dim3A_165, %get3A_147], %mul3A_167 {add = true} : memref<4x10000xf32, #tpu.memory_space<vmem>>[vector<16xi32>, vector<16xi32>], vector<16xf32>,
      %scan3A_168 = arith.constant 2 : i32
      %scan3A_169 = arith.addi %scan3A_111, %scan3A_168 : i32
      %mul3A_170 = arith.constant 16 : i32
      %mul3A_171 = arith.muli %scan3A_169, %mul3A_170 : i32
      %get3A_172 = arith.index_cast %mul3A_171 : i32 to index
      %get3A_173 = tpu.vector_load %arg9[%get3A_172] {strides = array<i32>} : memref<10240xi32, #tpu.memory_space<vmem>>, vector<16xi32>,
      %mul3A_174 = arith.constant 16 : i32
      %mul3A_175 = arith.muli %scan3A_169, %mul3A_174 : i32
      %get3A_176 = arith.index_cast %mul3A_175 : i32 to index
      %get3A_177 = tpu.vector_load %arg10[%get3A_176] {strides = array<i32>} : memref<10240xi32, #tpu.memory_space<vmem>>, vector<16xi32>,
      %mul3A_178 = arith.constant 16 : i32
      %mul3A_179 = arith.muli %scan3A_169, %mul3A_178 : i32
      %get3A_180 = arith.index_cast %mul3A_179 : i32 to index
      %get3A_181 = tpu.vector_load %arg11[%get3A_180] {strides = array<i32>} : memref<10240xf32, #tpu.memory_space<vmem>>, vector<16xf32>,
      %broadcast_in_dim3A_182 = arith.constant 0 : i32
      %broadcast_in_dim3A_183 = vector.broadcast %broadcast_in_dim3A_182 : i32 to vector<16xi32>
      %gather3A_184 = tpu.vector_load_idx %arg12[%broadcast_in_dim3A_183, %get3A_173] : memref<4x10000xf32, #tpu.memory_space<vmem>>[vector<16xi32>, vector<16xi32>], vector<16xf32>,
      %mul3A_185 = arith.mulf %gather3A_184, %get3A_181 : vector<16xf32>
      tpu.vector_store_idx %arg13[%broadcast_in_dim3A_183, %get3A_177], %mul3A_185 {add = true} : memref<4x10000xf32, #tpu.memory_space<vmem>>[vector<16xi32>, vector<16xi32>], vector<16xf32>,
      %broadcast_in_dim3A_186 = arith.constant 1 : i32
      %broadcast_in_dim3A_187 = vector.broadcast %broadcast_in_dim3A_186 : i32 to vector<16xi32>
      %gather3A_188 = tpu.vector_load_idx %arg12[%broadcast_in_dim3A_187, %get3A_173] : memref<4x10000xf32, #tpu.memory_space<vmem>>[vector<16xi32>, vector<16xi32>], vector<16xf32>,
      %mul3A_189 = arith.mulf %gather3A_188, %get3A_181 : vector<16xf32>
      tpu.vector_store_idx %arg13[%broadcast_in_dim3A_187, %get3A_177], %mul3A_189 {add = true} : memref<4x10000xf32, #tpu.memory_space<vmem>>[vector<16xi32>, vector<16xi32>], vector<16xf32>,
      %broadcast_in_dim3A_190 = arith.constant 2 : i32
      %broadcast_in_dim3A_191 = vector.broadcast %broadcast_in_dim3A_190 : i32 to vector<16xi32>
      %gather3A_192 = tpu.vector_load_idx %arg12[%broadcast_in_dim3A_191, %get3A_173] : memref<4x10000xf32, #tpu.memory_space<vmem>>[vector<16xi32>, vector<16xi32>], vector<16xf32>,
      %mul3A_193 = arith.mulf %gather3A_192, %get3A_181 : vector<16xf32>
      tpu.vector_store_idx %arg13[%broadcast_in_dim3A_191, %get3A_177], %mul3A_193 {add = true} : memref<4x10000xf32, #tpu.memory_space<vmem>>[vector<16xi32>, vector<16xi32>], vector<16xf32>,
      %broadcast_in_dim3A_194 = arith.constant 3 : i32
      %broadcast_in_dim3A_195 = vector.broadcast %broadcast_in_dim3A_194 : i32 to vector<16xi32>
      %gather3A_196 = tpu.vector_load_idx %arg12[%broadcast_in_dim3A_195, %get3A_173] : memref<4x10000xf32, #tpu.memory_space<vmem>>[vector<16xi32>, vector<16xi32>], vector<16xf32>,
      %mul3A_197 = arith.mulf %gather3A_196, %get3A_181 : vector<16xf32>
      tpu.vector_store_idx %arg13[%broadcast_in_dim3A_195, %get3A_177], %mul3A_197 {add = true} : memref<4x10000xf32, #tpu.memory_space<vmem>>[vector<16xi32>, vector<16xi32>], vector<16xf32>,
      %scan3A_198 = arith.constant 3 : i32
      %scan3A_199 = arith.addi %scan3A_111, %scan3A_198 : i32
      %mul3A_200 = arith.constant 16 : i32
      %mul3A_201 = arith.muli %scan3A_199, %mul3A_200 : i32
      %get3A_202 = arith.index_cast %mul3A_201 : i32 to index
      %get3A_203 = tpu.vector_load %arg9[%get3A_202] {strides = array<i32>} : memref<10240xi32, #tpu.memory_space<vmem>>, vector<16xi32>,
      %mul3A_204 = arith.constant 16 : i32
      %mul3A_205 = arith.muli %scan3A_199, %mul3A_204 : i32
      %get3A_206 = arith.index_cast %mul3A_205 : i32 to index
      %get3A_207 = tpu.vector_load %arg10[%get3A_206] {strides = array<i32>} : memref<10240xi32, #tpu.memory_space<vmem>>, vector<16xi32>,
      %mul3A_208 = arith.constant 16 : i32
      %mul3A_209 = arith.muli %scan3A_199, %mul3A_208 : i32
      %get3A_210 = arith.index_cast %mul3A_209 : i32 to index
      %get3A_211 = tpu.vector_load %arg11[%get3A_210] {strides = array<i32>} : memref<10240xf32, #tpu.memory_space<vmem>>, vector<16xf32>,
      %broadcast_in_dim3A_212 = arith.constant 0 : i32
      %broadcast_in_dim3A_213 = vector.broadcast %broadcast_in_dim3A_212 : i32 to vector<16xi32>
      %gather3A_214 = tpu.vector_load_idx %arg12[%broadcast_in_dim3A_213, %get3A_203] : memref<4x10000xf32, #tpu.memory_space<vmem>>[vector<16xi32>, vector<16xi32>], vector<16xf32>,
      %mul3A_215 = arith.mulf %gather3A_214, %get3A_211 : vector<16xf32>
      tpu.vector_store_idx %arg13[%broadcast_in_dim3A_213, %get3A_207], %mul3A_215 {add = true} : memref<4x10000xf32, #tpu.memory_space<vmem>>[vector<16xi32>, vector<16xi32>], vector<16xf32>,
      %broadcast_in_dim3A_216 = arith.constant 1 : i32
      %broadcast_in_dim3A_217 = vector.broadcast %broadcast_in_dim3A_216 : i32 to vector<16xi32>
      %gather3A_218 = tpu.vector_load_idx %arg12[%broadcast_in_dim3A_217, %get3A_203] : memref<4x10000xf32, #tpu.memory_space<vmem>>[vector<16xi32>, vector<16xi32>], vector<16xf32>,
      %mul3A_219 = arith.mulf %gather3A_218, %get3A_211 : vector<16xf32>
      tpu.vector_store_idx %arg13[%broadcast_in_dim3A_217, %get3A_207], %mul3A_219 {add = true} : memref<4x10000xf32, #tpu.memory_space<vmem>>[vector<16xi32>, vector<16xi32>], vector<16xf32>,
      %broadcast_in_dim3A_220 = arith.constant 2 : i32
      %broadcast_in_dim3A_221 = vector.broadcast %broadcast_in_dim3A_220 : i32 to vector<16xi32>
      %gather3A_222 = tpu.vector_load_idx %arg12[%broadcast_in_dim3A_221, %get3A_203] : memref<4x10000xf32, #tpu.memory_space<vmem>>[vector<16xi32>, vector<16xi32>], vector<16xf32>,
      %mul3A_223 = arith.mulf %gather3A_222, %get3A_211 : vector<16xf32>
      tpu.vector_store_idx %arg13[%broadcast_in_dim3A_221, %get3A_207], %mul3A_223 {add = true} : memref<4x10000xf32, #tpu.memory_space<vmem>>[vector<16xi32>, vector<16xi32>], vector<16xf32>,
      %broadcast_in_dim3A_224 = arith.constant 3 : i32
      %broadcast_in_dim3A_225 = vector.broadcast %broadcast_in_dim3A_224 : i32 to vector<16xi32>
      %gather3A_226 = tpu.vector_load_idx %arg12[%broadcast_in_dim3A_225, %get3A_203] : memref<4x10000xf32, #tpu.memory_space<vmem>>[vector<16xi32>, vector<16xi32>], vector<16xf32>,
      %mul3A_227 = arith.mulf %gather3A_226, %get3A_211 : vector<16xf32>
      tpu.vector_store_idx %arg13[%broadcast_in_dim3A_225, %get3A_207], %mul3A_227 {add = true} : memref<4x10000xf32, #tpu.memory_space<vmem>>[vector<16xi32>, vector<16xi32>], vector<16xf32>,
    }
    %scan3A_42 = arith.constant 640 : i32
    %run_scoped3A_43 = arith.constant 0 : i32
    %run_scoped3A_44 = arith.constant 0 : i32
    "tpu.region"() ({
      %run_scoped3A_111 = tpu.sem_alloc : memref<!tpu.dma_semaphore, #tpu.memory_space<semaphore_mem>>
      %dma_start3A = arith.constant 0 : i32
      %dma_start3A_112 = tpu.memref_slice %arg13[%run_scoped3A_43, %dma_start3A] : memref<4x10000xf32, #tpu.memory_space<vmem>> -> memref<1x10000xf32, #tpu.memory_space<vmem>>
      %dma_start3A_113 = tpu.memref_squeeze %dma_start3A_112 : memref<1x10000xf32, #tpu.memory_space<vmem>> -> memref<10000xf32, #tpu.memory_space<vmem>>
      %dma_start3A_114 = tpu.memref_slice %arg7[%run_scoped3A_44, %multiple_of3A_30] : memref<16x320000xf32, #tpu.memory_space<hbm>> -> memref<1x10000xf32, #tpu.memory_space<hbm>>
      %dma_start3A_115 = tpu.memref_squeeze %dma_start3A_114 : memref<1x10000xf32, #tpu.memory_space<hbm>> -> memref<10000xf32, #tpu.memory_space<hbm>>
      %dma_start3A_116 = tpu.memref_slice %arg7[%run_scoped3A_44, %multiple_of3A_30] : memref<16x320000xf32, #tpu.memory_space<hbm>> -> memref<1x10000xf32, #tpu.memory_space<hbm>>
      %dma_start3A_117 = tpu.memref_squeeze %dma_start3A_116 : memref<1x10000xf32, #tpu.memory_space<hbm>> -> memref<10000xf32, #tpu.memory_space<hbm>>
      %dma_start3A_118 = arith.constant 0 : i32
      %dma_start3A_119 = tpu.memref_slice %arg13[%run_scoped3A_43, %dma_start3A_118] : memref<4x10000xf32, #tpu.memory_space<vmem>> -> memref<1x10000xf32, #tpu.memory_space<vmem>>
      %dma_start3A_120 = tpu.memref_squeeze %dma_start3A_119 : memref<1x10000xf32, #tpu.memory_space<vmem>> -> memref<10000xf32, #tpu.memory_space<vmem>>
      tpu.enqueue_dma source(%dma_start3A_120 : memref<10000xf32, #tpu.memory_space<vmem>>) target(%dma_start3A_117 : memref<10000xf32, #tpu.memory_space<hbm>>) target_semaphore(%run_scoped3A_111 : memref<!tpu.dma_semaphore, #tpu.memory_space<semaphore_mem>>)
      %dma_wait3A = arith.constant 0 : i32
      %dma_wait3A_121 = tpu.memref_slice %arg13[%run_scoped3A_43, %dma_wait3A] : memref<4x10000xf32, #tpu.memory_space<vmem>> -> memref<1x10000xf32, #tpu.memory_space<vmem>>
      %dma_wait3A_122 = tpu.memref_squeeze %dma_wait3A_121 : memref<1x10000xf32, #tpu.memory_space<vmem>> -> memref<10000xf32, #tpu.memory_space<vmem>>
      %dma_wait3A_123 = tpu.memref_slice %arg7[%run_scoped3A_44, %multiple_of3A_30] : memref<16x320000xf32, #tpu.memory_space<hbm>> -> memref<1x10000xf32, #tpu.memory_space<hbm>>
      %dma_wait3A_124 = tpu.memref_squeeze %dma_wait3A_123 : memref<1x10000xf32, #tpu.memory_space<hbm>> -> memref<10000xf32, #tpu.memory_space<hbm>>
      %dma_wait3A_125 = tpu.memref_slice %arg7[%run_scoped3A_44, %multiple_of3A_30] : memref<16x320000xf32, #tpu.memory_space<hbm>> -> memref<1x10000xf32, #tpu.memory_space<hbm>>
      %dma_wait3A_126 = tpu.memref_squeeze %dma_wait3A_125 : memref<1x10000xf32, #tpu.memory_space<hbm>> -> memref<10000xf32, #tpu.memory_space<hbm>>
      %dma_wait3A_127 = arith.constant 0 : i32
      %dma_wait3A_128 = tpu.memref_slice %arg13[%run_scoped3A_43, %dma_wait3A_127] : memref<4x10000xf32, #tpu.memory_space<vmem>> -> memref<1x10000xf32, #tpu.memory_space<vmem>>
      %dma_wait3A_129 = tpu.memref_squeeze %dma_wait3A_128 : memref<1x10000xf32, #tpu.memory_space<vmem>> -> memref<10000xf32, #tpu.memory_space<vmem>>
      tpu.wait_dma2 semaphore(%run_scoped3A_111 : memref<!tpu.dma_semaphore, #tpu.memory_space<semaphore_mem>>) src(%dma_wait3A_129 : memref<10000xf32, #tpu.memory_space<vmem>>) dst(%dma_wait3A_126 : memref<10000xf32, #tpu.memory_space<hbm>>)
      tpu.yield
    }) : () -> ()
    %run_scoped3A_45 = arith.constant 1 : i32
    %run_scoped3A_46 = arith.constant 1 : i32
    "tpu.region"() ({
      %run_scoped3A_111 = tpu.sem_alloc : memref<!tpu.dma_semaphore, #tpu.memory_space<semaphore_mem>>
      %dma_start3A = arith.constant 0 : i32
      %dma_start3A_112 = tpu.memref_slice %arg13[%run_scoped3A_45, %dma_start3A] : memref<4x10000xf32, #tpu.memory_space<vmem>> -> memref<1x10000xf32, #tpu.memory_space<vmem>>
      %dma_start3A_113 = tpu.memref_squeeze %dma_start3A_112 : memref<1x10000xf32, #tpu.memory_space<vmem>> -> memref<10000xf32, #tpu.memory_space<vmem>>
      %dma_start3A_114 = tpu.memref_slice %arg7[%run_scoped3A_46, %multiple_of3A_30] : memref<16x320000xf32, #tpu.memory_space<hbm>> -> memref<1x10000xf32, #tpu.memory_space<hbm>>
      %dma_start3A_115 = tpu.memref_squeeze %dma_start3A_114 : memref<1x10000xf32, #tpu.memory_space<hbm>> -> memref<10000xf32, #tpu.memory_space<hbm>>
      %dma_start3A_116 = tpu.memref_slice %arg7[%run_scoped3A_46, %multiple_of3A_30] : memref<16x320000xf32, #tpu.memory_space<hbm>> -> memref<1x10000xf32, #tpu.memory_space<hbm>>
      %dma_start3A_117 = tpu.memref_squeeze %dma_start3A_116 : memref<1x10000xf32, #tpu.memory_space<hbm>> -> memref<10000xf32, #tpu.memory_space<hbm>>
      %dma_start3A_118 = arith.constant 0 : i32
      %dma_start3A_119 = tpu.memref_slice %arg13[%run_scoped3A_45, %dma_start3A_118] : memref<4x10000xf32, #tpu.memory_space<vmem>> -> memref<1x10000xf32, #tpu.memory_space<vmem>>
      %dma_start3A_120 = tpu.memref_squeeze %dma_start3A_119 : memref<1x10000xf32, #tpu.memory_space<vmem>> -> memref<10000xf32, #tpu.memory_space<vmem>>
      tpu.enqueue_dma source(%dma_start3A_120 : memref<10000xf32, #tpu.memory_space<vmem>>) target(%dma_start3A_117 : memref<10000xf32, #tpu.memory_space<hbm>>) target_semaphore(%run_scoped3A_111 : memref<!tpu.dma_semaphore, #tpu.memory_space<semaphore_mem>>)
      %dma_wait3A = arith.constant 0 : i32
      %dma_wait3A_121 = tpu.memref_slice %arg13[%run_scoped3A_45, %dma_wait3A] : memref<4x10000xf32, #tpu.memory_space<vmem>> -> memref<1x10000xf32, #tpu.memory_space<vmem>>
      %dma_wait3A_122 = tpu.memref_squeeze %dma_wait3A_121 : memref<1x10000xf32, #tpu.memory_space<vmem>> -> memref<10000xf32, #tpu.memory_space<vmem>>
      %dma_wait3A_123 = tpu.memref_slice %arg7[%run_scoped3A_46, %multiple_of3A_30] : memref<16x320000xf32, #tpu.memory_space<hbm>> -> memref<1x10000xf32, #tpu.memory_space<hbm>>
      %dma_wait3A_124 = tpu.memref_squeeze %dma_wait3A_123 : memref<1x10000xf32, #tpu.memory_space<hbm>> -> memref<10000xf32, #tpu.memory_space<hbm>>
      %dma_wait3A_125 = tpu.memref_slice %arg7[%run_scoped3A_46, %multiple_of3A_30] : memref<16x320000xf32, #tpu.memory_space<hbm>> -> memref<1x10000xf32, #tpu.memory_space<hbm>>
      %dma_wait3A_126 = tpu.memref_squeeze %dma_wait3A_125 : memref<1x10000xf32, #tpu.memory_space<hbm>> -> memref<10000xf32, #tpu.memory_space<hbm>>
      %dma_wait3A_127 = arith.constant 0 : i32
      %dma_wait3A_128 = tpu.memref_slice %arg13[%run_scoped3A_45, %dma_wait3A_127] : memref<4x10000xf32, #tpu.memory_space<vmem>> -> memref<1x10000xf32, #tpu.memory_space<vmem>>
      %dma_wait3A_129 = tpu.memref_squeeze %dma_wait3A_128 : memref<1x10000xf32, #tpu.memory_space<vmem>> -> memref<10000xf32, #tpu.memory_space<vmem>>
      tpu.wait_dma2 semaphore(%run_scoped3A_111 : memref<!tpu.dma_semaphore, #tpu.memory_space<semaphore_mem>>) src(%dma_wait3A_129 : memref<10000xf32, #tpu.memory_space<vmem>>) dst(%dma_wait3A_126 : memref<10000xf32, #tpu.memory_space<hbm>>)
      tpu.yield
    }) : () -> ()
    %run_scoped3A_47 = arith.constant 2 : i32
    %run_scoped3A_48 = arith.constant 2 : i32
    "tpu.region"() ({
      %run_scoped3A_111 = tpu.sem_alloc : memref<!tpu.dma_semaphore, #tpu.memory_space<semaphore_mem>>
      %dma_start3A = arith.constant 0 : i32
      %dma_start3A_112 = tpu.memref_slice %arg13[%run_scoped3A_47, %dma_start3A] : memref<4x10000xf32, #tpu.memory_space<vmem>> -> memref<1x10000xf32, #tpu.memory_space<vmem>>
      %dma_start3A_113 = tpu.memref_squeeze %dma_start3A_112 : memref<1x10000xf32, #tpu.memory_space<vmem>> -> memref<10000xf32, #tpu.memory_space<vmem>>
      %dma_start3A_114 = tpu.memref_slice %arg7[%run_scoped3A_48, %multiple_of3A_30] : memref<16x320000xf32, #tpu.memory_space<hbm>> -> memref<1x10000xf32, #tpu.memory_space<hbm>>
      %dma_start3A_115 = tpu.memref_squeeze %dma_start3A_114 : memref<1x10000xf32, #tpu.memory_space<hbm>> -> memref<10000xf32, #tpu.memory_space<hbm>>
      %dma_start3A_116 = tpu.memref_slice %arg7[%run_scoped3A_48, %multiple_of3A_30] : memref<16x320000xf32, #tpu.memory_space<hbm>> -> memref<1x10000xf32, #tpu.memory_space<hbm>>
      %dma_start3A_117 = tpu.memref_squeeze %dma_start3A_116 : memref<1x10000xf32, #tpu.memory_space<hbm>> -> memref<10000xf32, #tpu.memory_space<hbm>>
      %dma_start3A_118 = arith.constant 0 : i32
      %dma_start3A_119 = tpu.memref_slice %arg13[%run_scoped3A_47, %dma_start3A_118] : memref<4x10000xf32, #tpu.memory_space<vmem>> -> memref<1x10000xf32, #tpu.memory_space<vmem>>
      %dma_start3A_120 = tpu.memref_squeeze %dma_start3A_119 : memref<1x10000xf32, #tpu.memory_space<vmem>> -> memref<10000xf32, #tpu.memory_space<vmem>>
      tpu.enqueue_dma source(%dma_start3A_120 : memref<10000xf32, #tpu.memory_space<vmem>>) target(%dma_start3A_117 : memref<10000xf32, #tpu.memory_space<hbm>>) target_semaphore(%run_scoped3A_111 : memref<!tpu.dma_semaphore, #tpu.memory_space<semaphore_mem>>)
      %dma_wait3A = arith.constant 0 : i32
      %dma_wait3A_121 = tpu.memref_slice %arg13[%run_scoped3A_47, %dma_wait3A] : memref<4x10000xf32, #tpu.memory_space<vmem>> -> memref<1x10000xf32, #tpu.memory_space<vmem>>
      %dma_wait3A_122 = tpu.memref_squeeze %dma_wait3A_121 : memref<1x10000xf32, #tpu.memory_space<vmem>> -> memref<10000xf32, #tpu.memory_space<vmem>>
      %dma_wait3A_123 = tpu.memref_slice %arg7[%run_scoped3A_48, %multiple_of3A_30] : memref<16x320000xf32, #tpu.memory_space<hbm>> -> memref<1x10000xf32, #tpu.memory_space<hbm>>
      %dma_wait3A_124 = tpu.memref_squeeze %dma_wait3A_123 : memref<1x10000xf32, #tpu.memory_space<hbm>> -> memref<10000xf32, #tpu.memory_space<hbm>>
      %dma_wait3A_125 = tpu.memref_slice %arg7[%run_scoped3A_48, %multiple_of3A_30] : memref<16x320000xf32, #tpu.memory_space<hbm>> -> memref<1x10000xf32, #tpu.memory_space<hbm>>
      %dma_wait3A_126 = tpu.memref_squeeze %dma_wait3A_125 : memref<1x10000xf32, #tpu.memory_space<hbm>> -> memref<10000xf32, #tpu.memory_space<hbm>>
      %dma_wait3A_127 = arith.constant 0 : i32
      %dma_wait3A_128 = tpu.memref_slice %arg13[%run_scoped3A_47, %dma_wait3A_127] : memref<4x10000xf32, #tpu.memory_space<vmem>> -> memref<1x10000xf32, #tpu.memory_space<vmem>>
      %dma_wait3A_129 = tpu.memref_squeeze %dma_wait3A_128 : memref<1x10000xf32, #tpu.memory_space<vmem>> -> memref<10000xf32, #tpu.memory_space<vmem>>
      tpu.wait_dma2 semaphore(%run_scoped3A_111 : memref<!tpu.dma_semaphore, #tpu.memory_space<semaphore_mem>>) src(%dma_wait3A_129 : memref<10000xf32, #tpu.memory_space<vmem>>) dst(%dma_wait3A_126 : memref<10000xf32, #tpu.memory_space<hbm>>)
      tpu.yield
    }) : () -> ()
    %run_scoped3A_49 = arith.constant 3 : i32
    %run_scoped3A_50 = arith.constant 3 : i32
    "tpu.region"() ({
      %run_scoped3A_111 = tpu.sem_alloc : memref<!tpu.dma_semaphore, #tpu.memory_space<semaphore_mem>>
      %dma_start3A = arith.constant 0 : i32
      %dma_start3A_112 = tpu.memref_slice %arg13[%run_scoped3A_49, %dma_start3A] : memref<4x10000xf32, #tpu.memory_space<vmem>> -> memref<1x10000xf32, #tpu.memory_space<vmem>>
      %dma_start3A_113 = tpu.memref_squeeze %dma_start3A_112 : memref<1x10000xf32, #tpu.memory_space<vmem>> -> memref<10000xf32, #tpu.memory_space<vmem>>
      %dma_start3A_114 = tpu.memref_slice %arg7[%run_scoped3A_50, %multiple_of3A_30] : memref<16x320000xf32, #tpu.memory_space<hbm>> -> memref<1x10000xf32, #tpu.memory_space<hbm>>
      %dma_start3A_115 = tpu.memref_squeeze %dma_start3A_114 : memref<1x10000xf32, #tpu.memory_space<hbm>> -> memref<10000xf32, #tpu.memory_space<hbm>>
      %dma_start3A_116 = tpu.memref_slice %arg7[%run_scoped3A_50, %multiple_of3A_30] : memref<16x320000xf32, #tpu.memory_space<hbm>> -> memref<1x10000xf32, #tpu.memory_space<hbm>>
      %dma_start3A_117 = tpu.memref_squeeze %dma_start3A_116 : memref<1x10000xf32, #tpu.memory_space<hbm>> -> memref<10000xf32, #tpu.memory_space<hbm>>
      %dma_start3A_118 = arith.constant 0 : i32
      %dma_start3A_119 = tpu.memref_slice %arg13[%run_scoped3A_49, %dma_start3A_118] : memref<4x10000xf32, #tpu.memory_space<vmem>> -> memref<1x10000xf32, #tpu.memory_space<vmem>>
      %dma_start3A_120 = tpu.memref_squeeze %dma_start3A_119 : memref<1x10000xf32, #tpu.memory_space<vmem>> -> memref<10000xf32, #tpu.memory_space<vmem>>
      tpu.enqueue_dma source(%dma_start3A_120 : memref<10000xf32, #tpu.memory_space<vmem>>) target(%dma_start3A_117 : memref<10000xf32, #tpu.memory_space<hbm>>) target_semaphore(%run_scoped3A_111 : memref<!tpu.dma_semaphore, #tpu.memory_space<semaphore_mem>>)
      %dma_wait3A = arith.constant 0 : i32
      %dma_wait3A_121 = tpu.memref_slice %arg13[%run_scoped3A_49, %dma_wait3A] : memref<4x10000xf32, #tpu.memory_space<vmem>> -> memref<1x10000xf32, #tpu.memory_space<vmem>>
      %dma_wait3A_122 = tpu.memref_squeeze %dma_wait3A_121 : memref<1x10000xf32, #tpu.memory_space<vmem>> -> memref<10000xf32, #tpu.memory_space<vmem>>
      %dma_wait3A_123 = tpu.memref_slice %arg7[%run_scoped3A_50, %multiple_of3A_30] : memref<16x320000xf32, #tpu.memory_space<hbm>> -> memref<1x10000xf32, #tpu.memory_space<hbm>>
      %dma_wait3A_124 = tpu.memref_squeeze %dma_wait3A_123 : memref<1x10000xf32, #tpu.memory_space<hbm>> -> memref<10000xf32, #tpu.memory_space<hbm>>
      %dma_wait3A_125 = tpu.memref_slice %arg7[%run_scoped3A_50, %multiple_of3A_30] : memref<16x320000xf32, #tpu.memory_space<hbm>> -> memref<1x10000xf32, #tpu.memory_space<hbm>>
      %dma_wait3A_126 = tpu.memref_squeeze %dma_wait3A_125 : memref<1x10000xf32, #tpu.memory_space<hbm>> -> memref<10000xf32, #tpu.memory_space<hbm>>
      %dma_wait3A_127 = arith.constant 0 : i32
      %dma_wait3A_128 = tpu.memref_slice %arg13[%run_scoped3A_49, %dma_wait3A_127] : memref<4x10000xf32, #tpu.memory_space<vmem>> -> memref<1x10000xf32, #tpu.memory_space<vmem>>
      %dma_wait3A_129 = tpu.memref_squeeze %dma_wait3A_128 : memref<1x10000xf32, #tpu.memory_space<vmem>> -> memref<10000xf32, #tpu.memory_space<vmem>>
      tpu.wait_dma2 semaphore(%run_scoped3A_111 : memref<!tpu.dma_semaphore, #tpu.memory_space<semaphore_mem>>) src(%dma_wait3A_129 : memref<10000xf32, #tpu.memory_space<vmem>>) dst(%dma_wait3A_126 : memref<10000xf32, #tpu.memory_space<hbm>>)
      tpu.yield
    }) : () -> ()
    "tpu.region"() ({
      %run_scoped3A_111 = tpu.sem_alloc : memref<!tpu.dma_semaphore, #tpu.memory_space<semaphore_mem>>
      %dma_start3A = arith.constant 4 : i32
      %dma_start3A_112 = arith.constant 0 : i32
      %dma_start3A_113 = tpu.memref_slice %arg6[%dma_start3A, %dma_start3A_112] : memref<16x10000xf32, #tpu.memory_space<hbm>> -> memref<4x10000xf32, #tpu.memory_space<hbm>>
      %dma_start3A_114 = arith.constant 4 : i32
      %dma_start3A_115 = arith.constant 0 : i32
      %dma_start3A_116 = tpu.memref_slice %arg6[%dma_start3A_114, %dma_start3A_115] : memref<16x10000xf32, #tpu.memory_space<hbm>> -> memref<4x10000xf32, #tpu.memory_space<hbm>>
      tpu.enqueue_dma source(%dma_start3A_116 : memref<4x10000xf32, #tpu.memory_space<hbm>>) target(%arg12 : memref<4x10000xf32, #tpu.memory_space<vmem>>) target_semaphore(%run_scoped3A_111 : memref<!tpu.dma_semaphore, #tpu.memory_space<semaphore_mem>>)
      %dma_wait3A = arith.constant 4 : i32
      %dma_wait3A_117 = arith.constant 0 : i32
      %dma_wait3A_118 = tpu.memref_slice %arg6[%dma_wait3A, %dma_wait3A_117] : memref<16x10000xf32, #tpu.memory_space<hbm>> -> memref<4x10000xf32, #tpu.memory_space<hbm>>
      %dma_wait3A_119 = arith.constant 4 : i32
      %dma_wait3A_120 = arith.constant 0 : i32
      %dma_wait3A_121 = tpu.memref_slice %arg6[%dma_wait3A_119, %dma_wait3A_120] : memref<16x10000xf32, #tpu.memory_space<hbm>> -> memref<4x10000xf32, #tpu.memory_space<hbm>>
      tpu.wait_dma2 semaphore(%run_scoped3A_111 : memref<!tpu.dma_semaphore, #tpu.memory_space<semaphore_mem>>) src(%dma_wait3A_121 : memref<4x10000xf32, #tpu.memory_space<hbm>>) dst(%arg12 : memref<4x10000xf32, #tpu.memory_space<vmem>>)
      tpu.yield
    }) : () -> ()
    %scan3A_51 = arith.constant 0 : i32
    %scan3A_52 = arith.constant 0 : i32
    %scan3A_53 = arith.constant 2500 : i32
    %scan3A_54 = arith.addi %scan3A_52, %scan3A_53 : i32
    %scan3A_55 = arith.constant 1 : i32
    scf.for %scan3A_111 = %scan3A_52 to %scan3A_54 step %scan3A_55  : i32 {
      %jit3A = arith.constant 4 : i32
      %eq3A = arith.constant 0 : i32
      %eq3A_112 = arith.cmpi eq, %jit3A, %eq3A : i32
      %jit3A_113 = arith.constant 1 : i32
      %select_n3A = arith.select %eq3A_112, %jit3A_113, %jit3A : i32
      %rem3A = arith.remsi %scan3A_111, %select_n3A : i32
      %ne3A = arith.constant 0 : i32
      %ne3A_114 = arith.cmpi ne, %rem3A, %ne3A : i32
      %lt3A = arith.constant 0 : i32
      %lt3A_115 = arith.cmpi slt, %rem3A, %lt3A : i32
      %lt3A_116 = arith.constant 0 : i32
      %lt3A_117 = arith.cmpi slt, %select_n3A, %lt3A_116 : i32
      %ne3A_118 = arith.xori %lt3A_115, %lt3A_117 : i1
      %and3A = arith.andi %ne3A_118, %ne3A_114 : i1
      %add3A_119 = arith.addi %rem3A, %select_n3A : i32
      %select_n3A_120 = arith.select %and3A, %add3A_119, %rem3A : i32
      %jit3A_121 = arith.constant 4 : i32
      %div3A = arith.divsi %scan3A_111, %jit3A_121 : i32
      %sign3A = arith.constant 0 : i32
      %sign3A_122 = arith.cmpi sgt, %scan3A_111, %sign3A : i32
      %sign3A_123 = arith.extui %sign3A_122 : i1 to i32
      %sign3A_124 = arith.constant 0 : i32
      %sign3A_125 = arith.cmpi slt, %scan3A_111, %sign3A_124 : i32
      %sign3A_126 = arith.extui %sign3A_125 : i1 to i32
      %sign3A_127 = arith.subi %sign3A_123, %sign3A_126 : i32
      %sign3A_128 = arith.constant 0 : i32
      %sign3A_129 = arith.cmpi sgt, %jit3A_121, %sign3A_128 : i32
      %sign3A_130 = arith.extui %sign3A_129 : i1 to i32
      %sign3A_131 = arith.constant 0 : i32
      %sign3A_132 = arith.cmpi slt, %jit3A_121, %sign3A_131 : i32
      %sign3A_133 = arith.extui %sign3A_132 : i1 to i32
      %sign3A_134 = arith.subi %sign3A_130, %sign3A_133 : i32
      %ne3A_135 = arith.cmpi ne, %sign3A_127, %sign3A_134 : i32
      %rem3A_136 = arith.remsi %scan3A_111, %jit3A_121 : i32
      %ne3A_137 = arith.constant 0 : i32
      %ne3A_138 = arith.cmpi ne, %rem3A_136, %ne3A_137 : i32
      %and3A_139 = arith.andi %ne3A_135, %ne3A_138 : i1
      %sub3A = arith.constant 1 : i32
      %sub3A_140 = arith.subi %div3A, %sub3A : i32
      %select_n3A_141 = arith.select %and3A_139, %sub3A_140, %div3A : i32
      %mul3A_142 = arith.constant 16 : i32
      %mul3A_143 = arith.muli %select_n3A_141, %mul3A_142 : i32
      %swap3A = arith.index_cast %select_n3A_120 : i32 to index
      %swap3A_144 = arith.index_cast %mul3A_143 : i32 to index
      %swap3A_145 = tpu.vector_load %arg13[%swap3A, %swap3A_144] {strides = array<i32>} : memref<4x10000xf32, #tpu.memory_space<vmem>>, vector<16xf32>,
      tpu.vector_store %arg13[%swap3A, %swap3A_144], %broadcast_in_dim3A_4 {strides = array<i32>} : memref<4x10000xf32, #tpu.memory_space<vmem>>, vector<16xf32>,
    }
    %scan3A_56 = arith.constant 2500 : i32
    %scan3A_57 = arith.constant 0 : i32
    %scan3A_58 = arith.constant 0 : i32
    %scan3A_59 = arith.constant 640 : i32
    %scan3A_60 = arith.addi %scan3A_58, %scan3A_59 : i32
    %scan3A_61 = arith.constant 4 : i32
    scf.for %scan3A_111 = %scan3A_58 to %scan3A_60 step %scan3A_61  : i32 {
      %mul3A_112 = arith.constant 16 : i32
      %mul3A_113 = arith.muli %scan3A_111, %mul3A_112 : i32
      %get3A = arith.index_cast %mul3A_113 : i32 to index
      %get3A_114 = tpu.vector_load %arg9[%get3A] {strides = array<i32>} : memref<10240xi32, #tpu.memory_space<vmem>>, vector<16xi32>,
      %mul3A_115 = arith.constant 16 : i32
      %mul3A_116 = arith.muli %scan3A_111, %mul3A_115 : i32
      %get3A_117 = arith.index_cast %mul3A_116 : i32 to index
      %get3A_118 = tpu.vector_load %arg10[%get3A_117] {strides = array<i32>} : memref<10240xi32, #tpu.memory_space<vmem>>, vector<16xi32>,
      %mul3A_119 = arith.constant 16 : i32
      %mul3A_120 = arith.muli %scan3A_111, %mul3A_119 : i32
      %get3A_121 = arith.index_cast %mul3A_120 : i32 to index
      %get3A_122 = tpu.vector_load %arg11[%get3A_121] {strides = array<i32>} : memref<10240xf32, #tpu.memory_space<vmem>>, vector<16xf32>,
      %broadcast_in_dim3A_123 = arith.constant 0 : i32
      %broadcast_in_dim3A_124 = vector.broadcast %broadcast_in_dim3A_123 : i32 to vector<16xi32>
      %gather3A = tpu.vector_load_idx %arg12[%broadcast_in_dim3A_124, %get3A_114] : memref<4x10000xf32, #tpu.memory_space<vmem>>[vector<16xi32>, vector<16xi32>], vector<16xf32>,
      %mul3A_125 = arith.mulf %gather3A, %get3A_122 : vector<16xf32>
      tpu.vector_store_idx %arg13[%broadcast_in_dim3A_124, %get3A_118], %mul3A_125 {add = true} : memref<4x10000xf32, #tpu.memory_space<vmem>>[vector<16xi32>, vector<16xi32>], vector<16xf32>,
      %broadcast_in_dim3A_126 = arith.constant 1 : i32
      %broadcast_in_dim3A_127 = vector.broadcast %broadcast_in_dim3A_126 : i32 to vector<16xi32>
      %gather3A_128 = tpu.vector_load_idx %arg12[%broadcast_in_dim3A_127, %get3A_114] : memref<4x10000xf32, #tpu.memory_space<vmem>>[vector<16xi32>, vector<16xi32>], vector<16xf32>,
      %mul3A_129 = arith.mulf %gather3A_128, %get3A_122 : vector<16xf32>
      tpu.vector_store_idx %arg13[%broadcast_in_dim3A_127, %get3A_118], %mul3A_129 {add = true} : memref<4x10000xf32, #tpu.memory_space<vmem>>[vector<16xi32>, vector<16xi32>], vector<16xf32>,
      %broadcast_in_dim3A_130 = arith.constant 2 : i32
      %broadcast_in_dim3A_131 = vector.broadcast %broadcast_in_dim3A_130 : i32 to vector<16xi32>
      %gather3A_132 = tpu.vector_load_idx %arg12[%broadcast_in_dim3A_131, %get3A_114] : memref<4x10000xf32, #tpu.memory_space<vmem>>[vector<16xi32>, vector<16xi32>], vector<16xf32>,
      %mul3A_133 = arith.mulf %gather3A_132, %get3A_122 : vector<16xf32>
      tpu.vector_store_idx %arg13[%broadcast_in_dim3A_131, %get3A_118], %mul3A_133 {add = true} : memref<4x10000xf32, #tpu.memory_space<vmem>>[vector<16xi32>, vector<16xi32>], vector<16xf32>,
      %broadcast_in_dim3A_134 = arith.constant 3 : i32
      %broadcast_in_dim3A_135 = vector.broadcast %broadcast_in_dim3A_134 : i32 to vector<16xi32>
      %gather3A_136 = tpu.vector_load_idx %arg12[%broadcast_in_dim3A_135, %get3A_114] : memref<4x10000xf32, #tpu.memory_space<vmem>>[vector<16xi32>, vector<16xi32>], vector<16xf32>,
      %mul3A_137 = arith.mulf %gather3A_136, %get3A_122 : vector<16xf32>
      tpu.vector_store_idx %arg13[%broadcast_in_dim3A_135, %get3A_118], %mul3A_137 {add = true} : memref<4x10000xf32, #tpu.memory_space<vmem>>[vector<16xi32>, vector<16xi32>], vector<16xf32>,
      %scan3A_138 = arith.constant 1 : i32
      %scan3A_139 = arith.addi %scan3A_111, %scan3A_138 : i32
      %mul3A_140 = arith.constant 16 : i32
      %mul3A_141 = arith.muli %scan3A_139, %mul3A_140 : i32
      %get3A_142 = arith.index_cast %mul3A_141 : i32 to index
      %get3A_143 = tpu.vector_load %arg9[%get3A_142] {strides = array<i32>} : memref<10240xi32, #tpu.memory_space<vmem>>, vector<16xi32>,
      %mul3A_144 = arith.constant 16 : i32
      %mul3A_145 = arith.muli %scan3A_139, %mul3A_144 : i32
      %get3A_146 = arith.index_cast %mul3A_145 : i32 to index
      %get3A_147 = tpu.vector_load %arg10[%get3A_146] {strides = array<i32>} : memref<10240xi32, #tpu.memory_space<vmem>>, vector<16xi32>,
      %mul3A_148 = arith.constant 16 : i32
      %mul3A_149 = arith.muli %scan3A_139, %mul3A_148 : i32
      %get3A_150 = arith.index_cast %mul3A_149 : i32 to index
      %get3A_151 = tpu.vector_load %arg11[%get3A_150] {strides = array<i32>} : memref<10240xf32, #tpu.memory_space<vmem>>, vector<16xf32>,
      %broadcast_in_dim3A_152 = arith.constant 0 : i32
      %broadcast_in_dim3A_153 = vector.broadcast %broadcast_in_dim3A_152 : i32 to vector<16xi32>
      %gather3A_154 = tpu.vector_load_idx %arg12[%broadcast_in_dim3A_153, %get3A_143] : memref<4x10000xf32, #tpu.memory_space<vmem>>[vector<16xi32>, vector<16xi32>], vector<16xf32>,
      %mul3A_155 = arith.mulf %gather3A_154, %get3A_151 : vector<16xf32>
      tpu.vector_store_idx %arg13[%broadcast_in_dim3A_153, %get3A_147], %mul3A_155 {add = true} : memref<4x10000xf32, #tpu.memory_space<vmem>>[vector<16xi32>, vector<16xi32>], vector<16xf32>,
      %broadcast_in_dim3A_156 = arith.constant 1 : i32
      %broadcast_in_dim3A_157 = vector.broadcast %broadcast_in_dim3A_156 : i32 to vector<16xi32>
      %gather3A_158 = tpu.vector_load_idx %arg12[%broadcast_in_dim3A_157, %get3A_143] : memref<4x10000xf32, #tpu.memory_space<vmem>>[vector<16xi32>, vector<16xi32>], vector<16xf32>,
      %mul3A_159 = arith.mulf %gather3A_158, %get3A_151 : vector<16xf32>
      tpu.vector_store_idx %arg13[%broadcast_in_dim3A_157, %get3A_147], %mul3A_159 {add = true} : memref<4x10000xf32, #tpu.memory_space<vmem>>[vector<16xi32>, vector<16xi32>], vector<16xf32>,
      %broadcast_in_dim3A_160 = arith.constant 2 : i32
      %broadcast_in_dim3A_161 = vector.broadcast %broadcast_in_dim3A_160 : i32 to vector<16xi32>
      %gather3A_162 = tpu.vector_load_idx %arg12[%broadcast_in_dim3A_161, %get3A_143] : memref<4x10000xf32, #tpu.memory_space<vmem>>[vector<16xi32>, vector<16xi32>], vector<16xf32>,
      %mul3A_163 = arith.mulf %gather3A_162, %get3A_151 : vector<16xf32>
      tpu.vector_store_idx %arg13[%broadcast_in_dim3A_161, %get3A_147], %mul3A_163 {add = true} : memref<4x10000xf32, #tpu.memory_space<vmem>>[vector<16xi32>, vector<16xi32>], vector<16xf32>,
      %broadcast_in_dim3A_164 = arith.constant 3 : i32
      %broadcast_in_dim3A_165 = vector.broadcast %broadcast_in_dim3A_164 : i32 to vector<16xi32>
      %gather3A_166 = tpu.vector_load_idx %arg12[%broadcast_in_dim3A_165, %get3A_143] : memref<4x10000xf32, #tpu.memory_space<vmem>>[vector<16xi32>, vector<16xi32>], vector<16xf32>,
      %mul3A_167 = arith.mulf %gather3A_166, %get3A_151 : vector<16xf32>
      tpu.vector_store_idx %arg13[%broadcast_in_dim3A_165, %get3A_147], %mul3A_167 {add = true} : memref<4x10000xf32, #tpu.memory_space<vmem>>[vector<16xi32>, vector<16xi32>], vector<16xf32>,
      %scan3A_168 = arith.constant 2 : i32
      %scan3A_169 = arith.addi %scan3A_111, %scan3A_168 : i32
      %mul3A_170 = arith.constant 16 : i32
      %mul3A_171 = arith.muli %scan3A_169, %mul3A_170 : i32
      %get3A_172 = arith.index_cast %mul3A_171 : i32 to index
      %get3A_173 = tpu.vector_load %arg9[%get3A_172] {strides = array<i32>} : memref<10240xi32, #tpu.memory_space<vmem>>, vector<16xi32>,
      %mul3A_174 = arith.constant 16 : i32
      %mul3A_175 = arith.muli %scan3A_169, %mul3A_174 : i32
      %get3A_176 = arith.index_cast %mul3A_175 : i32 to index
      %get3A_177 = tpu.vector_load %arg10[%get3A_176] {strides = array<i32>} : memref<10240xi32, #tpu.memory_space<vmem>>, vector<16xi32>,
      %mul3A_178 = arith.constant 16 : i32
      %mul3A_179 = arith.muli %scan3A_169, %mul3A_178 : i32
      %get3A_180 = arith.index_cast %mul3A_179 : i32 to index
      %get3A_181 = tpu.vector_load %arg11[%get3A_180] {strides = array<i32>} : memref<10240xf32, #tpu.memory_space<vmem>>, vector<16xf32>,
      %broadcast_in_dim3A_182 = arith.constant 0 : i32
      %broadcast_in_dim3A_183 = vector.broadcast %broadcast_in_dim3A_182 : i32 to vector<16xi32>
      %gather3A_184 = tpu.vector_load_idx %arg12[%broadcast_in_dim3A_183, %get3A_173] : memref<4x10000xf32, #tpu.memory_space<vmem>>[vector<16xi32>, vector<16xi32>], vector<16xf32>,
      %mul3A_185 = arith.mulf %gather3A_184, %get3A_181 : vector<16xf32>
      tpu.vector_store_idx %arg13[%broadcast_in_dim3A_183, %get3A_177], %mul3A_185 {add = true} : memref<4x10000xf32, #tpu.memory_space<vmem>>[vector<16xi32>, vector<16xi32>], vector<16xf32>,
      %broadcast_in_dim3A_186 = arith.constant 1 : i32
      %broadcast_in_dim3A_187 = vector.broadcast %broadcast_in_dim3A_186 : i32 to vector<16xi32>
      %gather3A_188 = tpu.vector_load_idx %arg12[%broadcast_in_dim3A_187, %get3A_173] : memref<4x10000xf32, #tpu.memory_space<vmem>>[vector<16xi32>, vector<16xi32>], vector<16xf32>,
      %mul3A_189 = arith.mulf %gather3A_188, %get3A_181 : vector<16xf32>
      tpu.vector_store_idx %arg13[%broadcast_in_dim3A_187, %get3A_177], %mul3A_189 {add = true} : memref<4x10000xf32, #tpu.memory_space<vmem>>[vector<16xi32>, vector<16xi32>], vector<16xf32>,
      %broadcast_in_dim3A_190 = arith.constant 2 : i32
      %broadcast_in_dim3A_191 = vector.broadcast %broadcast_in_dim3A_190 : i32 to vector<16xi32>
      %gather3A_192 = tpu.vector_load_idx %arg12[%broadcast_in_dim3A_191, %get3A_173] : memref<4x10000xf32, #tpu.memory_space<vmem>>[vector<16xi32>, vector<16xi32>], vector<16xf32>,
      %mul3A_193 = arith.mulf %gather3A_192, %get3A_181 : vector<16xf32>
      tpu.vector_store_idx %arg13[%broadcast_in_dim3A_191, %get3A_177], %mul3A_193 {add = true} : memref<4x10000xf32, #tpu.memory_space<vmem>>[vector<16xi32>, vector<16xi32>], vector<16xf32>,
      %broadcast_in_dim3A_194 = arith.constant 3 : i32
      %broadcast_in_dim3A_195 = vector.broadcast %broadcast_in_dim3A_194 : i32 to vector<16xi32>
      %gather3A_196 = tpu.vector_load_idx %arg12[%broadcast_in_dim3A_195, %get3A_173] : memref<4x10000xf32, #tpu.memory_space<vmem>>[vector<16xi32>, vector<16xi32>], vector<16xf32>,
      %mul3A_197 = arith.mulf %gather3A_196, %get3A_181 : vector<16xf32>
      tpu.vector_store_idx %arg13[%broadcast_in_dim3A_195, %get3A_177], %mul3A_197 {add = true} : memref<4x10000xf32, #tpu.memory_space<vmem>>[vector<16xi32>, vector<16xi32>], vector<16xf32>,
      %scan3A_198 = arith.constant 3 : i32
      %scan3A_199 = arith.addi %scan3A_111, %scan3A_198 : i32
      %mul3A_200 = arith.constant 16 : i32
      %mul3A_201 = arith.muli %scan3A_199, %mul3A_200 : i32
      %get3A_202 = arith.index_cast %mul3A_201 : i32 to index
      %get3A_203 = tpu.vector_load %arg9[%get3A_202] {strides = array<i32>} : memref<10240xi32, #tpu.memory_space<vmem>>, vector<16xi32>,
      %mul3A_204 = arith.constant 16 : i32
      %mul3A_205 = arith.muli %scan3A_199, %mul3A_204 : i32
      %get3A_206 = arith.index_cast %mul3A_205 : i32 to index
      %get3A_207 = tpu.vector_load %arg10[%get3A_206] {strides = array<i32>} : memref<10240xi32, #tpu.memory_space<vmem>>, vector<16xi32>,
      %mul3A_208 = arith.constant 16 : i32
      %mul3A_209 = arith.muli %scan3A_199, %mul3A_208 : i32
      %get3A_210 = arith.index_cast %mul3A_209 : i32 to index
      %get3A_211 = tpu.vector_load %arg11[%get3A_210] {strides = array<i32>} : memref<10240xf32, #tpu.memory_space<vmem>>, vector<16xf32>,
      %broadcast_in_dim3A_212 = arith.constant 0 : i32
      %broadcast_in_dim3A_213 = vector.broadcast %broadcast_in_dim3A_212 : i32 to vector<16xi32>
      %gather3A_214 = tpu.vector_load_idx %arg12[%broadcast_in_dim3A_213, %get3A_203] : memref<4x10000xf32, #tpu.memory_space<vmem>>[vector<16xi32>, vector<16xi32>], vector<16xf32>,
      %mul3A_215 = arith.mulf %gather3A_214, %get3A_211 : vector<16xf32>
      tpu.vector_store_idx %arg13[%broadcast_in_dim3A_213, %get3A_207], %mul3A_215 {add = true} : memref<4x10000xf32, #tpu.memory_space<vmem>>[vector<16xi32>, vector<16xi32>], vector<16xf32>,
      %broadcast_in_dim3A_216 = arith.constant 1 : i32
      %broadcast_in_dim3A_217 = vector.broadcast %broadcast_in_dim3A_216 : i32 to vector<16xi32>
      %gather3A_218 = tpu.vector_load_idx %arg12[%broadcast_in_dim3A_217, %get3A_203] : memref<4x10000xf32, #tpu.memory_space<vmem>>[vector<16xi32>, vector<16xi32>], vector<16xf32>,
      %mul3A_219 = arith.mulf %gather3A_218, %get3A_211 : vector<16xf32>
      tpu.vector_store_idx %arg13[%broadcast_in_dim3A_217, %get3A_207], %mul3A_219 {add = true} : memref<4x10000xf32, #tpu.memory_space<vmem>>[vector<16xi32>, vector<16xi32>], vector<16xf32>,
      %broadcast_in_dim3A_220 = arith.constant 2 : i32
      %broadcast_in_dim3A_221 = vector.broadcast %broadcast_in_dim3A_220 : i32 to vector<16xi32>
      %gather3A_222 = tpu.vector_load_idx %arg12[%broadcast_in_dim3A_221, %get3A_203] : memref<4x10000xf32, #tpu.memory_space<vmem>>[vector<16xi32>, vector<16xi32>], vector<16xf32>,
      %mul3A_223 = arith.mulf %gather3A_222, %get3A_211 : vector<16xf32>
      tpu.vector_store_idx %arg13[%broadcast_in_dim3A_221, %get3A_207], %mul3A_223 {add = true} : memref<4x10000xf32, #tpu.memory_space<vmem>>[vector<16xi32>, vector<16xi32>], vector<16xf32>,
      %broadcast_in_dim3A_224 = arith.constant 3 : i32
      %broadcast_in_dim3A_225 = vector.broadcast %broadcast_in_dim3A_224 : i32 to vector<16xi32>
      %gather3A_226 = tpu.vector_load_idx %arg12[%broadcast_in_dim3A_225, %get3A_203] : memref<4x10000xf32, #tpu.memory_space<vmem>>[vector<16xi32>, vector<16xi32>], vector<16xf32>,
      %mul3A_227 = arith.mulf %gather3A_226, %get3A_211 : vector<16xf32>
      tpu.vector_store_idx %arg13[%broadcast_in_dim3A_225, %get3A_207], %mul3A_227 {add = true} : memref<4x10000xf32, #tpu.memory_space<vmem>>[vector<16xi32>, vector<16xi32>], vector<16xf32>,
    }
    %scan3A_62 = arith.constant 640 : i32
    %run_scoped3A_63 = arith.constant 0 : i32
    %run_scoped3A_64 = arith.constant 4 : i32
    "tpu.region"() ({
      %run_scoped3A_111 = tpu.sem_alloc : memref<!tpu.dma_semaphore, #tpu.memory_space<semaphore_mem>>
      %dma_start3A = arith.constant 0 : i32
      %dma_start3A_112 = tpu.memref_slice %arg13[%run_scoped3A_63, %dma_start3A] : memref<4x10000xf32, #tpu.memory_space<vmem>> -> memref<1x10000xf32, #tpu.memory_space<vmem>>
      %dma_start3A_113 = tpu.memref_squeeze %dma_start3A_112 : memref<1x10000xf32, #tpu.memory_space<vmem>> -> memref<10000xf32, #tpu.memory_space<vmem>>
      %dma_start3A_114 = tpu.memref_slice %arg7[%run_scoped3A_64, %multiple_of3A_30] : memref<16x320000xf32, #tpu.memory_space<hbm>> -> memref<1x10000xf32, #tpu.memory_space<hbm>>
      %dma_start3A_115 = tpu.memref_squeeze %dma_start3A_114 : memref<1x10000xf32, #tpu.memory_space<hbm>> -> memref<10000xf32, #tpu.memory_space<hbm>>
      %dma_start3A_116 = tpu.memref_slice %arg7[%run_scoped3A_64, %multiple_of3A_30] : memref<16x320000xf32, #tpu.memory_space<hbm>> -> memref<1x10000xf32, #tpu.memory_space<hbm>>
      %dma_start3A_117 = tpu.memref_squeeze %dma_start3A_116 : memref<1x10000xf32, #tpu.memory_space<hbm>> -> memref<10000xf32, #tpu.memory_space<hbm>>
      %dma_start3A_118 = arith.constant 0 : i32
      %dma_start3A_119 = tpu.memref_slice %arg13[%run_scoped3A_63, %dma_start3A_118] : memref<4x10000xf32, #tpu.memory_space<vmem>> -> memref<1x10000xf32, #tpu.memory_space<vmem>>
      %dma_start3A_120 = tpu.memref_squeeze %dma_start3A_119 : memref<1x10000xf32, #tpu.memory_space<vmem>> -> memref<10000xf32, #tpu.memory_space<vmem>>
      tpu.enqueue_dma source(%dma_start3A_120 : memref<10000xf32, #tpu.memory_space<vmem>>) target(%dma_start3A_117 : memref<10000xf32, #tpu.memory_space<hbm>>) target_semaphore(%run_scoped3A_111 : memref<!tpu.dma_semaphore, #tpu.memory_space<semaphore_mem>>)
      %dma_wait3A = arith.constant 0 : i32
      %dma_wait3A_121 = tpu.memref_slice %arg13[%run_scoped3A_63, %dma_wait3A] : memref<4x10000xf32, #tpu.memory_space<vmem>> -> memref<1x10000xf32, #tpu.memory_space<vmem>>
      %dma_wait3A_122 = tpu.memref_squeeze %dma_wait3A_121 : memref<1x10000xf32, #tpu.memory_space<vmem>> -> memref<10000xf32, #tpu.memory_space<vmem>>
      %dma_wait3A_123 = tpu.memref_slice %arg7[%run_scoped3A_64, %multiple_of3A_30] : memref<16x320000xf32, #tpu.memory_space<hbm>> -> memref<1x10000xf32, #tpu.memory_space<hbm>>
      %dma_wait3A_124 = tpu.memref_squeeze %dma_wait3A_123 : memref<1x10000xf32, #tpu.memory_space<hbm>> -> memref<10000xf32, #tpu.memory_space<hbm>>
      %dma_wait3A_125 = tpu.memref_slice %arg7[%run_scoped3A_64, %multiple_of3A_30] : memref<16x320000xf32, #tpu.memory_space<hbm>> -> memref<1x10000xf32, #tpu.memory_space<hbm>>
      %dma_wait3A_126 = tpu.memref_squeeze %dma_wait3A_125 : memref<1x10000xf32, #tpu.memory_space<hbm>> -> memref<10000xf32, #tpu.memory_space<hbm>>
      %dma_wait3A_127 = arith.constant 0 : i32
      %dma_wait3A_128 = tpu.memref_slice %arg13[%run_scoped3A_63, %dma_wait3A_127] : memref<4x10000xf32, #tpu.memory_space<vmem>> -> memref<1x10000xf32, #tpu.memory_space<vmem>>
      %dma_wait3A_129 = tpu.memref_squeeze %dma_wait3A_128 : memref<1x10000xf32, #tpu.memory_space<vmem>> -> memref<10000xf32, #tpu.memory_space<vmem>>
      tpu.wait_dma2 semaphore(%run_scoped3A_111 : memref<!tpu.dma_semaphore, #tpu.memory_space<semaphore_mem>>) src(%dma_wait3A_129 : memref<10000xf32, #tpu.memory_space<vmem>>) dst(%dma_wait3A_126 : memref<10000xf32, #tpu.memory_space<hbm>>)
      tpu.yield
    }) : () -> ()
    %run_scoped3A_65 = arith.constant 1 : i32
    %run_scoped3A_66 = arith.constant 5 : i32
    "tpu.region"() ({
      %run_scoped3A_111 = tpu.sem_alloc : memref<!tpu.dma_semaphore, #tpu.memory_space<semaphore_mem>>
      %dma_start3A = arith.constant 0 : i32
      %dma_start3A_112 = tpu.memref_slice %arg13[%run_scoped3A_65, %dma_start3A] : memref<4x10000xf32, #tpu.memory_space<vmem>> -> memref<1x10000xf32, #tpu.memory_space<vmem>>
      %dma_start3A_113 = tpu.memref_squeeze %dma_start3A_112 : memref<1x10000xf32, #tpu.memory_space<vmem>> -> memref<10000xf32, #tpu.memory_space<vmem>>
      %dma_start3A_114 = tpu.memref_slice %arg7[%run_scoped3A_66, %multiple_of3A_30] : memref<16x320000xf32, #tpu.memory_space<hbm>> -> memref<1x10000xf32, #tpu.memory_space<hbm>>
      %dma_start3A_115 = tpu.memref_squeeze %dma_start3A_114 : memref<1x10000xf32, #tpu.memory_space<hbm>> -> memref<10000xf32, #tpu.memory_space<hbm>>
      %dma_start3A_116 = tpu.memref_slice %arg7[%run_scoped3A_66, %multiple_of3A_30] : memref<16x320000xf32, #tpu.memory_space<hbm>> -> memref<1x10000xf32, #tpu.memory_space<hbm>>
      %dma_start3A_117 = tpu.memref_squeeze %dma_start3A_116 : memref<1x10000xf32, #tpu.memory_space<hbm>> -> memref<10000xf32, #tpu.memory_space<hbm>>
      %dma_start3A_118 = arith.constant 0 : i32
      %dma_start3A_119 = tpu.memref_slice %arg13[%run_scoped3A_65, %dma_start3A_118] : memref<4x10000xf32, #tpu.memory_space<vmem>> -> memref<1x10000xf32, #tpu.memory_space<vmem>>
      %dma_start3A_120 = tpu.memref_squeeze %dma_start3A_119 : memref<1x10000xf32, #tpu.memory_space<vmem>> -> memref<10000xf32, #tpu.memory_space<vmem>>
      tpu.enqueue_dma source(%dma_start3A_120 : memref<10000xf32, #tpu.memory_space<vmem>>) target(%dma_start3A_117 : memref<10000xf32, #tpu.memory_space<hbm>>) target_semaphore(%run_scoped3A_111 : memref<!tpu.dma_semaphore, #tpu.memory_space<semaphore_mem>>)
      %dma_wait3A = arith.constant 0 : i32
      %dma_wait3A_121 = tpu.memref_slice %arg13[%run_scoped3A_65, %dma_wait3A] : memref<4x10000xf32, #tpu.memory_space<vmem>> -> memref<1x10000xf32, #tpu.memory_space<vmem>>
      %dma_wait3A_122 = tpu.memref_squeeze %dma_wait3A_121 : memref<1x10000xf32, #tpu.memory_space<vmem>> -> memref<10000xf32, #tpu.memory_space<vmem>>
      %dma_wait3A_123 = tpu.memref_slice %arg7[%run_scoped3A_66, %multiple_of3A_30] : memref<16x320000xf32, #tpu.memory_space<hbm>> -> memref<1x10000xf32, #tpu.memory_space<hbm>>
      %dma_wait3A_124 = tpu.memref_squeeze %dma_wait3A_123 : memref<1x10000xf32, #tpu.memory_space<hbm>> -> memref<10000xf32, #tpu.memory_space<hbm>>
      %dma_wait3A_125 = tpu.memref_slice %arg7[%run_scoped3A_66, %multiple_of3A_30] : memref<16x320000xf32, #tpu.memory_space<hbm>> -> memref<1x10000xf32, #tpu.memory_space<hbm>>
      %dma_wait3A_126 = tpu.memref_squeeze %dma_wait3A_125 : memref<1x10000xf32, #tpu.memory_space<hbm>> -> memref<10000xf32, #tpu.memory_space<hbm>>
      %dma_wait3A_127 = arith.constant 0 : i32
      %dma_wait3A_128 = tpu.memref_slice %arg13[%run_scoped3A_65, %dma_wait3A_127] : memref<4x10000xf32, #tpu.memory_space<vmem>> -> memref<1x10000xf32, #tpu.memory_space<vmem>>
      %dma_wait3A_129 = tpu.memref_squeeze %dma_wait3A_128 : memref<1x10000xf32, #tpu.memory_space<vmem>> -> memref<10000xf32, #tpu.memory_space<vmem>>
      tpu.wait_dma2 semaphore(%run_scoped3A_111 : memref<!tpu.dma_semaphore, #tpu.memory_space<semaphore_mem>>) src(%dma_wait3A_129 : memref<10000xf32, #tpu.memory_space<vmem>>) dst(%dma_wait3A_126 : memref<10000xf32, #tpu.memory_space<hbm>>)
      tpu.yield
    }) : () -> ()
    %run_scoped3A_67 = arith.constant 2 : i32
    %run_scoped3A_68 = arith.constant 6 : i32
    "tpu.region"() ({
      %run_scoped3A_111 = tpu.sem_alloc : memref<!tpu.dma_semaphore, #tpu.memory_space<semaphore_mem>>
      %dma_start3A = arith.constant 0 : i32
      %dma_start3A_112 = tpu.memref_slice %arg13[%run_scoped3A_67, %dma_start3A] : memref<4x10000xf32, #tpu.memory_space<vmem>> -> memref<1x10000xf32, #tpu.memory_space<vmem>>
      %dma_start3A_113 = tpu.memref_squeeze %dma_start3A_112 : memref<1x10000xf32, #tpu.memory_space<vmem>> -> memref<10000xf32, #tpu.memory_space<vmem>>
      %dma_start3A_114 = tpu.memref_slice %arg7[%run_scoped3A_68, %multiple_of3A_30] : memref<16x320000xf32, #tpu.memory_space<hbm>> -> memref<1x10000xf32, #tpu.memory_space<hbm>>
      %dma_start3A_115 = tpu.memref_squeeze %dma_start3A_114 : memref<1x10000xf32, #tpu.memory_space<hbm>> -> memref<10000xf32, #tpu.memory_space<hbm>>
      %dma_start3A_116 = tpu.memref_slice %arg7[%run_scoped3A_68, %multiple_of3A_30] : memref<16x320000xf32, #tpu.memory_space<hbm>> -> memref<1x10000xf32, #tpu.memory_space<hbm>>
      %dma_start3A_117 = tpu.memref_squeeze %dma_start3A_116 : memref<1x10000xf32, #tpu.memory_space<hbm>> -> memref<10000xf32, #tpu.memory_space<hbm>>
      %dma_start3A_118 = arith.constant 0 : i32
      %dma_start3A_119 = tpu.memref_slice %arg13[%run_scoped3A_67, %dma_start3A_118] : memref<4x10000xf32, #tpu.memory_space<vmem>> -> memref<1x10000xf32, #tpu.memory_space<vmem>>
      %dma_start3A_120 = tpu.memref_squeeze %dma_start3A_119 : memref<1x10000xf32, #tpu.memory_space<vmem>> -> memref<10000xf32, #tpu.memory_space<vmem>>
      tpu.enqueue_dma source(%dma_start3A_120 : memref<10000xf32, #tpu.memory_space<vmem>>) target(%dma_start3A_117 : memref<10000xf32, #tpu.memory_space<hbm>>) target_semaphore(%run_scoped3A_111 : memref<!tpu.dma_semaphore, #tpu.memory_space<semaphore_mem>>)
      %dma_wait3A = arith.constant 0 : i32
      %dma_wait3A_121 = tpu.memref_slice %arg13[%run_scoped3A_67, %dma_wait3A] : memref<4x10000xf32, #tpu.memory_space<vmem>> -> memref<1x10000xf32, #tpu.memory_space<vmem>>
      %dma_wait3A_122 = tpu.memref_squeeze %dma_wait3A_121 : memref<1x10000xf32, #tpu.memory_space<vmem>> -> memref<10000xf32, #tpu.memory_space<vmem>>
      %dma_wait3A_123 = tpu.memref_slice %arg7[%run_scoped3A_68, %multiple_of3A_30] : memref<16x320000xf32, #tpu.memory_space<hbm>> -> memref<1x10000xf32, #tpu.memory_space<hbm>>
      %dma_wait3A_124 = tpu.memref_squeeze %dma_wait3A_123 : memref<1x10000xf32, #tpu.memory_space<hbm>> -> memref<10000xf32, #tpu.memory_space<hbm>>
      %dma_wait3A_125 = tpu.memref_slice %arg7[%run_scoped3A_68, %multiple_of3A_30] : memref<16x320000xf32, #tpu.memory_space<hbm>> -> memref<1x10000xf32, #tpu.memory_space<hbm>>
      %dma_wait3A_126 = tpu.memref_squeeze %dma_wait3A_125 : memref<1x10000xf32, #tpu.memory_space<hbm>> -> memref<10000xf32, #tpu.memory_space<hbm>>
      %dma_wait3A_127 = arith.constant 0 : i32
      %dma_wait3A_128 = tpu.memref_slice %arg13[%run_scoped3A_67, %dma_wait3A_127] : memref<4x10000xf32, #tpu.memory_space<vmem>> -> memref<1x10000xf32, #tpu.memory_space<vmem>>
      %dma_wait3A_129 = tpu.memref_squeeze %dma_wait3A_128 : memref<1x10000xf32, #tpu.memory_space<vmem>> -> memref<10000xf32, #tpu.memory_space<vmem>>
      tpu.wait_dma2 semaphore(%run_scoped3A_111 : memref<!tpu.dma_semaphore, #tpu.memory_space<semaphore_mem>>) src(%dma_wait3A_129 : memref<10000xf32, #tpu.memory_space<vmem>>) dst(%dma_wait3A_126 : memref<10000xf32, #tpu.memory_space<hbm>>)
      tpu.yield
    }) : () -> ()
    %run_scoped3A_69 = arith.constant 3 : i32
    %run_scoped3A_70 = arith.constant 7 : i32
    "tpu.region"() ({
      %run_scoped3A_111 = tpu.sem_alloc : memref<!tpu.dma_semaphore, #tpu.memory_space<semaphore_mem>>
      %dma_start3A = arith.constant 0 : i32
      %dma_start3A_112 = tpu.memref_slice %arg13[%run_scoped3A_69, %dma_start3A] : memref<4x10000xf32, #tpu.memory_space<vmem>> -> memref<1x10000xf32, #tpu.memory_space<vmem>>
      %dma_start3A_113 = tpu.memref_squeeze %dma_start3A_112 : memref<1x10000xf32, #tpu.memory_space<vmem>> -> memref<10000xf32, #tpu.memory_space<vmem>>
      %dma_start3A_114 = tpu.memref_slice %arg7[%run_scoped3A_70, %multiple_of3A_30] : memref<16x320000xf32, #tpu.memory_space<hbm>> -> memref<1x10000xf32, #tpu.memory_space<hbm>>
      %dma_start3A_115 = tpu.memref_squeeze %dma_start3A_114 : memref<1x10000xf32, #tpu.memory_space<hbm>> -> memref<10000xf32, #tpu.memory_space<hbm>>
      %dma_start3A_116 = tpu.memref_slice %arg7[%run_scoped3A_70, %multiple_of3A_30] : memref<16x320000xf32, #tpu.memory_space<hbm>> -> memref<1x10000xf32, #tpu.memory_space<hbm>>
      %dma_start3A_117 = tpu.memref_squeeze %dma_start3A_116 : memref<1x10000xf32, #tpu.memory_space<hbm>> -> memref<10000xf32, #tpu.memory_space<hbm>>
      %dma_start3A_118 = arith.constant 0 : i32
      %dma_start3A_119 = tpu.memref_slice %arg13[%run_scoped3A_69, %dma_start3A_118] : memref<4x10000xf32, #tpu.memory_space<vmem>> -> memref<1x10000xf32, #tpu.memory_space<vmem>>
      %dma_start3A_120 = tpu.memref_squeeze %dma_start3A_119 : memref<1x10000xf32, #tpu.memory_space<vmem>> -> memref<10000xf32, #tpu.memory_space<vmem>>
      tpu.enqueue_dma source(%dma_start3A_120 : memref<10000xf32, #tpu.memory_space<vmem>>) target(%dma_start3A_117 : memref<10000xf32, #tpu.memory_space<hbm>>) target_semaphore(%run_scoped3A_111 : memref<!tpu.dma_semaphore, #tpu.memory_space<semaphore_mem>>)
      %dma_wait3A = arith.constant 0 : i32
      %dma_wait3A_121 = tpu.memref_slice %arg13[%run_scoped3A_69, %dma_wait3A] : memref<4x10000xf32, #tpu.memory_space<vmem>> -> memref<1x10000xf32, #tpu.memory_space<vmem>>
      %dma_wait3A_122 = tpu.memref_squeeze %dma_wait3A_121 : memref<1x10000xf32, #tpu.memory_space<vmem>> -> memref<10000xf32, #tpu.memory_space<vmem>>
      %dma_wait3A_123 = tpu.memref_slice %arg7[%run_scoped3A_70, %multiple_of3A_30] : memref<16x320000xf32, #tpu.memory_space<hbm>> -> memref<1x10000xf32, #tpu.memory_space<hbm>>
      %dma_wait3A_124 = tpu.memref_squeeze %dma_wait3A_123 : memref<1x10000xf32, #tpu.memory_space<hbm>> -> memref<10000xf32, #tpu.memory_space<hbm>>
      %dma_wait3A_125 = tpu.memref_slice %arg7[%run_scoped3A_70, %multiple_of3A_30] : memref<16x320000xf32, #tpu.memory_space<hbm>> -> memref<1x10000xf32, #tpu.memory_space<hbm>>
      %dma_wait3A_126 = tpu.memref_squeeze %dma_wait3A_125 : memref<1x10000xf32, #tpu.memory_space<hbm>> -> memref<10000xf32, #tpu.memory_space<hbm>>
      %dma_wait3A_127 = arith.constant 0 : i32
      %dma_wait3A_128 = tpu.memref_slice %arg13[%run_scoped3A_69, %dma_wait3A_127] : memref<4x10000xf32, #tpu.memory_space<vmem>> -> memref<1x10000xf32, #tpu.memory_space<vmem>>
      %dma_wait3A_129 = tpu.memref_squeeze %dma_wait3A_128 : memref<1x10000xf32, #tpu.memory_space<vmem>> -> memref<10000xf32, #tpu.memory_space<vmem>>
      tpu.wait_dma2 semaphore(%run_scoped3A_111 : memref<!tpu.dma_semaphore, #tpu.memory_space<semaphore_mem>>) src(%dma_wait3A_129 : memref<10000xf32, #tpu.memory_space<vmem>>) dst(%dma_wait3A_126 : memref<10000xf32, #tpu.memory_space<hbm>>)
      tpu.yield
    }) : () -> ()
    "tpu.region"() ({
      %run_scoped3A_111 = tpu.sem_alloc : memref<!tpu.dma_semaphore, #tpu.memory_space<semaphore_mem>>
      %dma_start3A = arith.constant 8 : i32
      %dma_start3A_112 = arith.constant 0 : i32
      %dma_start3A_113 = tpu.memref_slice %arg6[%dma_start3A, %dma_start3A_112] : memref<16x10000xf32, #tpu.memory_space<hbm>> -> memref<4x10000xf32, #tpu.memory_space<hbm>>
      %dma_start3A_114 = arith.constant 8 : i32
      %dma_start3A_115 = arith.constant 0 : i32
      %dma_start3A_116 = tpu.memref_slice %arg6[%dma_start3A_114, %dma_start3A_115] : memref<16x10000xf32, #tpu.memory_space<hbm>> -> memref<4x10000xf32, #tpu.memory_space<hbm>>
      tpu.enqueue_dma source(%dma_start3A_116 : memref<4x10000xf32, #tpu.memory_space<hbm>>) target(%arg12 : memref<4x10000xf32, #tpu.memory_space<vmem>>) target_semaphore(%run_scoped3A_111 : memref<!tpu.dma_semaphore, #tpu.memory_space<semaphore_mem>>)
      %dma_wait3A = arith.constant 8 : i32
      %dma_wait3A_117 = arith.constant 0 : i32
      %dma_wait3A_118 = tpu.memref_slice %arg6[%dma_wait3A, %dma_wait3A_117] : memref<16x10000xf32, #tpu.memory_space<hbm>> -> memref<4x10000xf32, #tpu.memory_space<hbm>>
      %dma_wait3A_119 = arith.constant 8 : i32
      %dma_wait3A_120 = arith.constant 0 : i32
      %dma_wait3A_121 = tpu.memref_slice %arg6[%dma_wait3A_119, %dma_wait3A_120] : memref<16x10000xf32, #tpu.memory_space<hbm>> -> memref<4x10000xf32, #tpu.memory_space<hbm>>
      tpu.wait_dma2 semaphore(%run_scoped3A_111 : memref<!tpu.dma_semaphore, #tpu.memory_space<semaphore_mem>>) src(%dma_wait3A_121 : memref<4x10000xf32, #tpu.memory_space<hbm>>) dst(%arg12 : memref<4x10000xf32, #tpu.memory_space<vmem>>)
      tpu.yield
    }) : () -> ()
    %scan3A_71 = arith.constant 0 : i32
    %scan3A_72 = arith.constant 0 : i32
    %scan3A_73 = arith.constant 2500 : i32
    %scan3A_74 = arith.addi %scan3A_72, %scan3A_73 : i32
    %scan3A_75 = arith.constant 1 : i32
    scf.for %scan3A_111 = %scan3A_72 to %scan3A_74 step %scan3A_75  : i32 {
      %jit3A = arith.constant 4 : i32
      %eq3A = arith.constant 0 : i32
      %eq3A_112 = arith.cmpi eq, %jit3A, %eq3A : i32
      %jit3A_113 = arith.constant 1 : i32
      %select_n3A = arith.select %eq3A_112, %jit3A_113, %jit3A : i32
      %rem3A = arith.remsi %scan3A_111, %select_n3A : i32
      %ne3A = arith.constant 0 : i32
      %ne3A_114 = arith.cmpi ne, %rem3A, %ne3A : i32
      %lt3A = arith.constant 0 : i32
      %lt3A_115 = arith.cmpi slt, %rem3A, %lt3A : i32
      %lt3A_116 = arith.constant 0 : i32
      %lt3A_117 = arith.cmpi slt, %select_n3A, %lt3A_116 : i32
      %ne3A_118 = arith.xori %lt3A_115, %lt3A_117 : i1
      %and3A = arith.andi %ne3A_118, %ne3A_114 : i1
      %add3A_119 = arith.addi %rem3A, %select_n3A : i32
      %select_n3A_120 = arith.select %and3A, %add3A_119, %rem3A : i32
      %jit3A_121 = arith.constant 4 : i32
      %div3A = arith.divsi %scan3A_111, %jit3A_121 : i32
      %sign3A = arith.constant 0 : i32
      %sign3A_122 = arith.cmpi sgt, %scan3A_111, %sign3A : i32
      %sign3A_123 = arith.extui %sign3A_122 : i1 to i32
      %sign3A_124 = arith.constant 0 : i32
      %sign3A_125 = arith.cmpi slt, %scan3A_111, %sign3A_124 : i32
      %sign3A_126 = arith.extui %sign3A_125 : i1 to i32
      %sign3A_127 = arith.subi %sign3A_123, %sign3A_126 : i32
      %sign3A_128 = arith.constant 0 : i32
      %sign3A_129 = arith.cmpi sgt, %jit3A_121, %sign3A_128 : i32
      %sign3A_130 = arith.extui %sign3A_129 : i1 to i32
      %sign3A_131 = arith.constant 0 : i32
      %sign3A_132 = arith.cmpi slt, %jit3A_121, %sign3A_131 : i32
      %sign3A_133 = arith.extui %sign3A_132 : i1 to i32
      %sign3A_134 = arith.subi %sign3A_130, %sign3A_133 : i32
      %ne3A_135 = arith.cmpi ne, %sign3A_127, %sign3A_134 : i32
      %rem3A_136 = arith.remsi %scan3A_111, %jit3A_121 : i32
      %ne3A_137 = arith.constant 0 : i32
      %ne3A_138 = arith.cmpi ne, %rem3A_136, %ne3A_137 : i32
      %and3A_139 = arith.andi %ne3A_135, %ne3A_138 : i1
      %sub3A = arith.constant 1 : i32
      %sub3A_140 = arith.subi %div3A, %sub3A : i32
      %select_n3A_141 = arith.select %and3A_139, %sub3A_140, %div3A : i32
      %mul3A_142 = arith.constant 16 : i32
      %mul3A_143 = arith.muli %select_n3A_141, %mul3A_142 : i32
      %swap3A = arith.index_cast %select_n3A_120 : i32 to index
      %swap3A_144 = arith.index_cast %mul3A_143 : i32 to index
      %swap3A_145 = tpu.vector_load %arg13[%swap3A, %swap3A_144] {strides = array<i32>} : memref<4x10000xf32, #tpu.memory_space<vmem>>, vector<16xf32>,
      tpu.vector_store %arg13[%swap3A, %swap3A_144], %broadcast_in_dim3A_4 {strides = array<i32>} : memref<4x10000xf32, #tpu.memory_space<vmem>>, vector<16xf32>,
    }
    %scan3A_76 = arith.constant 2500 : i32
    %scan3A_77 = arith.constant 0 : i32
    %scan3A_78 = arith.constant 0 : i32
    %scan3A_79 = arith.constant 640 : i32
    %scan3A_80 = arith.addi %scan3A_78, %scan3A_79 : i32
    %scan3A_81 = arith.constant 4 : i32
    scf.for %scan3A_111 = %scan3A_78 to %scan3A_80 step %scan3A_81  : i32 {
      %mul3A_112 = arith.constant 16 : i32
      %mul3A_113 = arith.muli %scan3A_111, %mul3A_112 : i32
      %get3A = arith.index_cast %mul3A_113 : i32 to index
      %get3A_114 = tpu.vector_load %arg9[%get3A] {strides = array<i32>} : memref<10240xi32, #tpu.memory_space<vmem>>, vector<16xi32>,
      %mul3A_115 = arith.constant 16 : i32
      %mul3A_116 = arith.muli %scan3A_111, %mul3A_115 : i32
      %get3A_117 = arith.index_cast %mul3A_116 : i32 to index
      %get3A_118 = tpu.vector_load %arg10[%get3A_117] {strides = array<i32>} : memref<10240xi32, #tpu.memory_space<vmem>>, vector<16xi32>,
      %mul3A_119 = arith.constant 16 : i32
      %mul3A_120 = arith.muli %scan3A_111, %mul3A_119 : i32
      %get3A_121 = arith.index_cast %mul3A_120 : i32 to index
      %get3A_122 = tpu.vector_load %arg11[%get3A_121] {strides = array<i32>} : memref<10240xf32, #tpu.memory_space<vmem>>, vector<16xf32>,
      %broadcast_in_dim3A_123 = arith.constant 0 : i32
      %broadcast_in_dim3A_124 = vector.broadcast %broadcast_in_dim3A_123 : i32 to vector<16xi32>
      %gather3A = tpu.vector_load_idx %arg12[%broadcast_in_dim3A_124, %get3A_114] : memref<4x10000xf32, #tpu.memory_space<vmem>>[vector<16xi32>, vector<16xi32>], vector<16xf32>,
      %mul3A_125 = arith.mulf %gather3A, %get3A_122 : vector<16xf32>
      tpu.vector_store_idx %arg13[%broadcast_in_dim3A_124, %get3A_118], %mul3A_125 {add = true} : memref<4x10000xf32, #tpu.memory_space<vmem>>[vector<16xi32>, vector<16xi32>], vector<16xf32>,
      %broadcast_in_dim3A_126 = arith.constant 1 : i32
      %broadcast_in_dim3A_127 = vector.broadcast %broadcast_in_dim3A_126 : i32 to vector<16xi32>
      %gather3A_128 = tpu.vector_load_idx %arg12[%broadcast_in_dim3A_127, %get3A_114] : memref<4x10000xf32, #tpu.memory_space<vmem>>[vector<16xi32>, vector<16xi32>], vector<16xf32>,
      %mul3A_129 = arith.mulf %gather3A_128, %get3A_122 : vector<16xf32>
      tpu.vector_store_idx %arg13[%broadcast_in_dim3A_127, %get3A_118], %mul3A_129 {add = true} : memref<4x10000xf32, #tpu.memory_space<vmem>>[vector<16xi32>, vector<16xi32>], vector<16xf32>,
      %broadcast_in_dim3A_130 = arith.constant 2 : i32
      %broadcast_in_dim3A_131 = vector.broadcast %broadcast_in_dim3A_130 : i32 to vector<16xi32>
      %gather3A_132 = tpu.vector_load_idx %arg12[%broadcast_in_dim3A_131, %get3A_114] : memref<4x10000xf32, #tpu.memory_space<vmem>>[vector<16xi32>, vector<16xi32>], vector<16xf32>,
      %mul3A_133 = arith.mulf %gather3A_132, %get3A_122 : vector<16xf32>
      tpu.vector_store_idx %arg13[%broadcast_in_dim3A_131, %get3A_118], %mul3A_133 {add = true} : memref<4x10000xf32, #tpu.memory_space<vmem>>[vector<16xi32>, vector<16xi32>], vector<16xf32>,
      %broadcast_in_dim3A_134 = arith.constant 3 : i32
      %broadcast_in_dim3A_135 = vector.broadcast %broadcast_in_dim3A_134 : i32 to vector<16xi32>
      %gather3A_136 = tpu.vector_load_idx %arg12[%broadcast_in_dim3A_135, %get3A_114] : memref<4x10000xf32, #tpu.memory_space<vmem>>[vector<16xi32>, vector<16xi32>], vector<16xf32>,
      %mul3A_137 = arith.mulf %gather3A_136, %get3A_122 : vector<16xf32>
      tpu.vector_store_idx %arg13[%broadcast_in_dim3A_135, %get3A_118], %mul3A_137 {add = true} : memref<4x10000xf32, #tpu.memory_space<vmem>>[vector<16xi32>, vector<16xi32>], vector<16xf32>,
      %scan3A_138 = arith.constant 1 : i32
      %scan3A_139 = arith.addi %scan3A_111, %scan3A_138 : i32
      %mul3A_140 = arith.constant 16 : i32
      %mul3A_141 = arith.muli %scan3A_139, %mul3A_140 : i32
      %get3A_142 = arith.index_cast %mul3A_141 : i32 to index
      %get3A_143 = tpu.vector_load %arg9[%get3A_142] {strides = array<i32>} : memref<10240xi32, #tpu.memory_space<vmem>>, vector<16xi32>,
      %mul3A_144 = arith.constant 16 : i32
      %mul3A_145 = arith.muli %scan3A_139, %mul3A_144 : i32
      %get3A_146 = arith.index_cast %mul3A_145 : i32 to index
      %get3A_147 = tpu.vector_load %arg10[%get3A_146] {strides = array<i32>} : memref<10240xi32, #tpu.memory_space<vmem>>, vector<16xi32>,
      %mul3A_148 = arith.constant 16 : i32
      %mul3A_149 = arith.muli %scan3A_139, %mul3A_148 : i32
      %get3A_150 = arith.index_cast %mul3A_149 : i32 to index
      %get3A_151 = tpu.vector_load %arg11[%get3A_150] {strides = array<i32>} : memref<10240xf32, #tpu.memory_space<vmem>>, vector<16xf32>,
      %broadcast_in_dim3A_152 = arith.constant 0 : i32
      %broadcast_in_dim3A_153 = vector.broadcast %broadcast_in_dim3A_152 : i32 to vector<16xi32>
      %gather3A_154 = tpu.vector_load_idx %arg12[%broadcast_in_dim3A_153, %get3A_143] : memref<4x10000xf32, #tpu.memory_space<vmem>>[vector<16xi32>, vector<16xi32>], vector<16xf32>,
      %mul3A_155 = arith.mulf %gather3A_154, %get3A_151 : vector<16xf32>
      tpu.vector_store_idx %arg13[%broadcast_in_dim3A_153, %get3A_147], %mul3A_155 {add = true} : memref<4x10000xf32, #tpu.memory_space<vmem>>[vector<16xi32>, vector<16xi32>], vector<16xf32>,
      %broadcast_in_dim3A_156 = arith.constant 1 : i32
      %broadcast_in_dim3A_157 = vector.broadcast %broadcast_in_dim3A_156 : i32 to vector<16xi32>
      %gather3A_158 = tpu.vector_load_idx %arg12[%broadcast_in_dim3A_157, %get3A_143] : memref<4x10000xf32, #tpu.memory_space<vmem>>[vector<16xi32>, vector<16xi32>], vector<16xf32>,
      %mul3A_159 = arith.mulf %gather3A_158, %get3A_151 : vector<16xf32>
      tpu.vector_store_idx %arg13[%broadcast_in_dim3A_157, %get3A_147], %mul3A_159 {add = true} : memref<4x10000xf32, #tpu.memory_space<vmem>>[vector<16xi32>, vector<16xi32>], vector<16xf32>,
      %broadcast_in_dim3A_160 = arith.constant 2 : i32
      %broadcast_in_dim3A_161 = vector.broadcast %broadcast_in_dim3A_160 : i32 to vector<16xi32>
      %gather3A_162 = tpu.vector_load_idx %arg12[%broadcast_in_dim3A_161, %get3A_143] : memref<4x10000xf32, #tpu.memory_space<vmem>>[vector<16xi32>, vector<16xi32>], vector<16xf32>,
      %mul3A_163 = arith.mulf %gather3A_162, %get3A_151 : vector<16xf32>
      tpu.vector_store_idx %arg13[%broadcast_in_dim3A_161, %get3A_147], %mul3A_163 {add = true} : memref<4x10000xf32, #tpu.memory_space<vmem>>[vector<16xi32>, vector<16xi32>], vector<16xf32>,
      %broadcast_in_dim3A_164 = arith.constant 3 : i32
      %broadcast_in_dim3A_165 = vector.broadcast %broadcast_in_dim3A_164 : i32 to vector<16xi32>
      %gather3A_166 = tpu.vector_load_idx %arg12[%broadcast_in_dim3A_165, %get3A_143] : memref<4x10000xf32, #tpu.memory_space<vmem>>[vector<16xi32>, vector<16xi32>], vector<16xf32>,
      %mul3A_167 = arith.mulf %gather3A_166, %get3A_151 : vector<16xf32>
      tpu.vector_store_idx %arg13[%broadcast_in_dim3A_165, %get3A_147], %mul3A_167 {add = true} : memref<4x10000xf32, #tpu.memory_space<vmem>>[vector<16xi32>, vector<16xi32>], vector<16xf32>,
      %scan3A_168 = arith.constant 2 : i32
      %scan3A_169 = arith.addi %scan3A_111, %scan3A_168 : i32
      %mul3A_170 = arith.constant 16 : i32
      %mul3A_171 = arith.muli %scan3A_169, %mul3A_170 : i32
      %get3A_172 = arith.index_cast %mul3A_171 : i32 to index
      %get3A_173 = tpu.vector_load %arg9[%get3A_172] {strides = array<i32>} : memref<10240xi32, #tpu.memory_space<vmem>>, vector<16xi32>,
      %mul3A_174 = arith.constant 16 : i32
      %mul3A_175 = arith.muli %scan3A_169, %mul3A_174 : i32
      %get3A_176 = arith.index_cast %mul3A_175 : i32 to index
      %get3A_177 = tpu.vector_load %arg10[%get3A_176] {strides = array<i32>} : memref<10240xi32, #tpu.memory_space<vmem>>, vector<16xi32>,
      %mul3A_178 = arith.constant 16 : i32
      %mul3A_179 = arith.muli %scan3A_169, %mul3A_178 : i32
      %get3A_180 = arith.index_cast %mul3A_179 : i32 to index
      %get3A_181 = tpu.vector_load %arg11[%get3A_180] {strides = array<i32>} : memref<10240xf32, #tpu.memory_space<vmem>>, vector<16xf32>,
      %broadcast_in_dim3A_182 = arith.constant 0 : i32
      %broadcast_in_dim3A_183 = vector.broadcast %broadcast_in_dim3A_182 : i32 to vector<16xi32>
      %gather3A_184 = tpu.vector_load_idx %arg12[%broadcast_in_dim3A_183, %get3A_173] : memref<4x10000xf32, #tpu.memory_space<vmem>>[vector<16xi32>, vector<16xi32>], vector<16xf32>,
      %mul3A_185 = arith.mulf %gather3A_184, %get3A_181 : vector<16xf32>
      tpu.vector_store_idx %arg13[%broadcast_in_dim3A_183, %get3A_177], %mul3A_185 {add = true} : memref<4x10000xf32, #tpu.memory_space<vmem>>[vector<16xi32>, vector<16xi32>], vector<16xf32>,
      %broadcast_in_dim3A_186 = arith.constant 1 : i32
      %broadcast_in_dim3A_187 = vector.broadcast %broadcast_in_dim3A_186 : i32 to vector<16xi32>
      %gather3A_188 = tpu.vector_load_idx %arg12[%broadcast_in_dim3A_187, %get3A_173] : memref<4x10000xf32, #tpu.memory_space<vmem>>[vector<16xi32>, vector<16xi32>], vector<16xf32>,
      %mul3A_189 = arith.mulf %gather3A_188, %get3A_181 : vector<16xf32>
      tpu.vector_store_idx %arg13[%broadcast_in_dim3A_187, %get3A_177], %mul3A_189 {add = true} : memref<4x10000xf32, #tpu.memory_space<vmem>>[vector<16xi32>, vector<16xi32>], vector<16xf32>,
      %broadcast_in_dim3A_190 = arith.constant 2 : i32
      %broadcast_in_dim3A_191 = vector.broadcast %broadcast_in_dim3A_190 : i32 to vector<16xi32>
      %gather3A_192 = tpu.vector_load_idx %arg12[%broadcast_in_dim3A_191, %get3A_173] : memref<4x10000xf32, #tpu.memory_space<vmem>>[vector<16xi32>, vector<16xi32>], vector<16xf32>,
      %mul3A_193 = arith.mulf %gather3A_192, %get3A_181 : vector<16xf32>
      tpu.vector_store_idx %arg13[%broadcast_in_dim3A_191, %get3A_177], %mul3A_193 {add = true} : memref<4x10000xf32, #tpu.memory_space<vmem>>[vector<16xi32>, vector<16xi32>], vector<16xf32>,
      %broadcast_in_dim3A_194 = arith.constant 3 : i32
      %broadcast_in_dim3A_195 = vector.broadcast %broadcast_in_dim3A_194 : i32 to vector<16xi32>
      %gather3A_196 = tpu.vector_load_idx %arg12[%broadcast_in_dim3A_195, %get3A_173] : memref<4x10000xf32, #tpu.memory_space<vmem>>[vector<16xi32>, vector<16xi32>], vector<16xf32>,
      %mul3A_197 = arith.mulf %gather3A_196, %get3A_181 : vector<16xf32>
      tpu.vector_store_idx %arg13[%broadcast_in_dim3A_195, %get3A_177], %mul3A_197 {add = true} : memref<4x10000xf32, #tpu.memory_space<vmem>>[vector<16xi32>, vector<16xi32>], vector<16xf32>,
      %scan3A_198 = arith.constant 3 : i32
      %scan3A_199 = arith.addi %scan3A_111, %scan3A_198 : i32
      %mul3A_200 = arith.constant 16 : i32
      %mul3A_201 = arith.muli %scan3A_199, %mul3A_200 : i32
      %get3A_202 = arith.index_cast %mul3A_201 : i32 to index
      %get3A_203 = tpu.vector_load %arg9[%get3A_202] {strides = array<i32>} : memref<10240xi32, #tpu.memory_space<vmem>>, vector<16xi32>,
      %mul3A_204 = arith.constant 16 : i32
      %mul3A_205 = arith.muli %scan3A_199, %mul3A_204 : i32
      %get3A_206 = arith.index_cast %mul3A_205 : i32 to index
      %get3A_207 = tpu.vector_load %arg10[%get3A_206] {strides = array<i32>} : memref<10240xi32, #tpu.memory_space<vmem>>, vector<16xi32>,
      %mul3A_208 = arith.constant 16 : i32
      %mul3A_209 = arith.muli %scan3A_199, %mul3A_208 : i32
      %get3A_210 = arith.index_cast %mul3A_209 : i32 to index
      %get3A_211 = tpu.vector_load %arg11[%get3A_210] {strides = array<i32>} : memref<10240xf32, #tpu.memory_space<vmem>>, vector<16xf32>,
      %broadcast_in_dim3A_212 = arith.constant 0 : i32
      %broadcast_in_dim3A_213 = vector.broadcast %broadcast_in_dim3A_212 : i32 to vector<16xi32>
      %gather3A_214 = tpu.vector_load_idx %arg12[%broadcast_in_dim3A_213, %get3A_203] : memref<4x10000xf32, #tpu.memory_space<vmem>>[vector<16xi32>, vector<16xi32>], vector<16xf32>,
      %mul3A_215 = arith.mulf %gather3A_214, %get3A_211 : vector<16xf32>
      tpu.vector_store_idx %arg13[%broadcast_in_dim3A_213, %get3A_207], %mul3A_215 {add = true} : memref<4x10000xf32, #tpu.memory_space<vmem>>[vector<16xi32>, vector<16xi32>], vector<16xf32>,
      %broadcast_in_dim3A_216 = arith.constant 1 : i32
      %broadcast_in_dim3A_217 = vector.broadcast %broadcast_in_dim3A_216 : i32 to vector<16xi32>
      %gather3A_218 = tpu.vector_load_idx %arg12[%broadcast_in_dim3A_217, %get3A_203] : memref<4x10000xf32, #tpu.memory_space<vmem>>[vector<16xi32>, vector<16xi32>], vector<16xf32>,
      %mul3A_219 = arith.mulf %gather3A_218, %get3A_211 : vector<16xf32>
      tpu.vector_store_idx %arg13[%broadcast_in_dim3A_217, %get3A_207], %mul3A_219 {add = true} : memref<4x10000xf32, #tpu.memory_space<vmem>>[vector<16xi32>, vector<16xi32>], vector<16xf32>,
      %broadcast_in_dim3A_220 = arith.constant 2 : i32
      %broadcast_in_dim3A_221 = vector.broadcast %broadcast_in_dim3A_220 : i32 to vector<16xi32>
      %gather3A_222 = tpu.vector_load_idx %arg12[%broadcast_in_dim3A_221, %get3A_203] : memref<4x10000xf32, #tpu.memory_space<vmem>>[vector<16xi32>, vector<16xi32>], vector<16xf32>,
      %mul3A_223 = arith.mulf %gather3A_222, %get3A_211 : vector<16xf32>
      tpu.vector_store_idx %arg13[%broadcast_in_dim3A_221, %get3A_207], %mul3A_223 {add = true} : memref<4x10000xf32, #tpu.memory_space<vmem>>[vector<16xi32>, vector<16xi32>], vector<16xf32>,
      %broadcast_in_dim3A_224 = arith.constant 3 : i32
      %broadcast_in_dim3A_225 = vector.broadcast %broadcast_in_dim3A_224 : i32 to vector<16xi32>
      %gather3A_226 = tpu.vector_load_idx %arg12[%broadcast_in_dim3A_225, %get3A_203] : memref<4x10000xf32, #tpu.memory_space<vmem>>[vector<16xi32>, vector<16xi32>], vector<16xf32>,
      %mul3A_227 = arith.mulf %gather3A_226, %get3A_211 : vector<16xf32>
      tpu.vector_store_idx %arg13[%broadcast_in_dim3A_225, %get3A_207], %mul3A_227 {add = true} : memref<4x10000xf32, #tpu.memory_space<vmem>>[vector<16xi32>, vector<16xi32>], vector<16xf32>,
    }
    %scan3A_82 = arith.constant 640 : i32
    %run_scoped3A_83 = arith.constant 0 : i32
    %run_scoped3A_84 = arith.constant 8 : i32
    "tpu.region"() ({
      %run_scoped3A_111 = tpu.sem_alloc : memref<!tpu.dma_semaphore, #tpu.memory_space<semaphore_mem>>
      %dma_start3A = arith.constant 0 : i32
      %dma_start3A_112 = tpu.memref_slice %arg13[%run_scoped3A_83, %dma_start3A] : memref<4x10000xf32, #tpu.memory_space<vmem>> -> memref<1x10000xf32, #tpu.memory_space<vmem>>
      %dma_start3A_113 = tpu.memref_squeeze %dma_start3A_112 : memref<1x10000xf32, #tpu.memory_space<vmem>> -> memref<10000xf32, #tpu.memory_space<vmem>>
      %dma_start3A_114 = tpu.memref_slice %arg7[%run_scoped3A_84, %multiple_of3A_30] : memref<16x320000xf32, #tpu.memory_space<hbm>> -> memref<1x10000xf32, #tpu.memory_space<hbm>>
      %dma_start3A_115 = tpu.memref_squeeze %dma_start3A_114 : memref<1x10000xf32, #tpu.memory_space<hbm>> -> memref<10000xf32, #tpu.memory_space<hbm>>
      %dma_start3A_116 = tpu.memref_slice %arg7[%run_scoped3A_84, %multiple_of3A_30] : memref<16x320000xf32, #tpu.memory_space<hbm>> -> memref<1x10000xf32, #tpu.memory_space<hbm>>
      %dma_start3A_117 = tpu.memref_squeeze %dma_start3A_116 : memref<1x10000xf32, #tpu.memory_space<hbm>> -> memref<10000xf32, #tpu.memory_space<hbm>>
      %dma_start3A_118 = arith.constant 0 : i32
      %dma_start3A_119 = tpu.memref_slice %arg13[%run_scoped3A_83, %dma_start3A_118] : memref<4x10000xf32, #tpu.memory_space<vmem>> -> memref<1x10000xf32, #tpu.memory_space<vmem>>
      %dma_start3A_120 = tpu.memref_squeeze %dma_start3A_119 : memref<1x10000xf32, #tpu.memory_space<vmem>> -> memref<10000xf32, #tpu.memory_space<vmem>>
      tpu.enqueue_dma source(%dma_start3A_120 : memref<10000xf32, #tpu.memory_space<vmem>>) target(%dma_start3A_117 : memref<10000xf32, #tpu.memory_space<hbm>>) target_semaphore(%run_scoped3A_111 : memref<!tpu.dma_semaphore, #tpu.memory_space<semaphore_mem>>)
      %dma_wait3A = arith.constant 0 : i32
      %dma_wait3A_121 = tpu.memref_slice %arg13[%run_scoped3A_83, %dma_wait3A] : memref<4x10000xf32, #tpu.memory_space<vmem>> -> memref<1x10000xf32, #tpu.memory_space<vmem>>
      %dma_wait3A_122 = tpu.memref_squeeze %dma_wait3A_121 : memref<1x10000xf32, #tpu.memory_space<vmem>> -> memref<10000xf32, #tpu.memory_space<vmem>>
      %dma_wait3A_123 = tpu.memref_slice %arg7[%run_scoped3A_84, %multiple_of3A_30] : memref<16x320000xf32, #tpu.memory_space<hbm>> -> memref<1x10000xf32, #tpu.memory_space<hbm>>
      %dma_wait3A_124 = tpu.memref_squeeze %dma_wait3A_123 : memref<1x10000xf32, #tpu.memory_space<hbm>> -> memref<10000xf32, #tpu.memory_space<hbm>>
      %dma_wait3A_125 = tpu.memref_slice %arg7[%run_scoped3A_84, %multiple_of3A_30] : memref<16x320000xf32, #tpu.memory_space<hbm>> -> memref<1x10000xf32, #tpu.memory_space<hbm>>
      %dma_wait3A_126 = tpu.memref_squeeze %dma_wait3A_125 : memref<1x10000xf32, #tpu.memory_space<hbm>> -> memref<10000xf32, #tpu.memory_space<hbm>>
      %dma_wait3A_127 = arith.constant 0 : i32
      %dma_wait3A_128 = tpu.memref_slice %arg13[%run_scoped3A_83, %dma_wait3A_127] : memref<4x10000xf32, #tpu.memory_space<vmem>> -> memref<1x10000xf32, #tpu.memory_space<vmem>>
      %dma_wait3A_129 = tpu.memref_squeeze %dma_wait3A_128 : memref<1x10000xf32, #tpu.memory_space<vmem>> -> memref<10000xf32, #tpu.memory_space<vmem>>
      tpu.wait_dma2 semaphore(%run_scoped3A_111 : memref<!tpu.dma_semaphore, #tpu.memory_space<semaphore_mem>>) src(%dma_wait3A_129 : memref<10000xf32, #tpu.memory_space<vmem>>) dst(%dma_wait3A_126 : memref<10000xf32, #tpu.memory_space<hbm>>)
      tpu.yield
    }) : () -> ()
    %run_scoped3A_85 = arith.constant 1 : i32
    %run_scoped3A_86 = arith.constant 9 : i32
    "tpu.region"() ({
      %run_scoped3A_111 = tpu.sem_alloc : memref<!tpu.dma_semaphore, #tpu.memory_space<semaphore_mem>>
      %dma_start3A = arith.constant 0 : i32
      %dma_start3A_112 = tpu.memref_slice %arg13[%run_scoped3A_85, %dma_start3A] : memref<4x10000xf32, #tpu.memory_space<vmem>> -> memref<1x10000xf32, #tpu.memory_space<vmem>>
      %dma_start3A_113 = tpu.memref_squeeze %dma_start3A_112 : memref<1x10000xf32, #tpu.memory_space<vmem>> -> memref<10000xf32, #tpu.memory_space<vmem>>
      %dma_start3A_114 = tpu.memref_slice %arg7[%run_scoped3A_86, %multiple_of3A_30] : memref<16x320000xf32, #tpu.memory_space<hbm>> -> memref<1x10000xf32, #tpu.memory_space<hbm>>
      %dma_start3A_115 = tpu.memref_squeeze %dma_start3A_114 : memref<1x10000xf32, #tpu.memory_space<hbm>> -> memref<10000xf32, #tpu.memory_space<hbm>>
      %dma_start3A_116 = tpu.memref_slice %arg7[%run_scoped3A_86, %multiple_of3A_30] : memref<16x320000xf32, #tpu.memory_space<hbm>> -> memref<1x10000xf32, #tpu.memory_space<hbm>>
      %dma_start3A_117 = tpu.memref_squeeze %dma_start3A_116 : memref<1x10000xf32, #tpu.memory_space<hbm>> -> memref<10000xf32, #tpu.memory_space<hbm>>
      %dma_start3A_118 = arith.constant 0 : i32
      %dma_start3A_119 = tpu.memref_slice %arg13[%run_scoped3A_85, %dma_start3A_118] : memref<4x10000xf32, #tpu.memory_space<vmem>> -> memref<1x10000xf32, #tpu.memory_space<vmem>>
      %dma_start3A_120 = tpu.memref_squeeze %dma_start3A_119 : memref<1x10000xf32, #tpu.memory_space<vmem>> -> memref<10000xf32, #tpu.memory_space<vmem>>
      tpu.enqueue_dma source(%dma_start3A_120 : memref<10000xf32, #tpu.memory_space<vmem>>) target(%dma_start3A_117 : memref<10000xf32, #tpu.memory_space<hbm>>) target_semaphore(%run_scoped3A_111 : memref<!tpu.dma_semaphore, #tpu.memory_space<semaphore_mem>>)
      %dma_wait3A = arith.constant 0 : i32
      %dma_wait3A_121 = tpu.memref_slice %arg13[%run_scoped3A_85, %dma_wait3A] : memref<4x10000xf32, #tpu.memory_space<vmem>> -> memref<1x10000xf32, #tpu.memory_space<vmem>>
      %dma_wait3A_122 = tpu.memref_squeeze %dma_wait3A_121 : memref<1x10000xf32, #tpu.memory_space<vmem>> -> memref<10000xf32, #tpu.memory_space<vmem>>
      %dma_wait3A_123 = tpu.memref_slice %arg7[%run_scoped3A_86, %multiple_of3A_30] : memref<16x320000xf32, #tpu.memory_space<hbm>> -> memref<1x10000xf32, #tpu.memory_space<hbm>>
      %dma_wait3A_124 = tpu.memref_squeeze %dma_wait3A_123 : memref<1x10000xf32, #tpu.memory_space<hbm>> -> memref<10000xf32, #tpu.memory_space<hbm>>
      %dma_wait3A_125 = tpu.memref_slice %arg7[%run_scoped3A_86, %multiple_of3A_30] : memref<16x320000xf32, #tpu.memory_space<hbm>> -> memref<1x10000xf32, #tpu.memory_space<hbm>>
      %dma_wait3A_126 = tpu.memref_squeeze %dma_wait3A_125 : memref<1x10000xf32, #tpu.memory_space<hbm>> -> memref<10000xf32, #tpu.memory_space<hbm>>
      %dma_wait3A_127 = arith.constant 0 : i32
      %dma_wait3A_128 = tpu.memref_slice %arg13[%run_scoped3A_85, %dma_wait3A_127] : memref<4x10000xf32, #tpu.memory_space<vmem>> -> memref<1x10000xf32, #tpu.memory_space<vmem>>
      %dma_wait3A_129 = tpu.memref_squeeze %dma_wait3A_128 : memref<1x10000xf32, #tpu.memory_space<vmem>> -> memref<10000xf32, #tpu.memory_space<vmem>>
      tpu.wait_dma2 semaphore(%run_scoped3A_111 : memref<!tpu.dma_semaphore, #tpu.memory_space<semaphore_mem>>) src(%dma_wait3A_129 : memref<10000xf32, #tpu.memory_space<vmem>>) dst(%dma_wait3A_126 : memref<10000xf32, #tpu.memory_space<hbm>>)
      tpu.yield
    }) : () -> ()
    %run_scoped3A_87 = arith.constant 2 : i32
    %run_scoped3A_88 = arith.constant 10 : i32
    "tpu.region"() ({
      %run_scoped3A_111 = tpu.sem_alloc : memref<!tpu.dma_semaphore, #tpu.memory_space<semaphore_mem>>
      %dma_start3A = arith.constant 0 : i32
      %dma_start3A_112 = tpu.memref_slice %arg13[%run_scoped3A_87, %dma_start3A] : memref<4x10000xf32, #tpu.memory_space<vmem>> -> memref<1x10000xf32, #tpu.memory_space<vmem>>
      %dma_start3A_113 = tpu.memref_squeeze %dma_start3A_112 : memref<1x10000xf32, #tpu.memory_space<vmem>> -> memref<10000xf32, #tpu.memory_space<vmem>>
      %dma_start3A_114 = tpu.memref_slice %arg7[%run_scoped3A_88, %multiple_of3A_30] : memref<16x320000xf32, #tpu.memory_space<hbm>> -> memref<1x10000xf32, #tpu.memory_space<hbm>>
      %dma_start3A_115 = tpu.memref_squeeze %dma_start3A_114 : memref<1x10000xf32, #tpu.memory_space<hbm>> -> memref<10000xf32, #tpu.memory_space<hbm>>
      %dma_start3A_116 = tpu.memref_slice %arg7[%run_scoped3A_88, %multiple_of3A_30] : memref<16x320000xf32, #tpu.memory_space<hbm>> -> memref<1x10000xf32, #tpu.memory_space<hbm>>
      %dma_start3A_117 = tpu.memref_squeeze %dma_start3A_116 : memref<1x10000xf32, #tpu.memory_space<hbm>> -> memref<10000xf32, #tpu.memory_space<hbm>>
      %dma_start3A_118 = arith.constant 0 : i32
      %dma_start3A_119 = tpu.memref_slice %arg13[%run_scoped3A_87, %dma_start3A_118] : memref<4x10000xf32, #tpu.memory_space<vmem>> -> memref<1x10000xf32, #tpu.memory_space<vmem>>
      %dma_start3A_120 = tpu.memref_squeeze %dma_start3A_119 : memref<1x10000xf32, #tpu.memory_space<vmem>> -> memref<10000xf32, #tpu.memory_space<vmem>>
      tpu.enqueue_dma source(%dma_start3A_120 : memref<10000xf32, #tpu.memory_space<vmem>>) target(%dma_start3A_117 : memref<10000xf32, #tpu.memory_space<hbm>>) target_semaphore(%run_scoped3A_111 : memref<!tpu.dma_semaphore, #tpu.memory_space<semaphore_mem>>)
      %dma_wait3A = arith.constant 0 : i32
      %dma_wait3A_121 = tpu.memref_slice %arg13[%run_scoped3A_87, %dma_wait3A] : memref<4x10000xf32, #tpu.memory_space<vmem>> -> memref<1x10000xf32, #tpu.memory_space<vmem>>
      %dma_wait3A_122 = tpu.memref_squeeze %dma_wait3A_121 : memref<1x10000xf32, #tpu.memory_space<vmem>> -> memref<10000xf32, #tpu.memory_space<vmem>>
      %dma_wait3A_123 = tpu.memref_slice %arg7[%run_scoped3A_88, %multiple_of3A_30] : memref<16x320000xf32, #tpu.memory_space<hbm>> -> memref<1x10000xf32, #tpu.memory_space<hbm>>
      %dma_wait3A_124 = tpu.memref_squeeze %dma_wait3A_123 : memref<1x10000xf32, #tpu.memory_space<hbm>> -> memref<10000xf32, #tpu.memory_space<hbm>>
      %dma_wait3A_125 = tpu.memref_slice %arg7[%run_scoped3A_88, %multiple_of3A_30] : memref<16x320000xf32, #tpu.memory_space<hbm>> -> memref<1x10000xf32, #tpu.memory_space<hbm>>
      %dma_wait3A_126 = tpu.memref_squeeze %dma_wait3A_125 : memref<1x10000xf32, #tpu.memory_space<hbm>> -> memref<10000xf32, #tpu.memory_space<hbm>>
      %dma_wait3A_127 = arith.constant 0 : i32
      %dma_wait3A_128 = tpu.memref_slice %arg13[%run_scoped3A_87, %dma_wait3A_127] : memref<4x10000xf32, #tpu.memory_space<vmem>> -> memref<1x10000xf32, #tpu.memory_space<vmem>>
      %dma_wait3A_129 = tpu.memref_squeeze %dma_wait3A_128 : memref<1x10000xf32, #tpu.memory_space<vmem>> -> memref<10000xf32, #tpu.memory_space<vmem>>
      tpu.wait_dma2 semaphore(%run_scoped3A_111 : memref<!tpu.dma_semaphore, #tpu.memory_space<semaphore_mem>>) src(%dma_wait3A_129 : memref<10000xf32, #tpu.memory_space<vmem>>) dst(%dma_wait3A_126 : memref<10000xf32, #tpu.memory_space<hbm>>)
      tpu.yield
    }) : () -> ()
    %run_scoped3A_89 = arith.constant 3 : i32
    %run_scoped3A_90 = arith.constant 11 : i32
    "tpu.region"() ({
      %run_scoped3A_111 = tpu.sem_alloc : memref<!tpu.dma_semaphore, #tpu.memory_space<semaphore_mem>>
      %dma_start3A = arith.constant 0 : i32
      %dma_start3A_112 = tpu.memref_slice %arg13[%run_scoped3A_89, %dma_start3A] : memref<4x10000xf32, #tpu.memory_space<vmem>> -> memref<1x10000xf32, #tpu.memory_space<vmem>>
      %dma_start3A_113 = tpu.memref_squeeze %dma_start3A_112 : memref<1x10000xf32, #tpu.memory_space<vmem>> -> memref<10000xf32, #tpu.memory_space<vmem>>
      %dma_start3A_114 = tpu.memref_slice %arg7[%run_scoped3A_90, %multiple_of3A_30] : memref<16x320000xf32, #tpu.memory_space<hbm>> -> memref<1x10000xf32, #tpu.memory_space<hbm>>
      %dma_start3A_115 = tpu.memref_squeeze %dma_start3A_114 : memref<1x10000xf32, #tpu.memory_space<hbm>> -> memref<10000xf32, #tpu.memory_space<hbm>>
      %dma_start3A_116 = tpu.memref_slice %arg7[%run_scoped3A_90, %multiple_of3A_30] : memref<16x320000xf32, #tpu.memory_space<hbm>> -> memref<1x10000xf32, #tpu.memory_space<hbm>>
      %dma_start3A_117 = tpu.memref_squeeze %dma_start3A_116 : memref<1x10000xf32, #tpu.memory_space<hbm>> -> memref<10000xf32, #tpu.memory_space<hbm>>
      %dma_start3A_118 = arith.constant 0 : i32
      %dma_start3A_119 = tpu.memref_slice %arg13[%run_scoped3A_89, %dma_start3A_118] : memref<4x10000xf32, #tpu.memory_space<vmem>> -> memref<1x10000xf32, #tpu.memory_space<vmem>>
      %dma_start3A_120 = tpu.memref_squeeze %dma_start3A_119 : memref<1x10000xf32, #tpu.memory_space<vmem>> -> memref<10000xf32, #tpu.memory_space<vmem>>
      tpu.enqueue_dma source(%dma_start3A_120 : memref<10000xf32, #tpu.memory_space<vmem>>) target(%dma_start3A_117 : memref<10000xf32, #tpu.memory_space<hbm>>) target_semaphore(%run_scoped3A_111 : memref<!tpu.dma_semaphore, #tpu.memory_space<semaphore_mem>>)
      %dma_wait3A = arith.constant 0 : i32
      %dma_wait3A_121 = tpu.memref_slice %arg13[%run_scoped3A_89, %dma_wait3A] : memref<4x10000xf32, #tpu.memory_space<vmem>> -> memref<1x10000xf32, #tpu.memory_space<vmem>>
      %dma_wait3A_122 = tpu.memref_squeeze %dma_wait3A_121 : memref<1x10000xf32, #tpu.memory_space<vmem>> -> memref<10000xf32, #tpu.memory_space<vmem>>
      %dma_wait3A_123 = tpu.memref_slice %arg7[%run_scoped3A_90, %multiple_of3A_30] : memref<16x320000xf32, #tpu.memory_space<hbm>> -> memref<1x10000xf32, #tpu.memory_space<hbm>>
      %dma_wait3A_124 = tpu.memref_squeeze %dma_wait3A_123 : memref<1x10000xf32, #tpu.memory_space<hbm>> -> memref<10000xf32, #tpu.memory_space<hbm>>
      %dma_wait3A_125 = tpu.memref_slice %arg7[%run_scoped3A_90, %multiple_of3A_30] : memref<16x320000xf32, #tpu.memory_space<hbm>> -> memref<1x10000xf32, #tpu.memory_space<hbm>>
      %dma_wait3A_126 = tpu.memref_squeeze %dma_wait3A_125 : memref<1x10000xf32, #tpu.memory_space<hbm>> -> memref<10000xf32, #tpu.memory_space<hbm>>
      %dma_wait3A_127 = arith.constant 0 : i32
      %dma_wait3A_128 = tpu.memref_slice %arg13[%run_scoped3A_89, %dma_wait3A_127] : memref<4x10000xf32, #tpu.memory_space<vmem>> -> memref<1x10000xf32, #tpu.memory_space<vmem>>
      %dma_wait3A_129 = tpu.memref_squeeze %dma_wait3A_128 : memref<1x10000xf32, #tpu.memory_space<vmem>> -> memref<10000xf32, #tpu.memory_space<vmem>>
      tpu.wait_dma2 semaphore(%run_scoped3A_111 : memref<!tpu.dma_semaphore, #tpu.memory_space<semaphore_mem>>) src(%dma_wait3A_129 : memref<10000xf32, #tpu.memory_space<vmem>>) dst(%dma_wait3A_126 : memref<10000xf32, #tpu.memory_space<hbm>>)
      tpu.yield
    }) : () -> ()
    "tpu.region"() ({
      %run_scoped3A_111 = tpu.sem_alloc : memref<!tpu.dma_semaphore, #tpu.memory_space<semaphore_mem>>
      %dma_start3A = arith.constant 12 : i32
      %dma_start3A_112 = arith.constant 0 : i32
      %dma_start3A_113 = tpu.memref_slice %arg6[%dma_start3A, %dma_start3A_112] : memref<16x10000xf32, #tpu.memory_space<hbm>> -> memref<4x10000xf32, #tpu.memory_space<hbm>>
      %dma_start3A_114 = arith.constant 12 : i32
      %dma_start3A_115 = arith.constant 0 : i32
      %dma_start3A_116 = tpu.memref_slice %arg6[%dma_start3A_114, %dma_start3A_115] : memref<16x10000xf32, #tpu.memory_space<hbm>> -> memref<4x10000xf32, #tpu.memory_space<hbm>>
      tpu.enqueue_dma source(%dma_start3A_116 : memref<4x10000xf32, #tpu.memory_space<hbm>>) target(%arg12 : memref<4x10000xf32, #tpu.memory_space<vmem>>) target_semaphore(%run_scoped3A_111 : memref<!tpu.dma_semaphore, #tpu.memory_space<semaphore_mem>>)
      %dma_wait3A = arith.constant 12 : i32
      %dma_wait3A_117 = arith.constant 0 : i32
      %dma_wait3A_118 = tpu.memref_slice %arg6[%dma_wait3A, %dma_wait3A_117] : memref<16x10000xf32, #tpu.memory_space<hbm>> -> memref<4x10000xf32, #tpu.memory_space<hbm>>
      %dma_wait3A_119 = arith.constant 12 : i32
      %dma_wait3A_120 = arith.constant 0 : i32
      %dma_wait3A_121 = tpu.memref_slice %arg6[%dma_wait3A_119, %dma_wait3A_120] : memref<16x10000xf32, #tpu.memory_space<hbm>> -> memref<4x10000xf32, #tpu.memory_space<hbm>>
      tpu.wait_dma2 semaphore(%run_scoped3A_111 : memref<!tpu.dma_semaphore, #tpu.memory_space<semaphore_mem>>) src(%dma_wait3A_121 : memref<4x10000xf32, #tpu.memory_space<hbm>>) dst(%arg12 : memref<4x10000xf32, #tpu.memory_space<vmem>>)
      tpu.yield
    }) : () -> ()
    %scan3A_91 = arith.constant 0 : i32
    %scan3A_92 = arith.constant 0 : i32
    %scan3A_93 = arith.constant 2500 : i32
    %scan3A_94 = arith.addi %scan3A_92, %scan3A_93 : i32
    %scan3A_95 = arith.constant 1 : i32
    scf.for %scan3A_111 = %scan3A_92 to %scan3A_94 step %scan3A_95  : i32 {
      %jit3A = arith.constant 4 : i32
      %eq3A = arith.constant 0 : i32
      %eq3A_112 = arith.cmpi eq, %jit3A, %eq3A : i32
      %jit3A_113 = arith.constant 1 : i32
      %select_n3A = arith.select %eq3A_112, %jit3A_113, %jit3A : i32
      %rem3A = arith.remsi %scan3A_111, %select_n3A : i32
      %ne3A = arith.constant 0 : i32
      %ne3A_114 = arith.cmpi ne, %rem3A, %ne3A : i32
      %lt3A = arith.constant 0 : i32
      %lt3A_115 = arith.cmpi slt, %rem3A, %lt3A : i32
      %lt3A_116 = arith.constant 0 : i32
      %lt3A_117 = arith.cmpi slt, %select_n3A, %lt3A_116 : i32
      %ne3A_118 = arith.xori %lt3A_115, %lt3A_117 : i1
      %and3A = arith.andi %ne3A_118, %ne3A_114 : i1
      %add3A_119 = arith.addi %rem3A, %select_n3A : i32
      %select_n3A_120 = arith.select %and3A, %add3A_119, %rem3A : i32
      %jit3A_121 = arith.constant 4 : i32
      %div3A = arith.divsi %scan3A_111, %jit3A_121 : i32
      %sign3A = arith.constant 0 : i32
      %sign3A_122 = arith.cmpi sgt, %scan3A_111, %sign3A : i32
      %sign3A_123 = arith.extui %sign3A_122 : i1 to i32
      %sign3A_124 = arith.constant 0 : i32
      %sign3A_125 = arith.cmpi slt, %scan3A_111, %sign3A_124 : i32
      %sign3A_126 = arith.extui %sign3A_125 : i1 to i32
      %sign3A_127 = arith.subi %sign3A_123, %sign3A_126 : i32
      %sign3A_128 = arith.constant 0 : i32
      %sign3A_129 = arith.cmpi sgt, %jit3A_121, %sign3A_128 : i32
      %sign3A_130 = arith.extui %sign3A_129 : i1 to i32
      %sign3A_131 = arith.constant 0 : i32
      %sign3A_132 = arith.cmpi slt, %jit3A_121, %sign3A_131 : i32
      %sign3A_133 = arith.extui %sign3A_132 : i1 to i32
      %sign3A_134 = arith.subi %sign3A_130, %sign3A_133 : i32
      %ne3A_135 = arith.cmpi ne, %sign3A_127, %sign3A_134 : i32
      %rem3A_136 = arith.remsi %scan3A_111, %jit3A_121 : i32
      %ne3A_137 = arith.constant 0 : i32
      %ne3A_138 = arith.cmpi ne, %rem3A_136, %ne3A_137 : i32
      %and3A_139 = arith.andi %ne3A_135, %ne3A_138 : i1
      %sub3A = arith.constant 1 : i32
      %sub3A_140 = arith.subi %div3A, %sub3A : i32
      %select_n3A_141 = arith.select %and3A_139, %sub3A_140, %div3A : i32
      %mul3A_142 = arith.constant 16 : i32
      %mul3A_143 = arith.muli %select_n3A_141, %mul3A_142 : i32
      %swap3A = arith.index_cast %select_n3A_120 : i32 to index
      %swap3A_144 = arith.index_cast %mul3A_143 : i32 to index
      %swap3A_145 = tpu.vector_load %arg13[%swap3A, %swap3A_144] {strides = array<i32>} : memref<4x10000xf32, #tpu.memory_space<vmem>>, vector<16xf32>,
      tpu.vector_store %arg13[%swap3A, %swap3A_144], %broadcast_in_dim3A_4 {strides = array<i32>} : memref<4x10000xf32, #tpu.memory_space<vmem>>, vector<16xf32>,
    }
    %scan3A_96 = arith.constant 2500 : i32
    %scan3A_97 = arith.constant 0 : i32
    %scan3A_98 = arith.constant 0 : i32
    %scan3A_99 = arith.constant 640 : i32
    %scan3A_100 = arith.addi %scan3A_98, %scan3A_99 : i32
    %scan3A_101 = arith.constant 4 : i32
    scf.for %scan3A_111 = %scan3A_98 to %scan3A_100 step %scan3A_101  : i32 {
      %mul3A_112 = arith.constant 16 : i32
      %mul3A_113 = arith.muli %scan3A_111, %mul3A_112 : i32
      %get3A = arith.index_cast %mul3A_113 : i32 to index
      %get3A_114 = tpu.vector_load %arg9[%get3A] {strides = array<i32>} : memref<10240xi32, #tpu.memory_space<vmem>>, vector<16xi32>,
      %mul3A_115 = arith.constant 16 : i32
      %mul3A_116 = arith.muli %scan3A_111, %mul3A_115 : i32
      %get3A_117 = arith.index_cast %mul3A_116 : i32 to index
      %get3A_118 = tpu.vector_load %arg10[%get3A_117] {strides = array<i32>} : memref<10240xi32, #tpu.memory_space<vmem>>, vector<16xi32>,
      %mul3A_119 = arith.constant 16 : i32
      %mul3A_120 = arith.muli %scan3A_111, %mul3A_119 : i32
      %get3A_121 = arith.index_cast %mul3A_120 : i32 to index
      %get3A_122 = tpu.vector_load %arg11[%get3A_121] {strides = array<i32>} : memref<10240xf32, #tpu.memory_space<vmem>>, vector<16xf32>,
      %broadcast_in_dim3A_123 = arith.constant 0 : i32
      %broadcast_in_dim3A_124 = vector.broadcast %broadcast_in_dim3A_123 : i32 to vector<16xi32>
      %gather3A = tpu.vector_load_idx %arg12[%broadcast_in_dim3A_124, %get3A_114] : memref<4x10000xf32, #tpu.memory_space<vmem>>[vector<16xi32>, vector<16xi32>], vector<16xf32>,
      %mul3A_125 = arith.mulf %gather3A, %get3A_122 : vector<16xf32>
      tpu.vector_store_idx %arg13[%broadcast_in_dim3A_124, %get3A_118], %mul3A_125 {add = true} : memref<4x10000xf32, #tpu.memory_space<vmem>>[vector<16xi32>, vector<16xi32>], vector<16xf32>,
      %broadcast_in_dim3A_126 = arith.constant 1 : i32
      %broadcast_in_dim3A_127 = vector.broadcast %broadcast_in_dim3A_126 : i32 to vector<16xi32>
      %gather3A_128 = tpu.vector_load_idx %arg12[%broadcast_in_dim3A_127, %get3A_114] : memref<4x10000xf32, #tpu.memory_space<vmem>>[vector<16xi32>, vector<16xi32>], vector<16xf32>,
      %mul3A_129 = arith.mulf %gather3A_128, %get3A_122 : vector<16xf32>
      tpu.vector_store_idx %arg13[%broadcast_in_dim3A_127, %get3A_118], %mul3A_129 {add = true} : memref<4x10000xf32, #tpu.memory_space<vmem>>[vector<16xi32>, vector<16xi32>], vector<16xf32>,
      %broadcast_in_dim3A_130 = arith.constant 2 : i32
      %broadcast_in_dim3A_131 = vector.broadcast %broadcast_in_dim3A_130 : i32 to vector<16xi32>
      %gather3A_132 = tpu.vector_load_idx %arg12[%broadcast_in_dim3A_131, %get3A_114] : memref<4x10000xf32, #tpu.memory_space<vmem>>[vector<16xi32>, vector<16xi32>], vector<16xf32>,
      %mul3A_133 = arith.mulf %gather3A_132, %get3A_122 : vector<16xf32>
      tpu.vector_store_idx %arg13[%broadcast_in_dim3A_131, %get3A_118], %mul3A_133 {add = true} : memref<4x10000xf32, #tpu.memory_space<vmem>>[vector<16xi32>, vector<16xi32>], vector<16xf32>,
      %broadcast_in_dim3A_134 = arith.constant 3 : i32
      %broadcast_in_dim3A_135 = vector.broadcast %broadcast_in_dim3A_134 : i32 to vector<16xi32>
      %gather3A_136 = tpu.vector_load_idx %arg12[%broadcast_in_dim3A_135, %get3A_114] : memref<4x10000xf32, #tpu.memory_space<vmem>>[vector<16xi32>, vector<16xi32>], vector<16xf32>,
      %mul3A_137 = arith.mulf %gather3A_136, %get3A_122 : vector<16xf32>
      tpu.vector_store_idx %arg13[%broadcast_in_dim3A_135, %get3A_118], %mul3A_137 {add = true} : memref<4x10000xf32, #tpu.memory_space<vmem>>[vector<16xi32>, vector<16xi32>], vector<16xf32>,
      %scan3A_138 = arith.constant 1 : i32
      %scan3A_139 = arith.addi %scan3A_111, %scan3A_138 : i32
      %mul3A_140 = arith.constant 16 : i32
      %mul3A_141 = arith.muli %scan3A_139, %mul3A_140 : i32
      %get3A_142 = arith.index_cast %mul3A_141 : i32 to index
      %get3A_143 = tpu.vector_load %arg9[%get3A_142] {strides = array<i32>} : memref<10240xi32, #tpu.memory_space<vmem>>, vector<16xi32>,
      %mul3A_144 = arith.constant 16 : i32
      %mul3A_145 = arith.muli %scan3A_139, %mul3A_144 : i32
      %get3A_146 = arith.index_cast %mul3A_145 : i32 to index
      %get3A_147 = tpu.vector_load %arg10[%get3A_146] {strides = array<i32>} : memref<10240xi32, #tpu.memory_space<vmem>>, vector<16xi32>,
      %mul3A_148 = arith.constant 16 : i32
      %mul3A_149 = arith.muli %scan3A_139, %mul3A_148 : i32
      %get3A_150 = arith.index_cast %mul3A_149 : i32 to index
      %get3A_151 = tpu.vector_load %arg11[%get3A_150] {strides = array<i32>} : memref<10240xf32, #tpu.memory_space<vmem>>, vector<16xf32>,
      %broadcast_in_dim3A_152 = arith.constant 0 : i32
      %broadcast_in_dim3A_153 = vector.broadcast %broadcast_in_dim3A_152 : i32 to vector<16xi32>
      %gather3A_154 = tpu.vector_load_idx %arg12[%broadcast_in_dim3A_153, %get3A_143] : memref<4x10000xf32, #tpu.memory_space<vmem>>[vector<16xi32>, vector<16xi32>], vector<16xf32>,
      %mul3A_155 = arith.mulf %gather3A_154, %get3A_151 : vector<16xf32>
      tpu.vector_store_idx %arg13[%broadcast_in_dim3A_153, %get3A_147], %mul3A_155 {add = true} : memref<4x10000xf32, #tpu.memory_space<vmem>>[vector<16xi32>, vector<16xi32>], vector<16xf32>,
      %broadcast_in_dim3A_156 = arith.constant 1 : i32
      %broadcast_in_dim3A_157 = vector.broadcast %broadcast_in_dim3A_156 : i32 to vector<16xi32>
      %gather3A_158 = tpu.vector_load_idx %arg12[%broadcast_in_dim3A_157, %get3A_143] : memref<4x10000xf32, #tpu.memory_space<vmem>>[vector<16xi32>, vector<16xi32>], vector<16xf32>,
      %mul3A_159 = arith.mulf %gather3A_158, %get3A_151 : vector<16xf32>
      tpu.vector_store_idx %arg13[%broadcast_in_dim3A_157, %get3A_147], %mul3A_159 {add = true} : memref<4x10000xf32, #tpu.memory_space<vmem>>[vector<16xi32>, vector<16xi32>], vector<16xf32>,
      %broadcast_in_dim3A_160 = arith.constant 2 : i32
      %broadcast_in_dim3A_161 = vector.broadcast %broadcast_in_dim3A_160 : i32 to vector<16xi32>
      %gather3A_162 = tpu.vector_load_idx %arg12[%broadcast_in_dim3A_161, %get3A_143] : memref<4x10000xf32, #tpu.memory_space<vmem>>[vector<16xi32>, vector<16xi32>], vector<16xf32>,
      %mul3A_163 = arith.mulf %gather3A_162, %get3A_151 : vector<16xf32>
      tpu.vector_store_idx %arg13[%broadcast_in_dim3A_161, %get3A_147], %mul3A_163 {add = true} : memref<4x10000xf32, #tpu.memory_space<vmem>>[vector<16xi32>, vector<16xi32>], vector<16xf32>,
      %broadcast_in_dim3A_164 = arith.constant 3 : i32
      %broadcast_in_dim3A_165 = vector.broadcast %broadcast_in_dim3A_164 : i32 to vector<16xi32>
      %gather3A_166 = tpu.vector_load_idx %arg12[%broadcast_in_dim3A_165, %get3A_143] : memref<4x10000xf32, #tpu.memory_space<vmem>>[vector<16xi32>, vector<16xi32>], vector<16xf32>,
      %mul3A_167 = arith.mulf %gather3A_166, %get3A_151 : vector<16xf32>
      tpu.vector_store_idx %arg13[%broadcast_in_dim3A_165, %get3A_147], %mul3A_167 {add = true} : memref<4x10000xf32, #tpu.memory_space<vmem>>[vector<16xi32>, vector<16xi32>], vector<16xf32>,
      %scan3A_168 = arith.constant 2 : i32
      %scan3A_169 = arith.addi %scan3A_111, %scan3A_168 : i32
      %mul3A_170 = arith.constant 16 : i32
      %mul3A_171 = arith.muli %scan3A_169, %mul3A_170 : i32
      %get3A_172 = arith.index_cast %mul3A_171 : i32 to index
      %get3A_173 = tpu.vector_load %arg9[%get3A_172] {strides = array<i32>} : memref<10240xi32, #tpu.memory_space<vmem>>, vector<16xi32>,
      %mul3A_174 = arith.constant 16 : i32
      %mul3A_175 = arith.muli %scan3A_169, %mul3A_174 : i32
      %get3A_176 = arith.index_cast %mul3A_175 : i32 to index
      %get3A_177 = tpu.vector_load %arg10[%get3A_176] {strides = array<i32>} : memref<10240xi32, #tpu.memory_space<vmem>>, vector<16xi32>,
      %mul3A_178 = arith.constant 16 : i32
      %mul3A_179 = arith.muli %scan3A_169, %mul3A_178 : i32
      %get3A_180 = arith.index_cast %mul3A_179 : i32 to index
      %get3A_181 = tpu.vector_load %arg11[%get3A_180] {strides = array<i32>} : memref<10240xf32, #tpu.memory_space<vmem>>, vector<16xf32>,
      %broadcast_in_dim3A_182 = arith.constant 0 : i32
      %broadcast_in_dim3A_183 = vector.broadcast %broadcast_in_dim3A_182 : i32 to vector<16xi32>
      %gather3A_184 = tpu.vector_load_idx %arg12[%broadcast_in_dim3A_183, %get3A_173] : memref<4x10000xf32, #tpu.memory_space<vmem>>[vector<16xi32>, vector<16xi32>], vector<16xf32>,
      %mul3A_185 = arith.mulf %gather3A_184, %get3A_181 : vector<16xf32>
      tpu.vector_store_idx %arg13[%broadcast_in_dim3A_183, %get3A_177], %mul3A_185 {add = true} : memref<4x10000xf32, #tpu.memory_space<vmem>>[vector<16xi32>, vector<16xi32>], vector<16xf32>,
      %broadcast_in_dim3A_186 = arith.constant 1 : i32
      %broadcast_in_dim3A_187 = vector.broadcast %broadcast_in_dim3A_186 : i32 to vector<16xi32>
      %gather3A_188 = tpu.vector_load_idx %arg12[%broadcast_in_dim3A_187, %get3A_173] : memref<4x10000xf32, #tpu.memory_space<vmem>>[vector<16xi32>, vector<16xi32>], vector<16xf32>,
      %mul3A_189 = arith.mulf %gather3A_188, %get3A_181 : vector<16xf32>
      tpu.vector_store_idx %arg13[%broadcast_in_dim3A_187, %get3A_177], %mul3A_189 {add = true} : memref<4x10000xf32, #tpu.memory_space<vmem>>[vector<16xi32>, vector<16xi32>], vector<16xf32>,
      %broadcast_in_dim3A_190 = arith.constant 2 : i32
      %broadcast_in_dim3A_191 = vector.broadcast %broadcast_in_dim3A_190 : i32 to vector<16xi32>
      %gather3A_192 = tpu.vector_load_idx %arg12[%broadcast_in_dim3A_191, %get3A_173] : memref<4x10000xf32, #tpu.memory_space<vmem>>[vector<16xi32>, vector<16xi32>], vector<16xf32>,
      %mul3A_193 = arith.mulf %gather3A_192, %get3A_181 : vector<16xf32>
      tpu.vector_store_idx %arg13[%broadcast_in_dim3A_191, %get3A_177], %mul3A_193 {add = true} : memref<4x10000xf32, #tpu.memory_space<vmem>>[vector<16xi32>, vector<16xi32>], vector<16xf32>,
      %broadcast_in_dim3A_194 = arith.constant 3 : i32
      %broadcast_in_dim3A_195 = vector.broadcast %broadcast_in_dim3A_194 : i32 to vector<16xi32>
      %gather3A_196 = tpu.vector_load_idx %arg12[%broadcast_in_dim3A_195, %get3A_173] : memref<4x10000xf32, #tpu.memory_space<vmem>>[vector<16xi32>, vector<16xi32>], vector<16xf32>,
      %mul3A_197 = arith.mulf %gather3A_196, %get3A_181 : vector<16xf32>
      tpu.vector_store_idx %arg13[%broadcast_in_dim3A_195, %get3A_177], %mul3A_197 {add = true} : memref<4x10000xf32, #tpu.memory_space<vmem>>[vector<16xi32>, vector<16xi32>], vector<16xf32>,
      %scan3A_198 = arith.constant 3 : i32
      %scan3A_199 = arith.addi %scan3A_111, %scan3A_198 : i32
      %mul3A_200 = arith.constant 16 : i32
      %mul3A_201 = arith.muli %scan3A_199, %mul3A_200 : i32
      %get3A_202 = arith.index_cast %mul3A_201 : i32 to index
      %get3A_203 = tpu.vector_load %arg9[%get3A_202] {strides = array<i32>} : memref<10240xi32, #tpu.memory_space<vmem>>, vector<16xi32>,
      %mul3A_204 = arith.constant 16 : i32
      %mul3A_205 = arith.muli %scan3A_199, %mul3A_204 : i32
      %get3A_206 = arith.index_cast %mul3A_205 : i32 to index
      %get3A_207 = tpu.vector_load %arg10[%get3A_206] {strides = array<i32>} : memref<10240xi32, #tpu.memory_space<vmem>>, vector<16xi32>,
      %mul3A_208 = arith.constant 16 : i32
      %mul3A_209 = arith.muli %scan3A_199, %mul3A_208 : i32
      %get3A_210 = arith.index_cast %mul3A_209 : i32 to index
      %get3A_211 = tpu.vector_load %arg11[%get3A_210] {strides = array<i32>} : memref<10240xf32, #tpu.memory_space<vmem>>, vector<16xf32>,
      %broadcast_in_dim3A_212 = arith.constant 0 : i32
      %broadcast_in_dim3A_213 = vector.broadcast %broadcast_in_dim3A_212 : i32 to vector<16xi32>
      %gather3A_214 = tpu.vector_load_idx %arg12[%broadcast_in_dim3A_213, %get3A_203] : memref<4x10000xf32, #tpu.memory_space<vmem>>[vector<16xi32>, vector<16xi32>], vector<16xf32>,
      %mul3A_215 = arith.mulf %gather3A_214, %get3A_211 : vector<16xf32>
      tpu.vector_store_idx %arg13[%broadcast_in_dim3A_213, %get3A_207], %mul3A_215 {add = true} : memref<4x10000xf32, #tpu.memory_space<vmem>>[vector<16xi32>, vector<16xi32>], vector<16xf32>,
      %broadcast_in_dim3A_216 = arith.constant 1 : i32
      %broadcast_in_dim3A_217 = vector.broadcast %broadcast_in_dim3A_216 : i32 to vector<16xi32>
      %gather3A_218 = tpu.vector_load_idx %arg12[%broadcast_in_dim3A_217, %get3A_203] : memref<4x10000xf32, #tpu.memory_space<vmem>>[vector<16xi32>, vector<16xi32>], vector<16xf32>,
      %mul3A_219 = arith.mulf %gather3A_218, %get3A_211 : vector<16xf32>
      tpu.vector_store_idx %arg13[%broadcast_in_dim3A_217, %get3A_207], %mul3A_219 {add = true} : memref<4x10000xf32, #tpu.memory_space<vmem>>[vector<16xi32>, vector<16xi32>], vector<16xf32>,
      %broadcast_in_dim3A_220 = arith.constant 2 : i32
      %broadcast_in_dim3A_221 = vector.broadcast %broadcast_in_dim3A_220 : i32 to vector<16xi32>
      %gather3A_222 = tpu.vector_load_idx %arg12[%broadcast_in_dim3A_221, %get3A_203] : memref<4x10000xf32, #tpu.memory_space<vmem>>[vector<16xi32>, vector<16xi32>], vector<16xf32>,
      %mul3A_223 = arith.mulf %gather3A_222, %get3A_211 : vector<16xf32>
      tpu.vector_store_idx %arg13[%broadcast_in_dim3A_221, %get3A_207], %mul3A_223 {add = true} : memref<4x10000xf32, #tpu.memory_space<vmem>>[vector<16xi32>, vector<16xi32>], vector<16xf32>,
      %broadcast_in_dim3A_224 = arith.constant 3 : i32
      %broadcast_in_dim3A_225 = vector.broadcast %broadcast_in_dim3A_224 : i32 to vector<16xi32>
      %gather3A_226 = tpu.vector_load_idx %arg12[%broadcast_in_dim3A_225, %get3A_203] : memref<4x10000xf32, #tpu.memory_space<vmem>>[vector<16xi32>, vector<16xi32>], vector<16xf32>,
      %mul3A_227 = arith.mulf %gather3A_226, %get3A_211 : vector<16xf32>
      tpu.vector_store_idx %arg13[%broadcast_in_dim3A_225, %get3A_207], %mul3A_227 {add = true} : memref<4x10000xf32, #tpu.memory_space<vmem>>[vector<16xi32>, vector<16xi32>], vector<16xf32>,
    }
    %scan3A_102 = arith.constant 640 : i32
    %run_scoped3A_103 = arith.constant 0 : i32
    %run_scoped3A_104 = arith.constant 12 : i32
    "tpu.region"() ({
      %run_scoped3A_111 = tpu.sem_alloc : memref<!tpu.dma_semaphore, #tpu.memory_space<semaphore_mem>>
      %dma_start3A = arith.constant 0 : i32
      %dma_start3A_112 = tpu.memref_slice %arg13[%run_scoped3A_103, %dma_start3A] : memref<4x10000xf32, #tpu.memory_space<vmem>> -> memref<1x10000xf32, #tpu.memory_space<vmem>>
      %dma_start3A_113 = tpu.memref_squeeze %dma_start3A_112 : memref<1x10000xf32, #tpu.memory_space<vmem>> -> memref<10000xf32, #tpu.memory_space<vmem>>
      %dma_start3A_114 = tpu.memref_slice %arg7[%run_scoped3A_104, %multiple_of3A_30] : memref<16x320000xf32, #tpu.memory_space<hbm>> -> memref<1x10000xf32, #tpu.memory_space<hbm>>
      %dma_start3A_115 = tpu.memref_squeeze %dma_start3A_114 : memref<1x10000xf32, #tpu.memory_space<hbm>> -> memref<10000xf32, #tpu.memory_space<hbm>>
      %dma_start3A_116 = tpu.memref_slice %arg7[%run_scoped3A_104, %multiple_of3A_30] : memref<16x320000xf32, #tpu.memory_space<hbm>> -> memref<1x10000xf32, #tpu.memory_space<hbm>>
      %dma_start3A_117 = tpu.memref_squeeze %dma_start3A_116 : memref<1x10000xf32, #tpu.memory_space<hbm>> -> memref<10000xf32, #tpu.memory_space<hbm>>
      %dma_start3A_118 = arith.constant 0 : i32
      %dma_start3A_119 = tpu.memref_slice %arg13[%run_scoped3A_103, %dma_start3A_118] : memref<4x10000xf32, #tpu.memory_space<vmem>> -> memref<1x10000xf32, #tpu.memory_space<vmem>>
      %dma_start3A_120 = tpu.memref_squeeze %dma_start3A_119 : memref<1x10000xf32, #tpu.memory_space<vmem>> -> memref<10000xf32, #tpu.memory_space<vmem>>
      tpu.enqueue_dma source(%dma_start3A_120 : memref<10000xf32, #tpu.memory_space<vmem>>) target(%dma_start3A_117 : memref<10000xf32, #tpu.memory_space<hbm>>) target_semaphore(%run_scoped3A_111 : memref<!tpu.dma_semaphore, #tpu.memory_space<semaphore_mem>>)
      %dma_wait3A = arith.constant 0 : i32
      %dma_wait3A_121 = tpu.memref_slice %arg13[%run_scoped3A_103, %dma_wait3A] : memref<4x10000xf32, #tpu.memory_space<vmem>> -> memref<1x10000xf32, #tpu.memory_space<vmem>>
      %dma_wait3A_122 = tpu.memref_squeeze %dma_wait3A_121 : memref<1x10000xf32, #tpu.memory_space<vmem>> -> memref<10000xf32, #tpu.memory_space<vmem>>
      %dma_wait3A_123 = tpu.memref_slice %arg7[%run_scoped3A_104, %multiple_of3A_30] : memref<16x320000xf32, #tpu.memory_space<hbm>> -> memref<1x10000xf32, #tpu.memory_space<hbm>>
      %dma_wait3A_124 = tpu.memref_squeeze %dma_wait3A_123 : memref<1x10000xf32, #tpu.memory_space<hbm>> -> memref<10000xf32, #tpu.memory_space<hbm>>
      %dma_wait3A_125 = tpu.memref_slice %arg7[%run_scoped3A_104, %multiple_of3A_30] : memref<16x320000xf32, #tpu.memory_space<hbm>> -> memref<1x10000xf32, #tpu.memory_space<hbm>>
      %dma_wait3A_126 = tpu.memref_squeeze %dma_wait3A_125 : memref<1x10000xf32, #tpu.memory_space<hbm>> -> memref<10000xf32, #tpu.memory_space<hbm>>
      %dma_wait3A_127 = arith.constant 0 : i32
      %dma_wait3A_128 = tpu.memref_slice %arg13[%run_scoped3A_103, %dma_wait3A_127] : memref<4x10000xf32, #tpu.memory_space<vmem>> -> memref<1x10000xf32, #tpu.memory_space<vmem>>
      %dma_wait3A_129 = tpu.memref_squeeze %dma_wait3A_128 : memref<1x10000xf32, #tpu.memory_space<vmem>> -> memref<10000xf32, #tpu.memory_space<vmem>>
      tpu.wait_dma2 semaphore(%run_scoped3A_111 : memref<!tpu.dma_semaphore, #tpu.memory_space<semaphore_mem>>) src(%dma_wait3A_129 : memref<10000xf32, #tpu.memory_space<vmem>>) dst(%dma_wait3A_126 : memref<10000xf32, #tpu.memory_space<hbm>>)
      tpu.yield
    }) : () -> ()
    %run_scoped3A_105 = arith.constant 1 : i32
    %run_scoped3A_106 = arith.constant 13 : i32
    "tpu.region"() ({
      %run_scoped3A_111 = tpu.sem_alloc : memref<!tpu.dma_semaphore, #tpu.memory_space<semaphore_mem>>
      %dma_start3A = arith.constant 0 : i32
      %dma_start3A_112 = tpu.memref_slice %arg13[%run_scoped3A_105, %dma_start3A] : memref<4x10000xf32, #tpu.memory_space<vmem>> -> memref<1x10000xf32, #tpu.memory_space<vmem>>
      %dma_start3A_113 = tpu.memref_squeeze %dma_start3A_112 : memref<1x10000xf32, #tpu.memory_space<vmem>> -> memref<10000xf32, #tpu.memory_space<vmem>>
      %dma_start3A_114 = tpu.memref_slice %arg7[%run_scoped3A_106, %multiple_of3A_30] : memref<16x320000xf32, #tpu.memory_space<hbm>> -> memref<1x10000xf32, #tpu.memory_space<hbm>>
      %dma_start3A_115 = tpu.memref_squeeze %dma_start3A_114 : memref<1x10000xf32, #tpu.memory_space<hbm>> -> memref<10000xf32, #tpu.memory_space<hbm>>
      %dma_start3A_116 = tpu.memref_slice %arg7[%run_scoped3A_106, %multiple_of3A_30] : memref<16x320000xf32, #tpu.memory_space<hbm>> -> memref<1x10000xf32, #tpu.memory_space<hbm>>
      %dma_start3A_117 = tpu.memref_squeeze %dma_start3A_116 : memref<1x10000xf32, #tpu.memory_space<hbm>> -> memref<10000xf32, #tpu.memory_space<hbm>>
      %dma_start3A_118 = arith.constant 0 : i32
      %dma_start3A_119 = tpu.memref_slice %arg13[%run_scoped3A_105, %dma_start3A_118] : memref<4x10000xf32, #tpu.memory_space<vmem>> -> memref<1x10000xf32, #tpu.memory_space<vmem>>
      %dma_start3A_120 = tpu.memref_squeeze %dma_start3A_119 : memref<1x10000xf32, #tpu.memory_space<vmem>> -> memref<10000xf32, #tpu.memory_space<vmem>>
      tpu.enqueue_dma source(%dma_start3A_120 : memref<10000xf32, #tpu.memory_space<vmem>>) target(%dma_start3A_117 : memref<10000xf32, #tpu.memory_space<hbm>>) target_semaphore(%run_scoped3A_111 : memref<!tpu.dma_semaphore, #tpu.memory_space<semaphore_mem>>)
      %dma_wait3A = arith.constant 0 : i32
      %dma_wait3A_121 = tpu.memref_slice %arg13[%run_scoped3A_105, %dma_wait3A] : memref<4x10000xf32, #tpu.memory_space<vmem>> -> memref<1x10000xf32, #tpu.memory_space<vmem>>
      %dma_wait3A_122 = tpu.memref_squeeze %dma_wait3A_121 : memref<1x10000xf32, #tpu.memory_space<vmem>> -> memref<10000xf32, #tpu.memory_space<vmem>>
      %dma_wait3A_123 = tpu.memref_slice %arg7[%run_scoped3A_106, %multiple_of3A_30] : memref<16x320000xf32, #tpu.memory_space<hbm>> -> memref<1x10000xf32, #tpu.memory_space<hbm>>
      %dma_wait3A_124 = tpu.memref_squeeze %dma_wait3A_123 : memref<1x10000xf32, #tpu.memory_space<hbm>> -> memref<10000xf32, #tpu.memory_space<hbm>>
      %dma_wait3A_125 = tpu.memref_slice %arg7[%run_scoped3A_106, %multiple_of3A_30] : memref<16x320000xf32, #tpu.memory_space<hbm>> -> memref<1x10000xf32, #tpu.memory_space<hbm>>
      %dma_wait3A_126 = tpu.memref_squeeze %dma_wait3A_125 : memref<1x10000xf32, #tpu.memory_space<hbm>> -> memref<10000xf32, #tpu.memory_space<hbm>>
      %dma_wait3A_127 = arith.constant 0 : i32
      %dma_wait3A_128 = tpu.memref_slice %arg13[%run_scoped3A_105, %dma_wait3A_127] : memref<4x10000xf32, #tpu.memory_space<vmem>> -> memref<1x10000xf32, #tpu.memory_space<vmem>>
      %dma_wait3A_129 = tpu.memref_squeeze %dma_wait3A_128 : memref<1x10000xf32, #tpu.memory_space<vmem>> -> memref<10000xf32, #tpu.memory_space<vmem>>
      tpu.wait_dma2 semaphore(%run_scoped3A_111 : memref<!tpu.dma_semaphore, #tpu.memory_space<semaphore_mem>>) src(%dma_wait3A_129 : memref<10000xf32, #tpu.memory_space<vmem>>) dst(%dma_wait3A_126 : memref<10000xf32, #tpu.memory_space<hbm>>)
      tpu.yield
    }) : () -> ()
    %run_scoped3A_107 = arith.constant 2 : i32
    %run_scoped3A_108 = arith.constant 14 : i32
    "tpu.region"() ({
      %run_scoped3A_111 = tpu.sem_alloc : memref<!tpu.dma_semaphore, #tpu.memory_space<semaphore_mem>>
      %dma_start3A = arith.constant 0 : i32
      %dma_start3A_112 = tpu.memref_slice %arg13[%run_scoped3A_107, %dma_start3A] : memref<4x10000xf32, #tpu.memory_space<vmem>> -> memref<1x10000xf32, #tpu.memory_space<vmem>>
      %dma_start3A_113 = tpu.memref_squeeze %dma_start3A_112 : memref<1x10000xf32, #tpu.memory_space<vmem>> -> memref<10000xf32, #tpu.memory_space<vmem>>
      %dma_start3A_114 = tpu.memref_slice %arg7[%run_scoped3A_108, %multiple_of3A_30] : memref<16x320000xf32, #tpu.memory_space<hbm>> -> memref<1x10000xf32, #tpu.memory_space<hbm>>
      %dma_start3A_115 = tpu.memref_squeeze %dma_start3A_114 : memref<1x10000xf32, #tpu.memory_space<hbm>> -> memref<10000xf32, #tpu.memory_space<hbm>>
      %dma_start3A_116 = tpu.memref_slice %arg7[%run_scoped3A_108, %multiple_of3A_30] : memref<16x320000xf32, #tpu.memory_space<hbm>> -> memref<1x10000xf32, #tpu.memory_space<hbm>>
      %dma_start3A_117 = tpu.memref_squeeze %dma_start3A_116 : memref<1x10000xf32, #tpu.memory_space<hbm>> -> memref<10000xf32, #tpu.memory_space<hbm>>
      %dma_start3A_118 = arith.constant 0 : i32
      %dma_start3A_119 = tpu.memref_slice %arg13[%run_scoped3A_107, %dma_start3A_118] : memref<4x10000xf32, #tpu.memory_space<vmem>> -> memref<1x10000xf32, #tpu.memory_space<vmem>>
      %dma_start3A_120 = tpu.memref_squeeze %dma_start3A_119 : memref<1x10000xf32, #tpu.memory_space<vmem>> -> memref<10000xf32, #tpu.memory_space<vmem>>
      tpu.enqueue_dma source(%dma_start3A_120 : memref<10000xf32, #tpu.memory_space<vmem>>) target(%dma_start3A_117 : memref<10000xf32, #tpu.memory_space<hbm>>) target_semaphore(%run_scoped3A_111 : memref<!tpu.dma_semaphore, #tpu.memory_space<semaphore_mem>>)
      %dma_wait3A = arith.constant 0 : i32
      %dma_wait3A_121 = tpu.memref_slice %arg13[%run_scoped3A_107, %dma_wait3A] : memref<4x10000xf32, #tpu.memory_space<vmem>> -> memref<1x10000xf32, #tpu.memory_space<vmem>>
      %dma_wait3A_122 = tpu.memref_squeeze %dma_wait3A_121 : memref<1x10000xf32, #tpu.memory_space<vmem>> -> memref<10000xf32, #tpu.memory_space<vmem>>
      %dma_wait3A_123 = tpu.memref_slice %arg7[%run_scoped3A_108, %multiple_of3A_30] : memref<16x320000xf32, #tpu.memory_space<hbm>> -> memref<1x10000xf32, #tpu.memory_space<hbm>>
      %dma_wait3A_124 = tpu.memref_squeeze %dma_wait3A_123 : memref<1x10000xf32, #tpu.memory_space<hbm>> -> memref<10000xf32, #tpu.memory_space<hbm>>
      %dma_wait3A_125 = tpu.memref_slice %arg7[%run_scoped3A_108, %multiple_of3A_30] : memref<16x320000xf32, #tpu.memory_space<hbm>> -> memref<1x10000xf32, #tpu.memory_space<hbm>>
      %dma_wait3A_126 = tpu.memref_squeeze %dma_wait3A_125 : memref<1x10000xf32, #tpu.memory_space<hbm>> -> memref<10000xf32, #tpu.memory_space<hbm>>
      %dma_wait3A_127 = arith.constant 0 : i32
      %dma_wait3A_128 = tpu.memref_slice %arg13[%run_scoped3A_107, %dma_wait3A_127] : memref<4x10000xf32, #tpu.memory_space<vmem>> -> memref<1x10000xf32, #tpu.memory_space<vmem>>
      %dma_wait3A_129 = tpu.memref_squeeze %dma_wait3A_128 : memref<1x10000xf32, #tpu.memory_space<vmem>> -> memref<10000xf32, #tpu.memory_space<vmem>>
      tpu.wait_dma2 semaphore(%run_scoped3A_111 : memref<!tpu.dma_semaphore, #tpu.memory_space<semaphore_mem>>) src(%dma_wait3A_129 : memref<10000xf32, #tpu.memory_space<vmem>>) dst(%dma_wait3A_126 : memref<10000xf32, #tpu.memory_space<hbm>>)
      tpu.yield
    }) : () -> ()
    %run_scoped3A_109 = arith.constant 3 : i32
    %run_scoped3A_110 = arith.constant 15 : i32
    "tpu.region"() ({
      %run_scoped3A_111 = tpu.sem_alloc : memref<!tpu.dma_semaphore, #tpu.memory_space<semaphore_mem>>
      %dma_start3A = arith.constant 0 : i32
      %dma_start3A_112 = tpu.memref_slice %arg13[%run_scoped3A_109, %dma_start3A] : memref<4x10000xf32, #tpu.memory_space<vmem>> -> memref<1x10000xf32, #tpu.memory_space<vmem>>
      %dma_start3A_113 = tpu.memref_squeeze %dma_start3A_112 : memref<1x10000xf32, #tpu.memory_space<vmem>> -> memref<10000xf32, #tpu.memory_space<vmem>>
      %dma_start3A_114 = tpu.memref_slice %arg7[%run_scoped3A_110, %multiple_of3A_30] : memref<16x320000xf32, #tpu.memory_space<hbm>> -> memref<1x10000xf32, #tpu.memory_space<hbm>>
      %dma_start3A_115 = tpu.memref_squeeze %dma_start3A_114 : memref<1x10000xf32, #tpu.memory_space<hbm>> -> memref<10000xf32, #tpu.memory_space<hbm>>
      %dma_start3A_116 = tpu.memref_slice %arg7[%run_scoped3A_110, %multiple_of3A_30] : memref<16x320000xf32, #tpu.memory_space<hbm>> -> memref<1x10000xf32, #tpu.memory_space<hbm>>
      %dma_start3A_117 = tpu.memref_squeeze %dma_start3A_116 : memref<1x10000xf32, #tpu.memory_space<hbm>> -> memref<10000xf32, #tpu.memory_space<hbm>>
      %dma_start3A_118 = arith.constant 0 : i32
      %dma_start3A_119 = tpu.memref_slice %arg13[%run_scoped3A_109, %dma_start3A_118] : memref<4x10000xf32, #tpu.memory_space<vmem>> -> memref<1x10000xf32, #tpu.memory_space<vmem>>
      %dma_start3A_120 = tpu.memref_squeeze %dma_start3A_119 : memref<1x10000xf32, #tpu.memory_space<vmem>> -> memref<10000xf32, #tpu.memory_space<vmem>>
      tpu.enqueue_dma source(%dma_start3A_120 : memref<10000xf32, #tpu.memory_space<vmem>>) target(%dma_start3A_117 : memref<10000xf32, #tpu.memory_space<hbm>>) target_semaphore(%run_scoped3A_111 : memref<!tpu.dma_semaphore, #tpu.memory_space<semaphore_mem>>)
      %dma_wait3A = arith.constant 0 : i32
      %dma_wait3A_121 = tpu.memref_slice %arg13[%run_scoped3A_109, %dma_wait3A] : memref<4x10000xf32, #tpu.memory_space<vmem>> -> memref<1x10000xf32, #tpu.memory_space<vmem>>
      %dma_wait3A_122 = tpu.memref_squeeze %dma_wait3A_121 : memref<1x10000xf32, #tpu.memory_space<vmem>> -> memref<10000xf32, #tpu.memory_space<vmem>>
      %dma_wait3A_123 = tpu.memref_slice %arg7[%run_scoped3A_110, %multiple_of3A_30] : memref<16x320000xf32, #tpu.memory_space<hbm>> -> memref<1x10000xf32, #tpu.memory_space<hbm>>
      %dma_wait3A_124 = tpu.memref_squeeze %dma_wait3A_123 : memref<1x10000xf32, #tpu.memory_space<hbm>> -> memref<10000xf32, #tpu.memory_space<hbm>>
      %dma_wait3A_125 = tpu.memref_slice %arg7[%run_scoped3A_110, %multiple_of3A_30] : memref<16x320000xf32, #tpu.memory_space<hbm>> -> memref<1x10000xf32, #tpu.memory_space<hbm>>
      %dma_wait3A_126 = tpu.memref_squeeze %dma_wait3A_125 : memref<1x10000xf32, #tpu.memory_space<hbm>> -> memref<10000xf32, #tpu.memory_space<hbm>>
      %dma_wait3A_127 = arith.constant 0 : i32
      %dma_wait3A_128 = tpu.memref_slice %arg13[%run_scoped3A_109, %dma_wait3A_127] : memref<4x10000xf32, #tpu.memory_space<vmem>> -> memref<1x10000xf32, #tpu.memory_space<vmem>>
      %dma_wait3A_129 = tpu.memref_squeeze %dma_wait3A_128 : memref<1x10000xf32, #tpu.memory_space<vmem>> -> memref<10000xf32, #tpu.memory_space<vmem>>
      tpu.wait_dma2 semaphore(%run_scoped3A_111 : memref<!tpu.dma_semaphore, #tpu.memory_space<semaphore_mem>>) src(%dma_wait3A_129 : memref<10000xf32, #tpu.memory_space<vmem>>) dst(%dma_wait3A_126 : memref<10000xf32, #tpu.memory_space<hbm>>)
      tpu.yield
    }) : () -> ()
    return
  }
}

#map = affine_map<(d0, d1) -> (0)>
#map1 = affine_map<(d0, d1) -> (0, 0)>
module attributes {stable_mosaic.version = 14 : i64} {
  func.func @_edge_body(%arg0: i32, %arg1: i32, %arg2: memref<327680xi32, #tpu.memory_space<hbm>>, %arg3: memref<327680xi32, #tpu.memory_space<hbm>>, %arg4: memref<10000xf32, #tpu.memory_space<hbm>>, %arg5: memref<10000xf32, #tpu.memory_space<hbm>>, %arg6: memref<16x10000xf32, #tpu.memory_space<hbm>>, %arg7: memref<16x320000xf32, #tpu.memory_space<hbm>>, %arg8: memref<320000xf32, #tpu.memory_space<hbm>>, %arg9: memref<10240xi32, #tpu.memory_space<vmem>>, %arg10: memref<10240xi32, #tpu.memory_space<vmem>>, %arg11: memref<10240xf32, #tpu.memory_space<vmem>>, %arg12: memref<4x10000xf32, #tpu.memory_space<vmem>>, %arg13: memref<4x10000xf32, #tpu.memory_space<vmem>>) attributes {dimension_semantics = [#tpu.dimension_semantics<core_parallel>, #tpu.dimension_semantics<subcore_parallel>], iteration_bounds = array<i64: 2, 16>, scalar_prefetch = 0 : i64, scratch_operands = 5 : i64, tpu.core_type = #tpu.core_type<sc_vector_subcore>, window_params = [{transform_indices = #map}, {transform_indices = #map}, {transform_indices = #map}, {transform_indices = #map}, {transform_indices = #map1}, {transform_indices = #map1}, {transform_indices = #map}]} {
    %mul3A = arith.constant 2 : i32
    %mul3A_0 = arith.muli %arg1, %mul3A : i32
    %add3A = arith.addi %mul3A_0, %arg0 : i32
    %mul3A_1 = arith.constant 10240 : i32
    %mul3A_2 = arith.muli %add3A, %mul3A_1 : i32
    %multiple_of3A = tpu.assume_multiple %mul3A_2, 8 : i32
    "tpu.region"() ({
      %run_scoped3A_111 = tpu.sem_alloc : memref<!tpu.dma_semaphore, #tpu.memory_space<semaphore_mem>>
      %dma_start3A = tpu.memref_slice %arg2[%multiple_of3A] : memref<327680xi32, #tpu.memory_space<hbm>> -> memref<10240xi32, #tpu.memory_space<hbm>>
      %dma_start3A_112 = tpu.memref_slice %arg2[%multiple_of3A] : memref<327680xi32, #tpu.memory_space<hbm>> -> memref<10240xi32, #tpu.memory_space<hbm>>
      tpu.enqueue_dma source(%dma_start3A_112 : memref<10240xi32, #tpu.memory_space<hbm>>) target(%arg9 : memref<10240xi32, #tpu.memory_space<vmem>>) target_semaphore(%run_scoped3A_111 : memref<!tpu.dma_semaphore, #tpu.memory_space<semaphore_mem>>)
      %dma_wait3A = tpu.memref_slice %arg2[%multiple_of3A] : memref<327680xi32, #tpu.memory_space<hbm>> -> memref<10240xi32, #tpu.memory_space<hbm>>
      %dma_wait3A_113 = tpu.memref_slice %arg2[%multiple_of3A] : memref<327680xi32, #tpu.memory_space<hbm>> -> memref<10240xi32, #tpu.memory_space<hbm>>
      tpu.wait_dma2 semaphore(%run_scoped3A_111 : memref<!tpu.dma_semaphore, #tpu.memory_space<semaphore_mem>>) src(%dma_wait3A_113 : memref<10240xi32, #tpu.memory_space<hbm>>) dst(%arg9 : memref<10240xi32, #tpu.memory_space<vmem>>)
      tpu.yield
    }) : () -> ()
    "tpu.region"() ({
      %run_scoped3A_111 = tpu.sem_alloc : memref<!tpu.dma_semaphore, #tpu.memory_space<semaphore_mem>>
      %dma_start3A = tpu.memref_slice %arg3[%multiple_of3A] : memref<327680xi32, #tpu.memory_space<hbm>> -> memref<10240xi32, #tpu.memory_space<hbm>>
      %dma_start3A_112 = tpu.memref_slice %arg3[%multiple_of3A] : memref<327680xi32, #tpu.memory_space<hbm>> -> memref<10240xi32, #tpu.memory_space<hbm>>
      tpu.enqueue_dma source(%dma_start3A_112 : memref<10240xi32, #tpu.memory_space<hbm>>) target(%arg10 : memref<10240xi32, #tpu.memory_space<vmem>>) target_semaphore(%run_scoped3A_111 : memref<!tpu.dma_semaphore, #tpu.memory_space<semaphore_mem>>)
      %dma_wait3A = tpu.memref_slice %arg3[%multiple_of3A] : memref<327680xi32, #tpu.memory_space<hbm>> -> memref<10240xi32, #tpu.memory_space<hbm>>
      %dma_wait3A_113 = tpu.memref_slice %arg3[%multiple_of3A] : memref<327680xi32, #tpu.memory_space<hbm>> -> memref<10240xi32, #tpu.memory_space<hbm>>
      tpu.wait_dma2 semaphore(%run_scoped3A_111 : memref<!tpu.dma_semaphore, #tpu.memory_space<semaphore_mem>>) src(%dma_wait3A_113 : memref<10240xi32, #tpu.memory_space<hbm>>) dst(%arg10 : memref<10240xi32, #tpu.memory_space<vmem>>)
      tpu.yield
    }) : () -> ()
    %run_scoped3A = arith.constant 0 : i32
    "tpu.region"() ({
      %run_scoped3A_111 = tpu.sem_alloc : memref<!tpu.dma_semaphore, #tpu.memory_space<semaphore_mem>>
      %dma_start3A = arith.constant 0 : i32
      %dma_start3A_112 = tpu.memref_slice %arg12[%run_scoped3A, %dma_start3A] : memref<4x10000xf32, #tpu.memory_space<vmem>> -> memref<1x10000xf32, #tpu.memory_space<vmem>>
      %dma_start3A_113 = tpu.memref_squeeze %dma_start3A_112 : memref<1x10000xf32, #tpu.memory_space<vmem>> -> memref<10000xf32, #tpu.memory_space<vmem>>
      %dma_start3A_114 = arith.constant 0 : i32
      %dma_start3A_115 = tpu.memref_slice %arg12[%run_scoped3A, %dma_start3A_114] : memref<4x10000xf32, #tpu.memory_space<vmem>> -> memref<1x10000xf32, #tpu.memory_space<vmem>>
      %dma_start3A_116 = tpu.memref_squeeze %dma_start3A_115 : memref<1x10000xf32, #tpu.memory_space<vmem>> -> memref<10000xf32, #tpu.memory_space<vmem>>
      tpu.enqueue_dma source(%arg4 : memref<10000xf32, #tpu.memory_space<hbm>>) target(%dma_start3A_116 : memref<10000xf32, #tpu.memory_space<vmem>>) target_semaphore(%run_scoped3A_111 : memref<!tpu.dma_semaphore, #tpu.memory_space<semaphore_mem>>)
      %dma_wait3A = arith.constant 0 : i32
      %dma_wait3A_117 = tpu.memref_slice %arg12[%run_scoped3A, %dma_wait3A] : memref<4x10000xf32, #tpu.memory_space<vmem>> -> memref<1x10000xf32, #tpu.memory_space<vmem>>
      %dma_wait3A_118 = tpu.memref_squeeze %dma_wait3A_117 : memref<1x10000xf32, #tpu.memory_space<vmem>> -> memref<10000xf32, #tpu.memory_space<vmem>>
      %dma_wait3A_119 = arith.constant 0 : i32
      %dma_wait3A_120 = tpu.memref_slice %arg12[%run_scoped3A, %dma_wait3A_119] : memref<4x10000xf32, #tpu.memory_space<vmem>> -> memref<1x10000xf32, #tpu.memory_space<vmem>>
      %dma_wait3A_121 = tpu.memref_squeeze %dma_wait3A_120 : memref<1x10000xf32, #tpu.memory_space<vmem>> -> memref<10000xf32, #tpu.memory_space<vmem>>
      tpu.wait_dma2 semaphore(%run_scoped3A_111 : memref<!tpu.dma_semaphore, #tpu.memory_space<semaphore_mem>>) src(%arg4 : memref<10000xf32, #tpu.memory_space<hbm>>) dst(%dma_wait3A_121 : memref<10000xf32, #tpu.memory_space<vmem>>)
      tpu.yield
    }) : () -> ()
    %run_scoped3A_3 = arith.constant 1 : i32
    "tpu.region"() ({
      %run_scoped3A_111 = tpu.sem_alloc : memref<!tpu.dma_semaphore, #tpu.memory_space<semaphore_mem>>
      %dma_start3A = arith.constant 0 : i32
      %dma_start3A_112 = tpu.memref_slice %arg12[%run_scoped3A_3, %dma_start3A] : memref<4x10000xf32, #tpu.memory_space<vmem>> -> memref<1x10000xf32, #tpu.memory_space<vmem>>
      %dma_start3A_113 = tpu.memref_squeeze %dma_start3A_112 : memref<1x10000xf32, #tpu.memory_space<vmem>> -> memref<10000xf32, #tpu.memory_space<vmem>>
      %dma_start3A_114 = arith.constant 0 : i32
      %dma_start3A_115 = tpu.memref_slice %arg12[%run_scoped3A_3, %dma_start3A_114] : memref<4x10000xf32, #tpu.memory_space<vmem>> -> memref<1x10000xf32, #tpu.memory_space<vmem>>
      %dma_start3A_116 = tpu.memref_squeeze %dma_start3A_115 : memref<1x10000xf32, #tpu.memory_space<vmem>> -> memref<10000xf32, #tpu.memory_space<vmem>>
      tpu.enqueue_dma source(%arg5 : memref<10000xf32, #tpu.memory_space<hbm>>) target(%dma_start3A_116 : memref<10000xf32, #tpu.memory_space<vmem>>) target_semaphore(%run_scoped3A_111 : memref<!tpu.dma_semaphore, #tpu.memory_space<semaphore_mem>>)
      %dma_wait3A = arith.constant 0 : i32
      %dma_wait3A_117 = tpu.memref_slice %arg12[%run_scoped3A_3, %dma_wait3A] : memref<4x10000xf32, #tpu.memory_space<vmem>> -> memref<1x10000xf32, #tpu.memory_space<vmem>>
      %dma_wait3A_118 = tpu.memref_squeeze %dma_wait3A_117 : memref<1x10000xf32, #tpu.memory_space<vmem>> -> memref<10000xf32, #tpu.memory_space<vmem>>
      %dma_wait3A_119 = arith.constant 0 : i32
      %dma_wait3A_120 = tpu.memref_slice %arg12[%run_scoped3A_3, %dma_wait3A_119] : memref<4x10000xf32, #tpu.memory_space<vmem>> -> memref<1x10000xf32, #tpu.memory_space<vmem>>
      %dma_wait3A_121 = tpu.memref_squeeze %dma_wait3A_120 : memref<1x10000xf32, #tpu.memory_space<vmem>> -> memref<10000xf32, #tpu.memory_space<vmem>>
      tpu.wait_dma2 semaphore(%run_scoped3A_111 : memref<!tpu.dma_semaphore, #tpu.memory_space<semaphore_mem>>) src(%arg5 : memref<10000xf32, #tpu.memory_space<hbm>>) dst(%dma_wait3A_121 : memref<10000xf32, #tpu.memory_space<vmem>>)
      tpu.yield
    }) : () -> ()
    %broadcast_in_dim3A = arith.constant 0.000000e+00 : f32
    %broadcast_in_dim3A_4 = vector.broadcast %broadcast_in_dim3A : f32 to vector<16xf32>
    %scan3A = arith.constant 0 : i32
    %scan3A_5 = arith.constant 0 : i32
    %scan3A_6 = arith.constant 625 : i32
    %scan3A_7 = arith.addi %scan3A_5, %scan3A_6 : i32
    %scan3A_8 = arith.constant 1 : i32
    scf.for %scan3A_111 = %scan3A_5 to %scan3A_7 step %scan3A_8  : i32 {
      %mul3A_112 = arith.constant 16 : i32
      %mul3A_113 = arith.muli %scan3A_111, %mul3A_112 : i32
      %swap3A = arith.constant 2 : i32
      %swap3A_114 = arith.index_cast %swap3A : i32 to index
      %swap3A_115 = arith.index_cast %mul3A_113 : i32 to index
      %swap3A_116 = tpu.vector_load %arg12[%swap3A_114, %swap3A_115] {strides = array<i32>} : memref<4x10000xf32, #tpu.memory_space<vmem>>, vector<16xf32>,
      tpu.vector_store %arg12[%swap3A_114, %swap3A_115], %broadcast_in_dim3A_4 {strides = array<i32>} : memref<4x10000xf32, #tpu.memory_space<vmem>>, vector<16xf32>,
    }
    %scan3A_9 = arith.constant 625 : i32
    %iota3A = tpu.iota {dimensions = array<i32: 0>} : vector<16xi32>
    %mul3A_10 = arith.constant 10240 : i32
    %mul3A_11 = arith.muli %add3A, %mul3A_10 : i32
    %broadcast_in_dim3A_12 = arith.constant 0 : i32
    %broadcast_in_dim3A_13 = vector.broadcast %broadcast_in_dim3A_12 : i32 to vector<16xi32>
    %broadcast_in_dim3A_14 = arith.constant 1 : i32
    %broadcast_in_dim3A_15 = vector.broadcast %broadcast_in_dim3A_14 : i32 to vector<16xi32>
    %broadcast_in_dim3A_16 = arith.constant 2 : i32
    %broadcast_in_dim3A_17 = vector.broadcast %broadcast_in_dim3A_16 : i32 to vector<16xi32>
    %scan3A_18 = arith.constant 0 : i32
    %scan3A_19 = arith.constant 0 : i32
    %scan3A_20 = arith.constant 640 : i32
    %scan3A_21 = arith.addi %scan3A_19, %scan3A_20 : i32
    %scan3A_22 = arith.constant 4 : i32
    scf.for %scan3A_111 = %scan3A_19 to %scan3A_21 step %scan3A_22  : i32 {
      %mul3A_112 = arith.constant 16 : i32
      %mul3A_113 = arith.muli %scan3A_111, %mul3A_112 : i32
      %get3A = arith.index_cast %mul3A_113 : i32 to index
      %get3A_114 = tpu.vector_load %arg9[%get3A] {strides = array<i32>} : memref<10240xi32, #tpu.memory_space<vmem>>, vector<16xi32>,
      %mul3A_115 = arith.constant 16 : i32
      %mul3A_116 = arith.muli %scan3A_111, %mul3A_115 : i32
      %get3A_117 = arith.index_cast %mul3A_116 : i32 to index
      %get3A_118 = tpu.vector_load %arg10[%get3A_117] {strides = array<i32>} : memref<10240xi32, #tpu.memory_space<vmem>>, vector<16xi32>,
      %gather3A = tpu.vector_load_idx %arg12[%broadcast_in_dim3A_13, %get3A_114] : memref<4x10000xf32, #tpu.memory_space<vmem>>[vector<16xi32>, vector<16xi32>], vector<16xf32>,
      %gather3A_119 = tpu.vector_load_idx %arg12[%broadcast_in_dim3A_15, %get3A_118] : memref<4x10000xf32, #tpu.memory_space<vmem>>[vector<16xi32>, vector<16xi32>], vector<16xf32>,
      %add3A_120 = arith.addf %gather3A, %gather3A_119 : vector<16xf32>
      %mul3A_121 = arith.constant 2.000000e-01 : f32
      %mul3A_122 = vector.broadcast %mul3A_121 : f32 to vector<16xf32>
      %mul3A_123 = arith.mulf %add3A_120, %mul3A_122 : vector<16xf32>
      %max3A = arith.maximumf %add3A_120, %mul3A_123 : vector<16xf32>
      %exp3A = math.exp %max3A : vector<16xf32>
      %mul3A_124 = arith.constant 16 : i32
      %mul3A_125 = arith.muli %scan3A_111, %mul3A_124 : i32
      %add3A_126 = arith.addi %mul3A_11, %mul3A_125 : i32
      %add3A_127 = vector.broadcast %add3A_126 : i32 to vector<16xi32>
      %add3A_128 = arith.addi %add3A_127, %iota3A : vector<16xi32>
      %lt3A = arith.constant 320000 : i32
      %lt3A_129 = vector.broadcast %lt3A : i32 to vector<16xi32>
      %lt3A_130 = arith.cmpi slt, %add3A_128, %lt3A_129 : vector<16xi32>
      %jit3A = arith.constant 0.000000e+00 : f32
      %broadcast_in_dim3A_131 = vector.broadcast %jit3A : f32 to vector<16xf32>
      %select_n3A = arith.select %lt3A_130, %exp3A, %broadcast_in_dim3A_131 : vector<16xi1>, vector<16xf32>
      tpu.vector_store_idx %arg12[%broadcast_in_dim3A_17, %get3A_118], %select_n3A {add = true} : memref<4x10000xf32, #tpu.memory_space<vmem>>[vector<16xi32>, vector<16xi32>], vector<16xf32>,
      %mul3A_132 = arith.constant 16 : i32
      %mul3A_133 = arith.muli %scan3A_111, %mul3A_132 : i32
      %swap3A = arith.index_cast %mul3A_133 : i32 to index
      %swap3A_134 = tpu.vector_load %arg11[%swap3A] {strides = array<i32>} : memref<10240xf32, #tpu.memory_space<vmem>>, vector<16xf32>,
      tpu.vector_store %arg11[%swap3A], %select_n3A {strides = array<i32>} : memref<10240xf32, #tpu.memory_space<vmem>>, vector<16xf32>,
      %scan3A_135 = arith.constant 1 : i32
      %scan3A_136 = arith.addi %scan3A_111, %scan3A_135 : i32
      %mul3A_137 = arith.constant 16 : i32
      %mul3A_138 = arith.muli %scan3A_136, %mul3A_137 : i32
      %get3A_139 = arith.index_cast %mul3A_138 : i32 to index
      %get3A_140 = tpu.vector_load %arg9[%get3A_139] {strides = array<i32>} : memref<10240xi32, #tpu.memory_space<vmem>>, vector<16xi32>,
      %mul3A_141 = arith.constant 16 : i32
      %mul3A_142 = arith.muli %scan3A_136, %mul3A_141 : i32
      %get3A_143 = arith.index_cast %mul3A_142 : i32 to index
      %get3A_144 = tpu.vector_load %arg10[%get3A_143] {strides = array<i32>} : memref<10240xi32, #tpu.memory_space<vmem>>, vector<16xi32>,
      %gather3A_145 = tpu.vector_load_idx %arg12[%broadcast_in_dim3A_13, %get3A_140] : memref<4x10000xf32, #tpu.memory_space<vmem>>[vector<16xi32>, vector<16xi32>], vector<16xf32>,
      %gather3A_146 = tpu.vector_load_idx %arg12[%broadcast_in_dim3A_15, %get3A_144] : memref<4x10000xf32, #tpu.memory_space<vmem>>[vector<16xi32>, vector<16xi32>], vector<16xf32>,
      %add3A_147 = arith.addf %gather3A_145, %gather3A_146 : vector<16xf32>
      %mul3A_148 = arith.constant 2.000000e-01 : f32
      %mul3A_149 = vector.broadcast %mul3A_148 : f32 to vector<16xf32>
      %mul3A_150 = arith.mulf %add3A_147, %mul3A_149 : vector<16xf32>
      %max3A_151 = arith.maximumf %add3A_147, %mul3A_150 : vector<16xf32>
      %exp3A_152 = math.exp %max3A_151 : vector<16xf32>
      %mul3A_153 = arith.constant 16 : i32
      %mul3A_154 = arith.muli %scan3A_136, %mul3A_153 : i32
      %add3A_155 = arith.addi %mul3A_11, %mul3A_154 : i32
      %add3A_156 = vector.broadcast %add3A_155 : i32 to vector<16xi32>
      %add3A_157 = arith.addi %add3A_156, %iota3A : vector<16xi32>
      %lt3A_158 = arith.constant 320000 : i32
      %lt3A_159 = vector.broadcast %lt3A_158 : i32 to vector<16xi32>
      %lt3A_160 = arith.cmpi slt, %add3A_157, %lt3A_159 : vector<16xi32>
      %jit3A_161 = arith.constant 0.000000e+00 : f32
      %broadcast_in_dim3A_162 = vector.broadcast %jit3A_161 : f32 to vector<16xf32>
      %select_n3A_163 = arith.select %lt3A_160, %exp3A_152, %broadcast_in_dim3A_162 : vector<16xi1>, vector<16xf32>
      tpu.vector_store_idx %arg12[%broadcast_in_dim3A_17, %get3A_144], %select_n3A_163 {add = true} : memref<4x10000xf32, #tpu.memory_space<vmem>>[vector<16xi32>, vector<16xi32>], vector<16xf32>,
      %mul3A_164 = arith.constant 16 : i32
      %mul3A_165 = arith.muli %scan3A_136, %mul3A_164 : i32
      %swap3A_166 = arith.index_cast %mul3A_165 : i32 to index
      %swap3A_167 = tpu.vector_load %arg11[%swap3A_166] {strides = array<i32>} : memref<10240xf32, #tpu.memory_space<vmem>>, vector<16xf32>,
      tpu.vector_store %arg11[%swap3A_166], %select_n3A_163 {strides = array<i32>} : memref<10240xf32, #tpu.memory_space<vmem>>, vector<16xf32>,
      %scan3A_168 = arith.constant 2 : i32
      %scan3A_169 = arith.addi %scan3A_111, %scan3A_168 : i32
      %mul3A_170 = arith.constant 16 : i32
      %mul3A_171 = arith.muli %scan3A_169, %mul3A_170 : i32
      %get3A_172 = arith.index_cast %mul3A_171 : i32 to index
      %get3A_173 = tpu.vector_load %arg9[%get3A_172] {strides = array<i32>} : memref<10240xi32, #tpu.memory_space<vmem>>, vector<16xi32>,
      %mul3A_174 = arith.constant 16 : i32
      %mul3A_175 = arith.muli %scan3A_169, %mul3A_174 : i32
      %get3A_176 = arith.index_cast %mul3A_175 : i32 to index
      %get3A_177 = tpu.vector_load %arg10[%get3A_176] {strides = array<i32>} : memref<10240xi32, #tpu.memory_space<vmem>>, vector<16xi32>,
      %gather3A_178 = tpu.vector_load_idx %arg12[%broadcast_in_dim3A_13, %get3A_173] : memref<4x10000xf32, #tpu.memory_space<vmem>>[vector<16xi32>, vector<16xi32>], vector<16xf32>,
      %gather3A_179 = tpu.vector_load_idx %arg12[%broadcast_in_dim3A_15, %get3A_177] : memref<4x10000xf32, #tpu.memory_space<vmem>>[vector<16xi32>, vector<16xi32>], vector<16xf32>,
      %add3A_180 = arith.addf %gather3A_178, %gather3A_179 : vector<16xf32>
      %mul3A_181 = arith.constant 2.000000e-01 : f32
      %mul3A_182 = vector.broadcast %mul3A_181 : f32 to vector<16xf32>
      %mul3A_183 = arith.mulf %add3A_180, %mul3A_182 : vector<16xf32>
      %max3A_184 = arith.maximumf %add3A_180, %mul3A_183 : vector<16xf32>
      %exp3A_185 = math.exp %max3A_184 : vector<16xf32>
      %mul3A_186 = arith.constant 16 : i32
      %mul3A_187 = arith.muli %scan3A_169, %mul3A_186 : i32
      %add3A_188 = arith.addi %mul3A_11, %mul3A_187 : i32
      %add3A_189 = vector.broadcast %add3A_188 : i32 to vector<16xi32>
      %add3A_190 = arith.addi %add3A_189, %iota3A : vector<16xi32>
      %lt3A_191 = arith.constant 320000 : i32
      %lt3A_192 = vector.broadcast %lt3A_191 : i32 to vector<16xi32>
      %lt3A_193 = arith.cmpi slt, %add3A_190, %lt3A_192 : vector<16xi32>
      %jit3A_194 = arith.constant 0.000000e+00 : f32
      %broadcast_in_dim3A_195 = vector.broadcast %jit3A_194 : f32 to vector<16xf32>
      %select_n3A_196 = arith.select %lt3A_193, %exp3A_185, %broadcast_in_dim3A_195 : vector<16xi1>, vector<16xf32>
      tpu.vector_store_idx %arg12[%broadcast_in_dim3A_17, %get3A_177], %select_n3A_196 {add = true} : memref<4x10000xf32, #tpu.memory_space<vmem>>[vector<16xi32>, vector<16xi32>], vector<16xf32>,
      %mul3A_197 = arith.constant 16 : i32
      %mul3A_198 = arith.muli %scan3A_169, %mul3A_197 : i32
      %swap3A_199 = arith.index_cast %mul3A_198 : i32 to index
      %swap3A_200 = tpu.vector_load %arg11[%swap3A_199] {strides = array<i32>} : memref<10240xf32, #tpu.memory_space<vmem>>, vector<16xf32>,
      tpu.vector_store %arg11[%swap3A_199], %select_n3A_196 {strides = array<i32>} : memref<10240xf32, #tpu.memory_space<vmem>>, vector<16xf32>,
      %scan3A_201 = arith.constant 3 : i32
      %scan3A_202 = arith.addi %scan3A_111, %scan3A_201 : i32
      %mul3A_203 = arith.constant 16 : i32
      %mul3A_204 = arith.muli %scan3A_202, %mul3A_203 : i32
      %get3A_205 = arith.index_cast %mul3A_204 : i32 to index
      %get3A_206 = tpu.vector_load %arg9[%get3A_205] {strides = array<i32>} : memref<10240xi32, #tpu.memory_space<vmem>>, vector<16xi32>,
      %mul3A_207 = arith.constant 16 : i32
      %mul3A_208 = arith.muli %scan3A_202, %mul3A_207 : i32
      %get3A_209 = arith.index_cast %mul3A_208 : i32 to index
      %get3A_210 = tpu.vector_load %arg10[%get3A_209] {strides = array<i32>} : memref<10240xi32, #tpu.memory_space<vmem>>, vector<16xi32>,
      %gather3A_211 = tpu.vector_load_idx %arg12[%broadcast_in_dim3A_13, %get3A_206] : memref<4x10000xf32, #tpu.memory_space<vmem>>[vector<16xi32>, vector<16xi32>], vector<16xf32>,
      %gather3A_212 = tpu.vector_load_idx %arg12[%broadcast_in_dim3A_15, %get3A_210] : memref<4x10000xf32, #tpu.memory_space<vmem>>[vector<16xi32>, vector<16xi32>], vector<16xf32>,
      %add3A_213 = arith.addf %gather3A_211, %gather3A_212 : vector<16xf32>
      %mul3A_214 = arith.constant 2.000000e-01 : f32
      %mul3A_215 = vector.broadcast %mul3A_214 : f32 to vector<16xf32>
      %mul3A_216 = arith.mulf %add3A_213, %mul3A_215 : vector<16xf32>
      %max3A_217 = arith.maximumf %add3A_213, %mul3A_216 : vector<16xf32>
      %exp3A_218 = math.exp %max3A_217 : vector<16xf32>
      %mul3A_219 = arith.constant 16 : i32
      %mul3A_220 = arith.muli %scan3A_202, %mul3A_219 : i32
      %add3A_221 = arith.addi %mul3A_11, %mul3A_220 : i32
      %add3A_222 = vector.broadcast %add3A_221 : i32 to vector<16xi32>
      %add3A_223 = arith.addi %add3A_222, %iota3A : vector<16xi32>
      %lt3A_224 = arith.constant 320000 : i32
      %lt3A_225 = vector.broadcast %lt3A_224 : i32 to vector<16xi32>
      %lt3A_226 = arith.cmpi slt, %add3A_223, %lt3A_225 : vector<16xi32>
      %jit3A_227 = arith.constant 0.000000e+00 : f32
      %broadcast_in_dim3A_228 = vector.broadcast %jit3A_227 : f32 to vector<16xf32>
      %select_n3A_229 = arith.select %lt3A_226, %exp3A_218, %broadcast_in_dim3A_228 : vector<16xi1>, vector<16xf32>
      tpu.vector_store_idx %arg12[%broadcast_in_dim3A_17, %get3A_210], %select_n3A_229 {add = true} : memref<4x10000xf32, #tpu.memory_space<vmem>>[vector<16xi32>, vector<16xi32>], vector<16xf32>,
      %mul3A_230 = arith.constant 16 : i32
      %mul3A_231 = arith.muli %scan3A_202, %mul3A_230 : i32
      %swap3A_232 = arith.index_cast %mul3A_231 : i32 to index
      %swap3A_233 = tpu.vector_load %arg11[%swap3A_232] {strides = array<i32>} : memref<10240xf32, #tpu.memory_space<vmem>>, vector<16xf32>,
      tpu.vector_store %arg11[%swap3A_232], %select_n3A_229 {strides = array<i32>} : memref<10240xf32, #tpu.memory_space<vmem>>, vector<16xf32>,
    }
    %scan3A_23 = arith.constant 640 : i32
    %mul3A_24 = arith.constant 10000 : i32
    %mul3A_25 = arith.muli %add3A, %mul3A_24 : i32
    %multiple_of3A_26 = tpu.assume_multiple %mul3A_25, 8 : i32
    %run_scoped3A_27 = arith.constant 2 : i32
    "tpu.region"() ({
      %run_scoped3A_111 = tpu.sem_alloc : memref<!tpu.dma_semaphore, #tpu.memory_space<semaphore_mem>>
      %dma_start3A = arith.constant 0 : i32
      %dma_start3A_112 = tpu.memref_slice %arg12[%run_scoped3A_27, %dma_start3A] : memref<4x10000xf32, #tpu.memory_space<vmem>> -> memref<1x10000xf32, #tpu.memory_space<vmem>>
      %dma_start3A_113 = tpu.memref_squeeze %dma_start3A_112 : memref<1x10000xf32, #tpu.memory_space<vmem>> -> memref<10000xf32, #tpu.memory_space<vmem>>
      %dma_start3A_114 = tpu.memref_slice %arg8[%multiple_of3A_26] : memref<320000xf32, #tpu.memory_space<hbm>> -> memref<10000xf32, #tpu.memory_space<hbm>>
      %dma_start3A_115 = tpu.memref_slice %arg8[%multiple_of3A_26] : memref<320000xf32, #tpu.memory_space<hbm>> -> memref<10000xf32, #tpu.memory_space<hbm>>
      %dma_start3A_116 = arith.constant 0 : i32
      %dma_start3A_117 = tpu.memref_slice %arg12[%run_scoped3A_27, %dma_start3A_116] : memref<4x10000xf32, #tpu.memory_space<vmem>> -> memref<1x10000xf32, #tpu.memory_space<vmem>>
      %dma_start3A_118 = tpu.memref_squeeze %dma_start3A_117 : memref<1x10000xf32, #tpu.memory_space<vmem>> -> memref<10000xf32, #tpu.memory_space<vmem>>
      tpu.enqueue_dma source(%dma_start3A_118 : memref<10000xf32, #tpu.memory_space<vmem>>) target(%dma_start3A_115 : memref<10000xf32, #tpu.memory_space<hbm>>) target_semaphore(%run_scoped3A_111 : memref<!tpu.dma_semaphore, #tpu.memory_space<semaphore_mem>>)
      %dma_wait3A = arith.constant 0 : i32
      %dma_wait3A_119 = tpu.memref_slice %arg12[%run_scoped3A_27, %dma_wait3A] : memref<4x10000xf32, #tpu.memory_space<vmem>> -> memref<1x10000xf32, #tpu.memory_space<vmem>>
      %dma_wait3A_120 = tpu.memref_squeeze %dma_wait3A_119 : memref<1x10000xf32, #tpu.memory_space<vmem>> -> memref<10000xf32, #tpu.memory_space<vmem>>
      %dma_wait3A_121 = tpu.memref_slice %arg8[%multiple_of3A_26] : memref<320000xf32, #tpu.memory_space<hbm>> -> memref<10000xf32, #tpu.memory_space<hbm>>
      %dma_wait3A_122 = tpu.memref_slice %arg8[%multiple_of3A_26] : memref<320000xf32, #tpu.memory_space<hbm>> -> memref<10000xf32, #tpu.memory_space<hbm>>
      %dma_wait3A_123 = arith.constant 0 : i32
      %dma_wait3A_124 = tpu.memref_slice %arg12[%run_scoped3A_27, %dma_wait3A_123] : memref<4x10000xf32, #tpu.memory_space<vmem>> -> memref<1x10000xf32, #tpu.memory_space<vmem>>
      %dma_wait3A_125 = tpu.memref_squeeze %dma_wait3A_124 : memref<1x10000xf32, #tpu.memory_space<vmem>> -> memref<10000xf32, #tpu.memory_space<vmem>>
      tpu.wait_dma2 semaphore(%run_scoped3A_111 : memref<!tpu.dma_semaphore, #tpu.memory_space<semaphore_mem>>) src(%dma_wait3A_125 : memref<10000xf32, #tpu.memory_space<vmem>>) dst(%dma_wait3A_122 : memref<10000xf32, #tpu.memory_space<hbm>>)
      tpu.yield
    }) : () -> ()
    %mul3A_28 = arith.constant 10000 : i32
    %mul3A_29 = arith.muli %add3A, %mul3A_28 : i32
    %multiple_of3A_30 = tpu.assume_multiple %mul3A_29, 8 : i32
    "tpu.region"() ({
      %run_scoped3A_111 = tpu.sem_alloc : memref<!tpu.dma_semaphore, #tpu.memory_space<semaphore_mem>>
      %dma_start3A = arith.constant 0 : i32
      %dma_start3A_112 = arith.constant 0 : i32
      %dma_start3A_113 = tpu.memref_slice %arg6[%dma_start3A, %dma_start3A_112] : memref<16x10000xf32, #tpu.memory_space<hbm>> -> memref<4x10000xf32, #tpu.memory_space<hbm>>
      %dma_start3A_114 = arith.constant 0 : i32
      %dma_start3A_115 = arith.constant 0 : i32
      %dma_start3A_116 = tpu.memref_slice %arg6[%dma_start3A_114, %dma_start3A_115] : memref<16x10000xf32, #tpu.memory_space<hbm>> -> memref<4x10000xf32, #tpu.memory_space<hbm>>
      tpu.enqueue_dma source(%dma_start3A_116 : memref<4x10000xf32, #tpu.memory_space<hbm>>) target(%arg12 : memref<4x10000xf32, #tpu.memory_space<vmem>>) target_semaphore(%run_scoped3A_111 : memref<!tpu.dma_semaphore, #tpu.memory_space<semaphore_mem>>)
      %dma_wait3A = arith.constant 0 : i32
      %dma_wait3A_117 = arith.constant 0 : i32
      %dma_wait3A_118 = tpu.memref_slice %arg6[%dma_wait3A, %dma_wait3A_117] : memref<16x10000xf32, #tpu.memory_space<hbm>> -> memref<4x10000xf32, #tpu.memory_space<hbm>>
      %dma_wait3A_119 = arith.constant 0 : i32
      %dma_wait3A_120 = arith.constant 0 : i32
      %dma_wait3A_121 = tpu.memref_slice %arg6[%dma_wait3A_119, %dma_wait3A_120] : memref<16x10000xf32, #tpu.memory_space<hbm>> -> memref<4x10000xf32, #tpu.memory_space<hbm>>
      tpu.wait_dma2 semaphore(%run_scoped3A_111 : memref<!tpu.dma_semaphore, #tpu.memory_space<semaphore_mem>>) src(%dma_wait3A_121 : memref<4x10000xf32, #tpu.memory_space<hbm>>) dst(%arg12 : memref<4x10000xf32, #tpu.memory_space<vmem>>)
      tpu.yield
    }) : () -> ()
    %scan3A_31 = arith.constant 0 : i32
    %scan3A_32 = arith.constant 0 : i32
    %scan3A_33 = arith.constant 2500 : i32
    %scan3A_34 = arith.addi %scan3A_32, %scan3A_33 : i32
    %scan3A_35 = arith.constant 1 : i32
    scf.for %scan3A_111 = %scan3A_32 to %scan3A_34 step %scan3A_35  : i32 {
      %jit3A = arith.constant 4 : i32
      %eq3A = arith.constant 0 : i32
      %eq3A_112 = arith.cmpi eq, %jit3A, %eq3A : i32
      %jit3A_113 = arith.constant 1 : i32
      %select_n3A = arith.select %eq3A_112, %jit3A_113, %jit3A : i32
      %rem3A = arith.remsi %scan3A_111, %select_n3A : i32
      %ne3A = arith.constant 0 : i32
      %ne3A_114 = arith.cmpi ne, %rem3A, %ne3A : i32
      %lt3A = arith.constant 0 : i32
      %lt3A_115 = arith.cmpi slt, %rem3A, %lt3A : i32
      %lt3A_116 = arith.constant 0 : i32
      %lt3A_117 = arith.cmpi slt, %select_n3A, %lt3A_116 : i32
      %ne3A_118 = arith.xori %lt3A_115, %lt3A_117 : i1
      %and3A = arith.andi %ne3A_118, %ne3A_114 : i1
      %add3A_119 = arith.addi %rem3A, %select_n3A : i32
      %select_n3A_120 = arith.select %and3A, %add3A_119, %rem3A : i32
      %jit3A_121 = arith.constant 4 : i32
      %div3A = arith.divsi %scan3A_111, %jit3A_121 : i32
      %sign3A = arith.constant 0 : i32
      %sign3A_122 = arith.cmpi sgt, %scan3A_111, %sign3A : i32
      %sign3A_123 = arith.extui %sign3A_122 : i1 to i32
      %sign3A_124 = arith.constant 0 : i32
      %sign3A_125 = arith.cmpi slt, %scan3A_111, %sign3A_124 : i32
      %sign3A_126 = arith.extui %sign3A_125 : i1 to i32
      %sign3A_127 = arith.subi %sign3A_123, %sign3A_126 : i32
      %sign3A_128 = arith.constant 0 : i32
      %sign3A_129 = arith.cmpi sgt, %jit3A_121, %sign3A_128 : i32
      %sign3A_130 = arith.extui %sign3A_129 : i1 to i32
      %sign3A_131 = arith.constant 0 : i32
      %sign3A_132 = arith.cmpi slt, %jit3A_121, %sign3A_131 : i32
      %sign3A_133 = arith.extui %sign3A_132 : i1 to i32
      %sign3A_134 = arith.subi %sign3A_130, %sign3A_133 : i32
      %ne3A_135 = arith.cmpi ne, %sign3A_127, %sign3A_134 : i32
      %rem3A_136 = arith.remsi %scan3A_111, %jit3A_121 : i32
      %ne3A_137 = arith.constant 0 : i32
      %ne3A_138 = arith.cmpi ne, %rem3A_136, %ne3A_137 : i32
      %and3A_139 = arith.andi %ne3A_135, %ne3A_138 : i1
      %sub3A = arith.constant 1 : i32
      %sub3A_140 = arith.subi %div3A, %sub3A : i32
      %select_n3A_141 = arith.select %and3A_139, %sub3A_140, %div3A : i32
      %mul3A_142 = arith.constant 16 : i32
      %mul3A_143 = arith.muli %select_n3A_141, %mul3A_142 : i32
      %swap3A = arith.index_cast %select_n3A_120 : i32 to index
      %swap3A_144 = arith.index_cast %mul3A_143 : i32 to index
      %swap3A_145 = tpu.vector_load %arg13[%swap3A, %swap3A_144] {strides = array<i32>} : memref<4x10000xf32, #tpu.memory_space<vmem>>, vector<16xf32>,
      tpu.vector_store %arg13[%swap3A, %swap3A_144], %broadcast_in_dim3A_4 {strides = array<i32>} : memref<4x10000xf32, #tpu.memory_space<vmem>>, vector<16xf32>,
    }
    %scan3A_36 = arith.constant 2500 : i32
    %scan3A_37 = arith.constant 0 : i32
    %scan3A_38 = arith.constant 0 : i32
    %scan3A_39 = arith.constant 640 : i32
    %scan3A_40 = arith.addi %scan3A_38, %scan3A_39 : i32
    %scan3A_41 = arith.constant 4 : i32
    scf.for %scan3A_111 = %scan3A_38 to %scan3A_40 step %scan3A_41  : i32 {
      %mul3A_112 = arith.constant 16 : i32
      %mul3A_113 = arith.muli %scan3A_111, %mul3A_112 : i32
      %get3A = arith.index_cast %mul3A_113 : i32 to index
      %get3A_114 = tpu.vector_load %arg9[%get3A] {strides = array<i32>} : memref<10240xi32, #tpu.memory_space<vmem>>, vector<16xi32>,
      %mul3A_115 = arith.constant 16 : i32
      %mul3A_116 = arith.muli %scan3A_111, %mul3A_115 : i32
      %get3A_117 = arith.index_cast %mul3A_116 : i32 to index
      %get3A_118 = tpu.vector_load %arg10[%get3A_117] {strides = array<i32>} : memref<10240xi32, #tpu.memory_space<vmem>>, vector<16xi32>,
      %mul3A_119 = arith.constant 16 : i32
      %mul3A_120 = arith.muli %scan3A_111, %mul3A_119 : i32
      %get3A_121 = arith.index_cast %mul3A_120 : i32 to index
      %get3A_122 = tpu.vector_load %arg11[%get3A_121] {strides = array<i32>} : memref<10240xf32, #tpu.memory_space<vmem>>, vector<16xf32>,
      %broadcast_in_dim3A_123 = arith.constant 0 : i32
      %broadcast_in_dim3A_124 = vector.broadcast %broadcast_in_dim3A_123 : i32 to vector<16xi32>
      %gather3A = tpu.vector_load_idx %arg12[%broadcast_in_dim3A_124, %get3A_114] : memref<4x10000xf32, #tpu.memory_space<vmem>>[vector<16xi32>, vector<16xi32>], vector<16xf32>,
      %mul3A_125 = arith.mulf %gather3A, %get3A_122 : vector<16xf32>
      tpu.vector_store_idx %arg13[%broadcast_in_dim3A_124, %get3A_118], %mul3A_125 {add = true} : memref<4x10000xf32, #tpu.memory_space<vmem>>[vector<16xi32>, vector<16xi32>], vector<16xf32>,
      %broadcast_in_dim3A_126 = arith.constant 1 : i32
      %broadcast_in_dim3A_127 = vector.broadcast %broadcast_in_dim3A_126 : i32 to vector<16xi32>
      %gather3A_128 = tpu.vector_load_idx %arg12[%broadcast_in_dim3A_127, %get3A_114] : memref<4x10000xf32, #tpu.memory_space<vmem>>[vector<16xi32>, vector<16xi32>], vector<16xf32>,
      %mul3A_129 = arith.mulf %gather3A_128, %get3A_122 : vector<16xf32>
      tpu.vector_store_idx %arg13[%broadcast_in_dim3A_127, %get3A_118], %mul3A_129 {add = true} : memref<4x10000xf32, #tpu.memory_space<vmem>>[vector<16xi32>, vector<16xi32>], vector<16xf32>,
      %broadcast_in_dim3A_130 = arith.constant 2 : i32
      %broadcast_in_dim3A_131 = vector.broadcast %broadcast_in_dim3A_130 : i32 to vector<16xi32>
      %gather3A_132 = tpu.vector_load_idx %arg12[%broadcast_in_dim3A_131, %get3A_114] : memref<4x10000xf32, #tpu.memory_space<vmem>>[vector<16xi32>, vector<16xi32>], vector<16xf32>,
      %mul3A_133 = arith.mulf %gather3A_132, %get3A_122 : vector<16xf32>
      tpu.vector_store_idx %arg13[%broadcast_in_dim3A_131, %get3A_118], %mul3A_133 {add = true} : memref<4x10000xf32, #tpu.memory_space<vmem>>[vector<16xi32>, vector<16xi32>], vector<16xf32>,
      %broadcast_in_dim3A_134 = arith.constant 3 : i32
      %broadcast_in_dim3A_135 = vector.broadcast %broadcast_in_dim3A_134 : i32 to vector<16xi32>
      %gather3A_136 = tpu.vector_load_idx %arg12[%broadcast_in_dim3A_135, %get3A_114] : memref<4x10000xf32, #tpu.memory_space<vmem>>[vector<16xi32>, vector<16xi32>], vector<16xf32>,
      %mul3A_137 = arith.mulf %gather3A_136, %get3A_122 : vector<16xf32>
      tpu.vector_store_idx %arg13[%broadcast_in_dim3A_135, %get3A_118], %mul3A_137 {add = true} : memref<4x10000xf32, #tpu.memory_space<vmem>>[vector<16xi32>, vector<16xi32>], vector<16xf32>,
      %scan3A_138 = arith.constant 1 : i32
      %scan3A_139 = arith.addi %scan3A_111, %scan3A_138 : i32
      %mul3A_140 = arith.constant 16 : i32
      %mul3A_141 = arith.muli %scan3A_139, %mul3A_140 : i32
      %get3A_142 = arith.index_cast %mul3A_141 : i32 to index
      %get3A_143 = tpu.vector_load %arg9[%get3A_142] {strides = array<i32>} : memref<10240xi32, #tpu.memory_space<vmem>>, vector<16xi32>,
      %mul3A_144 = arith.constant 16 : i32
      %mul3A_145 = arith.muli %scan3A_139, %mul3A_144 : i32
      %get3A_146 = arith.index_cast %mul3A_145 : i32 to index
      %get3A_147 = tpu.vector_load %arg10[%get3A_146] {strides = array<i32>} : memref<10240xi32, #tpu.memory_space<vmem>>, vector<16xi32>,
      %mul3A_148 = arith.constant 16 : i32
      %mul3A_149 = arith.muli %scan3A_139, %mul3A_148 : i32
      %get3A_150 = arith.index_cast %mul3A_149 : i32 to index
      %get3A_151 = tpu.vector_load %arg11[%get3A_150] {strides = array<i32>} : memref<10240xf32, #tpu.memory_space<vmem>>, vector<16xf32>,
      %broadcast_in_dim3A_152 = arith.constant 0 : i32
      %broadcast_in_dim3A_153 = vector.broadcast %broadcast_in_dim3A_152 : i32 to vector<16xi32>
      %gather3A_154 = tpu.vector_load_idx %arg12[%broadcast_in_dim3A_153, %get3A_143] : memref<4x10000xf32, #tpu.memory_space<vmem>>[vector<16xi32>, vector<16xi32>], vector<16xf32>,
      %mul3A_155 = arith.mulf %gather3A_154, %get3A_151 : vector<16xf32>
      tpu.vector_store_idx %arg13[%broadcast_in_dim3A_153, %get3A_147], %mul3A_155 {add = true} : memref<4x10000xf32, #tpu.memory_space<vmem>>[vector<16xi32>, vector<16xi32>], vector<16xf32>,
      %broadcast_in_dim3A_156 = arith.constant 1 : i32
      %broadcast_in_dim3A_157 = vector.broadcast %broadcast_in_dim3A_156 : i32 to vector<16xi32>
      %gather3A_158 = tpu.vector_load_idx %arg12[%broadcast_in_dim3A_157, %get3A_143] : memref<4x10000xf32, #tpu.memory_space<vmem>>[vector<16xi32>, vector<16xi32>], vector<16xf32>,
      %mul3A_159 = arith.mulf %gather3A_158, %get3A_151 : vector<16xf32>
      tpu.vector_store_idx %arg13[%broadcast_in_dim3A_157, %get3A_147], %mul3A_159 {add = true} : memref<4x10000xf32, #tpu.memory_space<vmem>>[vector<16xi32>, vector<16xi32>], vector<16xf32>,
      %broadcast_in_dim3A_160 = arith.constant 2 : i32
      %broadcast_in_dim3A_161 = vector.broadcast %broadcast_in_dim3A_160 : i32 to vector<16xi32>
      %gather3A_162 = tpu.vector_load_idx %arg12[%broadcast_in_dim3A_161, %get3A_143] : memref<4x10000xf32, #tpu.memory_space<vmem>>[vector<16xi32>, vector<16xi32>], vector<16xf32>,
      %mul3A_163 = arith.mulf %gather3A_162, %get3A_151 : vector<16xf32>
      tpu.vector_store_idx %arg13[%broadcast_in_dim3A_161, %get3A_147], %mul3A_163 {add = true} : memref<4x10000xf32, #tpu.memory_space<vmem>>[vector<16xi32>, vector<16xi32>], vector<16xf32>,
      %broadcast_in_dim3A_164 = arith.constant 3 : i32
      %broadcast_in_dim3A_165 = vector.broadcast %broadcast_in_dim3A_164 : i32 to vector<16xi32>
      %gather3A_166 = tpu.vector_load_idx %arg12[%broadcast_in_dim3A_165, %get3A_143] : memref<4x10000xf32, #tpu.memory_space<vmem>>[vector<16xi32>, vector<16xi32>], vector<16xf32>,
      %mul3A_167 = arith.mulf %gather3A_166, %get3A_151 : vector<16xf32>
      tpu.vector_store_idx %arg13[%broadcast_in_dim3A_165, %get3A_147], %mul3A_167 {add = true} : memref<4x10000xf32, #tpu.memory_space<vmem>>[vector<16xi32>, vector<16xi32>], vector<16xf32>,
      %scan3A_168 = arith.constant 2 : i32
      %scan3A_169 = arith.addi %scan3A_111, %scan3A_168 : i32
      %mul3A_170 = arith.constant 16 : i32
      %mul3A_171 = arith.muli %scan3A_169, %mul3A_170 : i32
      %get3A_172 = arith.index_cast %mul3A_171 : i32 to index
      %get3A_173 = tpu.vector_load %arg9[%get3A_172] {strides = array<i32>} : memref<10240xi32, #tpu.memory_space<vmem>>, vector<16xi32>,
      %mul3A_174 = arith.constant 16 : i32
      %mul3A_175 = arith.muli %scan3A_169, %mul3A_174 : i32
      %get3A_176 = arith.index_cast %mul3A_175 : i32 to index
      %get3A_177 = tpu.vector_load %arg10[%get3A_176] {strides = array<i32>} : memref<10240xi32, #tpu.memory_space<vmem>>, vector<16xi32>,
      %mul3A_178 = arith.constant 16 : i32
      %mul3A_179 = arith.muli %scan3A_169, %mul3A_178 : i32
      %get3A_180 = arith.index_cast %mul3A_179 : i32 to index
      %get3A_181 = tpu.vector_load %arg11[%get3A_180] {strides = array<i32>} : memref<10240xf32, #tpu.memory_space<vmem>>, vector<16xf32>,
      %broadcast_in_dim3A_182 = arith.constant 0 : i32
      %broadcast_in_dim3A_183 = vector.broadcast %broadcast_in_dim3A_182 : i32 to vector<16xi32>
      %gather3A_184 = tpu.vector_load_idx %arg12[%broadcast_in_dim3A_183, %get3A_173] : memref<4x10000xf32, #tpu.memory_space<vmem>>[vector<16xi32>, vector<16xi32>], vector<16xf32>,
      %mul3A_185 = arith.mulf %gather3A_184, %get3A_181 : vector<16xf32>
      tpu.vector_store_idx %arg13[%broadcast_in_dim3A_183, %get3A_177], %mul3A_185 {add = true} : memref<4x10000xf32, #tpu.memory_space<vmem>>[vector<16xi32>, vector<16xi32>], vector<16xf32>,
      %broadcast_in_dim3A_186 = arith.constant 1 : i32
      %broadcast_in_dim3A_187 = vector.broadcast %broadcast_in_dim3A_186 : i32 to vector<16xi32>
      %gather3A_188 = tpu.vector_load_idx %arg12[%broadcast_in_dim3A_187, %get3A_173] : memref<4x10000xf32, #tpu.memory_space<vmem>>[vector<16xi32>, vector<16xi32>], vector<16xf32>,
      %mul3A_189 = arith.mulf %gather3A_188, %get3A_181 : vector<16xf32>
      tpu.vector_store_idx %arg13[%broadcast_in_dim3A_187, %get3A_177], %mul3A_189 {add = true} : memref<4x10000xf32, #tpu.memory_space<vmem>>[vector<16xi32>, vector<16xi32>], vector<16xf32>,
      %broadcast_in_dim3A_190 = arith.constant 2 : i32
      %broadcast_in_dim3A_191 = vector.broadcast %broadcast_in_dim3A_190 : i32 to vector<16xi32>
      %gather3A_192 = tpu.vector_load_idx %arg12[%broadcast_in_dim3A_191, %get3A_173] : memref<4x10000xf32, #tpu.memory_space<vmem>>[vector<16xi32>, vector<16xi32>], vector<16xf32>,
      %mul3A_193 = arith.mulf %gather3A_192, %get3A_181 : vector<16xf32>
      tpu.vector_store_idx %arg13[%broadcast_in_dim3A_191, %get3A_177], %mul3A_193 {add = true} : memref<4x10000xf32, #tpu.memory_space<vmem>>[vector<16xi32>, vector<16xi32>], vector<16xf32>,
      %broadcast_in_dim3A_194 = arith.constant 3 : i32
      %broadcast_in_dim3A_195 = vector.broadcast %broadcast_in_dim3A_194 : i32 to vector<16xi32>
      %gather3A_196 = tpu.vector_load_idx %arg12[%broadcast_in_dim3A_195, %get3A_173] : memref<4x10000xf32, #tpu.memory_space<vmem>>[vector<16xi32>, vector<16xi32>], vector<16xf32>,
      %mul3A_197 = arith.mulf %gather3A_196, %get3A_181 : vector<16xf32>
      tpu.vector_store_idx %arg13[%broadcast_in_dim3A_195, %get3A_177], %mul3A_197 {add = true} : memref<4x10000xf32, #tpu.memory_space<vmem>>[vector<16xi32>, vector<16xi32>], vector<16xf32>,
      %scan3A_198 = arith.constant 3 : i32
      %scan3A_199 = arith.addi %scan3A_111, %scan3A_198 : i32
      %mul3A_200 = arith.constant 16 : i32
      %mul3A_201 = arith.muli %scan3A_199, %mul3A_200 : i32
      %get3A_202 = arith.index_cast %mul3A_201 : i32 to index
      %get3A_203 = tpu.vector_load %arg9[%get3A_202] {strides = array<i32>} : memref<10240xi32, #tpu.memory_space<vmem>>, vector<16xi32>,
      %mul3A_204 = arith.constant 16 : i32
      %mul3A_205 = arith.muli %scan3A_199, %mul3A_204 : i32
      %get3A_206 = arith.index_cast %mul3A_205 : i32 to index
      %get3A_207 = tpu.vector_load %arg10[%get3A_206] {strides = array<i32>} : memref<10240xi32, #tpu.memory_space<vmem>>, vector<16xi32>,
      %mul3A_208 = arith.constant 16 : i32
      %mul3A_209 = arith.muli %scan3A_199, %mul3A_208 : i32
      %get3A_210 = arith.index_cast %mul3A_209 : i32 to index
      %get3A_211 = tpu.vector_load %arg11[%get3A_210] {strides = array<i32>} : memref<10240xf32, #tpu.memory_space<vmem>>, vector<16xf32>,
      %broadcast_in_dim3A_212 = arith.constant 0 : i32
      %broadcast_in_dim3A_213 = vector.broadcast %broadcast_in_dim3A_212 : i32 to vector<16xi32>
      %gather3A_214 = tpu.vector_load_idx %arg12[%broadcast_in_dim3A_213, %get3A_203] : memref<4x10000xf32, #tpu.memory_space<vmem>>[vector<16xi32>, vector<16xi32>], vector<16xf32>,
      %mul3A_215 = arith.mulf %gather3A_214, %get3A_211 : vector<16xf32>
      tpu.vector_store_idx %arg13[%broadcast_in_dim3A_213, %get3A_207], %mul3A_215 {add = true} : memref<4x10000xf32, #tpu.memory_space<vmem>>[vector<16xi32>, vector<16xi32>], vector<16xf32>,
      %broadcast_in_dim3A_216 = arith.constant 1 : i32
      %broadcast_in_dim3A_217 = vector.broadcast %broadcast_in_dim3A_216 : i32 to vector<16xi32>
      %gather3A_218 = tpu.vector_load_idx %arg12[%broadcast_in_dim3A_217, %get3A_203] : memref<4x10000xf32, #tpu.memory_space<vmem>>[vector<16xi32>, vector<16xi32>], vector<16xf32>,
      %mul3A_219 = arith.mulf %gather3A_218, %get3A_211 : vector<16xf32>
      tpu.vector_store_idx %arg13[%broadcast_in_dim3A_217, %get3A_207], %mul3A_219 {add = true} : memref<4x10000xf32, #tpu.memory_space<vmem>>[vector<16xi32>, vector<16xi32>], vector<16xf32>,
      %broadcast_in_dim3A_220 = arith.constant 2 : i32
      %broadcast_in_dim3A_221 = vector.broadcast %broadcast_in_dim3A_220 : i32 to vector<16xi32>
      %gather3A_222 = tpu.vector_load_idx %arg12[%broadcast_in_dim3A_221, %get3A_203] : memref<4x10000xf32, #tpu.memory_space<vmem>>[vector<16xi32>, vector<16xi32>], vector<16xf32>,
      %mul3A_223 = arith.mulf %gather3A_222, %get3A_211 : vector<16xf32>
      tpu.vector_store_idx %arg13[%broadcast_in_dim3A_221, %get3A_207], %mul3A_223 {add = true} : memref<4x10000xf32, #tpu.memory_space<vmem>>[vector<16xi32>, vector<16xi32>], vector<16xf32>,
      %broadcast_in_dim3A_224 = arith.constant 3 : i32
      %broadcast_in_dim3A_225 = vector.broadcast %broadcast_in_dim3A_224 : i32 to vector<16xi32>
      %gather3A_226 = tpu.vector_load_idx %arg12[%broadcast_in_dim3A_225, %get3A_203] : memref<4x10000xf32, #tpu.memory_space<vmem>>[vector<16xi32>, vector<16xi32>], vector<16xf32>,
      %mul3A_227 = arith.mulf %gather3A_226, %get3A_211 : vector<16xf32>
      tpu.vector_store_idx %arg13[%broadcast_in_dim3A_225, %get3A_207], %mul3A_227 {add = true} : memref<4x10000xf32, #tpu.memory_space<vmem>>[vector<16xi32>, vector<16xi32>], vector<16xf32>,
    }
    %scan3A_42 = arith.constant 640 : i32
    %run_scoped3A_43 = arith.constant 0 : i32
    %run_scoped3A_44 = arith.constant 0 : i32
    "tpu.region"() ({
      %run_scoped3A_111 = tpu.sem_alloc : memref<!tpu.dma_semaphore, #tpu.memory_space<semaphore_mem>>
      %dma_start3A = arith.constant 0 : i32
      %dma_start3A_112 = tpu.memref_slice %arg13[%run_scoped3A_43, %dma_start3A] : memref<4x10000xf32, #tpu.memory_space<vmem>> -> memref<1x10000xf32, #tpu.memory_space<vmem>>
      %dma_start3A_113 = tpu.memref_squeeze %dma_start3A_112 : memref<1x10000xf32, #tpu.memory_space<vmem>> -> memref<10000xf32, #tpu.memory_space<vmem>>
      %dma_start3A_114 = tpu.memref_slice %arg7[%run_scoped3A_44, %multiple_of3A_30] : memref<16x320000xf32, #tpu.memory_space<hbm>> -> memref<1x10000xf32, #tpu.memory_space<hbm>>
      %dma_start3A_115 = tpu.memref_squeeze %dma_start3A_114 : memref<1x10000xf32, #tpu.memory_space<hbm>> -> memref<10000xf32, #tpu.memory_space<hbm>>
      %dma_start3A_116 = tpu.memref_slice %arg7[%run_scoped3A_44, %multiple_of3A_30] : memref<16x320000xf32, #tpu.memory_space<hbm>> -> memref<1x10000xf32, #tpu.memory_space<hbm>>
      %dma_start3A_117 = tpu.memref_squeeze %dma_start3A_116 : memref<1x10000xf32, #tpu.memory_space<hbm>> -> memref<10000xf32, #tpu.memory_space<hbm>>
      %dma_start3A_118 = arith.constant 0 : i32
      %dma_start3A_119 = tpu.memref_slice %arg13[%run_scoped3A_43, %dma_start3A_118] : memref<4x10000xf32, #tpu.memory_space<vmem>> -> memref<1x10000xf32, #tpu.memory_space<vmem>>
      %dma_start3A_120 = tpu.memref_squeeze %dma_start3A_119 : memref<1x10000xf32, #tpu.memory_space<vmem>> -> memref<10000xf32, #tpu.memory_space<vmem>>
      tpu.enqueue_dma source(%dma_start3A_120 : memref<10000xf32, #tpu.memory_space<vmem>>) target(%dma_start3A_117 : memref<10000xf32, #tpu.memory_space<hbm>>) target_semaphore(%run_scoped3A_111 : memref<!tpu.dma_semaphore, #tpu.memory_space<semaphore_mem>>)
      %dma_wait3A = arith.constant 0 : i32
      %dma_wait3A_121 = tpu.memref_slice %arg13[%run_scoped3A_43, %dma_wait3A] : memref<4x10000xf32, #tpu.memory_space<vmem>> -> memref<1x10000xf32, #tpu.memory_space<vmem>>
      %dma_wait3A_122 = tpu.memref_squeeze %dma_wait3A_121 : memref<1x10000xf32, #tpu.memory_space<vmem>> -> memref<10000xf32, #tpu.memory_space<vmem>>
      %dma_wait3A_123 = tpu.memref_slice %arg7[%run_scoped3A_44, %multiple_of3A_30] : memref<16x320000xf32, #tpu.memory_space<hbm>> -> memref<1x10000xf32, #tpu.memory_space<hbm>>
      %dma_wait3A_124 = tpu.memref_squeeze %dma_wait3A_123 : memref<1x10000xf32, #tpu.memory_space<hbm>> -> memref<10000xf32, #tpu.memory_space<hbm>>
      %dma_wait3A_125 = tpu.memref_slice %arg7[%run_scoped3A_44, %multiple_of3A_30] : memref<16x320000xf32, #tpu.memory_space<hbm>> -> memref<1x10000xf32, #tpu.memory_space<hbm>>
      %dma_wait3A_126 = tpu.memref_squeeze %dma_wait3A_125 : memref<1x10000xf32, #tpu.memory_space<hbm>> -> memref<10000xf32, #tpu.memory_space<hbm>>
      %dma_wait3A_127 = arith.constant 0 : i32
      %dma_wait3A_128 = tpu.memref_slice %arg13[%run_scoped3A_43, %dma_wait3A_127] : memref<4x10000xf32, #tpu.memory_space<vmem>> -> memref<1x10000xf32, #tpu.memory_space<vmem>>
      %dma_wait3A_129 = tpu.memref_squeeze %dma_wait3A_128 : memref<1x10000xf32, #tpu.memory_space<vmem>> -> memref<10000xf32, #tpu.memory_space<vmem>>
      tpu.wait_dma2 semaphore(%run_scoped3A_111 : memref<!tpu.dma_semaphore, #tpu.memory_space<semaphore_mem>>) src(%dma_wait3A_129 : memref<10000xf32, #tpu.memory_space<vmem>>) dst(%dma_wait3A_126 : memref<10000xf32, #tpu.memory_space<hbm>>)
      tpu.yield
    }) : () -> ()
    %run_scoped3A_45 = arith.constant 1 : i32
    %run_scoped3A_46 = arith.constant 1 : i32
    "tpu.region"() ({
      %run_scoped3A_111 = tpu.sem_alloc : memref<!tpu.dma_semaphore, #tpu.memory_space<semaphore_mem>>
      %dma_start3A = arith.constant 0 : i32
      %dma_start3A_112 = tpu.memref_slice %arg13[%run_scoped3A_45, %dma_start3A] : memref<4x10000xf32, #tpu.memory_space<vmem>> -> memref<1x10000xf32, #tpu.memory_space<vmem>>
      %dma_start3A_113 = tpu.memref_squeeze %dma_start3A_112 : memref<1x10000xf32, #tpu.memory_space<vmem>> -> memref<10000xf32, #tpu.memory_space<vmem>>
      %dma_start3A_114 = tpu.memref_slice %arg7[%run_scoped3A_46, %multiple_of3A_30] : memref<16x320000xf32, #tpu.memory_space<hbm>> -> memref<1x10000xf32, #tpu.memory_space<hbm>>
      %dma_start3A_115 = tpu.memref_squeeze %dma_start3A_114 : memref<1x10000xf32, #tpu.memory_space<hbm>> -> memref<10000xf32, #tpu.memory_space<hbm>>
      %dma_start3A_116 = tpu.memref_slice %arg7[%run_scoped3A_46, %multiple_of3A_30] : memref<16x320000xf32, #tpu.memory_space<hbm>> -> memref<1x10000xf32, #tpu.memory_space<hbm>>
      %dma_start3A_117 = tpu.memref_squeeze %dma_start3A_116 : memref<1x10000xf32, #tpu.memory_space<hbm>> -> memref<10000xf32, #tpu.memory_space<hbm>>
      %dma_start3A_118 = arith.constant 0 : i32
      %dma_start3A_119 = tpu.memref_slice %arg13[%run_scoped3A_45, %dma_start3A_118] : memref<4x10000xf32, #tpu.memory_space<vmem>> -> memref<1x10000xf32, #tpu.memory_space<vmem>>
      %dma_start3A_120 = tpu.memref_squeeze %dma_start3A_119 : memref<1x10000xf32, #tpu.memory_space<vmem>> -> memref<10000xf32, #tpu.memory_space<vmem>>
      tpu.enqueue_dma source(%dma_start3A_120 : memref<10000xf32, #tpu.memory_space<vmem>>) target(%dma_start3A_117 : memref<10000xf32, #tpu.memory_space<hbm>>) target_semaphore(%run_scoped3A_111 : memref<!tpu.dma_semaphore, #tpu.memory_space<semaphore_mem>>)
      %dma_wait3A = arith.constant 0 : i32
      %dma_wait3A_121 = tpu.memref_slice %arg13[%run_scoped3A_45, %dma_wait3A] : memref<4x10000xf32, #tpu.memory_space<vmem>> -> memref<1x10000xf32, #tpu.memory_space<vmem>>
      %dma_wait3A_122 = tpu.memref_squeeze %dma_wait3A_121 : memref<1x10000xf32, #tpu.memory_space<vmem>> -> memref<10000xf32, #tpu.memory_space<vmem>>
      %dma_wait3A_123 = tpu.memref_slice %arg7[%run_scoped3A_46, %multiple_of3A_30] : memref<16x320000xf32, #tpu.memory_space<hbm>> -> memref<1x10000xf32, #tpu.memory_space<hbm>>
      %dma_wait3A_124 = tpu.memref_squeeze %dma_wait3A_123 : memref<1x10000xf32, #tpu.memory_space<hbm>> -> memref<10000xf32, #tpu.memory_space<hbm>>
      %dma_wait3A_125 = tpu.memref_slice %arg7[%run_scoped3A_46, %multiple_of3A_30] : memref<16x320000xf32, #tpu.memory_space<hbm>> -> memref<1x10000xf32, #tpu.memory_space<hbm>>
      %dma_wait3A_126 = tpu.memref_squeeze %dma_wait3A_125 : memref<1x10000xf32, #tpu.memory_space<hbm>> -> memref<10000xf32, #tpu.memory_space<hbm>>
      %dma_wait3A_127 = arith.constant 0 : i32
      %dma_wait3A_128 = tpu.memref_slice %arg13[%run_scoped3A_45, %dma_wait3A_127] : memref<4x10000xf32, #tpu.memory_space<vmem>> -> memref<1x10000xf32, #tpu.memory_space<vmem>>
      %dma_wait3A_129 = tpu.memref_squeeze %dma_wait3A_128 : memref<1x10000xf32, #tpu.memory_space<vmem>> -> memref<10000xf32, #tpu.memory_space<vmem>>
      tpu.wait_dma2 semaphore(%run_scoped3A_111 : memref<!tpu.dma_semaphore, #tpu.memory_space<semaphore_mem>>) src(%dma_wait3A_129 : memref<10000xf32, #tpu.memory_space<vmem>>) dst(%dma_wait3A_126 : memref<10000xf32, #tpu.memory_space<hbm>>)
      tpu.yield
    }) : () -> ()
    %run_scoped3A_47 = arith.constant 2 : i32
    %run_scoped3A_48 = arith.constant 2 : i32
    "tpu.region"() ({
      %run_scoped3A_111 = tpu.sem_alloc : memref<!tpu.dma_semaphore, #tpu.memory_space<semaphore_mem>>
      %dma_start3A = arith.constant 0 : i32
      %dma_start3A_112 = tpu.memref_slice %arg13[%run_scoped3A_47, %dma_start3A] : memref<4x10000xf32, #tpu.memory_space<vmem>> -> memref<1x10000xf32, #tpu.memory_space<vmem>>
      %dma_start3A_113 = tpu.memref_squeeze %dma_start3A_112 : memref<1x10000xf32, #tpu.memory_space<vmem>> -> memref<10000xf32, #tpu.memory_space<vmem>>
      %dma_start3A_114 = tpu.memref_slice %arg7[%run_scoped3A_48, %multiple_of3A_30] : memref<16x320000xf32, #tpu.memory_space<hbm>> -> memref<1x10000xf32, #tpu.memory_space<hbm>>
      %dma_start3A_115 = tpu.memref_squeeze %dma_start3A_114 : memref<1x10000xf32, #tpu.memory_space<hbm>> -> memref<10000xf32, #tpu.memory_space<hbm>>
      %dma_start3A_116 = tpu.memref_slice %arg7[%run_scoped3A_48, %multiple_of3A_30] : memref<16x320000xf32, #tpu.memory_space<hbm>> -> memref<1x10000xf32, #tpu.memory_space<hbm>>
      %dma_start3A_117 = tpu.memref_squeeze %dma_start3A_116 : memref<1x10000xf32, #tpu.memory_space<hbm>> -> memref<10000xf32, #tpu.memory_space<hbm>>
      %dma_start3A_118 = arith.constant 0 : i32
      %dma_start3A_119 = tpu.memref_slice %arg13[%run_scoped3A_47, %dma_start3A_118] : memref<4x10000xf32, #tpu.memory_space<vmem>> -> memref<1x10000xf32, #tpu.memory_space<vmem>>
      %dma_start3A_120 = tpu.memref_squeeze %dma_start3A_119 : memref<1x10000xf32, #tpu.memory_space<vmem>> -> memref<10000xf32, #tpu.memory_space<vmem>>
      tpu.enqueue_dma source(%dma_start3A_120 : memref<10000xf32, #tpu.memory_space<vmem>>) target(%dma_start3A_117 : memref<10000xf32, #tpu.memory_space<hbm>>) target_semaphore(%run_scoped3A_111 : memref<!tpu.dma_semaphore, #tpu.memory_space<semaphore_mem>>)
      %dma_wait3A = arith.constant 0 : i32
      %dma_wait3A_121 = tpu.memref_slice %arg13[%run_scoped3A_47, %dma_wait3A] : memref<4x10000xf32, #tpu.memory_space<vmem>> -> memref<1x10000xf32, #tpu.memory_space<vmem>>
      %dma_wait3A_122 = tpu.memref_squeeze %dma_wait3A_121 : memref<1x10000xf32, #tpu.memory_space<vmem>> -> memref<10000xf32, #tpu.memory_space<vmem>>
      %dma_wait3A_123 = tpu.memref_slice %arg7[%run_scoped3A_48, %multiple_of3A_30] : memref<16x320000xf32, #tpu.memory_space<hbm>> -> memref<1x10000xf32, #tpu.memory_space<hbm>>
      %dma_wait3A_124 = tpu.memref_squeeze %dma_wait3A_123 : memref<1x10000xf32, #tpu.memory_space<hbm>> -> memref<10000xf32, #tpu.memory_space<hbm>>
      %dma_wait3A_125 = tpu.memref_slice %arg7[%run_scoped3A_48, %multiple_of3A_30] : memref<16x320000xf32, #tpu.memory_space<hbm>> -> memref<1x10000xf32, #tpu.memory_space<hbm>>
      %dma_wait3A_126 = tpu.memref_squeeze %dma_wait3A_125 : memref<1x10000xf32, #tpu.memory_space<hbm>> -> memref<10000xf32, #tpu.memory_space<hbm>>
      %dma_wait3A_127 = arith.constant 0 : i32
      %dma_wait3A_128 = tpu.memref_slice %arg13[%run_scoped3A_47, %dma_wait3A_127] : memref<4x10000xf32, #tpu.memory_space<vmem>> -> memref<1x10000xf32, #tpu.memory_space<vmem>>
      %dma_wait3A_129 = tpu.memref_squeeze %dma_wait3A_128 : memref<1x10000xf32, #tpu.memory_space<vmem>> -> memref<10000xf32, #tpu.memory_space<vmem>>
      tpu.wait_dma2 semaphore(%run_scoped3A_111 : memref<!tpu.dma_semaphore, #tpu.memory_space<semaphore_mem>>) src(%dma_wait3A_129 : memref<10000xf32, #tpu.memory_space<vmem>>) dst(%dma_wait3A_126 : memref<10000xf32, #tpu.memory_space<hbm>>)
      tpu.yield
    }) : () -> ()
    %run_scoped3A_49 = arith.constant 3 : i32
    %run_scoped3A_50 = arith.constant 3 : i32
    "tpu.region"() ({
      %run_scoped3A_111 = tpu.sem_alloc : memref<!tpu.dma_semaphore, #tpu.memory_space<semaphore_mem>>
      %dma_start3A = arith.constant 0 : i32
      %dma_start3A_112 = tpu.memref_slice %arg13[%run_scoped3A_49, %dma_start3A] : memref<4x10000xf32, #tpu.memory_space<vmem>> -> memref<1x10000xf32, #tpu.memory_space<vmem>>
      %dma_start3A_113 = tpu.memref_squeeze %dma_start3A_112 : memref<1x10000xf32, #tpu.memory_space<vmem>> -> memref<10000xf32, #tpu.memory_space<vmem>>
      %dma_start3A_114 = tpu.memref_slice %arg7[%run_scoped3A_50, %multiple_of3A_30] : memref<16x320000xf32, #tpu.memory_space<hbm>> -> memref<1x10000xf32, #tpu.memory_space<hbm>>
      %dma_start3A_115 = tpu.memref_squeeze %dma_start3A_114 : memref<1x10000xf32, #tpu.memory_space<hbm>> -> memref<10000xf32, #tpu.memory_space<hbm>>
      %dma_start3A_116 = tpu.memref_slice %arg7[%run_scoped3A_50, %multiple_of3A_30] : memref<16x320000xf32, #tpu.memory_space<hbm>> -> memref<1x10000xf32, #tpu.memory_space<hbm>>
      %dma_start3A_117 = tpu.memref_squeeze %dma_start3A_116 : memref<1x10000xf32, #tpu.memory_space<hbm>> -> memref<10000xf32, #tpu.memory_space<hbm>>
      %dma_start3A_118 = arith.constant 0 : i32
      %dma_start3A_119 = tpu.memref_slice %arg13[%run_scoped3A_49, %dma_start3A_118] : memref<4x10000xf32, #tpu.memory_space<vmem>> -> memref<1x10000xf32, #tpu.memory_space<vmem>>
      %dma_start3A_120 = tpu.memref_squeeze %dma_start3A_119 : memref<1x10000xf32, #tpu.memory_space<vmem>> -> memref<10000xf32, #tpu.memory_space<vmem>>
      tpu.enqueue_dma source(%dma_start3A_120 : memref<10000xf32, #tpu.memory_space<vmem>>) target(%dma_start3A_117 : memref<10000xf32, #tpu.memory_space<hbm>>) target_semaphore(%run_scoped3A_111 : memref<!tpu.dma_semaphore, #tpu.memory_space<semaphore_mem>>)
      %dma_wait3A = arith.constant 0 : i32
      %dma_wait3A_121 = tpu.memref_slice %arg13[%run_scoped3A_49, %dma_wait3A] : memref<4x10000xf32, #tpu.memory_space<vmem>> -> memref<1x10000xf32, #tpu.memory_space<vmem>>
      %dma_wait3A_122 = tpu.memref_squeeze %dma_wait3A_121 : memref<1x10000xf32, #tpu.memory_space<vmem>> -> memref<10000xf32, #tpu.memory_space<vmem>>
      %dma_wait3A_123 = tpu.memref_slice %arg7[%run_scoped3A_50, %multiple_of3A_30] : memref<16x320000xf32, #tpu.memory_space<hbm>> -> memref<1x10000xf32, #tpu.memory_space<hbm>>
      %dma_wait3A_124 = tpu.memref_squeeze %dma_wait3A_123 : memref<1x10000xf32, #tpu.memory_space<hbm>> -> memref<10000xf32, #tpu.memory_space<hbm>>
      %dma_wait3A_125 = tpu.memref_slice %arg7[%run_scoped3A_50, %multiple_of3A_30] : memref<16x320000xf32, #tpu.memory_space<hbm>> -> memref<1x10000xf32, #tpu.memory_space<hbm>>
      %dma_wait3A_126 = tpu.memref_squeeze %dma_wait3A_125 : memref<1x10000xf32, #tpu.memory_space<hbm>> -> memref<10000xf32, #tpu.memory_space<hbm>>
      %dma_wait3A_127 = arith.constant 0 : i32
      %dma_wait3A_128 = tpu.memref_slice %arg13[%run_scoped3A_49, %dma_wait3A_127] : memref<4x10000xf32, #tpu.memory_space<vmem>> -> memref<1x10000xf32, #tpu.memory_space<vmem>>
      %dma_wait3A_129 = tpu.memref_squeeze %dma_wait3A_128 : memref<1x10000xf32, #tpu.memory_space<vmem>> -> memref<10000xf32, #tpu.memory_space<vmem>>
      tpu.wait_dma2 semaphore(%run_scoped3A_111 : memref<!tpu.dma_semaphore, #tpu.memory_space<semaphore_mem>>) src(%dma_wait3A_129 : memref<10000xf32, #tpu.memory_space<vmem>>) dst(%dma_wait3A_126 : memref<10000xf32, #tpu.memory_space<hbm>>)
      tpu.yield
    }) : () -> ()
    "tpu.region"() ({
      %run_scoped3A_111 = tpu.sem_alloc : memref<!tpu.dma_semaphore, #tpu.memory_space<semaphore_mem>>
      %dma_start3A = arith.constant 4 : i32
      %dma_start3A_112 = arith.constant 0 : i32
      %dma_start3A_113 = tpu.memref_slice %arg6[%dma_start3A, %dma_start3A_112] : memref<16x10000xf32, #tpu.memory_space<hbm>> -> memref<4x10000xf32, #tpu.memory_space<hbm>>
      %dma_start3A_114 = arith.constant 4 : i32
      %dma_start3A_115 = arith.constant 0 : i32
      %dma_start3A_116 = tpu.memref_slice %arg6[%dma_start3A_114, %dma_start3A_115] : memref<16x10000xf32, #tpu.memory_space<hbm>> -> memref<4x10000xf32, #tpu.memory_space<hbm>>
      tpu.enqueue_dma source(%dma_start3A_116 : memref<4x10000xf32, #tpu.memory_space<hbm>>) target(%arg12 : memref<4x10000xf32, #tpu.memory_space<vmem>>) target_semaphore(%run_scoped3A_111 : memref<!tpu.dma_semaphore, #tpu.memory_space<semaphore_mem>>)
      %dma_wait3A = arith.constant 4 : i32
      %dma_wait3A_117 = arith.constant 0 : i32
      %dma_wait3A_118 = tpu.memref_slice %arg6[%dma_wait3A, %dma_wait3A_117] : memref<16x10000xf32, #tpu.memory_space<hbm>> -> memref<4x10000xf32, #tpu.memory_space<hbm>>
      %dma_wait3A_119 = arith.constant 4 : i32
      %dma_wait3A_120 = arith.constant 0 : i32
      %dma_wait3A_121 = tpu.memref_slice %arg6[%dma_wait3A_119, %dma_wait3A_120] : memref<16x10000xf32, #tpu.memory_space<hbm>> -> memref<4x10000xf32, #tpu.memory_space<hbm>>
      tpu.wait_dma2 semaphore(%run_scoped3A_111 : memref<!tpu.dma_semaphore, #tpu.memory_space<semaphore_mem>>) src(%dma_wait3A_121 : memref<4x10000xf32, #tpu.memory_space<hbm>>) dst(%arg12 : memref<4x10000xf32, #tpu.memory_space<vmem>>)
      tpu.yield
    }) : () -> ()
    %scan3A_51 = arith.constant 0 : i32
    %scan3A_52 = arith.constant 0 : i32
    %scan3A_53 = arith.constant 2500 : i32
    %scan3A_54 = arith.addi %scan3A_52, %scan3A_53 : i32
    %scan3A_55 = arith.constant 1 : i32
    scf.for %scan3A_111 = %scan3A_52 to %scan3A_54 step %scan3A_55  : i32 {
      %jit3A = arith.constant 4 : i32
      %eq3A = arith.constant 0 : i32
      %eq3A_112 = arith.cmpi eq, %jit3A, %eq3A : i32
      %jit3A_113 = arith.constant 1 : i32
      %select_n3A = arith.select %eq3A_112, %jit3A_113, %jit3A : i32
      %rem3A = arith.remsi %scan3A_111, %select_n3A : i32
      %ne3A = arith.constant 0 : i32
      %ne3A_114 = arith.cmpi ne, %rem3A, %ne3A : i32
      %lt3A = arith.constant 0 : i32
      %lt3A_115 = arith.cmpi slt, %rem3A, %lt3A : i32
      %lt3A_116 = arith.constant 0 : i32
      %lt3A_117 = arith.cmpi slt, %select_n3A, %lt3A_116 : i32
      %ne3A_118 = arith.xori %lt3A_115, %lt3A_117 : i1
      %and3A = arith.andi %ne3A_118, %ne3A_114 : i1
      %add3A_119 = arith.addi %rem3A, %select_n3A : i32
      %select_n3A_120 = arith.select %and3A, %add3A_119, %rem3A : i32
      %jit3A_121 = arith.constant 4 : i32
      %div3A = arith.divsi %scan3A_111, %jit3A_121 : i32
      %sign3A = arith.constant 0 : i32
      %sign3A_122 = arith.cmpi sgt, %scan3A_111, %sign3A : i32
      %sign3A_123 = arith.extui %sign3A_122 : i1 to i32
      %sign3A_124 = arith.constant 0 : i32
      %sign3A_125 = arith.cmpi slt, %scan3A_111, %sign3A_124 : i32
      %sign3A_126 = arith.extui %sign3A_125 : i1 to i32
      %sign3A_127 = arith.subi %sign3A_123, %sign3A_126 : i32
      %sign3A_128 = arith.constant 0 : i32
      %sign3A_129 = arith.cmpi sgt, %jit3A_121, %sign3A_128 : i32
      %sign3A_130 = arith.extui %sign3A_129 : i1 to i32
      %sign3A_131 = arith.constant 0 : i32
      %sign3A_132 = arith.cmpi slt, %jit3A_121, %sign3A_131 : i32
      %sign3A_133 = arith.extui %sign3A_132 : i1 to i32
      %sign3A_134 = arith.subi %sign3A_130, %sign3A_133 : i32
      %ne3A_135 = arith.cmpi ne, %sign3A_127, %sign3A_134 : i32
      %rem3A_136 = arith.remsi %scan3A_111, %jit3A_121 : i32
      %ne3A_137 = arith.constant 0 : i32
      %ne3A_138 = arith.cmpi ne, %rem3A_136, %ne3A_137 : i32
      %and3A_139 = arith.andi %ne3A_135, %ne3A_138 : i1
      %sub3A = arith.constant 1 : i32
      %sub3A_140 = arith.subi %div3A, %sub3A : i32
      %select_n3A_141 = arith.select %and3A_139, %sub3A_140, %div3A : i32
      %mul3A_142 = arith.constant 16 : i32
      %mul3A_143 = arith.muli %select_n3A_141, %mul3A_142 : i32
      %swap3A = arith.index_cast %select_n3A_120 : i32 to index
      %swap3A_144 = arith.index_cast %mul3A_143 : i32 to index
      %swap3A_145 = tpu.vector_load %arg13[%swap3A, %swap3A_144] {strides = array<i32>} : memref<4x10000xf32, #tpu.memory_space<vmem>>, vector<16xf32>,
      tpu.vector_store %arg13[%swap3A, %swap3A_144], %broadcast_in_dim3A_4 {strides = array<i32>} : memref<4x10000xf32, #tpu.memory_space<vmem>>, vector<16xf32>,
    }
    %scan3A_56 = arith.constant 2500 : i32
    %scan3A_57 = arith.constant 0 : i32
    %scan3A_58 = arith.constant 0 : i32
    %scan3A_59 = arith.constant 640 : i32
    %scan3A_60 = arith.addi %scan3A_58, %scan3A_59 : i32
    %scan3A_61 = arith.constant 4 : i32
    scf.for %scan3A_111 = %scan3A_58 to %scan3A_60 step %scan3A_61  : i32 {
      %mul3A_112 = arith.constant 16 : i32
      %mul3A_113 = arith.muli %scan3A_111, %mul3A_112 : i32
      %get3A = arith.index_cast %mul3A_113 : i32 to index
      %get3A_114 = tpu.vector_load %arg9[%get3A] {strides = array<i32>} : memref<10240xi32, #tpu.memory_space<vmem>>, vector<16xi32>,
      %mul3A_115 = arith.constant 16 : i32
      %mul3A_116 = arith.muli %scan3A_111, %mul3A_115 : i32
      %get3A_117 = arith.index_cast %mul3A_116 : i32 to index
      %get3A_118 = tpu.vector_load %arg10[%get3A_117] {strides = array<i32>} : memref<10240xi32, #tpu.memory_space<vmem>>, vector<16xi32>,
      %mul3A_119 = arith.constant 16 : i32
      %mul3A_120 = arith.muli %scan3A_111, %mul3A_119 : i32
      %get3A_121 = arith.index_cast %mul3A_120 : i32 to index
      %get3A_122 = tpu.vector_load %arg11[%get3A_121] {strides = array<i32>} : memref<10240xf32, #tpu.memory_space<vmem>>, vector<16xf32>,
      %broadcast_in_dim3A_123 = arith.constant 0 : i32
      %broadcast_in_dim3A_124 = vector.broadcast %broadcast_in_dim3A_123 : i32 to vector<16xi32>
      %gather3A = tpu.vector_load_idx %arg12[%broadcast_in_dim3A_124, %get3A_114] : memref<4x10000xf32, #tpu.memory_space<vmem>>[vector<16xi32>, vector<16xi32>], vector<16xf32>,
      %mul3A_125 = arith.mulf %gather3A, %get3A_122 : vector<16xf32>
      tpu.vector_store_idx %arg13[%broadcast_in_dim3A_124, %get3A_118], %mul3A_125 {add = true} : memref<4x10000xf32, #tpu.memory_space<vmem>>[vector<16xi32>, vector<16xi32>], vector<16xf32>,
      %broadcast_in_dim3A_126 = arith.constant 1 : i32
      %broadcast_in_dim3A_127 = vector.broadcast %broadcast_in_dim3A_126 : i32 to vector<16xi32>
      %gather3A_128 = tpu.vector_load_idx %arg12[%broadcast_in_dim3A_127, %get3A_114] : memref<4x10000xf32, #tpu.memory_space<vmem>>[vector<16xi32>, vector<16xi32>], vector<16xf32>,
      %mul3A_129 = arith.mulf %gather3A_128, %get3A_122 : vector<16xf32>
      tpu.vector_store_idx %arg13[%broadcast_in_dim3A_127, %get3A_118], %mul3A_129 {add = true} : memref<4x10000xf32, #tpu.memory_space<vmem>>[vector<16xi32>, vector<16xi32>], vector<16xf32>,
      %broadcast_in_dim3A_130 = arith.constant 2 : i32
      %broadcast_in_dim3A_131 = vector.broadcast %broadcast_in_dim3A_130 : i32 to vector<16xi32>
      %gather3A_132 = tpu.vector_load_idx %arg12[%broadcast_in_dim3A_131, %get3A_114] : memref<4x10000xf32, #tpu.memory_space<vmem>>[vector<16xi32>, vector<16xi32>], vector<16xf32>,
      %mul3A_133 = arith.mulf %gather3A_132, %get3A_122 : vector<16xf32>
      tpu.vector_store_idx %arg13[%broadcast_in_dim3A_131, %get3A_118], %mul3A_133 {add = true} : memref<4x10000xf32, #tpu.memory_space<vmem>>[vector<16xi32>, vector<16xi32>], vector<16xf32>,
      %broadcast_in_dim3A_134 = arith.constant 3 : i32
      %broadcast_in_dim3A_135 = vector.broadcast %broadcast_in_dim3A_134 : i32 to vector<16xi32>
      %gather3A_136 = tpu.vector_load_idx %arg12[%broadcast_in_dim3A_135, %get3A_114] : memref<4x10000xf32, #tpu.memory_space<vmem>>[vector<16xi32>, vector<16xi32>], vector<16xf32>,
      %mul3A_137 = arith.mulf %gather3A_136, %get3A_122 : vector<16xf32>
      tpu.vector_store_idx %arg13[%broadcast_in_dim3A_135, %get3A_118], %mul3A_137 {add = true} : memref<4x10000xf32, #tpu.memory_space<vmem>>[vector<16xi32>, vector<16xi32>], vector<16xf32>,
      %scan3A_138 = arith.constant 1 : i32
      %scan3A_139 = arith.addi %scan3A_111, %scan3A_138 : i32
      %mul3A_140 = arith.constant 16 : i32
      %mul3A_141 = arith.muli %scan3A_139, %mul3A_140 : i32
      %get3A_142 = arith.index_cast %mul3A_141 : i32 to index
      %get3A_143 = tpu.vector_load %arg9[%get3A_142] {strides = array<i32>} : memref<10240xi32, #tpu.memory_space<vmem>>, vector<16xi32>,
      %mul3A_144 = arith.constant 16 : i32
      %mul3A_145 = arith.muli %scan3A_139, %mul3A_144 : i32
      %get3A_146 = arith.index_cast %mul3A_145 : i32 to index
      %get3A_147 = tpu.vector_load %arg10[%get3A_146] {strides = array<i32>} : memref<10240xi32, #tpu.memory_space<vmem>>, vector<16xi32>,
      %mul3A_148 = arith.constant 16 : i32
      %mul3A_149 = arith.muli %scan3A_139, %mul3A_148 : i32
      %get3A_150 = arith.index_cast %mul3A_149 : i32 to index
      %get3A_151 = tpu.vector_load %arg11[%get3A_150] {strides = array<i32>} : memref<10240xf32, #tpu.memory_space<vmem>>, vector<16xf32>,
      %broadcast_in_dim3A_152 = arith.constant 0 : i32
      %broadcast_in_dim3A_153 = vector.broadcast %broadcast_in_dim3A_152 : i32 to vector<16xi32>
      %gather3A_154 = tpu.vector_load_idx %arg12[%broadcast_in_dim3A_153, %get3A_143] : memref<4x10000xf32, #tpu.memory_space<vmem>>[vector<16xi32>, vector<16xi32>], vector<16xf32>,
      %mul3A_155 = arith.mulf %gather3A_154, %get3A_151 : vector<16xf32>
      tpu.vector_store_idx %arg13[%broadcast_in_dim3A_153, %get3A_147], %mul3A_155 {add = true} : memref<4x10000xf32, #tpu.memory_space<vmem>>[vector<16xi32>, vector<16xi32>], vector<16xf32>,
      %broadcast_in_dim3A_156 = arith.constant 1 : i32
      %broadcast_in_dim3A_157 = vector.broadcast %broadcast_in_dim3A_156 : i32 to vector<16xi32>
      %gather3A_158 = tpu.vector_load_idx %arg12[%broadcast_in_dim3A_157, %get3A_143] : memref<4x10000xf32, #tpu.memory_space<vmem>>[vector<16xi32>, vector<16xi32>], vector<16xf32>,
      %mul3A_159 = arith.mulf %gather3A_158, %get3A_151 : vector<16xf32>
      tpu.vector_store_idx %arg13[%broadcast_in_dim3A_157, %get3A_147], %mul3A_159 {add = true} : memref<4x10000xf32, #tpu.memory_space<vmem>>[vector<16xi32>, vector<16xi32>], vector<16xf32>,
      %broadcast_in_dim3A_160 = arith.constant 2 : i32
      %broadcast_in_dim3A_161 = vector.broadcast %broadcast_in_dim3A_160 : i32 to vector<16xi32>
      %gather3A_162 = tpu.vector_load_idx %arg12[%broadcast_in_dim3A_161, %get3A_143] : memref<4x10000xf32, #tpu.memory_space<vmem>>[vector<16xi32>, vector<16xi32>], vector<16xf32>,
      %mul3A_163 = arith.mulf %gather3A_162, %get3A_151 : vector<16xf32>
      tpu.vector_store_idx %arg13[%broadcast_in_dim3A_161, %get3A_147], %mul3A_163 {add = true} : memref<4x10000xf32, #tpu.memory_space<vmem>>[vector<16xi32>, vector<16xi32>], vector<16xf32>,
      %broadcast_in_dim3A_164 = arith.constant 3 : i32
      %broadcast_in_dim3A_165 = vector.broadcast %broadcast_in_dim3A_164 : i32 to vector<16xi32>
      %gather3A_166 = tpu.vector_load_idx %arg12[%broadcast_in_dim3A_165, %get3A_143] : memref<4x10000xf32, #tpu.memory_space<vmem>>[vector<16xi32>, vector<16xi32>], vector<16xf32>,
      %mul3A_167 = arith.mulf %gather3A_166, %get3A_151 : vector<16xf32>
      tpu.vector_store_idx %arg13[%broadcast_in_dim3A_165, %get3A_147], %mul3A_167 {add = true} : memref<4x10000xf32, #tpu.memory_space<vmem>>[vector<16xi32>, vector<16xi32>], vector<16xf32>,
      %scan3A_168 = arith.constant 2 : i32
      %scan3A_169 = arith.addi %scan3A_111, %scan3A_168 : i32
      %mul3A_170 = arith.constant 16 : i32
      %mul3A_171 = arith.muli %scan3A_169, %mul3A_170 : i32
      %get3A_172 = arith.index_cast %mul3A_171 : i32 to index
      %get3A_173 = tpu.vector_load %arg9[%get3A_172] {strides = array<i32>} : memref<10240xi32, #tpu.memory_space<vmem>>, vector<16xi32>,
      %mul3A_174 = arith.constant 16 : i32
      %mul3A_175 = arith.muli %scan3A_169, %mul3A_174 : i32
      %get3A_176 = arith.index_cast %mul3A_175 : i32 to index
      %get3A_177 = tpu.vector_load %arg10[%get3A_176] {strides = array<i32>} : memref<10240xi32, #tpu.memory_space<vmem>>, vector<16xi32>,
      %mul3A_178 = arith.constant 16 : i32
      %mul3A_179 = arith.muli %scan3A_169, %mul3A_178 : i32
      %get3A_180 = arith.index_cast %mul3A_179 : i32 to index
      %get3A_181 = tpu.vector_load %arg11[%get3A_180] {strides = array<i32>} : memref<10240xf32, #tpu.memory_space<vmem>>, vector<16xf32>,
      %broadcast_in_dim3A_182 = arith.constant 0 : i32
      %broadcast_in_dim3A_183 = vector.broadcast %broadcast_in_dim3A_182 : i32 to vector<16xi32>
      %gather3A_184 = tpu.vector_load_idx %arg12[%broadcast_in_dim3A_183, %get3A_173] : memref<4x10000xf32, #tpu.memory_space<vmem>>[vector<16xi32>, vector<16xi32>], vector<16xf32>,
      %mul3A_185 = arith.mulf %gather3A_184, %get3A_181 : vector<16xf32>
      tpu.vector_store_idx %arg13[%broadcast_in_dim3A_183, %get3A_177], %mul3A_185 {add = true} : memref<4x10000xf32, #tpu.memory_space<vmem>>[vector<16xi32>, vector<16xi32>], vector<16xf32>,
      %broadcast_in_dim3A_186 = arith.constant 1 : i32
      %broadcast_in_dim3A_187 = vector.broadcast %broadcast_in_dim3A_186 : i32 to vector<16xi32>
      %gather3A_188 = tpu.vector_load_idx %arg12[%broadcast_in_dim3A_187, %get3A_173] : memref<4x10000xf32, #tpu.memory_space<vmem>>[vector<16xi32>, vector<16xi32>], vector<16xf32>,
      %mul3A_189 = arith.mulf %gather3A_188, %get3A_181 : vector<16xf32>
      tpu.vector_store_idx %arg13[%broadcast_in_dim3A_187, %get3A_177], %mul3A_189 {add = true} : memref<4x10000xf32, #tpu.memory_space<vmem>>[vector<16xi32>, vector<16xi32>], vector<16xf32>,
      %broadcast_in_dim3A_190 = arith.constant 2 : i32
      %broadcast_in_dim3A_191 = vector.broadcast %broadcast_in_dim3A_190 : i32 to vector<16xi32>
      %gather3A_192 = tpu.vector_load_idx %arg12[%broadcast_in_dim3A_191, %get3A_173] : memref<4x10000xf32, #tpu.memory_space<vmem>>[vector<16xi32>, vector<16xi32>], vector<16xf32>,
      %mul3A_193 = arith.mulf %gather3A_192, %get3A_181 : vector<16xf32>
      tpu.vector_store_idx %arg13[%broadcast_in_dim3A_191, %get3A_177], %mul3A_193 {add = true} : memref<4x10000xf32, #tpu.memory_space<vmem>>[vector<16xi32>, vector<16xi32>], vector<16xf32>,
      %broadcast_in_dim3A_194 = arith.constant 3 : i32
      %broadcast_in_dim3A_195 = vector.broadcast %broadcast_in_dim3A_194 : i32 to vector<16xi32>
      %gather3A_196 = tpu.vector_load_idx %arg12[%broadcast_in_dim3A_195, %get3A_173] : memref<4x10000xf32, #tpu.memory_space<vmem>>[vector<16xi32>, vector<16xi32>], vector<16xf32>,
      %mul3A_197 = arith.mulf %gather3A_196, %get3A_181 : vector<16xf32>
      tpu.vector_store_idx %arg13[%broadcast_in_dim3A_195, %get3A_177], %mul3A_197 {add = true} : memref<4x10000xf32, #tpu.memory_space<vmem>>[vector<16xi32>, vector<16xi32>], vector<16xf32>,
      %scan3A_198 = arith.constant 3 : i32
      %scan3A_199 = arith.addi %scan3A_111, %scan3A_198 : i32
      %mul3A_200 = arith.constant 16 : i32
      %mul3A_201 = arith.muli %scan3A_199, %mul3A_200 : i32
      %get3A_202 = arith.index_cast %mul3A_201 : i32 to index
      %get3A_203 = tpu.vector_load %arg9[%get3A_202] {strides = array<i32>} : memref<10240xi32, #tpu.memory_space<vmem>>, vector<16xi32>,
      %mul3A_204 = arith.constant 16 : i32
      %mul3A_205 = arith.muli %scan3A_199, %mul3A_204 : i32
      %get3A_206 = arith.index_cast %mul3A_205 : i32 to index
      %get3A_207 = tpu.vector_load %arg10[%get3A_206] {strides = array<i32>} : memref<10240xi32, #tpu.memory_space<vmem>>, vector<16xi32>,
      %mul3A_208 = arith.constant 16 : i32
      %mul3A_209 = arith.muli %scan3A_199, %mul3A_208 : i32
      %get3A_210 = arith.index_cast %mul3A_209 : i32 to index
      %get3A_211 = tpu.vector_load %arg11[%get3A_210] {strides = array<i32>} : memref<10240xf32, #tpu.memory_space<vmem>>, vector<16xf32>,
      %broadcast_in_dim3A_212 = arith.constant 0 : i32
      %broadcast_in_dim3A_213 = vector.broadcast %broadcast_in_dim3A_212 : i32 to vector<16xi32>
      %gather3A_214 = tpu.vector_load_idx %arg12[%broadcast_in_dim3A_213, %get3A_203] : memref<4x10000xf32, #tpu.memory_space<vmem>>[vector<16xi32>, vector<16xi32>], vector<16xf32>,
      %mul3A_215 = arith.mulf %gather3A_214, %get3A_211 : vector<16xf32>
      tpu.vector_store_idx %arg13[%broadcast_in_dim3A_213, %get3A_207], %mul3A_215 {add = true} : memref<4x10000xf32, #tpu.memory_space<vmem>>[vector<16xi32>, vector<16xi32>], vector<16xf32>,
      %broadcast_in_dim3A_216 = arith.constant 1 : i32
      %broadcast_in_dim3A_217 = vector.broadcast %broadcast_in_dim3A_216 : i32 to vector<16xi32>
      %gather3A_218 = tpu.vector_load_idx %arg12[%broadcast_in_dim3A_217, %get3A_203] : memref<4x10000xf32, #tpu.memory_space<vmem>>[vector<16xi32>, vector<16xi32>], vector<16xf32>,
      %mul3A_219 = arith.mulf %gather3A_218, %get3A_211 : vector<16xf32>
      tpu.vector_store_idx %arg13[%broadcast_in_dim3A_217, %get3A_207], %mul3A_219 {add = true} : memref<4x10000xf32, #tpu.memory_space<vmem>>[vector<16xi32>, vector<16xi32>], vector<16xf32>,
      %broadcast_in_dim3A_220 = arith.constant 2 : i32
      %broadcast_in_dim3A_221 = vector.broadcast %broadcast_in_dim3A_220 : i32 to vector<16xi32>
      %gather3A_222 = tpu.vector_load_idx %arg12[%broadcast_in_dim3A_221, %get3A_203] : memref<4x10000xf32, #tpu.memory_space<vmem>>[vector<16xi32>, vector<16xi32>], vector<16xf32>,
      %mul3A_223 = arith.mulf %gather3A_222, %get3A_211 : vector<16xf32>
      tpu.vector_store_idx %arg13[%broadcast_in_dim3A_221, %get3A_207], %mul3A_223 {add = true} : memref<4x10000xf32, #tpu.memory_space<vmem>>[vector<16xi32>, vector<16xi32>], vector<16xf32>,
      %broadcast_in_dim3A_224 = arith.constant 3 : i32
      %broadcast_in_dim3A_225 = vector.broadcast %broadcast_in_dim3A_224 : i32 to vector<16xi32>
      %gather3A_226 = tpu.vector_load_idx %arg12[%broadcast_in_dim3A_225, %get3A_203] : memref<4x10000xf32, #tpu.memory_space<vmem>>[vector<16xi32>, vector<16xi32>], vector<16xf32>,
      %mul3A_227 = arith.mulf %gather3A_226, %get3A_211 : vector<16xf32>
      tpu.vector_store_idx %arg13[%broadcast_in_dim3A_225, %get3A_207], %mul3A_227 {add = true} : memref<4x10000xf32, #tpu.memory_space<vmem>>[vector<16xi32>, vector<16xi32>], vector<16xf32>,
    }
    %scan3A_62 = arith.constant 640 : i32
    %run_scoped3A_63 = arith.constant 0 : i32
    %run_scoped3A_64 = arith.constant 4 : i32
    "tpu.region"() ({
      %run_scoped3A_111 = tpu.sem_alloc : memref<!tpu.dma_semaphore, #tpu.memory_space<semaphore_mem>>
      %dma_start3A = arith.constant 0 : i32
      %dma_start3A_112 = tpu.memref_slice %arg13[%run_scoped3A_63, %dma_start3A] : memref<4x10000xf32, #tpu.memory_space<vmem>> -> memref<1x10000xf32, #tpu.memory_space<vmem>>
      %dma_start3A_113 = tpu.memref_squeeze %dma_start3A_112 : memref<1x10000xf32, #tpu.memory_space<vmem>> -> memref<10000xf32, #tpu.memory_space<vmem>>
      %dma_start3A_114 = tpu.memref_slice %arg7[%run_scoped3A_64, %multiple_of3A_30] : memref<16x320000xf32, #tpu.memory_space<hbm>> -> memref<1x10000xf32, #tpu.memory_space<hbm>>
      %dma_start3A_115 = tpu.memref_squeeze %dma_start3A_114 : memref<1x10000xf32, #tpu.memory_space<hbm>> -> memref<10000xf32, #tpu.memory_space<hbm>>
      %dma_start3A_116 = tpu.memref_slice %arg7[%run_scoped3A_64, %multiple_of3A_30] : memref<16x320000xf32, #tpu.memory_space<hbm>> -> memref<1x10000xf32, #tpu.memory_space<hbm>>
      %dma_start3A_117 = tpu.memref_squeeze %dma_start3A_116 : memref<1x10000xf32, #tpu.memory_space<hbm>> -> memref<10000xf32, #tpu.memory_space<hbm>>
      %dma_start3A_118 = arith.constant 0 : i32
      %dma_start3A_119 = tpu.memref_slice %arg13[%run_scoped3A_63, %dma_start3A_118] : memref<4x10000xf32, #tpu.memory_space<vmem>> -> memref<1x10000xf32, #tpu.memory_space<vmem>>
      %dma_start3A_120 = tpu.memref_squeeze %dma_start3A_119 : memref<1x10000xf32, #tpu.memory_space<vmem>> -> memref<10000xf32, #tpu.memory_space<vmem>>
      tpu.enqueue_dma source(%dma_start3A_120 : memref<10000xf32, #tpu.memory_space<vmem>>) target(%dma_start3A_117 : memref<10000xf32, #tpu.memory_space<hbm>>) target_semaphore(%run_scoped3A_111 : memref<!tpu.dma_semaphore, #tpu.memory_space<semaphore_mem>>)
      %dma_wait3A = arith.constant 0 : i32
      %dma_wait3A_121 = tpu.memref_slice %arg13[%run_scoped3A_63, %dma_wait3A] : memref<4x10000xf32, #tpu.memory_space<vmem>> -> memref<1x10000xf32, #tpu.memory_space<vmem>>
      %dma_wait3A_122 = tpu.memref_squeeze %dma_wait3A_121 : memref<1x10000xf32, #tpu.memory_space<vmem>> -> memref<10000xf32, #tpu.memory_space<vmem>>
      %dma_wait3A_123 = tpu.memref_slice %arg7[%run_scoped3A_64, %multiple_of3A_30] : memref<16x320000xf32, #tpu.memory_space<hbm>> -> memref<1x10000xf32, #tpu.memory_space<hbm>>
      %dma_wait3A_124 = tpu.memref_squeeze %dma_wait3A_123 : memref<1x10000xf32, #tpu.memory_space<hbm>> -> memref<10000xf32, #tpu.memory_space<hbm>>
      %dma_wait3A_125 = tpu.memref_slice %arg7[%run_scoped3A_64, %multiple_of3A_30] : memref<16x320000xf32, #tpu.memory_space<hbm>> -> memref<1x10000xf32, #tpu.memory_space<hbm>>
      %dma_wait3A_126 = tpu.memref_squeeze %dma_wait3A_125 : memref<1x10000xf32, #tpu.memory_space<hbm>> -> memref<10000xf32, #tpu.memory_space<hbm>>
      %dma_wait3A_127 = arith.constant 0 : i32
      %dma_wait3A_128 = tpu.memref_slice %arg13[%run_scoped3A_63, %dma_wait3A_127] : memref<4x10000xf32, #tpu.memory_space<vmem>> -> memref<1x10000xf32, #tpu.memory_space<vmem>>
      %dma_wait3A_129 = tpu.memref_squeeze %dma_wait3A_128 : memref<1x10000xf32, #tpu.memory_space<vmem>> -> memref<10000xf32, #tpu.memory_space<vmem>>
      tpu.wait_dma2 semaphore(%run_scoped3A_111 : memref<!tpu.dma_semaphore, #tpu.memory_space<semaphore_mem>>) src(%dma_wait3A_129 : memref<10000xf32, #tpu.memory_space<vmem>>) dst(%dma_wait3A_126 : memref<10000xf32, #tpu.memory_space<hbm>>)
      tpu.yield
    }) : () -> ()
    %run_scoped3A_65 = arith.constant 1 : i32
    %run_scoped3A_66 = arith.constant 5 : i32
    "tpu.region"() ({
      %run_scoped3A_111 = tpu.sem_alloc : memref<!tpu.dma_semaphore, #tpu.memory_space<semaphore_mem>>
      %dma_start3A = arith.constant 0 : i32
      %dma_start3A_112 = tpu.memref_slice %arg13[%run_scoped3A_65, %dma_start3A] : memref<4x10000xf32, #tpu.memory_space<vmem>> -> memref<1x10000xf32, #tpu.memory_space<vmem>>
      %dma_start3A_113 = tpu.memref_squeeze %dma_start3A_112 : memref<1x10000xf32, #tpu.memory_space<vmem>> -> memref<10000xf32, #tpu.memory_space<vmem>>
      %dma_start3A_114 = tpu.memref_slice %arg7[%run_scoped3A_66, %multiple_of3A_30] : memref<16x320000xf32, #tpu.memory_space<hbm>> -> memref<1x10000xf32, #tpu.memory_space<hbm>>
      %dma_start3A_115 = tpu.memref_squeeze %dma_start3A_114 : memref<1x10000xf32, #tpu.memory_space<hbm>> -> memref<10000xf32, #tpu.memory_space<hbm>>
      %dma_start3A_116 = tpu.memref_slice %arg7[%run_scoped3A_66, %multiple_of3A_30] : memref<16x320000xf32, #tpu.memory_space<hbm>> -> memref<1x10000xf32, #tpu.memory_space<hbm>>
      %dma_start3A_117 = tpu.memref_squeeze %dma_start3A_116 : memref<1x10000xf32, #tpu.memory_space<hbm>> -> memref<10000xf32, #tpu.memory_space<hbm>>
      %dma_start3A_118 = arith.constant 0 : i32
      %dma_start3A_119 = tpu.memref_slice %arg13[%run_scoped3A_65, %dma_start3A_118] : memref<4x10000xf32, #tpu.memory_space<vmem>> -> memref<1x10000xf32, #tpu.memory_space<vmem>>
      %dma_start3A_120 = tpu.memref_squeeze %dma_start3A_119 : memref<1x10000xf32, #tpu.memory_space<vmem>> -> memref<10000xf32, #tpu.memory_space<vmem>>
      tpu.enqueue_dma source(%dma_start3A_120 : memref<10000xf32, #tpu.memory_space<vmem>>) target(%dma_start3A_117 : memref<10000xf32, #tpu.memory_space<hbm>>) target_semaphore(%run_scoped3A_111 : memref<!tpu.dma_semaphore, #tpu.memory_space<semaphore_mem>>)
      %dma_wait3A = arith.constant 0 : i32
      %dma_wait3A_121 = tpu.memref_slice %arg13[%run_scoped3A_65, %dma_wait3A] : memref<4x10000xf32, #tpu.memory_space<vmem>> -> memref<1x10000xf32, #tpu.memory_space<vmem>>
      %dma_wait3A_122 = tpu.memref_squeeze %dma_wait3A_121 : memref<1x10000xf32, #tpu.memory_space<vmem>> -> memref<10000xf32, #tpu.memory_space<vmem>>
      %dma_wait3A_123 = tpu.memref_slice %arg7[%run_scoped3A_66, %multiple_of3A_30] : memref<16x320000xf32, #tpu.memory_space<hbm>> -> memref<1x10000xf32, #tpu.memory_space<hbm>>
      %dma_wait3A_124 = tpu.memref_squeeze %dma_wait3A_123 : memref<1x10000xf32, #tpu.memory_space<hbm>> -> memref<10000xf32, #tpu.memory_space<hbm>>
      %dma_wait3A_125 = tpu.memref_slice %arg7[%run_scoped3A_66, %multiple_of3A_30] : memref<16x320000xf32, #tpu.memory_space<hbm>> -> memref<1x10000xf32, #tpu.memory_space<hbm>>
      %dma_wait3A_126 = tpu.memref_squeeze %dma_wait3A_125 : memref<1x10000xf32, #tpu.memory_space<hbm>> -> memref<10000xf32, #tpu.memory_space<hbm>>
      %dma_wait3A_127 = arith.constant 0 : i32
      %dma_wait3A_128 = tpu.memref_slice %arg13[%run_scoped3A_65, %dma_wait3A_127] : memref<4x10000xf32, #tpu.memory_space<vmem>> -> memref<1x10000xf32, #tpu.memory_space<vmem>>
      %dma_wait3A_129 = tpu.memref_squeeze %dma_wait3A_128 : memref<1x10000xf32, #tpu.memory_space<vmem>> -> memref<10000xf32, #tpu.memory_space<vmem>>
      tpu.wait_dma2 semaphore(%run_scoped3A_111 : memref<!tpu.dma_semaphore, #tpu.memory_space<semaphore_mem>>) src(%dma_wait3A_129 : memref<10000xf32, #tpu.memory_space<vmem>>) dst(%dma_wait3A_126 : memref<10000xf32, #tpu.memory_space<hbm>>)
      tpu.yield
    }) : () -> ()
    %run_scoped3A_67 = arith.constant 2 : i32
    %run_scoped3A_68 = arith.constant 6 : i32
    "tpu.region"() ({
      %run_scoped3A_111 = tpu.sem_alloc : memref<!tpu.dma_semaphore, #tpu.memory_space<semaphore_mem>>
      %dma_start3A = arith.constant 0 : i32
      %dma_start3A_112 = tpu.memref_slice %arg13[%run_scoped3A_67, %dma_start3A] : memref<4x10000xf32, #tpu.memory_space<vmem>> -> memref<1x10000xf32, #tpu.memory_space<vmem>>
      %dma_start3A_113 = tpu.memref_squeeze %dma_start3A_112 : memref<1x10000xf32, #tpu.memory_space<vmem>> -> memref<10000xf32, #tpu.memory_space<vmem>>
      %dma_start3A_114 = tpu.memref_slice %arg7[%run_scoped3A_68, %multiple_of3A_30] : memref<16x320000xf32, #tpu.memory_space<hbm>> -> memref<1x10000xf32, #tpu.memory_space<hbm>>
      %dma_start3A_115 = tpu.memref_squeeze %dma_start3A_114 : memref<1x10000xf32, #tpu.memory_space<hbm>> -> memref<10000xf32, #tpu.memory_space<hbm>>
      %dma_start3A_116 = tpu.memref_slice %arg7[%run_scoped3A_68, %multiple_of3A_30] : memref<16x320000xf32, #tpu.memory_space<hbm>> -> memref<1x10000xf32, #tpu.memory_space<hbm>>
      %dma_start3A_117 = tpu.memref_squeeze %dma_start3A_116 : memref<1x10000xf32, #tpu.memory_space<hbm>> -> memref<10000xf32, #tpu.memory_space<hbm>>
      %dma_start3A_118 = arith.constant 0 : i32
      %dma_start3A_119 = tpu.memref_slice %arg13[%run_scoped3A_67, %dma_start3A_118] : memref<4x10000xf32, #tpu.memory_space<vmem>> -> memref<1x10000xf32, #tpu.memory_space<vmem>>
      %dma_start3A_120 = tpu.memref_squeeze %dma_start3A_119 : memref<1x10000xf32, #tpu.memory_space<vmem>> -> memref<10000xf32, #tpu.memory_space<vmem>>
      tpu.enqueue_dma source(%dma_start3A_120 : memref<10000xf32, #tpu.memory_space<vmem>>) target(%dma_start3A_117 : memref<10000xf32, #tpu.memory_space<hbm>>) target_semaphore(%run_scoped3A_111 : memref<!tpu.dma_semaphore, #tpu.memory_space<semaphore_mem>>)
      %dma_wait3A = arith.constant 0 : i32
      %dma_wait3A_121 = tpu.memref_slice %arg13[%run_scoped3A_67, %dma_wait3A] : memref<4x10000xf32, #tpu.memory_space<vmem>> -> memref<1x10000xf32, #tpu.memory_space<vmem>>
      %dma_wait3A_122 = tpu.memref_squeeze %dma_wait3A_121 : memref<1x10000xf32, #tpu.memory_space<vmem>> -> memref<10000xf32, #tpu.memory_space<vmem>>
      %dma_wait3A_123 = tpu.memref_slice %arg7[%run_scoped3A_68, %multiple_of3A_30] : memref<16x320000xf32, #tpu.memory_space<hbm>> -> memref<1x10000xf32, #tpu.memory_space<hbm>>
      %dma_wait3A_124 = tpu.memref_squeeze %dma_wait3A_123 : memref<1x10000xf32, #tpu.memory_space<hbm>> -> memref<10000xf32, #tpu.memory_space<hbm>>
      %dma_wait3A_125 = tpu.memref_slice %arg7[%run_scoped3A_68, %multiple_of3A_30] : memref<16x320000xf32, #tpu.memory_space<hbm>> -> memref<1x10000xf32, #tpu.memory_space<hbm>>
      %dma_wait3A_126 = tpu.memref_squeeze %dma_wait3A_125 : memref<1x10000xf32, #tpu.memory_space<hbm>> -> memref<10000xf32, #tpu.memory_space<hbm>>
      %dma_wait3A_127 = arith.constant 0 : i32
      %dma_wait3A_128 = tpu.memref_slice %arg13[%run_scoped3A_67, %dma_wait3A_127] : memref<4x10000xf32, #tpu.memory_space<vmem>> -> memref<1x10000xf32, #tpu.memory_space<vmem>>
      %dma_wait3A_129 = tpu.memref_squeeze %dma_wait3A_128 : memref<1x10000xf32, #tpu.memory_space<vmem>> -> memref<10000xf32, #tpu.memory_space<vmem>>
      tpu.wait_dma2 semaphore(%run_scoped3A_111 : memref<!tpu.dma_semaphore, #tpu.memory_space<semaphore_mem>>) src(%dma_wait3A_129 : memref<10000xf32, #tpu.memory_space<vmem>>) dst(%dma_wait3A_126 : memref<10000xf32, #tpu.memory_space<hbm>>)
      tpu.yield
    }) : () -> ()
    %run_scoped3A_69 = arith.constant 3 : i32
    %run_scoped3A_70 = arith.constant 7 : i32
    "tpu.region"() ({
      %run_scoped3A_111 = tpu.sem_alloc : memref<!tpu.dma_semaphore, #tpu.memory_space<semaphore_mem>>
      %dma_start3A = arith.constant 0 : i32
      %dma_start3A_112 = tpu.memref_slice %arg13[%run_scoped3A_69, %dma_start3A] : memref<4x10000xf32, #tpu.memory_space<vmem>> -> memref<1x10000xf32, #tpu.memory_space<vmem>>
      %dma_start3A_113 = tpu.memref_squeeze %dma_start3A_112 : memref<1x10000xf32, #tpu.memory_space<vmem>> -> memref<10000xf32, #tpu.memory_space<vmem>>
      %dma_start3A_114 = tpu.memref_slice %arg7[%run_scoped3A_70, %multiple_of3A_30] : memref<16x320000xf32, #tpu.memory_space<hbm>> -> memref<1x10000xf32, #tpu.memory_space<hbm>>
      %dma_start3A_115 = tpu.memref_squeeze %dma_start3A_114 : memref<1x10000xf32, #tpu.memory_space<hbm>> -> memref<10000xf32, #tpu.memory_space<hbm>>
      %dma_start3A_116 = tpu.memref_slice %arg7[%run_scoped3A_70, %multiple_of3A_30] : memref<16x320000xf32, #tpu.memory_space<hbm>> -> memref<1x10000xf32, #tpu.memory_space<hbm>>
      %dma_start3A_117 = tpu.memref_squeeze %dma_start3A_116 : memref<1x10000xf32, #tpu.memory_space<hbm>> -> memref<10000xf32, #tpu.memory_space<hbm>>
      %dma_start3A_118 = arith.constant 0 : i32
      %dma_start3A_119 = tpu.memref_slice %arg13[%run_scoped3A_69, %dma_start3A_118] : memref<4x10000xf32, #tpu.memory_space<vmem>> -> memref<1x10000xf32, #tpu.memory_space<vmem>>
      %dma_start3A_120 = tpu.memref_squeeze %dma_start3A_119 : memref<1x10000xf32, #tpu.memory_space<vmem>> -> memref<10000xf32, #tpu.memory_space<vmem>>
      tpu.enqueue_dma source(%dma_start3A_120 : memref<10000xf32, #tpu.memory_space<vmem>>) target(%dma_start3A_117 : memref<10000xf32, #tpu.memory_space<hbm>>) target_semaphore(%run_scoped3A_111 : memref<!tpu.dma_semaphore, #tpu.memory_space<semaphore_mem>>)
      %dma_wait3A = arith.constant 0 : i32
      %dma_wait3A_121 = tpu.memref_slice %arg13[%run_scoped3A_69, %dma_wait3A] : memref<4x10000xf32, #tpu.memory_space<vmem>> -> memref<1x10000xf32, #tpu.memory_space<vmem>>
      %dma_wait3A_122 = tpu.memref_squeeze %dma_wait3A_121 : memref<1x10000xf32, #tpu.memory_space<vmem>> -> memref<10000xf32, #tpu.memory_space<vmem>>
      %dma_wait3A_123 = tpu.memref_slice %arg7[%run_scoped3A_70, %multiple_of3A_30] : memref<16x320000xf32, #tpu.memory_space<hbm>> -> memref<1x10000xf32, #tpu.memory_space<hbm>>
      %dma_wait3A_124 = tpu.memref_squeeze %dma_wait3A_123 : memref<1x10000xf32, #tpu.memory_space<hbm>> -> memref<10000xf32, #tpu.memory_space<hbm>>
      %dma_wait3A_125 = tpu.memref_slice %arg7[%run_scoped3A_70, %multiple_of3A_30] : memref<16x320000xf32, #tpu.memory_space<hbm>> -> memref<1x10000xf32, #tpu.memory_space<hbm>>
      %dma_wait3A_126 = tpu.memref_squeeze %dma_wait3A_125 : memref<1x10000xf32, #tpu.memory_space<hbm>> -> memref<10000xf32, #tpu.memory_space<hbm>>
      %dma_wait3A_127 = arith.constant 0 : i32
      %dma_wait3A_128 = tpu.memref_slice %arg13[%run_scoped3A_69, %dma_wait3A_127] : memref<4x10000xf32, #tpu.memory_space<vmem>> -> memref<1x10000xf32, #tpu.memory_space<vmem>>
      %dma_wait3A_129 = tpu.memref_squeeze %dma_wait3A_128 : memref<1x10000xf32, #tpu.memory_space<vmem>> -> memref<10000xf32, #tpu.memory_space<vmem>>
      tpu.wait_dma2 semaphore(%run_scoped3A_111 : memref<!tpu.dma_semaphore, #tpu.memory_space<semaphore_mem>>) src(%dma_wait3A_129 : memref<10000xf32, #tpu.memory_space<vmem>>) dst(%dma_wait3A_126 : memref<10000xf32, #tpu.memory_space<hbm>>)
      tpu.yield
    }) : () -> ()
    "tpu.region"() ({
      %run_scoped3A_111 = tpu.sem_alloc : memref<!tpu.dma_semaphore, #tpu.memory_space<semaphore_mem>>
      %dma_start3A = arith.constant 8 : i32
      %dma_start3A_112 = arith.constant 0 : i32
      %dma_start3A_113 = tpu.memref_slice %arg6[%dma_start3A, %dma_start3A_112] : memref<16x10000xf32, #tpu.memory_space<hbm>> -> memref<4x10000xf32, #tpu.memory_space<hbm>>
      %dma_start3A_114 = arith.constant 8 : i32
      %dma_start3A_115 = arith.constant 0 : i32
      %dma_start3A_116 = tpu.memref_slice %arg6[%dma_start3A_114, %dma_start3A_115] : memref<16x10000xf32, #tpu.memory_space<hbm>> -> memref<4x10000xf32, #tpu.memory_space<hbm>>
      tpu.enqueue_dma source(%dma_start3A_116 : memref<4x10000xf32, #tpu.memory_space<hbm>>) target(%arg12 : memref<4x10000xf32, #tpu.memory_space<vmem>>) target_semaphore(%run_scoped3A_111 : memref<!tpu.dma_semaphore, #tpu.memory_space<semaphore_mem>>)
      %dma_wait3A = arith.constant 8 : i32
      %dma_wait3A_117 = arith.constant 0 : i32
      %dma_wait3A_118 = tpu.memref_slice %arg6[%dma_wait3A, %dma_wait3A_117] : memref<16x10000xf32, #tpu.memory_space<hbm>> -> memref<4x10000xf32, #tpu.memory_space<hbm>>
      %dma_wait3A_119 = arith.constant 8 : i32
      %dma_wait3A_120 = arith.constant 0 : i32
      %dma_wait3A_121 = tpu.memref_slice %arg6[%dma_wait3A_119, %dma_wait3A_120] : memref<16x10000xf32, #tpu.memory_space<hbm>> -> memref<4x10000xf32, #tpu.memory_space<hbm>>
      tpu.wait_dma2 semaphore(%run_scoped3A_111 : memref<!tpu.dma_semaphore, #tpu.memory_space<semaphore_mem>>) src(%dma_wait3A_121 : memref<4x10000xf32, #tpu.memory_space<hbm>>) dst(%arg12 : memref<4x10000xf32, #tpu.memory_space<vmem>>)
      tpu.yield
    }) : () -> ()
    %scan3A_71 = arith.constant 0 : i32
    %scan3A_72 = arith.constant 0 : i32
    %scan3A_73 = arith.constant 2500 : i32
    %scan3A_74 = arith.addi %scan3A_72, %scan3A_73 : i32
    %scan3A_75 = arith.constant 1 : i32
    scf.for %scan3A_111 = %scan3A_72 to %scan3A_74 step %scan3A_75  : i32 {
      %jit3A = arith.constant 4 : i32
      %eq3A = arith.constant 0 : i32
      %eq3A_112 = arith.cmpi eq, %jit3A, %eq3A : i32
      %jit3A_113 = arith.constant 1 : i32
      %select_n3A = arith.select %eq3A_112, %jit3A_113, %jit3A : i32
      %rem3A = arith.remsi %scan3A_111, %select_n3A : i32
      %ne3A = arith.constant 0 : i32
      %ne3A_114 = arith.cmpi ne, %rem3A, %ne3A : i32
      %lt3A = arith.constant 0 : i32
      %lt3A_115 = arith.cmpi slt, %rem3A, %lt3A : i32
      %lt3A_116 = arith.constant 0 : i32
      %lt3A_117 = arith.cmpi slt, %select_n3A, %lt3A_116 : i32
      %ne3A_118 = arith.xori %lt3A_115, %lt3A_117 : i1
      %and3A = arith.andi %ne3A_118, %ne3A_114 : i1
      %add3A_119 = arith.addi %rem3A, %select_n3A : i32
      %select_n3A_120 = arith.select %and3A, %add3A_119, %rem3A : i32
      %jit3A_121 = arith.constant 4 : i32
      %div3A = arith.divsi %scan3A_111, %jit3A_121 : i32
      %sign3A = arith.constant 0 : i32
      %sign3A_122 = arith.cmpi sgt, %scan3A_111, %sign3A : i32
      %sign3A_123 = arith.extui %sign3A_122 : i1 to i32
      %sign3A_124 = arith.constant 0 : i32
      %sign3A_125 = arith.cmpi slt, %scan3A_111, %sign3A_124 : i32
      %sign3A_126 = arith.extui %sign3A_125 : i1 to i32
      %sign3A_127 = arith.subi %sign3A_123, %sign3A_126 : i32
      %sign3A_128 = arith.constant 0 : i32
      %sign3A_129 = arith.cmpi sgt, %jit3A_121, %sign3A_128 : i32
      %sign3A_130 = arith.extui %sign3A_129 : i1 to i32
      %sign3A_131 = arith.constant 0 : i32
      %sign3A_132 = arith.cmpi slt, %jit3A_121, %sign3A_131 : i32
      %sign3A_133 = arith.extui %sign3A_132 : i1 to i32
      %sign3A_134 = arith.subi %sign3A_130, %sign3A_133 : i32
      %ne3A_135 = arith.cmpi ne, %sign3A_127, %sign3A_134 : i32
      %rem3A_136 = arith.remsi %scan3A_111, %jit3A_121 : i32
      %ne3A_137 = arith.constant 0 : i32
      %ne3A_138 = arith.cmpi ne, %rem3A_136, %ne3A_137 : i32
      %and3A_139 = arith.andi %ne3A_135, %ne3A_138 : i1
      %sub3A = arith.constant 1 : i32
      %sub3A_140 = arith.subi %div3A, %sub3A : i32
      %select_n3A_141 = arith.select %and3A_139, %sub3A_140, %div3A : i32
      %mul3A_142 = arith.constant 16 : i32
      %mul3A_143 = arith.muli %select_n3A_141, %mul3A_142 : i32
      %swap3A = arith.index_cast %select_n3A_120 : i32 to index
      %swap3A_144 = arith.index_cast %mul3A_143 : i32 to index
      %swap3A_145 = tpu.vector_load %arg13[%swap3A, %swap3A_144] {strides = array<i32>} : memref<4x10000xf32, #tpu.memory_space<vmem>>, vector<16xf32>,
      tpu.vector_store %arg13[%swap3A, %swap3A_144], %broadcast_in_dim3A_4 {strides = array<i32>} : memref<4x10000xf32, #tpu.memory_space<vmem>>, vector<16xf32>,
    }
    %scan3A_76 = arith.constant 2500 : i32
    %scan3A_77 = arith.constant 0 : i32
    %scan3A_78 = arith.constant 0 : i32
    %scan3A_79 = arith.constant 640 : i32
    %scan3A_80 = arith.addi %scan3A_78, %scan3A_79 : i32
    %scan3A_81 = arith.constant 4 : i32
    scf.for %scan3A_111 = %scan3A_78 to %scan3A_80 step %scan3A_81  : i32 {
      %mul3A_112 = arith.constant 16 : i32
      %mul3A_113 = arith.muli %scan3A_111, %mul3A_112 : i32
      %get3A = arith.index_cast %mul3A_113 : i32 to index
      %get3A_114 = tpu.vector_load %arg9[%get3A] {strides = array<i32>} : memref<10240xi32, #tpu.memory_space<vmem>>, vector<16xi32>,
      %mul3A_115 = arith.constant 16 : i32
      %mul3A_116 = arith.muli %scan3A_111, %mul3A_115 : i32
      %get3A_117 = arith.index_cast %mul3A_116 : i32 to index
      %get3A_118 = tpu.vector_load %arg10[%get3A_117] {strides = array<i32>} : memref<10240xi32, #tpu.memory_space<vmem>>, vector<16xi32>,
      %mul3A_119 = arith.constant 16 : i32
      %mul3A_120 = arith.muli %scan3A_111, %mul3A_119 : i32
      %get3A_121 = arith.index_cast %mul3A_120 : i32 to index
      %get3A_122 = tpu.vector_load %arg11[%get3A_121] {strides = array<i32>} : memref<10240xf32, #tpu.memory_space<vmem>>, vector<16xf32>,
      %broadcast_in_dim3A_123 = arith.constant 0 : i32
      %broadcast_in_dim3A_124 = vector.broadcast %broadcast_in_dim3A_123 : i32 to vector<16xi32>
      %gather3A = tpu.vector_load_idx %arg12[%broadcast_in_dim3A_124, %get3A_114] : memref<4x10000xf32, #tpu.memory_space<vmem>>[vector<16xi32>, vector<16xi32>], vector<16xf32>,
      %mul3A_125 = arith.mulf %gather3A, %get3A_122 : vector<16xf32>
      tpu.vector_store_idx %arg13[%broadcast_in_dim3A_124, %get3A_118], %mul3A_125 {add = true} : memref<4x10000xf32, #tpu.memory_space<vmem>>[vector<16xi32>, vector<16xi32>], vector<16xf32>,
      %broadcast_in_dim3A_126 = arith.constant 1 : i32
      %broadcast_in_dim3A_127 = vector.broadcast %broadcast_in_dim3A_126 : i32 to vector<16xi32>
      %gather3A_128 = tpu.vector_load_idx %arg12[%broadcast_in_dim3A_127, %get3A_114] : memref<4x10000xf32, #tpu.memory_space<vmem>>[vector<16xi32>, vector<16xi32>], vector<16xf32>,
      %mul3A_129 = arith.mulf %gather3A_128, %get3A_122 : vector<16xf32>
      tpu.vector_store_idx %arg13[%broadcast_in_dim3A_127, %get3A_118], %mul3A_129 {add = true} : memref<4x10000xf32, #tpu.memory_space<vmem>>[vector<16xi32>, vector<16xi32>], vector<16xf32>,
      %broadcast_in_dim3A_130 = arith.constant 2 : i32
      %broadcast_in_dim3A_131 = vector.broadcast %broadcast_in_dim3A_130 : i32 to vector<16xi32>
      %gather3A_132 = tpu.vector_load_idx %arg12[%broadcast_in_dim3A_131, %get3A_114] : memref<4x10000xf32, #tpu.memory_space<vmem>>[vector<16xi32>, vector<16xi32>], vector<16xf32>,
      %mul3A_133 = arith.mulf %gather3A_132, %get3A_122 : vector<16xf32>
      tpu.vector_store_idx %arg13[%broadcast_in_dim3A_131, %get3A_118], %mul3A_133 {add = true} : memref<4x10000xf32, #tpu.memory_space<vmem>>[vector<16xi32>, vector<16xi32>], vector<16xf32>,
      %broadcast_in_dim3A_134 = arith.constant 3 : i32
      %broadcast_in_dim3A_135 = vector.broadcast %broadcast_in_dim3A_134 : i32 to vector<16xi32>
      %gather3A_136 = tpu.vector_load_idx %arg12[%broadcast_in_dim3A_135, %get3A_114] : memref<4x10000xf32, #tpu.memory_space<vmem>>[vector<16xi32>, vector<16xi32>], vector<16xf32>,
      %mul3A_137 = arith.mulf %gather3A_136, %get3A_122 : vector<16xf32>
      tpu.vector_store_idx %arg13[%broadcast_in_dim3A_135, %get3A_118], %mul3A_137 {add = true} : memref<4x10000xf32, #tpu.memory_space<vmem>>[vector<16xi32>, vector<16xi32>], vector<16xf32>,
      %scan3A_138 = arith.constant 1 : i32
      %scan3A_139 = arith.addi %scan3A_111, %scan3A_138 : i32
      %mul3A_140 = arith.constant 16 : i32
      %mul3A_141 = arith.muli %scan3A_139, %mul3A_140 : i32
      %get3A_142 = arith.index_cast %mul3A_141 : i32 to index
      %get3A_143 = tpu.vector_load %arg9[%get3A_142] {strides = array<i32>} : memref<10240xi32, #tpu.memory_space<vmem>>, vector<16xi32>,
      %mul3A_144 = arith.constant 16 : i32
      %mul3A_145 = arith.muli %scan3A_139, %mul3A_144 : i32
      %get3A_146 = arith.index_cast %mul3A_145 : i32 to index
      %get3A_147 = tpu.vector_load %arg10[%get3A_146] {strides = array<i32>} : memref<10240xi32, #tpu.memory_space<vmem>>, vector<16xi32>,
      %mul3A_148 = arith.constant 16 : i32
      %mul3A_149 = arith.muli %scan3A_139, %mul3A_148 : i32
      %get3A_150 = arith.index_cast %mul3A_149 : i32 to index
      %get3A_151 = tpu.vector_load %arg11[%get3A_150] {strides = array<i32>} : memref<10240xf32, #tpu.memory_space<vmem>>, vector<16xf32>,
      %broadcast_in_dim3A_152 = arith.constant 0 : i32
      %broadcast_in_dim3A_153 = vector.broadcast %broadcast_in_dim3A_152 : i32 to vector<16xi32>
      %gather3A_154 = tpu.vector_load_idx %arg12[%broadcast_in_dim3A_153, %get3A_143] : memref<4x10000xf32, #tpu.memory_space<vmem>>[vector<16xi32>, vector<16xi32>], vector<16xf32>,
      %mul3A_155 = arith.mulf %gather3A_154, %get3A_151 : vector<16xf32>
      tpu.vector_store_idx %arg13[%broadcast_in_dim3A_153, %get3A_147], %mul3A_155 {add = true} : memref<4x10000xf32, #tpu.memory_space<vmem>>[vector<16xi32>, vector<16xi32>], vector<16xf32>,
      %broadcast_in_dim3A_156 = arith.constant 1 : i32
      %broadcast_in_dim3A_157 = vector.broadcast %broadcast_in_dim3A_156 : i32 to vector<16xi32>
      %gather3A_158 = tpu.vector_load_idx %arg12[%broadcast_in_dim3A_157, %get3A_143] : memref<4x10000xf32, #tpu.memory_space<vmem>>[vector<16xi32>, vector<16xi32>], vector<16xf32>,
      %mul3A_159 = arith.mulf %gather3A_158, %get3A_151 : vector<16xf32>
      tpu.vector_store_idx %arg13[%broadcast_in_dim3A_157, %get3A_147], %mul3A_159 {add = true} : memref<4x10000xf32, #tpu.memory_space<vmem>>[vector<16xi32>, vector<16xi32>], vector<16xf32>,
      %broadcast_in_dim3A_160 = arith.constant 2 : i32
      %broadcast_in_dim3A_161 = vector.broadcast %broadcast_in_dim3A_160 : i32 to vector<16xi32>
      %gather3A_162 = tpu.vector_load_idx %arg12[%broadcast_in_dim3A_161, %get3A_143] : memref<4x10000xf32, #tpu.memory_space<vmem>>[vector<16xi32>, vector<16xi32>], vector<16xf32>,
      %mul3A_163 = arith.mulf %gather3A_162, %get3A_151 : vector<16xf32>
      tpu.vector_store_idx %arg13[%broadcast_in_dim3A_161, %get3A_147], %mul3A_163 {add = true} : memref<4x10000xf32, #tpu.memory_space<vmem>>[vector<16xi32>, vector<16xi32>], vector<16xf32>,
      %broadcast_in_dim3A_164 = arith.constant 3 : i32
      %broadcast_in_dim3A_165 = vector.broadcast %broadcast_in_dim3A_164 : i32 to vector<16xi32>
      %gather3A_166 = tpu.vector_load_idx %arg12[%broadcast_in_dim3A_165, %get3A_143] : memref<4x10000xf32, #tpu.memory_space<vmem>>[vector<16xi32>, vector<16xi32>], vector<16xf32>,
      %mul3A_167 = arith.mulf %gather3A_166, %get3A_151 : vector<16xf32>
      tpu.vector_store_idx %arg13[%broadcast_in_dim3A_165, %get3A_147], %mul3A_167 {add = true} : memref<4x10000xf32, #tpu.memory_space<vmem>>[vector<16xi32>, vector<16xi32>], vector<16xf32>,
      %scan3A_168 = arith.constant 2 : i32
      %scan3A_169 = arith.addi %scan3A_111, %scan3A_168 : i32
      %mul3A_170 = arith.constant 16 : i32
      %mul3A_171 = arith.muli %scan3A_169, %mul3A_170 : i32
      %get3A_172 = arith.index_cast %mul3A_171 : i32 to index
      %get3A_173 = tpu.vector_load %arg9[%get3A_172] {strides = array<i32>} : memref<10240xi32, #tpu.memory_space<vmem>>, vector<16xi32>,
      %mul3A_174 = arith.constant 16 : i32
      %mul3A_175 = arith.muli %scan3A_169, %mul3A_174 : i32
      %get3A_176 = arith.index_cast %mul3A_175 : i32 to index
      %get3A_177 = tpu.vector_load %arg10[%get3A_176] {strides = array<i32>} : memref<10240xi32, #tpu.memory_space<vmem>>, vector<16xi32>,
      %mul3A_178 = arith.constant 16 : i32
      %mul3A_179 = arith.muli %scan3A_169, %mul3A_178 : i32
      %get3A_180 = arith.index_cast %mul3A_179 : i32 to index
      %get3A_181 = tpu.vector_load %arg11[%get3A_180] {strides = array<i32>} : memref<10240xf32, #tpu.memory_space<vmem>>, vector<16xf32>,
      %broadcast_in_dim3A_182 = arith.constant 0 : i32
      %broadcast_in_dim3A_183 = vector.broadcast %broadcast_in_dim3A_182 : i32 to vector<16xi32>
      %gather3A_184 = tpu.vector_load_idx %arg12[%broadcast_in_dim3A_183, %get3A_173] : memref<4x10000xf32, #tpu.memory_space<vmem>>[vector<16xi32>, vector<16xi32>], vector<16xf32>,
      %mul3A_185 = arith.mulf %gather3A_184, %get3A_181 : vector<16xf32>
      tpu.vector_store_idx %arg13[%broadcast_in_dim3A_183, %get3A_177], %mul3A_185 {add = true} : memref<4x10000xf32, #tpu.memory_space<vmem>>[vector<16xi32>, vector<16xi32>], vector<16xf32>,
      %broadcast_in_dim3A_186 = arith.constant 1 : i32
      %broadcast_in_dim3A_187 = vector.broadcast %broadcast_in_dim3A_186 : i32 to vector<16xi32>
      %gather3A_188 = tpu.vector_load_idx %arg12[%broadcast_in_dim3A_187, %get3A_173] : memref<4x10000xf32, #tpu.memory_space<vmem>>[vector<16xi32>, vector<16xi32>], vector<16xf32>,
      %mul3A_189 = arith.mulf %gather3A_188, %get3A_181 : vector<16xf32>
      tpu.vector_store_idx %arg13[%broadcast_in_dim3A_187, %get3A_177], %mul3A_189 {add = true} : memref<4x10000xf32, #tpu.memory_space<vmem>>[vector<16xi32>, vector<16xi32>], vector<16xf32>,
      %broadcast_in_dim3A_190 = arith.constant 2 : i32
      %broadcast_in_dim3A_191 = vector.broadcast %broadcast_in_dim3A_190 : i32 to vector<16xi32>
      %gather3A_192 = tpu.vector_load_idx %arg12[%broadcast_in_dim3A_191, %get3A_173] : memref<4x10000xf32, #tpu.memory_space<vmem>>[vector<16xi32>, vector<16xi32>], vector<16xf32>,
      %mul3A_193 = arith.mulf %gather3A_192, %get3A_181 : vector<16xf32>
      tpu.vector_store_idx %arg13[%broadcast_in_dim3A_191, %get3A_177], %mul3A_193 {add = true} : memref<4x10000xf32, #tpu.memory_space<vmem>>[vector<16xi32>, vector<16xi32>], vector<16xf32>,
      %broadcast_in_dim3A_194 = arith.constant 3 : i32
      %broadcast_in_dim3A_195 = vector.broadcast %broadcast_in_dim3A_194 : i32 to vector<16xi32>
      %gather3A_196 = tpu.vector_load_idx %arg12[%broadcast_in_dim3A_195, %get3A_173] : memref<4x10000xf32, #tpu.memory_space<vmem>>[vector<16xi32>, vector<16xi32>], vector<16xf32>,
      %mul3A_197 = arith.mulf %gather3A_196, %get3A_181 : vector<16xf32>
      tpu.vector_store_idx %arg13[%broadcast_in_dim3A_195, %get3A_177], %mul3A_197 {add = true} : memref<4x10000xf32, #tpu.memory_space<vmem>>[vector<16xi32>, vector<16xi32>], vector<16xf32>,
      %scan3A_198 = arith.constant 3 : i32
      %scan3A_199 = arith.addi %scan3A_111, %scan3A_198 : i32
      %mul3A_200 = arith.constant 16 : i32
      %mul3A_201 = arith.muli %scan3A_199, %mul3A_200 : i32
      %get3A_202 = arith.index_cast %mul3A_201 : i32 to index
      %get3A_203 = tpu.vector_load %arg9[%get3A_202] {strides = array<i32>} : memref<10240xi32, #tpu.memory_space<vmem>>, vector<16xi32>,
      %mul3A_204 = arith.constant 16 : i32
      %mul3A_205 = arith.muli %scan3A_199, %mul3A_204 : i32
      %get3A_206 = arith.index_cast %mul3A_205 : i32 to index
      %get3A_207 = tpu.vector_load %arg10[%get3A_206] {strides = array<i32>} : memref<10240xi32, #tpu.memory_space<vmem>>, vector<16xi32>,
      %mul3A_208 = arith.constant 16 : i32
      %mul3A_209 = arith.muli %scan3A_199, %mul3A_208 : i32
      %get3A_210 = arith.index_cast %mul3A_209 : i32 to index
      %get3A_211 = tpu.vector_load %arg11[%get3A_210] {strides = array<i32>} : memref<10240xf32, #tpu.memory_space<vmem>>, vector<16xf32>,
      %broadcast_in_dim3A_212 = arith.constant 0 : i32
      %broadcast_in_dim3A_213 = vector.broadcast %broadcast_in_dim3A_212 : i32 to vector<16xi32>
      %gather3A_214 = tpu.vector_load_idx %arg12[%broadcast_in_dim3A_213, %get3A_203] : memref<4x10000xf32, #tpu.memory_space<vmem>>[vector<16xi32>, vector<16xi32>], vector<16xf32>,
      %mul3A_215 = arith.mulf %gather3A_214, %get3A_211 : vector<16xf32>
      tpu.vector_store_idx %arg13[%broadcast_in_dim3A_213, %get3A_207], %mul3A_215 {add = true} : memref<4x10000xf32, #tpu.memory_space<vmem>>[vector<16xi32>, vector<16xi32>], vector<16xf32>,
      %broadcast_in_dim3A_216 = arith.constant 1 : i32
      %broadcast_in_dim3A_217 = vector.broadcast %broadcast_in_dim3A_216 : i32 to vector<16xi32>
      %gather3A_218 = tpu.vector_load_idx %arg12[%broadcast_in_dim3A_217, %get3A_203] : memref<4x10000xf32, #tpu.memory_space<vmem>>[vector<16xi32>, vector<16xi32>], vector<16xf32>,
      %mul3A_219 = arith.mulf %gather3A_218, %get3A_211 : vector<16xf32>
      tpu.vector_store_idx %arg13[%broadcast_in_dim3A_217, %get3A_207], %mul3A_219 {add = true} : memref<4x10000xf32, #tpu.memory_space<vmem>>[vector<16xi32>, vector<16xi32>], vector<16xf32>,
      %broadcast_in_dim3A_220 = arith.constant 2 : i32
      %broadcast_in_dim3A_221 = vector.broadcast %broadcast_in_dim3A_220 : i32 to vector<16xi32>
      %gather3A_222 = tpu.vector_load_idx %arg12[%broadcast_in_dim3A_221, %get3A_203] : memref<4x10000xf32, #tpu.memory_space<vmem>>[vector<16xi32>, vector<16xi32>], vector<16xf32>,
      %mul3A_223 = arith.mulf %gather3A_222, %get3A_211 : vector<16xf32>
      tpu.vector_store_idx %arg13[%broadcast_in_dim3A_221, %get3A_207], %mul3A_223 {add = true} : memref<4x10000xf32, #tpu.memory_space<vmem>>[vector<16xi32>, vector<16xi32>], vector<16xf32>,
      %broadcast_in_dim3A_224 = arith.constant 3 : i32
      %broadcast_in_dim3A_225 = vector.broadcast %broadcast_in_dim3A_224 : i32 to vector<16xi32>
      %gather3A_226 = tpu.vector_load_idx %arg12[%broadcast_in_dim3A_225, %get3A_203] : memref<4x10000xf32, #tpu.memory_space<vmem>>[vector<16xi32>, vector<16xi32>], vector<16xf32>,
      %mul3A_227 = arith.mulf %gather3A_226, %get3A_211 : vector<16xf32>
      tpu.vector_store_idx %arg13[%broadcast_in_dim3A_225, %get3A_207], %mul3A_227 {add = true} : memref<4x10000xf32, #tpu.memory_space<vmem>>[vector<16xi32>, vector<16xi32>], vector<16xf32>,
    }
    %scan3A_82 = arith.constant 640 : i32
    %run_scoped3A_83 = arith.constant 0 : i32
    %run_scoped3A_84 = arith.constant 8 : i32
    "tpu.region"() ({
      %run_scoped3A_111 = tpu.sem_alloc : memref<!tpu.dma_semaphore, #tpu.memory_space<semaphore_mem>>
      %dma_start3A = arith.constant 0 : i32
      %dma_start3A_112 = tpu.memref_slice %arg13[%run_scoped3A_83, %dma_start3A] : memref<4x10000xf32, #tpu.memory_space<vmem>> -> memref<1x10000xf32, #tpu.memory_space<vmem>>
      %dma_start3A_113 = tpu.memref_squeeze %dma_start3A_112 : memref<1x10000xf32, #tpu.memory_space<vmem>> -> memref<10000xf32, #tpu.memory_space<vmem>>
      %dma_start3A_114 = tpu.memref_slice %arg7[%run_scoped3A_84, %multiple_of3A_30] : memref<16x320000xf32, #tpu.memory_space<hbm>> -> memref<1x10000xf32, #tpu.memory_space<hbm>>
      %dma_start3A_115 = tpu.memref_squeeze %dma_start3A_114 : memref<1x10000xf32, #tpu.memory_space<hbm>> -> memref<10000xf32, #tpu.memory_space<hbm>>
      %dma_start3A_116 = tpu.memref_slice %arg7[%run_scoped3A_84, %multiple_of3A_30] : memref<16x320000xf32, #tpu.memory_space<hbm>> -> memref<1x10000xf32, #tpu.memory_space<hbm>>
      %dma_start3A_117 = tpu.memref_squeeze %dma_start3A_116 : memref<1x10000xf32, #tpu.memory_space<hbm>> -> memref<10000xf32, #tpu.memory_space<hbm>>
      %dma_start3A_118 = arith.constant 0 : i32
      %dma_start3A_119 = tpu.memref_slice %arg13[%run_scoped3A_83, %dma_start3A_118] : memref<4x10000xf32, #tpu.memory_space<vmem>> -> memref<1x10000xf32, #tpu.memory_space<vmem>>
      %dma_start3A_120 = tpu.memref_squeeze %dma_start3A_119 : memref<1x10000xf32, #tpu.memory_space<vmem>> -> memref<10000xf32, #tpu.memory_space<vmem>>
      tpu.enqueue_dma source(%dma_start3A_120 : memref<10000xf32, #tpu.memory_space<vmem>>) target(%dma_start3A_117 : memref<10000xf32, #tpu.memory_space<hbm>>) target_semaphore(%run_scoped3A_111 : memref<!tpu.dma_semaphore, #tpu.memory_space<semaphore_mem>>)
      %dma_wait3A = arith.constant 0 : i32
      %dma_wait3A_121 = tpu.memref_slice %arg13[%run_scoped3A_83, %dma_wait3A] : memref<4x10000xf32, #tpu.memory_space<vmem>> -> memref<1x10000xf32, #tpu.memory_space<vmem>>
      %dma_wait3A_122 = tpu.memref_squeeze %dma_wait3A_121 : memref<1x10000xf32, #tpu.memory_space<vmem>> -> memref<10000xf32, #tpu.memory_space<vmem>>
      %dma_wait3A_123 = tpu.memref_slice %arg7[%run_scoped3A_84, %multiple_of3A_30] : memref<16x320000xf32, #tpu.memory_space<hbm>> -> memref<1x10000xf32, #tpu.memory_space<hbm>>
      %dma_wait3A_124 = tpu.memref_squeeze %dma_wait3A_123 : memref<1x10000xf32, #tpu.memory_space<hbm>> -> memref<10000xf32, #tpu.memory_space<hbm>>
      %dma_wait3A_125 = tpu.memref_slice %arg7[%run_scoped3A_84, %multiple_of3A_30] : memref<16x320000xf32, #tpu.memory_space<hbm>> -> memref<1x10000xf32, #tpu.memory_space<hbm>>
      %dma_wait3A_126 = tpu.memref_squeeze %dma_wait3A_125 : memref<1x10000xf32, #tpu.memory_space<hbm>> -> memref<10000xf32, #tpu.memory_space<hbm>>
      %dma_wait3A_127 = arith.constant 0 : i32
      %dma_wait3A_128 = tpu.memref_slice %arg13[%run_scoped3A_83, %dma_wait3A_127] : memref<4x10000xf32, #tpu.memory_space<vmem>> -> memref<1x10000xf32, #tpu.memory_space<vmem>>
      %dma_wait3A_129 = tpu.memref_squeeze %dma_wait3A_128 : memref<1x10000xf32, #tpu.memory_space<vmem>> -> memref<10000xf32, #tpu.memory_space<vmem>>
      tpu.wait_dma2 semaphore(%run_scoped3A_111 : memref<!tpu.dma_semaphore, #tpu.memory_space<semaphore_mem>>) src(%dma_wait3A_129 : memref<10000xf32, #tpu.memory_space<vmem>>) dst(%dma_wait3A_126 : memref<10000xf32, #tpu.memory_space<hbm>>)
      tpu.yield
    }) : () -> ()
    %run_scoped3A_85 = arith.constant 1 : i32
    %run_scoped3A_86 = arith.constant 9 : i32
    "tpu.region"() ({
      %run_scoped3A_111 = tpu.sem_alloc : memref<!tpu.dma_semaphore, #tpu.memory_space<semaphore_mem>>
      %dma_start3A = arith.constant 0 : i32
      %dma_start3A_112 = tpu.memref_slice %arg13[%run_scoped3A_85, %dma_start3A] : memref<4x10000xf32, #tpu.memory_space<vmem>> -> memref<1x10000xf32, #tpu.memory_space<vmem>>
      %dma_start3A_113 = tpu.memref_squeeze %dma_start3A_112 : memref<1x10000xf32, #tpu.memory_space<vmem>> -> memref<10000xf32, #tpu.memory_space<vmem>>
      %dma_start3A_114 = tpu.memref_slice %arg7[%run_scoped3A_86, %multiple_of3A_30] : memref<16x320000xf32, #tpu.memory_space<hbm>> -> memref<1x10000xf32, #tpu.memory_space<hbm>>
      %dma_start3A_115 = tpu.memref_squeeze %dma_start3A_114 : memref<1x10000xf32, #tpu.memory_space<hbm>> -> memref<10000xf32, #tpu.memory_space<hbm>>
      %dma_start3A_116 = tpu.memref_slice %arg7[%run_scoped3A_86, %multiple_of3A_30] : memref<16x320000xf32, #tpu.memory_space<hbm>> -> memref<1x10000xf32, #tpu.memory_space<hbm>>
      %dma_start3A_117 = tpu.memref_squeeze %dma_start3A_116 : memref<1x10000xf32, #tpu.memory_space<hbm>> -> memref<10000xf32, #tpu.memory_space<hbm>>
      %dma_start3A_118 = arith.constant 0 : i32
      %dma_start3A_119 = tpu.memref_slice %arg13[%run_scoped3A_85, %dma_start3A_118] : memref<4x10000xf32, #tpu.memory_space<vmem>> -> memref<1x10000xf32, #tpu.memory_space<vmem>>
      %dma_start3A_120 = tpu.memref_squeeze %dma_start3A_119 : memref<1x10000xf32, #tpu.memory_space<vmem>> -> memref<10000xf32, #tpu.memory_space<vmem>>
      tpu.enqueue_dma source(%dma_start3A_120 : memref<10000xf32, #tpu.memory_space<vmem>>) target(%dma_start3A_117 : memref<10000xf32, #tpu.memory_space<hbm>>) target_semaphore(%run_scoped3A_111 : memref<!tpu.dma_semaphore, #tpu.memory_space<semaphore_mem>>)
      %dma_wait3A = arith.constant 0 : i32
      %dma_wait3A_121 = tpu.memref_slice %arg13[%run_scoped3A_85, %dma_wait3A] : memref<4x10000xf32, #tpu.memory_space<vmem>> -> memref<1x10000xf32, #tpu.memory_space<vmem>>
      %dma_wait3A_122 = tpu.memref_squeeze %dma_wait3A_121 : memref<1x10000xf32, #tpu.memory_space<vmem>> -> memref<10000xf32, #tpu.memory_space<vmem>>
      %dma_wait3A_123 = tpu.memref_slice %arg7[%run_scoped3A_86, %multiple_of3A_30] : memref<16x320000xf32, #tpu.memory_space<hbm>> -> memref<1x10000xf32, #tpu.memory_space<hbm>>
      %dma_wait3A_124 = tpu.memref_squeeze %dma_wait3A_123 : memref<1x10000xf32, #tpu.memory_space<hbm>> -> memref<10000xf32, #tpu.memory_space<hbm>>
      %dma_wait3A_125 = tpu.memref_slice %arg7[%run_scoped3A_86, %multiple_of3A_30] : memref<16x320000xf32, #tpu.memory_space<hbm>> -> memref<1x10000xf32, #tpu.memory_space<hbm>>
      %dma_wait3A_126 = tpu.memref_squeeze %dma_wait3A_125 : memref<1x10000xf32, #tpu.memory_space<hbm>> -> memref<10000xf32, #tpu.memory_space<hbm>>
      %dma_wait3A_127 = arith.constant 0 : i32
      %dma_wait3A_128 = tpu.memref_slice %arg13[%run_scoped3A_85, %dma_wait3A_127] : memref<4x10000xf32, #tpu.memory_space<vmem>> -> memref<1x10000xf32, #tpu.memory_space<vmem>>
      %dma_wait3A_129 = tpu.memref_squeeze %dma_wait3A_128 : memref<1x10000xf32, #tpu.memory_space<vmem>> -> memref<10000xf32, #tpu.memory_space<vmem>>
      tpu.wait_dma2 semaphore(%run_scoped3A_111 : memref<!tpu.dma_semaphore, #tpu.memory_space<semaphore_mem>>) src(%dma_wait3A_129 : memref<10000xf32, #tpu.memory_space<vmem>>) dst(%dma_wait3A_126 : memref<10000xf32, #tpu.memory_space<hbm>>)
      tpu.yield
    }) : () -> ()
    %run_scoped3A_87 = arith.constant 2 : i32
    %run_scoped3A_88 = arith.constant 10 : i32
    "tpu.region"() ({
      %run_scoped3A_111 = tpu.sem_alloc : memref<!tpu.dma_semaphore, #tpu.memory_space<semaphore_mem>>
      %dma_start3A = arith.constant 0 : i32
      %dma_start3A_112 = tpu.memref_slice %arg13[%run_scoped3A_87, %dma_start3A] : memref<4x10000xf32, #tpu.memory_space<vmem>> -> memref<1x10000xf32, #tpu.memory_space<vmem>>
      %dma_start3A_113 = tpu.memref_squeeze %dma_start3A_112 : memref<1x10000xf32, #tpu.memory_space<vmem>> -> memref<10000xf32, #tpu.memory_space<vmem>>
      %dma_start3A_114 = tpu.memref_slice %arg7[%run_scoped3A_88, %multiple_of3A_30] : memref<16x320000xf32, #tpu.memory_space<hbm>> -> memref<1x10000xf32, #tpu.memory_space<hbm>>
      %dma_start3A_115 = tpu.memref_squeeze %dma_start3A_114 : memref<1x10000xf32, #tpu.memory_space<hbm>> -> memref<10000xf32, #tpu.memory_space<hbm>>
      %dma_start3A_116 = tpu.memref_slice %arg7[%run_scoped3A_88, %multiple_of3A_30] : memref<16x320000xf32, #tpu.memory_space<hbm>> -> memref<1x10000xf32, #tpu.memory_space<hbm>>
      %dma_start3A_117 = tpu.memref_squeeze %dma_start3A_116 : memref<1x10000xf32, #tpu.memory_space<hbm>> -> memref<10000xf32, #tpu.memory_space<hbm>>
      %dma_start3A_118 = arith.constant 0 : i32
      %dma_start3A_119 = tpu.memref_slice %arg13[%run_scoped3A_87, %dma_start3A_118] : memref<4x10000xf32, #tpu.memory_space<vmem>> -> memref<1x10000xf32, #tpu.memory_space<vmem>>
      %dma_start3A_120 = tpu.memref_squeeze %dma_start3A_119 : memref<1x10000xf32, #tpu.memory_space<vmem>> -> memref<10000xf32, #tpu.memory_space<vmem>>
      tpu.enqueue_dma source(%dma_start3A_120 : memref<10000xf32, #tpu.memory_space<vmem>>) target(%dma_start3A_117 : memref<10000xf32, #tpu.memory_space<hbm>>) target_semaphore(%run_scoped3A_111 : memref<!tpu.dma_semaphore, #tpu.memory_space<semaphore_mem>>)
      %dma_wait3A = arith.constant 0 : i32
      %dma_wait3A_121 = tpu.memref_slice %arg13[%run_scoped3A_87, %dma_wait3A] : memref<4x10000xf32, #tpu.memory_space<vmem>> -> memref<1x10000xf32, #tpu.memory_space<vmem>>
      %dma_wait3A_122 = tpu.memref_squeeze %dma_wait3A_121 : memref<1x10000xf32, #tpu.memory_space<vmem>> -> memref<10000xf32, #tpu.memory_space<vmem>>
      %dma_wait3A_123 = tpu.memref_slice %arg7[%run_scoped3A_88, %multiple_of3A_30] : memref<16x320000xf32, #tpu.memory_space<hbm>> -> memref<1x10000xf32, #tpu.memory_space<hbm>>
      %dma_wait3A_124 = tpu.memref_squeeze %dma_wait3A_123 : memref<1x10000xf32, #tpu.memory_space<hbm>> -> memref<10000xf32, #tpu.memory_space<hbm>>
      %dma_wait3A_125 = tpu.memref_slice %arg7[%run_scoped3A_88, %multiple_of3A_30] : memref<16x320000xf32, #tpu.memory_space<hbm>> -> memref<1x10000xf32, #tpu.memory_space<hbm>>
      %dma_wait3A_126 = tpu.memref_squeeze %dma_wait3A_125 : memref<1x10000xf32, #tpu.memory_space<hbm>> -> memref<10000xf32, #tpu.memory_space<hbm>>
      %dma_wait3A_127 = arith.constant 0 : i32
      %dma_wait3A_128 = tpu.memref_slice %arg13[%run_scoped3A_87, %dma_wait3A_127] : memref<4x10000xf32, #tpu.memory_space<vmem>> -> memref<1x10000xf32, #tpu.memory_space<vmem>>
      %dma_wait3A_129 = tpu.memref_squeeze %dma_wait3A_128 : memref<1x10000xf32, #tpu.memory_space<vmem>> -> memref<10000xf32, #tpu.memory_space<vmem>>
      tpu.wait_dma2 semaphore(%run_scoped3A_111 : memref<!tpu.dma_semaphore, #tpu.memory_space<semaphore_mem>>) src(%dma_wait3A_129 : memref<10000xf32, #tpu.memory_space<vmem>>) dst(%dma_wait3A_126 : memref<10000xf32, #tpu.memory_space<hbm>>)
      tpu.yield
    }) : () -> ()
    %run_scoped3A_89 = arith.constant 3 : i32
    %run_scoped3A_90 = arith.constant 11 : i32
    "tpu.region"() ({
      %run_scoped3A_111 = tpu.sem_alloc : memref<!tpu.dma_semaphore, #tpu.memory_space<semaphore_mem>>
      %dma_start3A = arith.constant 0 : i32
      %dma_start3A_112 = tpu.memref_slice %arg13[%run_scoped3A_89, %dma_start3A] : memref<4x10000xf32, #tpu.memory_space<vmem>> -> memref<1x10000xf32, #tpu.memory_space<vmem>>
      %dma_start3A_113 = tpu.memref_squeeze %dma_start3A_112 : memref<1x10000xf32, #tpu.memory_space<vmem>> -> memref<10000xf32, #tpu.memory_space<vmem>>
      %dma_start3A_114 = tpu.memref_slice %arg7[%run_scoped3A_90, %multiple_of3A_30] : memref<16x320000xf32, #tpu.memory_space<hbm>> -> memref<1x10000xf32, #tpu.memory_space<hbm>>
      %dma_start3A_115 = tpu.memref_squeeze %dma_start3A_114 : memref<1x10000xf32, #tpu.memory_space<hbm>> -> memref<10000xf32, #tpu.memory_space<hbm>>
      %dma_start3A_116 = tpu.memref_slice %arg7[%run_scoped3A_90, %multiple_of3A_30] : memref<16x320000xf32, #tpu.memory_space<hbm>> -> memref<1x10000xf32, #tpu.memory_space<hbm>>
      %dma_start3A_117 = tpu.memref_squeeze %dma_start3A_116 : memref<1x10000xf32, #tpu.memory_space<hbm>> -> memref<10000xf32, #tpu.memory_space<hbm>>
      %dma_start3A_118 = arith.constant 0 : i32
      %dma_start3A_119 = tpu.memref_slice %arg13[%run_scoped3A_89, %dma_start3A_118] : memref<4x10000xf32, #tpu.memory_space<vmem>> -> memref<1x10000xf32, #tpu.memory_space<vmem>>
      %dma_start3A_120 = tpu.memref_squeeze %dma_start3A_119 : memref<1x10000xf32, #tpu.memory_space<vmem>> -> memref<10000xf32, #tpu.memory_space<vmem>>
      tpu.enqueue_dma source(%dma_start3A_120 : memref<10000xf32, #tpu.memory_space<vmem>>) target(%dma_start3A_117 : memref<10000xf32, #tpu.memory_space<hbm>>) target_semaphore(%run_scoped3A_111 : memref<!tpu.dma_semaphore, #tpu.memory_space<semaphore_mem>>)
      %dma_wait3A = arith.constant 0 : i32
      %dma_wait3A_121 = tpu.memref_slice %arg13[%run_scoped3A_89, %dma_wait3A] : memref<4x10000xf32, #tpu.memory_space<vmem>> -> memref<1x10000xf32, #tpu.memory_space<vmem>>
      %dma_wait3A_122 = tpu.memref_squeeze %dma_wait3A_121 : memref<1x10000xf32, #tpu.memory_space<vmem>> -> memref<10000xf32, #tpu.memory_space<vmem>>
      %dma_wait3A_123 = tpu.memref_slice %arg7[%run_scoped3A_90, %multiple_of3A_30] : memref<16x320000xf32, #tpu.memory_space<hbm>> -> memref<1x10000xf32, #tpu.memory_space<hbm>>
      %dma_wait3A_124 = tpu.memref_squeeze %dma_wait3A_123 : memref<1x10000xf32, #tpu.memory_space<hbm>> -> memref<10000xf32, #tpu.memory_space<hbm>>
      %dma_wait3A_125 = tpu.memref_slice %arg7[%run_scoped3A_90, %multiple_of3A_30] : memref<16x320000xf32, #tpu.memory_space<hbm>> -> memref<1x10000xf32, #tpu.memory_space<hbm>>
      %dma_wait3A_126 = tpu.memref_squeeze %dma_wait3A_125 : memref<1x10000xf32, #tpu.memory_space<hbm>> -> memref<10000xf32, #tpu.memory_space<hbm>>
      %dma_wait3A_127 = arith.constant 0 : i32
      %dma_wait3A_128 = tpu.memref_slice %arg13[%run_scoped3A_89, %dma_wait3A_127] : memref<4x10000xf32, #tpu.memory_space<vmem>> -> memref<1x10000xf32, #tpu.memory_space<vmem>>
      %dma_wait3A_129 = tpu.memref_squeeze %dma_wait3A_128 : memref<1x10000xf32, #tpu.memory_space<vmem>> -> memref<10000xf32, #tpu.memory_space<vmem>>
      tpu.wait_dma2 semaphore(%run_scoped3A_111 : memref<!tpu.dma_semaphore, #tpu.memory_space<semaphore_mem>>) src(%dma_wait3A_129 : memref<10000xf32, #tpu.memory_space<vmem>>) dst(%dma_wait3A_126 : memref<10000xf32, #tpu.memory_space<hbm>>)
      tpu.yield
    }) : () -> ()
    "tpu.region"() ({
      %run_scoped3A_111 = tpu.sem_alloc : memref<!tpu.dma_semaphore, #tpu.memory_space<semaphore_mem>>
      %dma_start3A = arith.constant 12 : i32
      %dma_start3A_112 = arith.constant 0 : i32
      %dma_start3A_113 = tpu.memref_slice %arg6[%dma_start3A, %dma_start3A_112] : memref<16x10000xf32, #tpu.memory_space<hbm>> -> memref<4x10000xf32, #tpu.memory_space<hbm>>
      %dma_start3A_114 = arith.constant 12 : i32
      %dma_start3A_115 = arith.constant 0 : i32
      %dma_start3A_116 = tpu.memref_slice %arg6[%dma_start3A_114, %dma_start3A_115] : memref<16x10000xf32, #tpu.memory_space<hbm>> -> memref<4x10000xf32, #tpu.memory_space<hbm>>
      tpu.enqueue_dma source(%dma_start3A_116 : memref<4x10000xf32, #tpu.memory_space<hbm>>) target(%arg12 : memref<4x10000xf32, #tpu.memory_space<vmem>>) target_semaphore(%run_scoped3A_111 : memref<!tpu.dma_semaphore, #tpu.memory_space<semaphore_mem>>)
      %dma_wait3A = arith.constant 12 : i32
      %dma_wait3A_117 = arith.constant 0 : i32
      %dma_wait3A_118 = tpu.memref_slice %arg6[%dma_wait3A, %dma_wait3A_117] : memref<16x10000xf32, #tpu.memory_space<hbm>> -> memref<4x10000xf32, #tpu.memory_space<hbm>>
      %dma_wait3A_119 = arith.constant 12 : i32
      %dma_wait3A_120 = arith.constant 0 : i32
      %dma_wait3A_121 = tpu.memref_slice %arg6[%dma_wait3A_119, %dma_wait3A_120] : memref<16x10000xf32, #tpu.memory_space<hbm>> -> memref<4x10000xf32, #tpu.memory_space<hbm>>
      tpu.wait_dma2 semaphore(%run_scoped3A_111 : memref<!tpu.dma_semaphore, #tpu.memory_space<semaphore_mem>>) src(%dma_wait3A_121 : memref<4x10000xf32, #tpu.memory_space<hbm>>) dst(%arg12 : memref<4x10000xf32, #tpu.memory_space<vmem>>)
      tpu.yield
    }) : () -> ()
    %scan3A_91 = arith.constant 0 : i32
    %scan3A_92 = arith.constant 0 : i32
    %scan3A_93 = arith.constant 2500 : i32
    %scan3A_94 = arith.addi %scan3A_92, %scan3A_93 : i32
    %scan3A_95 = arith.constant 1 : i32
    scf.for %scan3A_111 = %scan3A_92 to %scan3A_94 step %scan3A_95  : i32 {
      %jit3A = arith.constant 4 : i32
      %eq3A = arith.constant 0 : i32
      %eq3A_112 = arith.cmpi eq, %jit3A, %eq3A : i32
      %jit3A_113 = arith.constant 1 : i32
      %select_n3A = arith.select %eq3A_112, %jit3A_113, %jit3A : i32
      %rem3A = arith.remsi %scan3A_111, %select_n3A : i32
      %ne3A = arith.constant 0 : i32
      %ne3A_114 = arith.cmpi ne, %rem3A, %ne3A : i32
      %lt3A = arith.constant 0 : i32
      %lt3A_115 = arith.cmpi slt, %rem3A, %lt3A : i32
      %lt3A_116 = arith.constant 0 : i32
      %lt3A_117 = arith.cmpi slt, %select_n3A, %lt3A_116 : i32
      %ne3A_118 = arith.xori %lt3A_115, %lt3A_117 : i1
      %and3A = arith.andi %ne3A_118, %ne3A_114 : i1
      %add3A_119 = arith.addi %rem3A, %select_n3A : i32
      %select_n3A_120 = arith.select %and3A, %add3A_119, %rem3A : i32
      %jit3A_121 = arith.constant 4 : i32
      %div3A = arith.divsi %scan3A_111, %jit3A_121 : i32
      %sign3A = arith.constant 0 : i32
      %sign3A_122 = arith.cmpi sgt, %scan3A_111, %sign3A : i32
      %sign3A_123 = arith.extui %sign3A_122 : i1 to i32
      %sign3A_124 = arith.constant 0 : i32
      %sign3A_125 = arith.cmpi slt, %scan3A_111, %sign3A_124 : i32
      %sign3A_126 = arith.extui %sign3A_125 : i1 to i32
      %sign3A_127 = arith.subi %sign3A_123, %sign3A_126 : i32
      %sign3A_128 = arith.constant 0 : i32
      %sign3A_129 = arith.cmpi sgt, %jit3A_121, %sign3A_128 : i32
      %sign3A_130 = arith.extui %sign3A_129 : i1 to i32
      %sign3A_131 = arith.constant 0 : i32
      %sign3A_132 = arith.cmpi slt, %jit3A_121, %sign3A_131 : i32
      %sign3A_133 = arith.extui %sign3A_132 : i1 to i32
      %sign3A_134 = arith.subi %sign3A_130, %sign3A_133 : i32
      %ne3A_135 = arith.cmpi ne, %sign3A_127, %sign3A_134 : i32
      %rem3A_136 = arith.remsi %scan3A_111, %jit3A_121 : i32
      %ne3A_137 = arith.constant 0 : i32
      %ne3A_138 = arith.cmpi ne, %rem3A_136, %ne3A_137 : i32
      %and3A_139 = arith.andi %ne3A_135, %ne3A_138 : i1
      %sub3A = arith.constant 1 : i32
      %sub3A_140 = arith.subi %div3A, %sub3A : i32
      %select_n3A_141 = arith.select %and3A_139, %sub3A_140, %div3A : i32
      %mul3A_142 = arith.constant 16 : i32
      %mul3A_143 = arith.muli %select_n3A_141, %mul3A_142 : i32
      %swap3A = arith.index_cast %select_n3A_120 : i32 to index
      %swap3A_144 = arith.index_cast %mul3A_143 : i32 to index
      %swap3A_145 = tpu.vector_load %arg13[%swap3A, %swap3A_144] {strides = array<i32>} : memref<4x10000xf32, #tpu.memory_space<vmem>>, vector<16xf32>,
      tpu.vector_store %arg13[%swap3A, %swap3A_144], %broadcast_in_dim3A_4 {strides = array<i32>} : memref<4x10000xf32, #tpu.memory_space<vmem>>, vector<16xf32>,
    }
    %scan3A_96 = arith.constant 2500 : i32
    %scan3A_97 = arith.constant 0 : i32
    %scan3A_98 = arith.constant 0 : i32
    %scan3A_99 = arith.constant 640 : i32
    %scan3A_100 = arith.addi %scan3A_98, %scan3A_99 : i32
    %scan3A_101 = arith.constant 4 : i32
    scf.for %scan3A_111 = %scan3A_98 to %scan3A_100 step %scan3A_101  : i32 {
      %mul3A_112 = arith.constant 16 : i32
      %mul3A_113 = arith.muli %scan3A_111, %mul3A_112 : i32
      %get3A = arith.index_cast %mul3A_113 : i32 to index
      %get3A_114 = tpu.vector_load %arg9[%get3A] {strides = array<i32>} : memref<10240xi32, #tpu.memory_space<vmem>>, vector<16xi32>,
      %mul3A_115 = arith.constant 16 : i32
      %mul3A_116 = arith.muli %scan3A_111, %mul3A_115 : i32
      %get3A_117 = arith.index_cast %mul3A_116 : i32 to index
      %get3A_118 = tpu.vector_load %arg10[%get3A_117] {strides = array<i32>} : memref<10240xi32, #tpu.memory_space<vmem>>, vector<16xi32>,
      %mul3A_119 = arith.constant 16 : i32
      %mul3A_120 = arith.muli %scan3A_111, %mul3A_119 : i32
      %get3A_121 = arith.index_cast %mul3A_120 : i32 to index
      %get3A_122 = tpu.vector_load %arg11[%get3A_121] {strides = array<i32>} : memref<10240xf32, #tpu.memory_space<vmem>>, vector<16xf32>,
      %broadcast_in_dim3A_123 = arith.constant 0 : i32
      %broadcast_in_dim3A_124 = vector.broadcast %broadcast_in_dim3A_123 : i32 to vector<16xi32>
      %gather3A = tpu.vector_load_idx %arg12[%broadcast_in_dim3A_124, %get3A_114] : memref<4x10000xf32, #tpu.memory_space<vmem>>[vector<16xi32>, vector<16xi32>], vector<16xf32>,
      %mul3A_125 = arith.mulf %gather3A, %get3A_122 : vector<16xf32>
      tpu.vector_store_idx %arg13[%broadcast_in_dim3A_124, %get3A_118], %mul3A_125 {add = true} : memref<4x10000xf32, #tpu.memory_space<vmem>>[vector<16xi32>, vector<16xi32>], vector<16xf32>,
      %broadcast_in_dim3A_126 = arith.constant 1 : i32
      %broadcast_in_dim3A_127 = vector.broadcast %broadcast_in_dim3A_126 : i32 to vector<16xi32>
      %gather3A_128 = tpu.vector_load_idx %arg12[%broadcast_in_dim3A_127, %get3A_114] : memref<4x10000xf32, #tpu.memory_space<vmem>>[vector<16xi32>, vector<16xi32>], vector<16xf32>,
      %mul3A_129 = arith.mulf %gather3A_128, %get3A_122 : vector<16xf32>
      tpu.vector_store_idx %arg13[%broadcast_in_dim3A_127, %get3A_118], %mul3A_129 {add = true} : memref<4x10000xf32, #tpu.memory_space<vmem>>[vector<16xi32>, vector<16xi32>], vector<16xf32>,
      %broadcast_in_dim3A_130 = arith.constant 2 : i32
      %broadcast_in_dim3A_131 = vector.broadcast %broadcast_in_dim3A_130 : i32 to vector<16xi32>
      %gather3A_132 = tpu.vector_load_idx %arg12[%broadcast_in_dim3A_131, %get3A_114] : memref<4x10000xf32, #tpu.memory_space<vmem>>[vector<16xi32>, vector<16xi32>], vector<16xf32>,
      %mul3A_133 = arith.mulf %gather3A_132, %get3A_122 : vector<16xf32>
      tpu.vector_store_idx %arg13[%broadcast_in_dim3A_131, %get3A_118], %mul3A_133 {add = true} : memref<4x10000xf32, #tpu.memory_space<vmem>>[vector<16xi32>, vector<16xi32>], vector<16xf32>,
      %broadcast_in_dim3A_134 = arith.constant 3 : i32
      %broadcast_in_dim3A_135 = vector.broadcast %broadcast_in_dim3A_134 : i32 to vector<16xi32>
      %gather3A_136 = tpu.vector_load_idx %arg12[%broadcast_in_dim3A_135, %get3A_114] : memref<4x10000xf32, #tpu.memory_space<vmem>>[vector<16xi32>, vector<16xi32>], vector<16xf32>,
      %mul3A_137 = arith.mulf %gather3A_136, %get3A_122 : vector<16xf32>
      tpu.vector_store_idx %arg13[%broadcast_in_dim3A_135, %get3A_118], %mul3A_137 {add = true} : memref<4x10000xf32, #tpu.memory_space<vmem>>[vector<16xi32>, vector<16xi32>], vector<16xf32>,
      %scan3A_138 = arith.constant 1 : i32
      %scan3A_139 = arith.addi %scan3A_111, %scan3A_138 : i32
      %mul3A_140 = arith.constant 16 : i32
      %mul3A_141 = arith.muli %scan3A_139, %mul3A_140 : i32
      %get3A_142 = arith.index_cast %mul3A_141 : i32 to index
      %get3A_143 = tpu.vector_load %arg9[%get3A_142] {strides = array<i32>} : memref<10240xi32, #tpu.memory_space<vmem>>, vector<16xi32>,
      %mul3A_144 = arith.constant 16 : i32
      %mul3A_145 = arith.muli %scan3A_139, %mul3A_144 : i32
      %get3A_146 = arith.index_cast %mul3A_145 : i32 to index
      %get3A_147 = tpu.vector_load %arg10[%get3A_146] {strides = array<i32>} : memref<10240xi32, #tpu.memory_space<vmem>>, vector<16xi32>,
      %mul3A_148 = arith.constant 16 : i32
      %mul3A_149 = arith.muli %scan3A_139, %mul3A_148 : i32
      %get3A_150 = arith.index_cast %mul3A_149 : i32 to index
      %get3A_151 = tpu.vector_load %arg11[%get3A_150] {strides = array<i32>} : memref<10240xf32, #tpu.memory_space<vmem>>, vector<16xf32>,
      %broadcast_in_dim3A_152 = arith.constant 0 : i32
      %broadcast_in_dim3A_153 = vector.broadcast %broadcast_in_dim3A_152 : i32 to vector<16xi32>
      %gather3A_154 = tpu.vector_load_idx %arg12[%broadcast_in_dim3A_153, %get3A_143] : memref<4x10000xf32, #tpu.memory_space<vmem>>[vector<16xi32>, vector<16xi32>], vector<16xf32>,
      %mul3A_155 = arith.mulf %gather3A_154, %get3A_151 : vector<16xf32>
      tpu.vector_store_idx %arg13[%broadcast_in_dim3A_153, %get3A_147], %mul3A_155 {add = true} : memref<4x10000xf32, #tpu.memory_space<vmem>>[vector<16xi32>, vector<16xi32>], vector<16xf32>,
      %broadcast_in_dim3A_156 = arith.constant 1 : i32
      %broadcast_in_dim3A_157 = vector.broadcast %broadcast_in_dim3A_156 : i32 to vector<16xi32>
      %gather3A_158 = tpu.vector_load_idx %arg12[%broadcast_in_dim3A_157, %get3A_143] : memref<4x10000xf32, #tpu.memory_space<vmem>>[vector<16xi32>, vector<16xi32>], vector<16xf32>,
      %mul3A_159 = arith.mulf %gather3A_158, %get3A_151 : vector<16xf32>
      tpu.vector_store_idx %arg13[%broadcast_in_dim3A_157, %get3A_147], %mul3A_159 {add = true} : memref<4x10000xf32, #tpu.memory_space<vmem>>[vector<16xi32>, vector<16xi32>], vector<16xf32>,
      %broadcast_in_dim3A_160 = arith.constant 2 : i32
      %broadcast_in_dim3A_161 = vector.broadcast %broadcast_in_dim3A_160 : i32 to vector<16xi32>
      %gather3A_162 = tpu.vector_load_idx %arg12[%broadcast_in_dim3A_161, %get3A_143] : memref<4x10000xf32, #tpu.memory_space<vmem>>[vector<16xi32>, vector<16xi32>], vector<16xf32>,
      %mul3A_163 = arith.mulf %gather3A_162, %get3A_151 : vector<16xf32>
      tpu.vector_store_idx %arg13[%broadcast_in_dim3A_161, %get3A_147], %mul3A_163 {add = true} : memref<4x10000xf32, #tpu.memory_space<vmem>>[vector<16xi32>, vector<16xi32>], vector<16xf32>,
      %broadcast_in_dim3A_164 = arith.constant 3 : i32
      %broadcast_in_dim3A_165 = vector.broadcast %broadcast_in_dim3A_164 : i32 to vector<16xi32>
      %gather3A_166 = tpu.vector_load_idx %arg12[%broadcast_in_dim3A_165, %get3A_143] : memref<4x10000xf32, #tpu.memory_space<vmem>>[vector<16xi32>, vector<16xi32>], vector<16xf32>,
      %mul3A_167 = arith.mulf %gather3A_166, %get3A_151 : vector<16xf32>
      tpu.vector_store_idx %arg13[%broadcast_in_dim3A_165, %get3A_147], %mul3A_167 {add = true} : memref<4x10000xf32, #tpu.memory_space<vmem>>[vector<16xi32>, vector<16xi32>], vector<16xf32>,
      %scan3A_168 = arith.constant 2 : i32
      %scan3A_169 = arith.addi %scan3A_111, %scan3A_168 : i32
      %mul3A_170 = arith.constant 16 : i32
      %mul3A_171 = arith.muli %scan3A_169, %mul3A_170 : i32
      %get3A_172 = arith.index_cast %mul3A_171 : i32 to index
      %get3A_173 = tpu.vector_load %arg9[%get3A_172] {strides = array<i32>} : memref<10240xi32, #tpu.memory_space<vmem>>, vector<16xi32>,
      %mul3A_174 = arith.constant 16 : i32
      %mul3A_175 = arith.muli %scan3A_169, %mul3A_174 : i32
      %get3A_176 = arith.index_cast %mul3A_175 : i32 to index
      %get3A_177 = tpu.vector_load %arg10[%get3A_176] {strides = array<i32>} : memref<10240xi32, #tpu.memory_space<vmem>>, vector<16xi32>,
      %mul3A_178 = arith.constant 16 : i32
      %mul3A_179 = arith.muli %scan3A_169, %mul3A_178 : i32
      %get3A_180 = arith.index_cast %mul3A_179 : i32 to index
      %get3A_181 = tpu.vector_load %arg11[%get3A_180] {strides = array<i32>} : memref<10240xf32, #tpu.memory_space<vmem>>, vector<16xf32>,
      %broadcast_in_dim3A_182 = arith.constant 0 : i32
      %broadcast_in_dim3A_183 = vector.broadcast %broadcast_in_dim3A_182 : i32 to vector<16xi32>
      %gather3A_184 = tpu.vector_load_idx %arg12[%broadcast_in_dim3A_183, %get3A_173] : memref<4x10000xf32, #tpu.memory_space<vmem>>[vector<16xi32>, vector<16xi32>], vector<16xf32>,
      %mul3A_185 = arith.mulf %gather3A_184, %get3A_181 : vector<16xf32>
      tpu.vector_store_idx %arg13[%broadcast_in_dim3A_183, %get3A_177], %mul3A_185 {add = true} : memref<4x10000xf32, #tpu.memory_space<vmem>>[vector<16xi32>, vector<16xi32>], vector<16xf32>,
      %broadcast_in_dim3A_186 = arith.constant 1 : i32
      %broadcast_in_dim3A_187 = vector.broadcast %broadcast_in_dim3A_186 : i32 to vector<16xi32>
      %gather3A_188 = tpu.vector_load_idx %arg12[%broadcast_in_dim3A_187, %get3A_173] : memref<4x10000xf32, #tpu.memory_space<vmem>>[vector<16xi32>, vector<16xi32>], vector<16xf32>,
      %mul3A_189 = arith.mulf %gather3A_188, %get3A_181 : vector<16xf32>
      tpu.vector_store_idx %arg13[%broadcast_in_dim3A_187, %get3A_177], %mul3A_189 {add = true} : memref<4x10000xf32, #tpu.memory_space<vmem>>[vector<16xi32>, vector<16xi32>], vector<16xf32>,
      %broadcast_in_dim3A_190 = arith.constant 2 : i32
      %broadcast_in_dim3A_191 = vector.broadcast %broadcast_in_dim3A_190 : i32 to vector<16xi32>
      %gather3A_192 = tpu.vector_load_idx %arg12[%broadcast_in_dim3A_191, %get3A_173] : memref<4x10000xf32, #tpu.memory_space<vmem>>[vector<16xi32>, vector<16xi32>], vector<16xf32>,
      %mul3A_193 = arith.mulf %gather3A_192, %get3A_181 : vector<16xf32>
      tpu.vector_store_idx %arg13[%broadcast_in_dim3A_191, %get3A_177], %mul3A_193 {add = true} : memref<4x10000xf32, #tpu.memory_space<vmem>>[vector<16xi32>, vector<16xi32>], vector<16xf32>,
      %broadcast_in_dim3A_194 = arith.constant 3 : i32
      %broadcast_in_dim3A_195 = vector.broadcast %broadcast_in_dim3A_194 : i32 to vector<16xi32>
      %gather3A_196 = tpu.vector_load_idx %arg12[%broadcast_in_dim3A_195, %get3A_173] : memref<4x10000xf32, #tpu.memory_space<vmem>>[vector<16xi32>, vector<16xi32>], vector<16xf32>,
      %mul3A_197 = arith.mulf %gather3A_196, %get3A_181 : vector<16xf32>
      tpu.vector_store_idx %arg13[%broadcast_in_dim3A_195, %get3A_177], %mul3A_197 {add = true} : memref<4x10000xf32, #tpu.memory_space<vmem>>[vector<16xi32>, vector<16xi32>], vector<16xf32>,
      %scan3A_198 = arith.constant 3 : i32
      %scan3A_199 = arith.addi %scan3A_111, %scan3A_198 : i32
      %mul3A_200 = arith.constant 16 : i32
      %mul3A_201 = arith.muli %scan3A_199, %mul3A_200 : i32
      %get3A_202 = arith.index_cast %mul3A_201 : i32 to index
      %get3A_203 = tpu.vector_load %arg9[%get3A_202] {strides = array<i32>} : memref<10240xi32, #tpu.memory_space<vmem>>, vector<16xi32>,
      %mul3A_204 = arith.constant 16 : i32
      %mul3A_205 = arith.muli %scan3A_199, %mul3A_204 : i32
      %get3A_206 = arith.index_cast %mul3A_205 : i32 to index
      %get3A_207 = tpu.vector_load %arg10[%get3A_206] {strides = array<i32>} : memref<10240xi32, #tpu.memory_space<vmem>>, vector<16xi32>,
      %mul3A_208 = arith.constant 16 : i32
      %mul3A_209 = arith.muli %scan3A_199, %mul3A_208 : i32
      %get3A_210 = arith.index_cast %mul3A_209 : i32 to index
      %get3A_211 = tpu.vector_load %arg11[%get3A_210] {strides = array<i32>} : memref<10240xf32, #tpu.memory_space<vmem>>, vector<16xf32>,
      %broadcast_in_dim3A_212 = arith.constant 0 : i32
      %broadcast_in_dim3A_213 = vector.broadcast %broadcast_in_dim3A_212 : i32 to vector<16xi32>
      %gather3A_214 = tpu.vector_load_idx %arg12[%broadcast_in_dim3A_213, %get3A_203] : memref<4x10000xf32, #tpu.memory_space<vmem>>[vector<16xi32>, vector<16xi32>], vector<16xf32>,
      %mul3A_215 = arith.mulf %gather3A_214, %get3A_211 : vector<16xf32>
      tpu.vector_store_idx %arg13[%broadcast_in_dim3A_213, %get3A_207], %mul3A_215 {add = true} : memref<4x10000xf32, #tpu.memory_space<vmem>>[vector<16xi32>, vector<16xi32>], vector<16xf32>,
      %broadcast_in_dim3A_216 = arith.constant 1 : i32
      %broadcast_in_dim3A_217 = vector.broadcast %broadcast_in_dim3A_216 : i32 to vector<16xi32>
      %gather3A_218 = tpu.vector_load_idx %arg12[%broadcast_in_dim3A_217, %get3A_203] : memref<4x10000xf32, #tpu.memory_space<vmem>>[vector<16xi32>, vector<16xi32>], vector<16xf32>,
      %mul3A_219 = arith.mulf %gather3A_218, %get3A_211 : vector<16xf32>
      tpu.vector_store_idx %arg13[%broadcast_in_dim3A_217, %get3A_207], %mul3A_219 {add = true} : memref<4x10000xf32, #tpu.memory_space<vmem>>[vector<16xi32>, vector<16xi32>], vector<16xf32>,
      %broadcast_in_dim3A_220 = arith.constant 2 : i32
      %broadcast_in_dim3A_221 = vector.broadcast %broadcast_in_dim3A_220 : i32 to vector<16xi32>
      %gather3A_222 = tpu.vector_load_idx %arg12[%broadcast_in_dim3A_221, %get3A_203] : memref<4x10000xf32, #tpu.memory_space<vmem>>[vector<16xi32>, vector<16xi32>], vector<16xf32>,
      %mul3A_223 = arith.mulf %gather3A_222, %get3A_211 : vector<16xf32>
      tpu.vector_store_idx %arg13[%broadcast_in_dim3A_221, %get3A_207], %mul3A_223 {add = true} : memref<4x10000xf32, #tpu.memory_space<vmem>>[vector<16xi32>, vector<16xi32>], vector<16xf32>,
      %broadcast_in_dim3A_224 = arith.constant 3 : i32
      %broadcast_in_dim3A_225 = vector.broadcast %broadcast_in_dim3A_224 : i32 to vector<16xi32>
      %gather3A_226 = tpu.vector_load_idx %arg12[%broadcast_in_dim3A_225, %get3A_203] : memref<4x10000xf32, #tpu.memory_space<vmem>>[vector<16xi32>, vector<16xi32>], vector<16xf32>,
      %mul3A_227 = arith.mulf %gather3A_226, %get3A_211 : vector<16xf32>
      tpu.vector_store_idx %arg13[%broadcast_in_dim3A_225, %get3A_207], %mul3A_227 {add = true} : memref<4x10000xf32, #tpu.memory_space<vmem>>[vector<16xi32>, vector<16xi32>], vector<16xf32>,
    }
    %scan3A_102 = arith.constant 640 : i32
    %run_scoped3A_103 = arith.constant 0 : i32
    %run_scoped3A_104 = arith.constant 12 : i32
    "tpu.region"() ({
      %run_scoped3A_111 = tpu.sem_alloc : memref<!tpu.dma_semaphore, #tpu.memory_space<semaphore_mem>>
      %dma_start3A = arith.constant 0 : i32
      %dma_start3A_112 = tpu.memref_slice %arg13[%run_scoped3A_103, %dma_start3A] : memref<4x10000xf32, #tpu.memory_space<vmem>> -> memref<1x10000xf32, #tpu.memory_space<vmem>>
      %dma_start3A_113 = tpu.memref_squeeze %dma_start3A_112 : memref<1x10000xf32, #tpu.memory_space<vmem>> -> memref<10000xf32, #tpu.memory_space<vmem>>
      %dma_start3A_114 = tpu.memref_slice %arg7[%run_scoped3A_104, %multiple_of3A_30] : memref<16x320000xf32, #tpu.memory_space<hbm>> -> memref<1x10000xf32, #tpu.memory_space<hbm>>
      %dma_start3A_115 = tpu.memref_squeeze %dma_start3A_114 : memref<1x10000xf32, #tpu.memory_space<hbm>> -> memref<10000xf32, #tpu.memory_space<hbm>>
      %dma_start3A_116 = tpu.memref_slice %arg7[%run_scoped3A_104, %multiple_of3A_30] : memref<16x320000xf32, #tpu.memory_space<hbm>> -> memref<1x10000xf32, #tpu.memory_space<hbm>>
      %dma_start3A_117 = tpu.memref_squeeze %dma_start3A_116 : memref<1x10000xf32, #tpu.memory_space<hbm>> -> memref<10000xf32, #tpu.memory_space<hbm>>
      %dma_start3A_118 = arith.constant 0 : i32
      %dma_start3A_119 = tpu.memref_slice %arg13[%run_scoped3A_103, %dma_start3A_118] : memref<4x10000xf32, #tpu.memory_space<vmem>> -> memref<1x10000xf32, #tpu.memory_space<vmem>>
      %dma_start3A_120 = tpu.memref_squeeze %dma_start3A_119 : memref<1x10000xf32, #tpu.memory_space<vmem>> -> memref<10000xf32, #tpu.memory_space<vmem>>
      tpu.enqueue_dma source(%dma_start3A_120 : memref<10000xf32, #tpu.memory_space<vmem>>) target(%dma_start3A_117 : memref<10000xf32, #tpu.memory_space<hbm>>) target_semaphore(%run_scoped3A_111 : memref<!tpu.dma_semaphore, #tpu.memory_space<semaphore_mem>>)
      %dma_wait3A = arith.constant 0 : i32
      %dma_wait3A_121 = tpu.memref_slice %arg13[%run_scoped3A_103, %dma_wait3A] : memref<4x10000xf32, #tpu.memory_space<vmem>> -> memref<1x10000xf32, #tpu.memory_space<vmem>>
      %dma_wait3A_122 = tpu.memref_squeeze %dma_wait3A_121 : memref<1x10000xf32, #tpu.memory_space<vmem>> -> memref<10000xf32, #tpu.memory_space<vmem>>
      %dma_wait3A_123 = tpu.memref_slice %arg7[%run_scoped3A_104, %multiple_of3A_30] : memref<16x320000xf32, #tpu.memory_space<hbm>> -> memref<1x10000xf32, #tpu.memory_space<hbm>>
      %dma_wait3A_124 = tpu.memref_squeeze %dma_wait3A_123 : memref<1x10000xf32, #tpu.memory_space<hbm>> -> memref<10000xf32, #tpu.memory_space<hbm>>
      %dma_wait3A_125 = tpu.memref_slice %arg7[%run_scoped3A_104, %multiple_of3A_30] : memref<16x320000xf32, #tpu.memory_space<hbm>> -> memref<1x10000xf32, #tpu.memory_space<hbm>>
      %dma_wait3A_126 = tpu.memref_squeeze %dma_wait3A_125 : memref<1x10000xf32, #tpu.memory_space<hbm>> -> memref<10000xf32, #tpu.memory_space<hbm>>
      %dma_wait3A_127 = arith.constant 0 : i32
      %dma_wait3A_128 = tpu.memref_slice %arg13[%run_scoped3A_103, %dma_wait3A_127] : memref<4x10000xf32, #tpu.memory_space<vmem>> -> memref<1x10000xf32, #tpu.memory_space<vmem>>
      %dma_wait3A_129 = tpu.memref_squeeze %dma_wait3A_128 : memref<1x10000xf32, #tpu.memory_space<vmem>> -> memref<10000xf32, #tpu.memory_space<vmem>>
      tpu.wait_dma2 semaphore(%run_scoped3A_111 : memref<!tpu.dma_semaphore, #tpu.memory_space<semaphore_mem>>) src(%dma_wait3A_129 : memref<10000xf32, #tpu.memory_space<vmem>>) dst(%dma_wait3A_126 : memref<10000xf32, #tpu.memory_space<hbm>>)
      tpu.yield
    }) : () -> ()
    %run_scoped3A_105 = arith.constant 1 : i32
    %run_scoped3A_106 = arith.constant 13 : i32
    "tpu.region"() ({
      %run_scoped3A_111 = tpu.sem_alloc : memref<!tpu.dma_semaphore, #tpu.memory_space<semaphore_mem>>
      %dma_start3A = arith.constant 0 : i32
      %dma_start3A_112 = tpu.memref_slice %arg13[%run_scoped3A_105, %dma_start3A] : memref<4x10000xf32, #tpu.memory_space<vmem>> -> memref<1x10000xf32, #tpu.memory_space<vmem>>
      %dma_start3A_113 = tpu.memref_squeeze %dma_start3A_112 : memref<1x10000xf32, #tpu.memory_space<vmem>> -> memref<10000xf32, #tpu.memory_space<vmem>>
      %dma_start3A_114 = tpu.memref_slice %arg7[%run_scoped3A_106, %multiple_of3A_30] : memref<16x320000xf32, #tpu.memory_space<hbm>> -> memref<1x10000xf32, #tpu.memory_space<hbm>>
      %dma_start3A_115 = tpu.memref_squeeze %dma_start3A_114 : memref<1x10000xf32, #tpu.memory_space<hbm>> -> memref<10000xf32, #tpu.memory_space<hbm>>
      %dma_start3A_116 = tpu.memref_slice %arg7[%run_scoped3A_106, %multiple_of3A_30] : memref<16x320000xf32, #tpu.memory_space<hbm>> -> memref<1x10000xf32, #tpu.memory_space<hbm>>
      %dma_start3A_117 = tpu.memref_squeeze %dma_start3A_116 : memref<1x10000xf32, #tpu.memory_space<hbm>> -> memref<10000xf32, #tpu.memory_space<hbm>>
      %dma_start3A_118 = arith.constant 0 : i32
      %dma_start3A_119 = tpu.memref_slice %arg13[%run_scoped3A_105, %dma_start3A_118] : memref<4x10000xf32, #tpu.memory_space<vmem>> -> memref<1x10000xf32, #tpu.memory_space<vmem>>
      %dma_start3A_120 = tpu.memref_squeeze %dma_start3A_119 : memref<1x10000xf32, #tpu.memory_space<vmem>> -> memref<10000xf32, #tpu.memory_space<vmem>>
      tpu.enqueue_dma source(%dma_start3A_120 : memref<10000xf32, #tpu.memory_space<vmem>>) target(%dma_start3A_117 : memref<10000xf32, #tpu.memory_space<hbm>>) target_semaphore(%run_scoped3A_111 : memref<!tpu.dma_semaphore, #tpu.memory_space<semaphore_mem>>)
      %dma_wait3A = arith.constant 0 : i32
      %dma_wait3A_121 = tpu.memref_slice %arg13[%run_scoped3A_105, %dma_wait3A] : memref<4x10000xf32, #tpu.memory_space<vmem>> -> memref<1x10000xf32, #tpu.memory_space<vmem>>
      %dma_wait3A_122 = tpu.memref_squeeze %dma_wait3A_121 : memref<1x10000xf32, #tpu.memory_space<vmem>> -> memref<10000xf32, #tpu.memory_space<vmem>>
      %dma_wait3A_123 = tpu.memref_slice %arg7[%run_scoped3A_106, %multiple_of3A_30] : memref<16x320000xf32, #tpu.memory_space<hbm>> -> memref<1x10000xf32, #tpu.memory_space<hbm>>
      %dma_wait3A_124 = tpu.memref_squeeze %dma_wait3A_123 : memref<1x10000xf32, #tpu.memory_space<hbm>> -> memref<10000xf32, #tpu.memory_space<hbm>>
      %dma_wait3A_125 = tpu.memref_slice %arg7[%run_scoped3A_106, %multiple_of3A_30] : memref<16x320000xf32, #tpu.memory_space<hbm>> -> memref<1x10000xf32, #tpu.memory_space<hbm>>
      %dma_wait3A_126 = tpu.memref_squeeze %dma_wait3A_125 : memref<1x10000xf32, #tpu.memory_space<hbm>> -> memref<10000xf32, #tpu.memory_space<hbm>>
      %dma_wait3A_127 = arith.constant 0 : i32
      %dma_wait3A_128 = tpu.memref_slice %arg13[%run_scoped3A_105, %dma_wait3A_127] : memref<4x10000xf32, #tpu.memory_space<vmem>> -> memref<1x10000xf32, #tpu.memory_space<vmem>>
      %dma_wait3A_129 = tpu.memref_squeeze %dma_wait3A_128 : memref<1x10000xf32, #tpu.memory_space<vmem>> -> memref<10000xf32, #tpu.memory_space<vmem>>
      tpu.wait_dma2 semaphore(%run_scoped3A_111 : memref<!tpu.dma_semaphore, #tpu.memory_space<semaphore_mem>>) src(%dma_wait3A_129 : memref<10000xf32, #tpu.memory_space<vmem>>) dst(%dma_wait3A_126 : memref<10000xf32, #tpu.memory_space<hbm>>)
      tpu.yield
    }) : () -> ()
    %run_scoped3A_107 = arith.constant 2 : i32
    %run_scoped3A_108 = arith.constant 14 : i32
    "tpu.region"() ({
      %run_scoped3A_111 = tpu.sem_alloc : memref<!tpu.dma_semaphore, #tpu.memory_space<semaphore_mem>>
      %dma_start3A = arith.constant 0 : i32
      %dma_start3A_112 = tpu.memref_slice %arg13[%run_scoped3A_107, %dma_start3A] : memref<4x10000xf32, #tpu.memory_space<vmem>> -> memref<1x10000xf32, #tpu.memory_space<vmem>>
      %dma_start3A_113 = tpu.memref_squeeze %dma_start3A_112 : memref<1x10000xf32, #tpu.memory_space<vmem>> -> memref<10000xf32, #tpu.memory_space<vmem>>
      %dma_start3A_114 = tpu.memref_slice %arg7[%run_scoped3A_108, %multiple_of3A_30] : memref<16x320000xf32, #tpu.memory_space<hbm>> -> memref<1x10000xf32, #tpu.memory_space<hbm>>
      %dma_start3A_115 = tpu.memref_squeeze %dma_start3A_114 : memref<1x10000xf32, #tpu.memory_space<hbm>> -> memref<10000xf32, #tpu.memory_space<hbm>>
      %dma_start3A_116 = tpu.memref_slice %arg7[%run_scoped3A_108, %multiple_of3A_30] : memref<16x320000xf32, #tpu.memory_space<hbm>> -> memref<1x10000xf32, #tpu.memory_space<hbm>>
      %dma_start3A_117 = tpu.memref_squeeze %dma_start3A_116 : memref<1x10000xf32, #tpu.memory_space<hbm>> -> memref<10000xf32, #tpu.memory_space<hbm>>
      %dma_start3A_118 = arith.constant 0 : i32
      %dma_start3A_119 = tpu.memref_slice %arg13[%run_scoped3A_107, %dma_start3A_118] : memref<4x10000xf32, #tpu.memory_space<vmem>> -> memref<1x10000xf32, #tpu.memory_space<vmem>>
      %dma_start3A_120 = tpu.memref_squeeze %dma_start3A_119 : memref<1x10000xf32, #tpu.memory_space<vmem>> -> memref<10000xf32, #tpu.memory_space<vmem>>
      tpu.enqueue_dma source(%dma_start3A_120 : memref<10000xf32, #tpu.memory_space<vmem>>) target(%dma_start3A_117 : memref<10000xf32, #tpu.memory_space<hbm>>) target_semaphore(%run_scoped3A_111 : memref<!tpu.dma_semaphore, #tpu.memory_space<semaphore_mem>>)
      %dma_wait3A = arith.constant 0 : i32
      %dma_wait3A_121 = tpu.memref_slice %arg13[%run_scoped3A_107, %dma_wait3A] : memref<4x10000xf32, #tpu.memory_space<vmem>> -> memref<1x10000xf32, #tpu.memory_space<vmem>>
      %dma_wait3A_122 = tpu.memref_squeeze %dma_wait3A_121 : memref<1x10000xf32, #tpu.memory_space<vmem>> -> memref<10000xf32, #tpu.memory_space<vmem>>
      %dma_wait3A_123 = tpu.memref_slice %arg7[%run_scoped3A_108, %multiple_of3A_30] : memref<16x320000xf32, #tpu.memory_space<hbm>> -> memref<1x10000xf32, #tpu.memory_space<hbm>>
      %dma_wait3A_124 = tpu.memref_squeeze %dma_wait3A_123 : memref<1x10000xf32, #tpu.memory_space<hbm>> -> memref<10000xf32, #tpu.memory_space<hbm>>
      %dma_wait3A_125 = tpu.memref_slice %arg7[%run_scoped3A_108, %multiple_of3A_30] : memref<16x320000xf32, #tpu.memory_space<hbm>> -> memref<1x10000xf32, #tpu.memory_space<hbm>>
      %dma_wait3A_126 = tpu.memref_squeeze %dma_wait3A_125 : memref<1x10000xf32, #tpu.memory_space<hbm>> -> memref<10000xf32, #tpu.memory_space<hbm>>
      %dma_wait3A_127 = arith.constant 0 : i32
      %dma_wait3A_128 = tpu.memref_slice %arg13[%run_scoped3A_107, %dma_wait3A_127] : memref<4x10000xf32, #tpu.memory_space<vmem>> -> memref<1x10000xf32, #tpu.memory_space<vmem>>
      %dma_wait3A_129 = tpu.memref_squeeze %dma_wait3A_128 : memref<1x10000xf32, #tpu.memory_space<vmem>> -> memref<10000xf32, #tpu.memory_space<vmem>>
      tpu.wait_dma2 semaphore(%run_scoped3A_111 : memref<!tpu.dma_semaphore, #tpu.memory_space<semaphore_mem>>) src(%dma_wait3A_129 : memref<10000xf32, #tpu.memory_space<vmem>>) dst(%dma_wait3A_126 : memref<10000xf32, #tpu.memory_space<hbm>>)
      tpu.yield
    }) : () -> ()
    %run_scoped3A_109 = arith.constant 3 : i32
    %run_scoped3A_110 = arith.constant 15 : i32
    "tpu.region"() ({
      %run_scoped3A_111 = tpu.sem_alloc : memref<!tpu.dma_semaphore, #tpu.memory_space<semaphore_mem>>
      %dma_start3A = arith.constant 0 : i32
      %dma_start3A_112 = tpu.memref_slice %arg13[%run_scoped3A_109, %dma_start3A] : memref<4x10000xf32, #tpu.memory_space<vmem>> -> memref<1x10000xf32, #tpu.memory_space<vmem>>
      %dma_start3A_113 = tpu.memref_squeeze %dma_start3A_112 : memref<1x10000xf32, #tpu.memory_space<vmem>> -> memref<10000xf32, #tpu.memory_space<vmem>>
      %dma_start3A_114 = tpu.memref_slice %arg7[%run_scoped3A_110, %multiple_of3A_30] : memref<16x320000xf32, #tpu.memory_space<hbm>> -> memref<1x10000xf32, #tpu.memory_space<hbm>>
      %dma_start3A_115 = tpu.memref_squeeze %dma_start3A_114 : memref<1x10000xf32, #tpu.memory_space<hbm>> -> memref<10000xf32, #tpu.memory_space<hbm>>
      %dma_start3A_116 = tpu.memref_slice %arg7[%run_scoped3A_110, %multiple_of3A_30] : memref<16x320000xf32, #tpu.memory_space<hbm>> -> memref<1x10000xf32, #tpu.memory_space<hbm>>
      %dma_start3A_117 = tpu.memref_squeeze %dma_start3A_116 : memref<1x10000xf32, #tpu.memory_space<hbm>> -> memref<10000xf32, #tpu.memory_space<hbm>>
      %dma_start3A_118 = arith.constant 0 : i32
      %dma_start3A_119 = tpu.memref_slice %arg13[%run_scoped3A_109, %dma_start3A_118] : memref<4x10000xf32, #tpu.memory_space<vmem>> -> memref<1x10000xf32, #tpu.memory_space<vmem>>
      %dma_start3A_120 = tpu.memref_squeeze %dma_start3A_119 : memref<1x10000xf32, #tpu.memory_space<vmem>> -> memref<10000xf32, #tpu.memory_space<vmem>>
      tpu.enqueue_dma source(%dma_start3A_120 : memref<10000xf32, #tpu.memory_space<vmem>>) target(%dma_start3A_117 : memref<10000xf32, #tpu.memory_space<hbm>>) target_semaphore(%run_scoped3A_111 : memref<!tpu.dma_semaphore, #tpu.memory_space<semaphore_mem>>)
      %dma_wait3A = arith.constant 0 : i32
      %dma_wait3A_121 = tpu.memref_slice %arg13[%run_scoped3A_109, %dma_wait3A] : memref<4x10000xf32, #tpu.memory_space<vmem>> -> memref<1x10000xf32, #tpu.memory_space<vmem>>
      %dma_wait3A_122 = tpu.memref_squeeze %dma_wait3A_121 : memref<1x10000xf32, #tpu.memory_space<vmem>> -> memref<10000xf32, #tpu.memory_space<vmem>>
      %dma_wait3A_123 = tpu.memref_slice %arg7[%run_scoped3A_110, %multiple_of3A_30] : memref<16x320000xf32, #tpu.memory_space<hbm>> -> memref<1x10000xf32, #tpu.memory_space<hbm>>
      %dma_wait3A_124 = tpu.memref_squeeze %dma_wait3A_123 : memref<1x10000xf32, #tpu.memory_space<hbm>> -> memref<10000xf32, #tpu.memory_space<hbm>>
      %dma_wait3A_125 = tpu.memref_slice %arg7[%run_scoped3A_110, %multiple_of3A_30] : memref<16x320000xf32, #tpu.memory_space<hbm>> -> memref<1x10000xf32, #tpu.memory_space<hbm>>
      %dma_wait3A_126 = tpu.memref_squeeze %dma_wait3A_125 : memref<1x10000xf32, #tpu.memory_space<hbm>> -> memref<10000xf32, #tpu.memory_space<hbm>>
      %dma_wait3A_127 = arith.constant 0 : i32
      %dma_wait3A_128 = tpu.memref_slice %arg13[%run_scoped3A_109, %dma_wait3A_127] : memref<4x10000xf32, #tpu.memory_space<vmem>> -> memref<1x10000xf32, #tpu.memory_space<vmem>>
      %dma_wait3A_129 = tpu.memref_squeeze %dma_wait3A_128 : memref<1x10000xf32, #tpu.memory_space<vmem>> -> memref<10000xf32, #tpu.memory_space<vmem>>
      tpu.wait_dma2 semaphore(%run_scoped3A_111 : memref<!tpu.dma_semaphore, #tpu.memory_space<semaphore_mem>>) src(%dma_wait3A_129 : memref<10000xf32, #tpu.memory_space<vmem>>) dst(%dma_wait3A_126 : memref<10000xf32, #tpu.memory_space<hbm>>)
      tpu.yield
    }) : () -> ()
    return
  }
}

module attributes {stable_mosaic.version = 14 : i64} {
  func.func @_dense_in_body(%arg0: memref<10000x128xf32, #tpu.memory_space<vmem>>, %arg1: memref<128x16xf32, #tpu.memory_space<vmem>>, %arg2: memref<1x16xf32, #tpu.memory_space<vmem>>, %arg3: memref<1x16xf32, #tpu.memory_space<vmem>>, %arg4: memref<16x10000xf32, #tpu.memory_space<vmem>>, %arg5: memref<1x10000xf32, #tpu.memory_space<vmem>>, %arg6: memref<1x10000xf32, #tpu.memory_space<vmem>>) attributes {dimension_semantics = [], scalar_prefetch = 0 : i64, scratch_operands = 0 : i64, tpu.core_type = #tpu.core_type<tc>} {
    %get3A = arith.constant 0 : index
    %get3A_0 = arith.constant 0 : index
    %get3A_1 = vector.load %arg1[%get3A, %get3A_0] : memref<128x16xf32, #tpu.memory_space<vmem>>, vector<128x16xf32>
    %get3A_2 = arith.constant 0 : index
    %get3A_3 = arith.constant 0 : index
    %get3A_4 = vector.load %arg0[%get3A_2, %get3A_3] : memref<10000x128xf32, #tpu.memory_space<vmem>>, vector<10000x128xf32>
    %dot_general3A = arith.constant dense<0.000000e+00> : vector<16x10000xf32>
    %dot_general3A_5 = tpu.matmul %get3A_1, %get3A_4, %dot_general3A {dimension_numbers = #tpu.dot_dimension_numbers<[0], [1], [1], [0], [0, 1, 1, 0], [], []>, transpose_lhs_hint = false} : vector<128x16xf32>, vector<10000x128xf32>, vector<16x10000xf32> -> vector<16x10000xf32>
    %swap3A = arith.constant 0 : index
    %swap3A_6 = arith.constant 0 : index
    %swap3A_7 = vector.load %arg4[%swap3A, %swap3A_6] : memref<16x10000xf32, #tpu.memory_space<vmem>>, vector<16x10000xf32>
    tpu.vector_store %arg4[%swap3A, %swap3A_6], %dot_general3A_5 {strides = array<i32>} : memref<16x10000xf32, #tpu.memory_space<vmem>>, vector<16x10000xf32>,
    %get3A_8 = arith.constant 0 : index
    %get3A_9 = arith.constant 0 : index
    %get3A_10 = vector.load %arg2[%get3A_8, %get3A_9] : memref<1x16xf32, #tpu.memory_space<vmem>>, vector<1x16xf32>
    %dot_general3A_11 = arith.constant dense<0.000000e+00> : vector<1x10000xf32>
    %dot_general3A_12 = tpu.matmul %get3A_10, %dot_general3A_5, %dot_general3A_11 {dimension_numbers = #tpu.dot_dimension_numbers<[1], [0], [0], [1], [0, 0, 1, 1], [], []>, transpose_lhs_hint = false} : vector<1x16xf32>, vector<16x10000xf32>, vector<1x10000xf32> -> vector<1x10000xf32>
    %swap3A_13 = arith.constant 0 : index
    %swap3A_14 = arith.constant 0 : index
    %swap3A_15 = vector.load %arg5[%swap3A_13, %swap3A_14] : memref<1x10000xf32, #tpu.memory_space<vmem>>, vector<1x10000xf32>
    tpu.vector_store %arg5[%swap3A_13, %swap3A_14], %dot_general3A_12 {strides = array<i32>} : memref<1x10000xf32, #tpu.memory_space<vmem>>, vector<1x10000xf32>,
    %get3A_16 = arith.constant 0 : index
    %get3A_17 = arith.constant 0 : index
    %get3A_18 = vector.load %arg3[%get3A_16, %get3A_17] : memref<1x16xf32, #tpu.memory_space<vmem>>, vector<1x16xf32>
    %dot_general3A_19 = arith.constant dense<0.000000e+00> : vector<1x10000xf32>
    %dot_general3A_20 = tpu.matmul %get3A_18, %dot_general3A_5, %dot_general3A_19 {dimension_numbers = #tpu.dot_dimension_numbers<[1], [0], [0], [1], [0, 0, 1, 1], [], []>, transpose_lhs_hint = false} : vector<1x16xf32>, vector<16x10000xf32>, vector<1x10000xf32> -> vector<1x10000xf32>
    %swap3A_21 = arith.constant 0 : index
    %swap3A_22 = arith.constant 0 : index
    %swap3A_23 = vector.load %arg6[%swap3A_21, %swap3A_22] : memref<1x10000xf32, #tpu.memory_space<vmem>>, vector<1x10000xf32>
    tpu.vector_store %arg6[%swap3A_21, %swap3A_22], %dot_general3A_20 {strides = array<i32>} : memref<1x10000xf32, #tpu.memory_space<vmem>>, vector<1x10000xf32>,
    return
  }
}

module attributes {stable_mosaic.version = 14 : i64} {
  func.func @_dense_mid_body(%arg0: memref<16x32x10000xf32, #tpu.memory_space<vmem>>, %arg1: memref<32x10000xf32, #tpu.memory_space<vmem>>, %arg2: memref<16x1xf32, #tpu.memory_space<vmem>>, %arg3: memref<16x16xf32, #tpu.memory_space<vmem>>, %arg4: memref<1x16xf32, #tpu.memory_space<vmem>>, %arg5: memref<1x16xf32, #tpu.memory_space<vmem>>, %arg6: memref<16x10000xf32, #tpu.memory_space<vmem>>, %arg7: memref<1x10000xf32, #tpu.memory_space<vmem>>, %arg8: memref<1x10000xf32, #tpu.memory_space<vmem>>) attributes {dimension_semantics = [], scalar_prefetch = 0 : i64, scratch_operands = 0 : i64, tpu.core_type = #tpu.core_type<tc>} {
    %get3A = arith.constant 0 : index
    %get3A_0 = arith.constant 0 : index
    %get3A_1 = arith.constant 0 : index
    %get3A_2 = vector.load %arg0[%get3A, %get3A_0, %get3A_1] : memref<16x32x10000xf32, #tpu.memory_space<vmem>>, vector<16x32x10000xf32>
    %reduce_sum3A = arith.constant dense<0.000000e+00> : vector<16x10000xf32>
    %reduce_sum3A_3 = vector.multi_reduction <add>, %get3A_2, %reduce_sum3A [1] : vector<16x32x10000xf32> to vector<16x10000xf32>
    %get3A_4 = arith.constant 0 : index
    %get3A_5 = arith.constant 0 : index
    %get3A_6 = vector.load %arg1[%get3A_4, %get3A_5] : memref<32x10000xf32, #tpu.memory_space<vmem>>, vector<32x10000xf32>
    %reduce_sum3A_7 = arith.constant dense<0.000000e+00> : vector<10000xf32>
    %reduce_sum3A_8 = vector.multi_reduction <add>, %get3A_6, %reduce_sum3A_7 [0] : vector<32x10000xf32> to vector<10000xf32>
    %broadcast_in_dim3A = vector.shape_cast %reduce_sum3A_8 : vector<10000xf32> to vector<1x10000xf32>
    %add3A = arith.constant 1.000000e-16 : f32
    %add3A_9 = vector.broadcast %add3A : f32 to vector<1x10000xf32>
    %add3A_10 = arith.addf %broadcast_in_dim3A, %add3A_9 : vector<1x10000xf32>
    %div3A = vector.broadcast %add3A_10 : vector<1x10000xf32> to vector<16x10000xf32>
    %div3A_11 = arith.divf %reduce_sum3A_3, %div3A : vector<16x10000xf32>
    %get3A_12 = arith.constant 0 : index
    %get3A_13 = arith.constant 0 : index
    %get3A_14 = vector.load %arg2[%get3A_12, %get3A_13] : memref<16x1xf32, #tpu.memory_space<vmem>>, vector<16x1xf32>
    %add3A_15 = vector.broadcast %get3A_14 : vector<16x1xf32> to vector<16x10000xf32>
    %add3A_16 = arith.addf %div3A_11, %add3A_15 : vector<16x10000xf32>
    %max3A = arith.constant 0.000000e+00 : f32
    %max3A_17 = vector.broadcast %max3A : f32 to vector<16x10000xf32>
    %max3A_18 = arith.maximumf %add3A_16, %max3A_17 : vector<16x10000xf32>
    %get3A_19 = arith.constant 0 : index
    %get3A_20 = arith.constant 0 : index
    %get3A_21 = vector.load %arg3[%get3A_19, %get3A_20] : memref<16x16xf32, #tpu.memory_space<vmem>>, vector<16x16xf32>
    %dot_general3A = arith.constant dense<0.000000e+00> : vector<16x10000xf32>
    %dot_general3A_22 = tpu.matmul %get3A_21, %max3A_18, %dot_general3A {dimension_numbers = #tpu.dot_dimension_numbers<[0], [0], [1], [1], [0, 1, 1, 1], [], []>, transpose_lhs_hint = false} : vector<16x16xf32>, vector<16x10000xf32>, vector<16x10000xf32> -> vector<16x10000xf32>
    %swap3A = arith.constant 0 : index
    %swap3A_23 = arith.constant 0 : index
    %swap3A_24 = vector.load %arg6[%swap3A, %swap3A_23] : memref<16x10000xf32, #tpu.memory_space<vmem>>, vector<16x10000xf32>
    tpu.vector_store %arg6[%swap3A, %swap3A_23], %dot_general3A_22 {strides = array<i32>} : memref<16x10000xf32, #tpu.memory_space<vmem>>, vector<16x10000xf32>,
    %get3A_25 = arith.constant 0 : index
    %get3A_26 = arith.constant 0 : index
    %get3A_27 = vector.load %arg4[%get3A_25, %get3A_26] : memref<1x16xf32, #tpu.memory_space<vmem>>, vector<1x16xf32>
    %dot_general3A_28 = arith.constant dense<0.000000e+00> : vector<1x10000xf32>
    %dot_general3A_29 = tpu.matmul %get3A_27, %dot_general3A_22, %dot_general3A_28 {dimension_numbers = #tpu.dot_dimension_numbers<[1], [0], [0], [1], [0, 0, 1, 1], [], []>, transpose_lhs_hint = false} : vector<1x16xf32>, vector<16x10000xf32>, vector<1x10000xf32> -> vector<1x10000xf32>
    %swap3A_30 = arith.constant 0 : index
    %swap3A_31 = arith.constant 0 : index
    %swap3A_32 = vector.load %arg7[%swap3A_30, %swap3A_31] : memref<1x10000xf32, #tpu.memory_space<vmem>>, vector<1x10000xf32>
    tpu.vector_store %arg7[%swap3A_30, %swap3A_31], %dot_general3A_29 {strides = array<i32>} : memref<1x10000xf32, #tpu.memory_space<vmem>>, vector<1x10000xf32>,
    %get3A_33 = arith.constant 0 : index
    %get3A_34 = arith.constant 0 : index
    %get3A_35 = vector.load %arg5[%get3A_33, %get3A_34] : memref<1x16xf32, #tpu.memory_space<vmem>>, vector<1x16xf32>
    %dot_general3A_36 = arith.constant dense<0.000000e+00> : vector<1x10000xf32>
    %dot_general3A_37 = tpu.matmul %get3A_35, %dot_general3A_22, %dot_general3A_36 {dimension_numbers = #tpu.dot_dimension_numbers<[1], [0], [0], [1], [0, 0, 1, 1], [], []>, transpose_lhs_hint = false} : vector<1x16xf32>, vector<16x10000xf32>, vector<1x10000xf32> -> vector<1x10000xf32>
    %swap3A_38 = arith.constant 0 : index
    %swap3A_39 = arith.constant 0 : index
    %swap3A_40 = vector.load %arg8[%swap3A_38, %swap3A_39] : memref<1x10000xf32, #tpu.memory_space<vmem>>, vector<1x10000xf32>
    tpu.vector_store %arg8[%swap3A_38, %swap3A_39], %dot_general3A_37 {strides = array<i32>} : memref<1x10000xf32, #tpu.memory_space<vmem>>, vector<1x10000xf32>,
    return
  }
}

module attributes {stable_mosaic.version = 14 : i64} {
  func.func @_dense_out_body(%arg0: memref<16x32x10000xf32, #tpu.memory_space<vmem>>, %arg1: memref<32x10000xf32, #tpu.memory_space<vmem>>, %arg2: memref<16x1xf32, #tpu.memory_space<vmem>>, %arg3: memref<16x1xf32, #tpu.memory_space<vmem>>, %arg4: memref<1x1xf32, #tpu.memory_space<vmem>>, %arg5: memref<1x10000xf32, #tpu.memory_space<vmem>>) attributes {dimension_semantics = [], scalar_prefetch = 0 : i64, scratch_operands = 0 : i64, tpu.core_type = #tpu.core_type<tc>} {
    %get3A = arith.constant 0 : index
    %get3A_0 = arith.constant 0 : index
    %get3A_1 = arith.constant 0 : index
    %get3A_2 = vector.load %arg0[%get3A, %get3A_0, %get3A_1] : memref<16x32x10000xf32, #tpu.memory_space<vmem>>, vector<16x32x10000xf32>
    %reduce_sum3A = arith.constant dense<0.000000e+00> : vector<16x10000xf32>
    %reduce_sum3A_3 = vector.multi_reduction <add>, %get3A_2, %reduce_sum3A [1] : vector<16x32x10000xf32> to vector<16x10000xf32>
    %get3A_4 = arith.constant 0 : index
    %get3A_5 = arith.constant 0 : index
    %get3A_6 = vector.load %arg1[%get3A_4, %get3A_5] : memref<32x10000xf32, #tpu.memory_space<vmem>>, vector<32x10000xf32>
    %reduce_sum3A_7 = arith.constant dense<0.000000e+00> : vector<10000xf32>
    %reduce_sum3A_8 = vector.multi_reduction <add>, %get3A_6, %reduce_sum3A_7 [0] : vector<32x10000xf32> to vector<10000xf32>
    %broadcast_in_dim3A = vector.shape_cast %reduce_sum3A_8 : vector<10000xf32> to vector<1x10000xf32>
    %add3A = arith.constant 1.000000e-16 : f32
    %add3A_9 = vector.broadcast %add3A : f32 to vector<1x10000xf32>
    %add3A_10 = arith.addf %broadcast_in_dim3A, %add3A_9 : vector<1x10000xf32>
    %div3A = vector.broadcast %add3A_10 : vector<1x10000xf32> to vector<16x10000xf32>
    %div3A_11 = arith.divf %reduce_sum3A_3, %div3A : vector<16x10000xf32>
    %get3A_12 = arith.constant 0 : index
    %get3A_13 = arith.constant 0 : index
    %get3A_14 = vector.load %arg2[%get3A_12, %get3A_13] : memref<16x1xf32, #tpu.memory_space<vmem>>, vector<16x1xf32>
    %add3A_15 = vector.broadcast %get3A_14 : vector<16x1xf32> to vector<16x10000xf32>
    %add3A_16 = arith.addf %div3A_11, %add3A_15 : vector<16x10000xf32>
    %max3A = arith.constant 0.000000e+00 : f32
    %max3A_17 = vector.broadcast %max3A : f32 to vector<16x10000xf32>
    %max3A_18 = arith.maximumf %add3A_16, %max3A_17 : vector<16x10000xf32>
    %get3A_19 = arith.constant 0 : index
    %get3A_20 = arith.constant 0 : index
    %get3A_21 = vector.load %arg3[%get3A_19, %get3A_20] : memref<16x1xf32, #tpu.memory_space<vmem>>, vector<16x1xf32>
    %dot_general3A = arith.constant dense<0.000000e+00> : vector<1x10000xf32>
    %dot_general3A_22 = tpu.matmul %get3A_21, %max3A_18, %dot_general3A {dimension_numbers = #tpu.dot_dimension_numbers<[0], [0], [1], [1], [0, 1, 1, 1], [], []>, transpose_lhs_hint = false} : vector<16x1xf32>, vector<16x10000xf32>, vector<1x10000xf32> -> vector<1x10000xf32>
    %get3A_23 = arith.constant 0 : index
    %get3A_24 = arith.constant 0 : index
    %get3A_25 = vector.load %arg4[%get3A_23, %get3A_24] : memref<1x1xf32, #tpu.memory_space<vmem>>, vector<1x1xf32>
    %add3A_26 = vector.broadcast %get3A_25 : vector<1x1xf32> to vector<1x10000xf32>
    %add3A_27 = arith.addf %dot_general3A_22, %add3A_26 : vector<1x10000xf32>
    %swap3A = arith.constant 0 : index
    %swap3A_28 = arith.constant 0 : index
    %swap3A_29 = vector.load %arg5[%swap3A, %swap3A_28] : memref<1x10000xf32, #tpu.memory_space<vmem>>, vector<1x10000xf32>
    tpu.vector_store %arg5[%swap3A, %swap3A_28], %add3A_27 {strides = array<i32>} : memref<1x10000xf32, #tpu.memory_space<vmem>>, vector<1x10000xf32>,
    return
  }
}

</mosaic_0001>

<sc_bundles>
// kernel: kernel.10.cloned.1.call-start
scs
__scs_entry_jumppad:
0x0: {  	(pc) =	sbr.rel $0x88, $3  }
0x1: {  	(tag) =	ssettag $0x0;
	lr =	simm.s32 $0x1  }
0x2: {  	[smem:$0x3F95] =	sst lr;
	_ =	strace $0xD0000000  }
0x3: {  	_ = 	snop  }
0x4: {  	_ = 	snop  }
0x5: {  	_ = 	snop  }
0x6: {  	_ = 	snop  }
0x7: {  	_ = 	snop  }
__scs_overlays_trampoline_lowered:
0x8: {  	[smem:$0x3FA4] =	sst s0  }
0x9: {  	[smem:$0x3FA5] =	sst s1  }
0xa: {  	[smem:$0x3FA6] =	sst s2  }
0xb: {  	[smem:$0x3FA7] =	sst s3  }
0xc: {  	[smem:$0x3FA8] =	sst s4  }
0xd: {  	[smem:$0x3FA9] =	sst s5  }
0xe: {  	[smem:$0x3FAA] =	sst s6  }
0xf: {  	[smem:$0x3FAB] =	sst s7  }
0x10: {  	[smem:$0x3FAC] =	sst s8  }
0x11: {  	[smem:$0x3FAD] =	sst s9;
	s0 =	simm.s32 @!p0 $0x0  }
0x12: {  	s1 =	sld [smem:$0x3F93];
	s0 =	simm.s32 @p0 $0x1  }
0x13: {  	[smem:$0x3FAE] =	sst s0;
	s0 =	simm.s32 @!p1 $0x0  }
0x14: {  	s2 =	sld [smem:$0x3F92];
	s0 =	simm.s32 @p1 $0x1  }
0x15: {  	[smem:$0x3FAF] =	sst s0;
	s0 =	simm.s32 @!p2 $0x0  }
0x16: {  	s3 =	sld [smem:$0x3FDB];
	s0 =	simm.s32 @p2 $0x1  }
0x17: {  	s4 =	simm.s32 $0x1BF5;
	[smem:$0x3FB1] =	sst s0  }
0x18: {  	s0 =	sld [smem:$0x3F94];
	_ =	swait.ge [sflag:s4], $0x0  }
0x19: {  	s7 =	sld [smem:$0x3F95]  }
0x1a: {  	s8 =	sadd.s32 $0xFFFFE003, lr  }
0x1b: {  	s9 =	sadd.s32 $0xFFFFFEF7, lr;
	s5 =	simm.s32 $0xFFFFFFFF;
	p2 =	slt.u32 s8, $0xFFFFF086  }
0x1c: {  	p1 =	slt.u32 s9, $0xF7A;
	s5 =	simm.s32 @!p2 $0x0  }
0x1d: {  	s5 =	simm.s32 @p1 $0x1;
	p0 =	seq.s32 s7, s2  }
0x1e: {  	s7 =	smul.u32 @!p0 $0xF7A, s2;
	p2 =	seq.s32 @!p0 s5, $0x0  }
0x1f: {  	s9 =	smul.u32 $0xF7A, s1;
	s8 =	simm.s32 @!p0 $0x1BF5;
	p2 =	por !p2, p0  }
0x20: {  	[sflag:s8] =	ssyncset.s32 @!p0 $0xFFFFF086;
	s6 =	sadd.s32 @!p0 s3, s7;
	s7 =	simm.s32 @!p0 $0x108  }
0x21: {  	s3 =	sadd.s32 s3, s9;
	s6 =	sadd.s32 @!p0 $0x88, s6;
	s7 =	simm.s32 @p2 $0x1082  }
0x22: {  	[simem:s7], [sflag:s8] =	dma.local @!p0 [hbm:s6], $0xF7A  }
0x23: {  	s9 =	sor.u32 $0xD0000000, s2;
	s6 =	simm.s32 $0x108;
	_ =	swait.ge @!p0 [sflag:s8], $0x0  }
0x24: {  	s3 =	sadd.s32 $0x88, s3;
	s6 =	simm.s32 @!p1 $0x1082;
	[sflag:s4] =	ssyncset.s32 $0xFFFFF086  }
0x25: {  	[simem:s6], [sflag:s4] =	dma.local [hbm:s3], $0xF7A  }
0x26: {  	[smem:$0x3F95] =	sst s1;
	(tag) =	ssettag s2;
	_ =	strace s9  }
0x27: {  	s1 =	sld [smem:$0x3FA5]  }
0x28: {  	s2 =	sld [smem:$0x3FA6]  }
0x29: {  	s4 =	sld [smem:$0x3FA8]  }
0x2a: {  	p0 =	seq.s32 s5, $0x0;
	s5 =	sld [smem:$0x3FA9]  }
0x2b: {  	s6 =	sld [smem:$0x3FAA]  }
0x2c: {  	s7 =	sld [smem:$0x3FAB]  }
0x2d: {  	s3 =	simm.s32 $0x108;
	s8 =	sld [smem:$0x3FAC]  }
0x2e: {  	s3 =	simm.s32 @!p0 $0x1082;
	s9 =	sld [smem:$0x3FAD]  }
0x2f: {  	lr =	sadd.s32 s0, s3;
	s0 =	sld [smem:$0x3FA4]  }
0x30: {  	s3 =	sld [smem:$0x3FA7]  }
0x31: {  	[smem:$0x3FB0] =	sst s10  }
0x32: {  	s10 =	sld [smem:$0x3FAE];
	_ =	sdelay $0x3  }
0x33: {  	p0 =	seq.s32 s10, $0x1;
	s10 =	sld [smem:$0x3FB0];
	_ =	sdelay $0x3  }
0x34: {  	[smem:$0x3FB0] =	sst s10  }
0x35: {  	s10 =	sld [smem:$0x3FAF];
	_ =	sdelay $0x3  }
0x36: {  	p1 =	seq.s32 s10, $0x1;
	s10 =	sld [smem:$0x3FB0];
	_ =	sdelay $0x3  }
0x37: {  	[smem:$0x3FB0] =	sst s10  }
0x38: {  	s10 =	sld [smem:$0x3FB1]  }
0x39: {  	_ = 	snop;
	(pc) =	sbr.ind lr, $3  }
0x3a: {  	_ = 	snop  }
0x3b: {  	_ = 	snop  }
0x3c: {  	p2 =	seq.s32 s10, $0x1;
	s10 =	sld [smem:$0x3FB0]  }
0x3d: {  	_ =	shalt  }
0x3e: {  	_ =	shalt  }
0x3f: {  	_ =	shalt  }
0x40: {  	_ =	shalt  }
0x41: {  	_ =	shalt  }
0x42: {  	_ =	shalt  }
0x43: {  	_ =	shalt  }
0x44: {  	_ =	shalt  }
0x45: {  	_ =	shalt  }
0x46: {  	_ =	shalt  }
0x47: {  	_ =	shalt  }
0x48: {  	_ =	shalt  }
0x49: {  	_ =	shalt  }
0x4a: {  	_ =	shalt  }
0x4b: {  	_ =	shalt  }
0x4c: {  	_ =	shalt  }
0x4d: {  	_ =	shalt  }
0x4e: {  	_ =	shalt  }
0x4f: {  	_ =	shalt  }
0x50: {  	_ =	shalt  }
0x51: {  	_ =	shalt  }
0x52: {  	_ =	shalt  }
0x53: {  	_ =	shalt  }
0x54: {  	_ =	shalt  }
0x55: {  	_ =	shalt  }
0x56: {  	_ =	shalt  }
0x57: {  	_ =	shalt  }
0x58: {  	_ =	shalt  }
0x59: {  	_ =	shalt  }
0x5a: {  	_ =	shalt  }
0x5b: {  	_ =	shalt  }
0x5c: {  	_ =	shalt  }
0x5d: {  	_ =	shalt  }
0x5e: {  	_ =	shalt  }
0x5f: {  	_ =	shalt  }
0x60: {  	_ =	shalt  }
0x61: {  	_ =	shalt  }
0x62: {  	_ =	shalt  }
0x63: {  	_ =	shalt  }
0x64: {  	_ =	shalt  }
0x65: {  	_ =	shalt  }
0x66: {  	_ =	shalt  }
0x67: {  	_ =	shalt  }
0x68: {  	_ =	shalt  }
0x69: {  	_ =	shalt  }
0x6a: {  	_ =	shalt  }
0x6b: {  	_ =	shalt  }
0x6c: {  	_ =	shalt  }
0x6d: {  	_ =	shalt  }
0x6e: {  	_ =	shalt  }
0x6f: {  	_ =	shalt  }
0x70: {  	_ =	shalt  }
0x71: {  	_ =	shalt  }
0x72: {  	_ =	shalt  }
0x73: {  	_ =	shalt  }
0x74: {  	_ =	shalt  }
0x75: {  	_ =	shalt  }
0x76: {  	_ =	shalt  }
0x77: {  	_ =	shalt  }
0x78: {  	_ =	shalt  }
0x79: {  	_ =	shalt  }
0x7a: {  	_ =	shalt  }
0x7b: {  	_ =	shalt  }
0x7c: {  	_ =	shalt  }
0x7d: {  	_ =	shalt  }
0x7e: {  	_ =	shalt  }
0x7f: {  	_ =	shalt  }
0x80: {  	_ =	shalt  }
0x81: {  	_ =	shalt  }
0x82: {  	_ =	shalt  }
0x83: {  	_ =	shalt  }
0x84: {  	_ =	shalt  }
0x85: {  	_ =	shalt  }
0x86: {  	_ =	shalt  }
0x87: {  	_ =	shalt  }
.Lfunc_end0:
.L_simem_size_0:
called_computation.1_lowered:
.L_overlay_start_0:
0x88: {  	s2 =	sld [smem:$0x3FD9]  }
0x89: {  	s3 =	sld [smem:$0x3FFE];
	_ =	sdelay $0x1  }
0x8a: {  	s1 =	srdreg.scid  }
0x8b: {  	s0 =	sand.u32 $0x1, s1  }
0x8c: {  	s16 =	sshll.u32 s0, $0xA;
	s2 =	sadd.s32 s3, s2  }
0x8d: {  	s2 =	sadd.s32 s2, s16  }
0x8e: {  	[smem:$0x3FBC] =	sst s2  }
0x8f: {  	_ = 	snop  }
0x90: {  	(tm) =	ssettm $0x1  }
0x91: {  	s17 =	sld [smem:$0x3FFB];
	_ =	sdelay $0x3  }
0x92: {  	_ =	strace s17  }
0x93: {  	s2 =	sld [smem:$0x3FFC];
	_ =	sdelay $0x3  }
0x94: {  	_ =	strace s2  }
0x95: {  	s2 =	sld [smem:$0x3FFD];
	_ =	sdelay $0x3  }
0x96: {  	_ =	strace s2  }
0x97: {  	_ =	strace $0x8FFFFFFF  }
0x98: {  	s18 =	sld [smem:$0x3FDB];
	_ =	sdelay $0x1  }
0x99: {  	s19 =	simm.s32 $_scs_section_size  }
0x9a: {  	s4 =	simm.s32 $_size__tile_overlayer_lowered;
	s5 =	simm.s32 $_tile_overlayer_lowered  }
0x9b: {  	s22 =	simm.s32 $0x1BFF;
	s21 =	sshll.u32 s5, $0x1;
	s2 =	sadd.s32 s19, s18  }
0x9c: {  	s6 =	simm.s32 $0x0;
	s20 =	sshll.u32 s4, $0x1;
	s4 =	sadd.s32 s21, s2  }
0x9d: {  	[timem:s6], [sflag:s22] =	dma.local [hbm:s4], s20  }
0x9e: {  	_ =	swait.ge [sflag:s22], s20  }
0x9f: {  	s3 =	ssub.s32 $0x0, s20;
	[sflag:s22] =	ssyncset.done $0x0  }
0xa0: {  	[sflag:s22] =	ssyncadd.s32 s3;
	_ =	sdelay $0x1  }
0xa1: {  	s23 =	simm.s32 $0x1B8B  }
0xa2: {  	_ =	swait.ge [sflag:s23], $0x1  }
0xa3: {  	[sflag:s23] =	ssyncset.done $0x0  }
0xa4: {  	s25 =	simm.s32 $0x1B8E;
	s24 =	sld [smem:$0x3FFE];
	[sflag:s23] =	ssyncadd.s32 $0xFFFFFFFF  }
0xa5: {  	s26 =	simm.s32 $execute0_lowered;
	[smem:$0x3FD2] =	sst s25  }
0xa6: {  	s4 =	sshll.u32 s26, $0x1;
	_ =	strace $0x80000049;
	[dreg:$0x1] =	wrdreg $0xFFFFFFFF  }
0xa7: {  	s28 =	simm.s32 $_size_execute0_lowered;
	s2 =	sadd.s32 s2, s4;
	[dreg:$0x0] =	wrdreg $0x0  }
0xa8: {  	s4 =	sshll.u32 s28, $0x1;
	[dreg:$0x2] =	wrdreg s2  }
0xa9: {  	[dreg:$0x3] =	wrdreg s4  }
0xaa: {  	[dreg:$0x4] =	wrdreg $0xC0  }
0xab: {  	_ =	task [dreg:s6], $0x5FFFF  }
0xac: {  	[dreg:$0x1] =	wrdreg $0xFFFFFFFF  }
0xad: {  	[dreg:$0x0] =	wrdreg $0x60  }
0xae: {  	[dreg:$0x2] =	wrdreg s24  }
0xaf: {  	[dreg:$0x3] =	wrdreg $0x9  }
0xb0: {  	_ =	task.clear_ibuf [dreg:s6], $0x4FFFF;
	_ =	strace $0x90000049  }
0xb1: {  	s29 =	simm.s32 $0x9;
	_ =	strace $0x8000004B  }
0xb2: {  	_ =	swait.ge [sflag:s29], $0x1  }
0xb3: {  	[sflag:s29] =	ssyncadd.s32 $0xFFFFFFFF  }
0xb4: {  	_ =	strace $0x9000004B  }
0xb5: {  	_ =	sfence  }
0xb6: {  	s30 =	sld [smem:$0x0];
	_ =	sdelay $0x2  }
0xb7: {  	s31 =	sshll.u32 s1, $0xD;
	s1 =	sshrl.u32 s1, $0x2  }
0xb8: {  	s3 =	sand.u32 $0x4000, s31;
	s1 =	sadd.s32 s1, s30  }
0xb9: {  	s0 =	sor.u32 s3, s0;
	s1 =	sshll.u32 s1, $0x11  }
0xba: {  	s0 =	sor.u32 s1, s0  }
0xbb: {  	s0 =	sadd.s32 $0x8F2B, s0  }
0xbc: {  	[sflag:s0] =	ssyncadd.remote.s32 $0x1  }
0xbd: {  	_ =	sfence.sel $0xFFFF  }
0xbe: {  	[dreg:$0x0] =	wrdreg $0xFFFFFFFF;
	(pc) =	sbr.abs _section_cstart, $3  }
0xbf: {  	[dreg:$0x1] =	wrdreg $0xFFFFFFFF  }
0xc0: {  	_ =	task.clear_ibuf [dreg:s6], $0x2FFFF;
	_ =	strace $0x9FFFFFFF  }
0xc1: {  	(tm) =	ssettm $0x7FFFFFFF  }
tec
execute0_lowered:
.L_overlay_start_1:
0x0: {  	(tag) =	ssettag $0x1  }
0x1: {  	s0 =	srdreg.scid;
	s7 =	stileid.u32  }
0x2: {  	s3 =	rddreg [dreg:$0x0];
	s2 =	simm.s32 $0x0;
	s31 =	simm.s32 $0x1  }
0x3: {  	s0 =	sand.u32 $0x1, s0;
	s1 =	sshll.u32 s7, $0x1;
	[smem:$0x7FF] =	sst s2  }
0x4: {  	s5 =	sadd.s32 $0x1A200, s3;
	s18 =	sadd.s32 $0x19C00, s3;
	s6 =	sadd.s32 $0x14C00, s3  }
0x5: {  	s30 =	smul.u32 $0x5000, s7;
	s1 =	sor.u32 s0, s1;
	_ =	strace $0x8000004A  }
0x6: {  	[dreg:$0x2] =	wrdreg s5;
	s19 =	ssub.s32 $0x2, s0;
	s0 =	smul.u32 $0x2800, s0  }
0x7: {  	s13 =	sadd.s32 $0x15F88, s3;
	[dreg:$0x3] =	wrdreg s18;
	s4 =	smul.u32 $0x2800, s1  }
0x8: {  	[dreg:$0x4] =	wrdreg s6;
	s1 =	smul.u32 $0x2710, s1;
	s20 =	sshrl.u32 s19, $0x1  }
0x9: {  	s18 =	sadd.s32 $0x17310, s3;
	s6 =	simm.s32 $0x0;
	s5 =	ssub.s32 s19, s20  }
0xa: {  	s0 =	sadd.s32 s0, s30;
	s4 =	sshrl.u32 s4, $0x3;
	s1 =	sshrl.u32 s1, $0x3  }
0xb: {  	s29 =	smax.u32 s5, $0x1;
	s11 =	sor.u32 $0x30, s0;
	s4 =	sadd.s32 s4, s3  }
0xc: {  	s0 =	simm.s32 $0x7800;
	s5 =	simm.s32 $0x18970;
	s21 =	sadd.s32 $0xAC00, s4  }
0xd: {  	s1 =	sadd.s32 s1, s3;
	s4 =	sadd.s32 $0xC00, s4;
	[dreg:$0x5] =	wrdreg s21  }
0xe: {  	s22 =	sadd.s32 $0xB6C00, s1;
	s23 =	sadd.s32 $0x1A800, s1;
	[dreg:$0x6] =	wrdreg s4  }
0xf: {  	s24 =	sadd.s32 $0x24440, s1;
	s25 =	sadd.s32 $0x2E080, s1;
	[dreg:$0x7] =	wrdreg s22  }
0x10: {  	s26 =	sadd.s32 $0x37CC0, s1;
	s14 =	sadd.s32 $0x41900, s1;
	[dreg:$0x8] =	wrdreg s23  }
0x11: {  	s15 =	sadd.s32 $0x4B540, s1;
	s16 =	sadd.s32 $0x55180, s1;
	[dreg:$0x9] =	wrdreg s24  }
0x12: {  	s17 =	sadd.s32 $0x5EDC0, s1;
	s19 =	sadd.s32 $0x68A00, s1;
	[dreg:$0xa] =	wrdreg s25  }
0x13: {  	s20 =	sadd.s32 $0x72640, s1;
	s28 =	sadd.s32 $0xACFC0, s1;
	[dreg:$0xb] =	wrdreg s26  }
0x14: {  	s21 =	sadd.s32 $0x7C280, s1;
	s22 =	sadd.s32 $0x18698, s3;
	s23 =	sadd.s32 $0x85EC0, s1  }
0x15: {  	s24 =	sadd.s32 $0x8FB00, s1;
	s25 =	sadd.s32 $0x99740, s1;
	s26 =	sadd.s32 $0xA3380, s1  }
0x16: {  	v0 =	vimm.f32 $0.0e+00;
	s1 =	simm.s32 $0x11440;
	s3 =	simm.s32 $0x13B50;
	s4 =	simm.s32 $0x16260  }
.LBB2_1:
0x17: {  	s7 =	rddreg [dreg:$0x5]  }
0x18: {  	[tilespmem:s2], [sflag:$0x1] =	stream.linear.gather [hbm4b:s7+s2], $0x2800, $0x38;
	[tilespmem:$0x1B080] =	vst v63  }
0x19: {  	_ =	swait.ge [sflag:s31], $0x2800  }
0x1a: {  	[sflag:s31] =	ssyncset.done $0x0  }
0x1b: {  	s8 =	simm.s32 $0x2800;
	s9 =	rddreg [dreg:$0x6];
	[sflag:s31] =	ssyncadd.s32 $0xFFFFD800  }
0x1c: {  	[tilespmem:s8], [sflag:$0x1] =	stream.linear.gather [hbm4b:s9+s2], $0x2800, $0x38;
	[tilespmem:$0x1B080] =	vst v63  }
0x1d: {  	_ =	swait.ge [sflag:s31], $0x2800  }
0x1e: {  	[sflag:s31] =	ssyncset.done $0x0  }
0x1f: {  	s10 =	rddreg [dreg:$0x2];
	[sflag:s31] =	ssyncadd.s32 $0xFFFFD800  }
0x20: {  	[tilespmem:s0], [sflag:$0x1] =	stream.linear.gather [hbm4b:s10+s2], $0x2710, $0x38;
	[tilespmem:$0x1B080] =	vst v63  }
0x21: {  	_ =	swait.ge [sflag:s31], $0x2710  }
0x22: {  	[sflag:s31] =	ssyncset.done $0x0  }
0x23: {  	s30 =	simm.s32 $0x9F10;
	s12 =	rddreg [dreg:$0x3];
	[sflag:s31] =	ssyncadd.s32 $0xFFFFD8F0  }
0x24: {  	[tilespmem:s30], [sflag:$0x1] =	stream.linear.gather [hbm4b:s12+s2], $0x2710, $0x38;
	[tilespmem:$0x1B080] =	vst v63  }
0x25: {  	_ =	swait.ge [sflag:s31], $0x2710  }
0x26: {  	[sflag:s31] =	ssyncset.done $0x0  }
0x27: {  	s7 =	simm.s32 $0x0;
	[sflag:s31] =	ssyncadd.s32 $0xFFFFD8F0  }
.LBB2_2:
0x28: {  	p0 =	sne.s32 s7, $0x9C00  }
.Ltmp0:
0x29: {  	_ = 	snop;
	(pc) =	sbr.rel @p0 .LBB2_2-.Ltmp0, $3  }
0x2a: {  	_ =	sdelay $0x1  }
0x2b: {  	s8 =	sshra.s32 s7, $0x2  }
0x2c: {  	s7 =	sadd.s32 $0x40, s7;
	[tilespmem:s8+$0xC620] =	vst v0  }
0x2d: {  	s7 =	simm.s32 $0xFFFFFFFC;
	s8 =	simm.s32 $0x20  }
0x2e: {  	s9 =	simm.s32 $0x2820;
	s10 =	simm.s32 $0x5020;
	s30 =	smov.u32 s11  }
.LBB2_4:
0x2f: {  	v1 =	vld [tilespmem:s9+$0xFFFFFFE0]  }
0x30: {  	v2 =	vld [tilespmem:s8+$0xFFFFFFE0];
	_ =	sdelay $0x3  }
0x31: {  	v3 =	vadd.s32 $0x2710, v1;
	_ =	sdelay $0x3  }
0x32: {  	v2 =	vld.idx.msk [tilespmem:v2+s0+$0x0], $0xffff  }
0x33: {  	v3 =	vld.idx.msk [tilespmem:v3+s0+$0x0], $0xffff;
	_ =	sdelay $0x4  }
0x34: {  	v2 =	vadd.f32 v3, v2;
	_ =	sdelay $0x1  }
0x35: {  	v3 =	vmul.f32 $2.000000030e-01, v2;
	_ =	sdelay $0x1  }
0x36: {  	v2 =	vmax.f32 v2, v3  }
0x37: {  	v2 =	vmul.f32 $1.442695020e+00, v2;
	_ =	sdelay $0x1  }
0x38: {  	(erf) = vpow2.f32 v2;
	_ =	sdelay $0x5  }
0x39: {  	v1 =	vadd.s32 $0x4E20, v1;
	_ =	sdelay $0x1  }
0x3a: {  	s12 =	sadd.s32 $0xFFFFFFD0, s30  }
0x3b: {  	p0 =	slt.u32 s12, $0x4E200;
	v2 =	vpop (erf)  }
0x3c: {  	v2 =	vpsel !p0, $0x0, v2  }
0x3d: {  	[tilespmem:v1+s0+$0x0] =	vst.idx.add.f32.msk $0xffff, v2  }
0x3e: {  	[tilespmem:s10+$0xFFFFFFE0] =	vst v2  }
0x3f: {  	v1 =	vld [tilespmem:s9+$0xFFFFFFF0]  }
0x40: {  	v2 =	vld [tilespmem:s8+$0xFFFFFFF0];
	_ =	sdelay $0x3  }
0x41: {  	v3 =	vadd.s32 $0x2710, v1;
	_ =	sdelay $0x3  }
0x42: {  	v2 =	vld.idx.msk [tilespmem:v2+s0+$0x0], $0xffff  }
0x43: {  	v3 =	vld.idx.msk [tilespmem:v3+s0+$0x0], $0xffff;
	_ =	sdelay $0x4  }
0x44: {  	v2 =	vadd.f32 v3, v2;
	_ =	sdelay $0x1  }
0x45: {  	v3 =	vmul.f32 $2.000000030e-01, v2;
	_ =	sdelay $0x1  }
0x46: {  	v2 =	vmax.f32 v2, v3  }
0x47: {  	v2 =	vmul.f32 $1.442695020e+00, v2;
	_ =	sdelay $0x1  }
0x48: {  	(erf) = vpow2.f32 v2;
	_ =	sdelay $0x5  }
0x49: {  	v1 =	vadd.s32 $0x4E20, v1;
	_ =	sdelay $0x1  }
0x4a: {  	s12 =	sadd.s32 $0xFFFFFFE0, s30  }
0x4b: {  	p4 =	slt.u32 s12, $0x4E200;
	v2 =	vpop (erf)  }
0x4c: {  	v2 =	vpsel !p4, $0x0, v2  }
0x4d: {  	[tilespmem:v1+s0+$0x0] =	vst.idx.add.f32.msk $0xffff, v2  }
0x4e: {  	[tilespmem:s10+$0xFFFFFFF0] =	vst v2  }
0x4f: {  	v1 =	vld [tilespmem:s9+$0x0]  }
0x50: {  	v2 =	vld [tilespmem:s8+$0x0];
	_ =	sdelay $0x3  }
0x51: {  	v3 =	vadd.s32 $0x2710, v1;
	_ =	sdelay $0x3  }
0x52: {  	v2 =	vld.idx.msk [tilespmem:v2+s0+$0x0], $0xffff  }
0x53: {  	v3 =	vld.idx.msk [tilespmem:v3+s0+$0x0], $0xffff;
	_ =	sdelay $0x4  }
0x54: {  	v2 =	vadd.f32 v3, v2;
	_ =	sdelay $0x1  }
0x55: {  	v3 =	vmul.f32 $2.000000030e-01, v2;
	_ =	sdelay $0x1  }
0x56: {  	v2 =	vmax.f32 v2, v3  }
0x57: {  	v2 =	vmul.f32 $1.442695020e+00, v2;
	_ =	sdelay $0x1  }
0x58: {  	(erf) = vpow2.f32 v2;
	_ =	sdelay $0x5  }
0x59: {  	v1 =	vadd.s32 $0x4E20, v1;
	_ =	sdelay $0x1  }
0x5a: {  	s12 =	sadd.s32 $0xFFFFFFF0, s30  }
0x5b: {  	p5 =	slt.u32 s12, $0x4E200;
	v2 =	vpop (erf)  }
0x5c: {  	v2 =	vpsel !p5, $0x0, v2  }
0x5d: {  	[tilespmem:v1+s0+$0x0] =	vst.idx.add.f32.msk $0xffff, v2  }
0x5e: {  	[tilespmem:s10+$0x0] =	vst v2  }
0x5f: {  	v1 =	vld [tilespmem:s9+$0x10]  }
0x60: {  	v2 =	vld [tilespmem:s8+$0x10];
	_ =	sdelay $0x3  }
0x61: {  	v3 =	vadd.s32 $0x2710, v1;
	_ =	sdelay $0x3  }
0x62: {  	v2 =	vld.idx.msk [tilespmem:v2+s0+$0x0], $0xffff  }
0x63: {  	v3 =	vld.idx.msk [tilespmem:v3+s0+$0x0], $0xffff;
	_ =	sdelay $0x4  }
0x64: {  	v2 =	vadd.f32 v3, v2;
	_ =	sdelay $0x1  }
0x65: {  	v3 =	vmul.f32 $2.000000030e-01, v2;
	_ =	sdelay $0x1  }
0x66: {  	v2 =	vmax.f32 v2, v3  }
0x67: {  	v2 =	vmul.f32 $1.442695020e+00, v2;
	_ =	sdelay $0x1  }
0x68: {  	(erf) = vpow2.f32 v2;
	_ =	sdelay $0x5  }
0x69: {  	s7 =	sadd.s32 $0x4, s7;
	v1 =	vadd.s32 $0x4E20, v1  }
0x6a: {  	p0 =	slt.u32 s7, $0x27C  }
.Ltmp1:
0x6b: {  	_ = 	snop;
	(pc) =	sbr.rel @p0 .LBB2_4-.Ltmp1, $4  }
0x6c: {  	p6 =	slt.u32 s30, $0x4E200;
	v2 =	vpop (erf)  }
0x6d: {  	v2 =	vpsel !p6, $0x0, v2  }
0x6e: {  	s30 =	sadd.s32 $0x40, s30;
	[tilespmem:v1+s0+$0x0] =	vst.idx.add.f32.msk $0xffff, v2  }
0x6f: {  	s8 =	sadd.s32 $0x40, s8;
	s9 =	sadd.s32 $0x40, s9;
	[tilespmem:s10+$0x10] =	vst v2;
	s10 =	sadd.s32 $0x40, s10  }
0x70: {  	s7 =	simm.s32 $0x0;
	s8 =	rddreg [dreg:$0x7];
	s9 =	simm.s32 $0xC620  }
0x71: {  	[hbm4b:s8+s7] =	stream.linear.scatter [tilespmem:s9], [sflag:$0x1], $0x2710, $0x38;
	[tilespmem:$0x1B080] =	vst v63  }
0x72: {  	_ =	swait.ge [sflag:s31], $0x2710  }
0x73: {  	s12 =	sand.u32 $0x3, s7;
	[sflag:s31] =	ssyncset.done $0x0  }
0x74: {  	s8 =	smul.u32 $0x9C40, s12;
	s10 =	rddreg [dreg:$0x4];
	[sflag:s31] =	ssyncadd.s32 $0xFFFFD8F0  }
0x75: {  	[tilespmem:s0], [sflag:$0x1] =	stream.linear.gather [hbm4b:s10+s7], $0x9C40, $0x38;
	[tilespmem:$0x1B080] =	vst v63  }
0x76: {  	s30 =	sand.u32 $0xFFC0, s7;
	_ =	swait.ge [sflag:s31], $0x9C40  }
0x77: {  	s9 =	sshrl.u32 s30, $0x2;
	s8 =	sshrl.u32 s8, $0x2;
	[sflag:s31] =	ssyncset.done $0x0  }
0x78: {  	s9 =	sadd.s32 s9, s8;
	[sflag:s31] =	ssyncadd.s32 $0xFFFF63C0  }
0x79: {  	s8 =	simm.s32 $0x1;
	[tilespmem:s9+$0x11440] =	vst v0  }
.LBB2_6:
0x7a: {  	s9 =	sand.u32 $0x3, s8  }
0x7b: {  	p0 =	sne.s32 s8, $0x9C3;
	s8 =	sadd.s32 $0x1, s8;
	s9 =	smul.u32 $0x9C40, s9  }
.Ltmp2:
0x7c: {  	s7 =	sadd.s32 $0x10, s7;
	(pc) =	sbr.rel @p0 .LBB2_6-.Ltmp2, $4  }
0x7d: {  	s10 =	sand.u32 $0xFFC0, s7  }
0x7e: {  	s10 =	sshrl.u32 s10, $0x2;
	s9 =	sshrl.u32 s9, $0x2  }
0x7f: {  	s9 =	sadd.s32 s10, s9  }
0x80: {  	[tilespmem:s9+$0x11440] =	vst v0  }
0x81: {  	s7 =	simm.s32 $0xFFFFFFFC  }
0x82: {  	s8 =	simm.s32 $0x20;
	s9 =	simm.s32 $0x2820;
	s10 =	simm.s32 $0x5020  }
.LBB2_8:
0x83: {  	v1 =	vld [tilespmem:s8+$0xFFFFFFE0];
	_ =	sdelay $0x5  }
0x84: {  	v2 =	vld [tilespmem:s9+$0xFFFFFFE0]  }
0x85: {  	v3 =	vld [tilespmem:s10+$0xFFFFFFE0]  }
0x86: {  	v4 =	vld.idx.msk [tilespmem:v1+s0+$0x0], $0xffff;
	_ =	sdelay $0x2  }
0x87: {  	v5 =	vadd.s32 $0x2710, v1;
	_ =	sdelay $0x1  }
0x88: {  	v4 =	vmul.f32 v4, v3;
	_ =	sdelay $0x1  }
0x89: {  	[tilespmem:v2+s1+$0x0] =	vst.idx.add.f32.msk $0xffff, v4  }
0x8a: {  	v4 =	vld.idx.msk [tilespmem:v5+s0+$0x0], $0xffff;
	_ =	sdelay $0x1  }
0x8b: {  	v50 =	vadd.s32 $0x2710, v2  }
0x8c: {  	v6 =	vadd.s32 $0x4E20, v1;
	_ =	sdelay $0x1  }
0x8d: {  	v4 =	vmul.f32 v4, v3;
	_ =	sdelay $0x1  }
0x8e: {  	[tilespmem:v50+s1+$0x0] =	vst.idx.add.f32.msk $0xffff, v4  }
0x8f: {  	v4 =	vld.idx.msk [tilespmem:v6+s0+$0x0], $0xffff;
	_ =	sdelay $0x1  }
0x90: {  	v51 =	vadd.s32 $0x4E20, v2  }
0x91: {  	v1 =	vadd.s32 $0x7530, v1;
	_ =	sdelay $0x1  }
0x92: {  	v4 =	vmul.f32 v4, v3;
	_ =	sdelay $0x1  }
0x93: {  	[tilespmem:v51+s1+$0x0] =	vst.idx.add.f32.msk $0xffff, v4  }
0x94: {  	v1 =	vld.idx.msk [tilespmem:v1+s0+$0x0], $0xffff;
	_ =	sdelay $0x1  }
0x95: {  	v2 =	vadd.s32 $0x7530, v2;
	_ =	sdelay $0x2  }
0x96: {  	v1 =	vmul.f32 v1, v3;
	_ =	sdelay $0x1  }
0x97: {  	[tilespmem:v2+s1+$0x0] =	vst.idx.add.f32.msk $0xffff, v1  }
0x98: {  	v1 =	vld [tilespmem:s8+$0xFFFFFFF0];
	_ =	sdelay $0x5  }
0x99: {  	v2 =	vld [tilespmem:s9+$0xFFFFFFF0]  }
0x9a: {  	v3 =	vld [tilespmem:s10+$0xFFFFFFF0]  }
0x9b: {  	v4 =	vld.idx.msk [tilespmem:v1+s0+$0x0], $0xffff;
	_ =	sdelay $0x2  }
0x9c: {  	v52 =	vadd.s32 $0x2710, v1;
	_ =	sdelay $0x1  }
0x9d: {  	v4 =	vmul.f32 v4, v3;
	_ =	sdelay $0x1  }
0x9e: {  	[tilespmem:v2+s1+$0x0] =	vst.idx.add.f32.msk $0xffff, v4  }
0x9f: {  	v4 =	vld.idx.msk [tilespmem:v52+s0+$0x0], $0xffff;
	_ =	sdelay $0x1  }
0xa0: {  	v53 =	vadd.s32 $0x2710, v2  }
0xa1: {  	v54 =	vadd.s32 $0x4E20, v1;
	_ =	sdelay $0x1  }
0xa2: {  	v4 =	vmul.f32 v4, v3;
	_ =	sdelay $0x1  }
0xa3: {  	[tilespmem:v53+s1+$0x0] =	vst.idx.add.f32.msk $0xffff, v4  }
0xa4: {  	v4 =	vld.idx.msk [tilespmem:v54+s0+$0x0], $0xffff;
	_ =	sdelay $0x1  }
0xa5: {  	v55 =	vadd.s32 $0x4E20, v2  }
0xa6: {  	v1 =	vadd.s32 $0x7530, v1;
	_ =	sdelay $0x1  }
0xa7: {  	v4 =	vmul.f32 v4, v3;
	_ =	sdelay $0x1  }
0xa8: {  	[tilespmem:v55+s1+$0x0] =	vst.idx.add.f32.msk $0xffff, v4  }
0xa9: {  	v1 =	vld.idx.msk [tilespmem:v1+s0+$0x0], $0xffff;
	_ =	sdelay $0x1  }
0xaa: {  	v2 =	vadd.s32 $0x7530, v2;
	_ =	sdelay $0x2  }
0xab: {  	v1 =	vmul.f32 v1, v3;
	_ =	sdelay $0x1  }
0xac: {  	[tilespmem:v2+s1+$0x0] =	vst.idx.add.f32.msk $0xffff, v1  }
0xad: {  	v1 =	vld [tilespmem:s8+$0x0];
	_ =	sdelay $0x5  }
0xae: {  	v2 =	vld [tilespmem:s9+$0x0]  }
0xaf: {  	v3 =	vld [tilespmem:s10+$0x0]  }
0xb0: {  	v4 =	vld.idx.msk [tilespmem:v1+s0+$0x0], $0xffff;
	_ =	sdelay $0x2  }
0xb1: {  	v56 =	vadd.s32 $0x2710, v1;
	_ =	sdelay $0x1  }
0xb2: {  	v4 =	vmul.f32 v4, v3;
	_ =	sdelay $0x1  }
0xb3: {  	[tilespmem:v2+s1+$0x0] =	vst.idx.add.f32.msk $0xffff, v4  }
0xb4: {  	v4 =	vld.idx.msk [tilespmem:v56+s0+$0x0], $0xffff;
	_ =	sdelay $0x1  }
0xb5: {  	v57 =	vadd.s32 $0x2710, v2  }
0xb6: {  	v58 =	vadd.s32 $0x4E20, v1;
	_ =	sdelay $0x1  }
0xb7: {  	v4 =	vmul.f32 v4, v3;
	_ =	sdelay $0x1  }
0xb8: {  	[tilespmem:v57+s1+$0x0] =	vst.idx.add.f32.msk $0xffff, v4  }
0xb9: {  	v4 =	vld.idx.msk [tilespmem:v58+s0+$0x0], $0xffff;
	_ =	sdelay $0x1  }
0xba: {  	v59 =	vadd.s32 $0x4E20, v2  }
0xbb: {  	v1 =	vadd.s32 $0x7530, v1;
	_ =	sdelay $0x1  }
0xbc: {  	v4 =	vmul.f32 v4, v3;
	_ =	sdelay $0x1  }
0xbd: {  	[tilespmem:v59+s1+$0x0] =	vst.idx.add.f32.msk $0xffff, v4  }
0xbe: {  	v1 =	vld.idx.msk [tilespmem:v1+s0+$0x0], $0xffff;
	_ =	sdelay $0x1  }
0xbf: {  	v2 =	vadd.s32 $0x7530, v2;
	_ =	sdelay $0x2  }
0xc0: {  	v1 =	vmul.f32 v1, v3;
	_ =	sdelay $0x1  }
0xc1: {  	[tilespmem:v2+s1+$0x0] =	vst.idx.add.f32.msk $0xffff, v1  }
0xc2: {  	v1 =	vld [tilespmem:s8+$0x10];
	_ =	sdelay $0x5  }
0xc3: {  	v2 =	vld [tilespmem:s9+$0x10]  }
0xc4: {  	v3 =	vld [tilespmem:s10+$0x10]  }
0xc5: {  	v4 =	vld.idx.msk [tilespmem:v1+s0+$0x0], $0xffff;
	_ =	sdelay $0x2  }
0xc6: {  	v60 =	vadd.s32 $0x2710, v1;
	_ =	sdelay $0x1  }
0xc7: {  	v4 =	vmul.f32 v4, v3;
	_ =	sdelay $0x1  }
0xc8: {  	[tilespmem:v2+s1+$0x0] =	vst.idx.add.f32.msk $0xffff, v4  }
0xc9: {  	v4 =	vld.idx.msk [tilespmem:v60+s0+$0x0], $0xffff;
	_ =	sdelay $0x1  }
0xca: {  	v61 =	vadd.s32 $0x2710, v2  }
0xcb: {  	v62 =	vadd.s32 $0x4E20, v1;
	_ =	sdelay $0x1  }
0xcc: {  	v4 =	vmul.f32 v4, v3;
	_ =	sdelay $0x1  }
0xcd: {  	[tilespmem:v61+s1+$0x0] =	vst.idx.add.f32.msk $0xffff, v4  }
0xce: {  	v4 =	vld.idx.msk [tilespmem:v62+s0+$0x0], $0xffff;
	_ =	sdelay $0x1  }
0xcf: {  	v63 =	vadd.s32 $0x4E20, v2  }
0xd0: {  	v1 =	vadd.s32 $0x7530, v1;
	_ =	sdelay $0x1  }
0xd1: {  	v4 =	vmul.f32 v4, v3;
	_ =	sdelay $0x1  }
0xd2: {  	[tilespmem:v63+s1+$0x0] =	vst.idx.add.f32.msk $0xffff, v4  }
0xd3: {  	v1 =	vld.idx.msk [tilespmem:v1+s0+$0x0], $0xffff  }
0xd4: {  	s7 =	sadd.s32 $0x4, s7  }
0xd5: {  	p0 =	slt.u32 s7, $0x27C;
	v2 =	vadd.s32 $0x7530, v2  }
.Ltmp3:
0xd6: {  	_ = 	snop;
	(pc) =	sbr.rel @p0 .LBB2_8-.Ltmp3, $3  }
0xd7: {  	_ = 	snop  }
0xd8: {  	v1 =	vmul.f32 v1, v3;
	_ =	sdelay $0x1  }
0xd9: {  	s8 =	sadd.s32 $0x40, s8;
	s9 =	sadd.s32 $0x40, s9;
	s10 =	sadd.s32 $0x40, s10;
	[tilespmem:v2+s1+$0x0] =	vst.idx.add.f32.msk $0xffff, v1  }
0xda: {  	s7 =	simm.s32 $0x0;
	s8 =	rddreg [dreg:$0x8]  }
0xdb: {  	[hbm4b:s8+s7] =	stream.linear.scatter [tilespmem:s1], [sflag:$0x1], $0x2710, $0x38;
	[tilespmem:$0x1B080] =	vst v63  }
0xdc: {  	_ =	swait.ge [sflag:s31], $0x2710  }
0xdd: {  	[sflag:s31] =	ssyncset.done $0x0  }
0xde: {  	s9 =	rddreg [dreg:$0x9];
	[sflag:s31] =	ssyncadd.s32 $0xFFFFD8F0  }
0xdf: {  	[hbm4b:s9+s7] =	stream.linear.scatter [tilespmem:s3], [sflag:$0x1], $0x2710, $0x38;
	[tilespmem:$0x1B080] =	vst v63  }
0xe0: {  	_ =	swait.ge [sflag:s31], $0x2710  }
0xe1: {  	[sflag:s31] =	ssyncset.done $0x0  }
0xe2: {  	s10 =	rddreg [dreg:$0xa];
	[sflag:s31] =	ssyncadd.s32 $0xFFFFD8F0  }
0xe3: {  	[hbm4b:s10+s7] =	stream.linear.scatter [tilespmem:s4], [sflag:$0x1], $0x2710, $0x38;
	[tilespmem:$0x1B080] =	vst v63  }
0xe4: {  	_ =	swait.ge [sflag:s31], $0x2710  }
0xe5: {  	[sflag:s31] =	ssyncset.done $0x0  }
0xe6: {  	s12 =	rddreg [dreg:$0xb];
	[sflag:s31] =	ssyncadd.s32 $0xFFFFD8F0  }
0xe7: {  	[hbm4b:s12+s7] =	stream.linear.scatter [tilespmem:s5], [sflag:$0x1], $0x2710, $0x38;
	[tilespmem:$0x1B080] =	vst v63  }
0xe8: {  	_ =	swait.ge [sflag:s31], $0x2710  }
0xe9: {  	s30 =	sand.u32 $0x3, s7;
	[sflag:s31] =	ssyncset.done $0x0  }
0xea: {  	s8 =	smul.u32 $0x9C40, s30;
	[sflag:s31] =	ssyncadd.s32 $0xFFFFD8F0  }
0xeb: {  	[tilespmem:s0], [sflag:$0x1] =	stream.linear.gather [hbm4b:s13+s7], $0x9C40, $0x38;
	[tilespmem:$0x1B080] =	vst v63  }
0xec: {  	s9 =	sand.u32 $0xFFC0, s7;
	_ =	swait.ge [sflag:s31], $0x9C40  }
0xed: {  	s8 =	sshrl.u32 s8, $0x2;
	s9 =	sshrl.u32 s9, $0x2;
	[sflag:s31] =	ssyncset.done $0x0  }
0xee: {  	s9 =	sadd.s32 s9, s8;
	[sflag:s31] =	ssyncadd.s32 $0xFFFF63C0  }
0xef: {  	s8 =	simm.s32 $0x1;
	[tilespmem:s9+$0x11440] =	vst v0  }
.LBB2_10:
0xf0: {  	s9 =	sand.u32 $0x3, s8  }
0xf1: {  	p0 =	sne.s32 s8, $0x9C3;
	s8 =	sadd.s32 $0x1, s8;
	s9 =	smul.u32 $0x9C40, s9  }
.Ltmp4:
0xf2: {  	s7 =	sadd.s32 $0x10, s7;
	(pc) =	sbr.rel @p0 .LBB2_10-.Ltmp4, $4  }
0xf3: {  	s10 =	sand.u32 $0xFFC0, s7  }
0xf4: {  	s10 =	sshrl.u32 s10, $0x2;
	s9 =	sshrl.u32 s9, $0x2  }
0xf5: {  	s9 =	sadd.s32 s10, s9  }
0xf6: {  	[tilespmem:s9+$0x11440] =	vst v0  }
0xf7: {  	s7 =	simm.s32 $0xFFFFFFFC  }
0xf8: {  	s8 =	simm.s32 $0x20;
	s9 =	simm.s32 $0x2820;
	s10 =	simm.s32 $0x5020  }
.LBB2_12:
0xf9: {  	v1 =	vld [tilespmem:s8+$0xFFFFFFE0];
	_ =	sdelay $0x5  }
0xfa: {  	v2 =	vld [tilespmem:s9+$0xFFFFFFE0]  }
0xfb: {  	v3 =	vld [tilespmem:s10+$0xFFFFFFE0]  }
0xfc: {  	v4 =	vld.idx.msk [tilespmem:v1+s0+$0x0], $0xffff;
	_ =	sdelay $0x2  }
0xfd: {  	v5 =	vadd.s32 $0x2710, v1;
	_ =	sdelay $0x1  }
0xfe: {  	v4 =	vmul.f32 v4, v3;
	_ =	sdelay $0x1  }
0xff: {  	[tilespmem:v2+s1+$0x0] =	vst.idx.add.f32.msk $0xffff, v4  }
0x100: {  	v4 =	vld.idx.msk [tilespmem:v5+s0+$0x0], $0xffff;
	_ =	sdelay $0x1  }
0x101: {  	v50 =	vadd.s32 $0x2710, v2  }
0x102: {  	v6 =	vadd.s32 $0x4E20, v1;
	_ =	sdelay $0x1  }
0x103: {  	v4 =	vmul.f32 v4, v3;
	_ =	sdelay $0x1  }
0x104: {  	[tilespmem:v50+s1+$0x0] =	vst.idx.add.f32.msk $0xffff, v4  }
0x105: {  	v4 =	vld.idx.msk [tilespmem:v6+s0+$0x0], $0xffff;
	_ =	sdelay $0x1  }
0x106: {  	v51 =	vadd.s32 $0x4E20, v2  }
0x107: {  	v1 =	vadd.s32 $0x7530, v1;
	_ =	sdelay $0x1  }
0x108: {  	v4 =	vmul.f32 v4, v3;
	_ =	sdelay $0x1  }
0x109: {  	[tilespmem:v51+s1+$0x0] =	vst.idx.add.f32.msk $0xffff, v4  }
0x10a: {  	v1 =	vld.idx.msk [tilespmem:v1+s0+$0x0], $0xffff;
	_ =	sdelay $0x1  }
0x10b: {  	v2 =	vadd.s32 $0x7530, v2;
	_ =	sdelay $0x2  }
0x10c: {  	v1 =	vmul.f32 v1, v3;
	_ =	sdelay $0x1  }
0x10d: {  	[tilespmem:v2+s1+$0x0] =	vst.idx.add.f32.msk $0xffff, v1  }
0x10e: {  	v1 =	vld [tilespmem:s8+$0xFFFFFFF0];
	_ =	sdelay $0x5  }
0x10f: {  	v2 =	vld [tilespmem:s9+$0xFFFFFFF0]  }
0x110: {  	v3 =	vld [tilespmem:s10+$0xFFFFFFF0]  }
0x111: {  	v4 =	vld.idx.msk [tilespmem:v1+s0+$0x0], $0xffff;
	_ =	sdelay $0x2  }
0x112: {  	v52 =	vadd.s32 $0x2710, v1;
	_ =	sdelay $0x1  }
0x113: {  	v4 =	vmul.f32 v4, v3;
	_ =	sdelay $0x1  }
0x114: {  	[tilespmem:v2+s1+$0x0] =	vst.idx.add.f32.msk $0xffff, v4  }
0x115: {  	v4 =	vld.idx.msk [tilespmem:v52+s0+$0x0], $0xffff;
	_ =	sdelay $0x1  }
0x116: {  	v53 =	vadd.s32 $0x2710, v2  }
0x117: {  	v54 =	vadd.s32 $0x4E20, v1;
	_ =	sdelay $0x1  }
0x118: {  	v4 =	vmul.f32 v4, v3;
	_ =	sdelay $0x1  }
0x119: {  	[tilespmem:v53+s1+$0x0] =	vst.idx.add.f32.msk $0xffff, v4  }
0x11a: {  	v4 =	vld.idx.msk [tilespmem:v54+s0+$0x0], $0xffff;
	_ =	sdelay $0x1  }
0x11b: {  	v55 =	vadd.s32 $0x4E20, v2  }
0x11c: {  	v1 =	vadd.s32 $0x7530, v1;
	_ =	sdelay $0x1  }
0x11d: {  	v4 =	vmul.f32 v4, v3;
	_ =	sdelay $0x1  }
0x11e: {  	[tilespmem:v55+s1+$0x0] =	vst.idx.add.f32.msk $0xffff, v4  }
0x11f: {  	v1 =	vld.idx.msk [tilespmem:v1+s0+$0x0], $0xffff;
	_ =	sdelay $0x1  }
0x120: {  	v2 =	vadd.s32 $0x7530, v2;
	_ =	sdelay $0x2  }
0x121: {  	v1 =	vmul.f32 v1, v3;
	_ =	sdelay $0x1  }
0x122: {  	[tilespmem:v2+s1+$0x0] =	vst.idx.add.f32.msk $0xffff, v1  }
0x123: {  	v1 =	vld [tilespmem:s8+$0x0];
	_ =	sdelay $0x5  }
0x124: {  	v2 =	vld [tilespmem:s9+$0x0]  }
0x125: {  	v3 =	vld [tilespmem:s10+$0x0]  }
0x126: {  	v4 =	vld.idx.msk [tilespmem:v1+s0+$0x0], $0xffff;
	_ =	sdelay $0x2  }
0x127: {  	v56 =	vadd.s32 $0x2710, v1;
	_ =	sdelay $0x1  }
0x128: {  	v4 =	vmul.f32 v4, v3;
	_ =	sdelay $0x1  }
0x129: {  	[tilespmem:v2+s1+$0x0] =	vst.idx.add.f32.msk $0xffff, v4  }
0x12a: {  	v4 =	vld.idx.msk [tilespmem:v56+s0+$0x0], $0xffff;
	_ =	sdelay $0x1  }
0x12b: {  	v57 =	vadd.s32 $0x2710, v2  }
0x12c: {  	v58 =	vadd.s32 $0x4E20, v1;
	_ =	sdelay $0x1  }
0x12d: {  	v4 =	vmul.f32 v4, v3;
	_ =	sdelay $0x1  }
0x12e: {  	[tilespmem:v57+s1+$0x0] =	vst.idx.add.f32.msk $0xffff, v4  }
0x12f: {  	v4 =	vld.idx.msk [tilespmem:v58+s0+$0x0], $0xffff;
	_ =	sdelay $0x1  }
0x130: {  	v59 =	vadd.s32 $0x4E20, v2  }
0x131: {  	v1 =	vadd.s32 $0x7530, v1;
	_ =	sdelay $0x1  }
0x132: {  	v4 =	vmul.f32 v4, v3;
	_ =	sdelay $0x1  }
0x133: {  	[tilespmem:v59+s1+$0x0] =	vst.idx.add.f32.msk $0xffff, v4  }
0x134: {  	v1 =	vld.idx.msk [tilespmem:v1+s0+$0x0], $0xffff;
	_ =	sdelay $0x1  }
0x135: {  	v2 =	vadd.s32 $0x7530, v2;
	_ =	sdelay $0x2  }
0x136: {  	v1 =	vmul.f32 v1, v3;
	_ =	sdelay $0x1  }
0x137: {  	[tilespmem:v2+s1+$0x0] =	vst.idx.add.f32.msk $0xffff, v1  }
0x138: {  	v1 =	vld [tilespmem:s8+$0x10];
	_ =	sdelay $0x5  }
0x139: {  	v2 =	vld [tilespmem:s9+$0x10]  }
0x13a: {  	v3 =	vld [tilespmem:s10+$0x10]  }
0x13b: {  	v4 =	vld.idx.msk [tilespmem:v1+s0+$0x0], $0xffff;
	_ =	sdelay $0x2  }
0x13c: {  	v60 =	vadd.s32 $0x2710, v1;
	_ =	sdelay $0x1  }
0x13d: {  	v4 =	vmul.f32 v4, v3;
	_ =	sdelay $0x1  }
0x13e: {  	[tilespmem:v2+s1+$0x0] =	vst.idx.add.f32.msk $0xffff, v4  }
0x13f: {  	v4 =	vld.idx.msk [tilespmem:v60+s0+$0x0], $0xffff;
	_ =	sdelay $0x1  }
0x140: {  	v61 =	vadd.s32 $0x2710, v2  }
0x141: {  	v62 =	vadd.s32 $0x4E20, v1;
	_ =	sdelay $0x1  }
0x142: {  	v4 =	vmul.f32 v4, v3;
	_ =	sdelay $0x1  }
0x143: {  	[tilespmem:v61+s1+$0x0] =	vst.idx.add.f32.msk $0xffff, v4  }
0x144: {  	v4 =	vld.idx.msk [tilespmem:v62+s0+$0x0], $0xffff;
	_ =	sdelay $0x1  }
0x145: {  	v63 =	vadd.s32 $0x4E20, v2  }
0x146: {  	v1 =	vadd.s32 $0x7530, v1;
	_ =	sdelay $0x1  }
0x147: {  	v4 =	vmul.f32 v4, v3;
	_ =	sdelay $0x1  }
0x148: {  	[tilespmem:v63+s1+$0x0] =	vst.idx.add.f32.msk $0xffff, v4  }
0x149: {  	v1 =	vld.idx.msk [tilespmem:v1+s0+$0x0], $0xffff  }
0x14a: {  	s7 =	sadd.s32 $0x4, s7  }
0x14b: {  	p0 =	slt.u32 s7, $0x27C;
	v2 =	vadd.s32 $0x7530, v2  }
.Ltmp5:
0x14c: {  	_ = 	snop;
	(pc) =	sbr.rel @p0 .LBB2_12-.Ltmp5, $3  }
0x14d: {  	_ = 	snop  }
0x14e: {  	v1 =	vmul.f32 v1, v3;
	_ =	sdelay $0x1  }
0x14f: {  	s8 =	sadd.s32 $0x40, s8;
	s9 =	sadd.s32 $0x40, s9;
	s10 =	sadd.s32 $0x40, s10;
	[tilespmem:v2+s1+$0x0] =	vst.idx.add.f32.msk $0xffff, v1  }
0x150: {  	s7 =	simm.s32 $0x0  }
0x151: {  	[hbm4b:s14+s7] =	stream.linear.scatter [tilespmem:s1], [sflag:$0x1], $0x2710, $0x38;
	[tilespmem:$0x1B080] =	vst v63  }
0x152: {  	_ =	swait.ge [sflag:s31], $0x2710  }
0x153: {  	[sflag:s31] =	ssyncset.done $0x0  }
0x154: {  	[sflag:s31] =	ssyncadd.s32 $0xFFFFD8F0  }
0x155: {  	[hbm4b:s15+s7] =	stream.linear.scatter [tilespmem:s3], [sflag:$0x1], $0x2710, $0x38;
	[tilespmem:$0x1B080] =	vst v63  }
0x156: {  	_ =	swait.ge [sflag:s31], $0x2710  }
0x157: {  	[sflag:s31] =	ssyncset.done $0x0  }
0x158: {  	[sflag:s31] =	ssyncadd.s32 $0xFFFFD8F0  }
0x159: {  	[hbm4b:s16+s7] =	stream.linear.scatter [tilespmem:s4], [sflag:$0x1], $0x2710, $0x38;
	[tilespmem:$0x1B080] =	vst v63  }
0x15a: {  	_ =	swait.ge [sflag:s31], $0x2710  }
0x15b: {  	[sflag:s31] =	ssyncset.done $0x0  }
0x15c: {  	[sflag:s31] =	ssyncadd.s32 $0xFFFFD8F0  }
0x15d: {  	[hbm4b:s17+s7] =	stream.linear.scatter [tilespmem:s5], [sflag:$0x1], $0x2710, $0x38;
	[tilespmem:$0x1B080] =	vst v63  }
0x15e: {  	_ =	swait.ge [sflag:s31], $0x2710  }
0x15f: {  	s8 =	sand.u32 $0x3, s7;
	[sflag:s31] =	ssyncset.done $0x0  }
0x160: {  	s8 =	smul.u32 $0x9C40, s8;
	[sflag:s31] =	ssyncadd.s32 $0xFFFFD8F0  }
0x161: {  	[tilespmem:s0], [sflag:$0x1] =	stream.linear.gather [hbm4b:s18+s7], $0x9C40, $0x38;
	[tilespmem:$0x1B080] =	vst v63  }
0x162: {  	s9 =	sand.u32 $0xFFC0, s7;
	_ =	swait.ge [sflag:s31], $0x9C40  }
0x163: {  	s9 =	sshrl.u32 s9, $0x2;
	s8 =	sshrl.u32 s8, $0x2;
	[sflag:s31] =	ssyncset.done $0x0  }
0x164: {  	s9 =	sadd.s32 s9, s8;
	[sflag:s31] =	ssyncadd.s32 $0xFFFF63C0  }
0x165: {  	s8 =	simm.s32 $0x1;
	[tilespmem:s9+$0x11440] =	vst v0  }
.LBB2_14:
0x166: {  	s9 =	sand.u32 $0x3, s8  }
0x167: {  	p0 =	sne.s32 s8, $0x9C3;
	s8 =	sadd.s32 $0x1, s8;
	s9 =	smul.u32 $0x9C40, s9  }
.Ltmp6:
0x168: {  	s7 =	sadd.s32 $0x10, s7;
	(pc) =	sbr.rel @p0 .LBB2_14-.Ltmp6, $4  }
0x169: {  	s10 =	sand.u32 $0xFFC0, s7  }
0x16a: {  	s10 =	sshrl.u32 s10, $0x2;
	s9 =	sshrl.u32 s9, $0x2  }
0x16b: {  	s9 =	sadd.s32 s10, s9  }
0x16c: {  	[tilespmem:s9+$0x11440] =	vst v0  }
0x16d: {  	s7 =	simm.s32 $0xFFFFFFFC  }
0x16e: {  	s8 =	simm.s32 $0x20;
	s9 =	simm.s32 $0x2820;
	s10 =	simm.s32 $0x5020  }
.LBB2_16:
0x16f: {  	v1 =	vld [tilespmem:s8+$0xFFFFFFE0];
	_ =	sdelay $0x5  }
0x170: {  	v2 =	vld [tilespmem:s9+$0xFFFFFFE0]  }
0x171: {  	v3 =	vld [tilespmem:s10+$0xFFFFFFE0]  }
0x172: {  	v4 =	vld.idx.msk [tilespmem:v1+s0+$0x0], $0xffff;
	_ =	sdelay $0x2  }
0x173: {  	v5 =	vadd.s32 $0x2710, v1;
	_ =	sdelay $0x1  }
0x174: {  	v4 =	vmul.f32 v4, v3;
	_ =	sdelay $0x1  }
0x175: {  	[tilespmem:v2+s1+$0x0] =	vst.idx.add.f32.msk $0xffff, v4  }
0x176: {  	v4 =	vld.idx.msk [tilespmem:v5+s0+$0x0], $0xffff;
	_ =	sdelay $0x1  }
0x177: {  	v50 =	vadd.s32 $0x2710, v2  }
0x178: {  	v6 =	vadd.s32 $0x4E20, v1;
	_ =	sdelay $0x1  }
0x179: {  	v4 =	vmul.f32 v4, v3;
	_ =	sdelay $0x1  }
0x17a: {  	[tilespmem:v50+s1+$0x0] =	vst.idx.add.f32.msk $0xffff, v4  }
0x17b: {  	v4 =	vld.idx.msk [tilespmem:v6+s0+$0x0], $0xffff;
	_ =	sdelay $0x1  }
0x17c: {  	v51 =	vadd.s32 $0x4E20, v2  }
0x17d: {  	v1 =	vadd.s32 $0x7530, v1;
	_ =	sdelay $0x1  }
0x17e: {  	v4 =	vmul.f32 v4, v3;
	_ =	sdelay $0x1  }
0x17f: {  	[tilespmem:v51+s1+$0x0] =	vst.idx.add.f32.msk $0xffff, v4  }
0x180: {  	v1 =	vld.idx.msk [tilespmem:v1+s0+$0x0], $0xffff;
	_ =	sdelay $0x1  }
0x181: {  	v2 =	vadd.s32 $0x7530, v2;
	_ =	sdelay $0x2  }
0x182: {  	v1 =	vmul.f32 v1, v3;
	_ =	sdelay $0x1  }
0x183: {  	[tilespmem:v2+s1+$0x0] =	vst.idx.add.f32.msk $0xffff, v1  }
0x184: {  	v1 =	vld [tilespmem:s8+$0xFFFFFFF0];
	_ =	sdelay $0x5  }
0x185: {  	v2 =	vld [tilespmem:s9+$0xFFFFFFF0]  }
0x186: {  	v3 =	vld [tilespmem:s10+$0xFFFFFFF0]  }
0x187: {  	v4 =	vld.idx.msk [tilespmem:v1+s0+$0x0], $0xffff;
	_ =	sdelay $0x2  }
0x188: {  	v52 =	vadd.s32 $0x2710, v1;
	_ =	sdelay $0x1  }
0x189: {  	v4 =	vmul.f32 v4, v3;
	_ =	sdelay $0x1  }
0x18a: {  	[tilespmem:v2+s1+$0x0] =	vst.idx.add.f32.msk $0xffff, v4  }
0x18b: {  	v4 =	vld.idx.msk [tilespmem:v52+s0+$0x0], $0xffff;
	_ =	sdelay $0x1  }
0x18c: {  	v53 =	vadd.s32 $0x2710, v2  }
0x18d: {  	v54 =	vadd.s32 $0x4E20, v1;
	_ =	sdelay $0x1  }
0x18e: {  	v4 =	vmul.f32 v4, v3;
	_ =	sdelay $0x1  }
0x18f: {  	[tilespmem:v53+s1+$0x0] =	vst.idx.add.f32.msk $0xffff, v4  }
0x190: {  	v4 =	vld.idx.msk [tilespmem:v54+s0+$0x0], $0xffff;
	_ =	sdelay $0x1  }
0x191: {  	v55 =	vadd.s32 $0x4E20, v2  }
0x192: {  	v1 =	vadd.s32 $0x7530, v1;
	_ =	sdelay $0x1  }
0x193: {  	v4 =	vmul.f32 v4, v3;
	_ =	sdelay $0x1  }
0x194: {  	[tilespmem:v55+s1+$0x0] =	vst.idx.add.f32.msk $0xffff, v4  }
0x195: {  	v1 =	vld.idx.msk [tilespmem:v1+s0+$0x0], $0xffff;
	_ =	sdelay $0x1  }
0x196: {  	v2 =	vadd.s32 $0x7530, v2;
	_ =	sdelay $0x2  }
0x197: {  	v1 =	vmul.f32 v1, v3;
	_ =	sdelay $0x1  }
0x198: {  	[tilespmem:v2+s1+$0x0] =	vst.idx.add.f32.msk $0xffff, v1  }
0x199: {  	v1 =	vld [tilespmem:s8+$0x0];
	_ =	sdelay $0x5  }
0x19a: {  	v2 =	vld [tilespmem:s9+$0x0]  }
0x19b: {  	v3 =	vld [tilespmem:s10+$0x0]  }
0x19c: {  	v4 =	vld.idx.msk [tilespmem:v1+s0+$0x0], $0xffff;
	_ =	sdelay $0x2  }
0x19d: {  	v56 =	vadd.s32 $0x2710, v1;
	_ =	sdelay $0x1  }
0x19e: {  	v4 =	vmul.f32 v4, v3;
	_ =	sdelay $0x1  }
0x19f: {  	[tilespmem:v2+s1+$0x0] =	vst.idx.add.f32.msk $0xffff, v4  }
0x1a0: {  	v4 =	vld.idx.msk [tilespmem:v56+s0+$0x0], $0xffff;
	_ =	sdelay $0x1  }
0x1a1: {  	v57 =	vadd.s32 $0x2710, v2  }
0x1a2: {  	v58 =	vadd.s32 $0x4E20, v1;
	_ =	sdelay $0x1  }
0x1a3: {  	v4 =	vmul.f32 v4, v3;
	_ =	sdelay $0x1  }
0x1a4: {  	[tilespmem:v57+s1+$0x0] =	vst.idx.add.f32.msk $0xffff, v4  }
0x1a5: {  	v4 =	vld.idx.msk [tilespmem:v58+s0+$0x0], $0xffff;
	_ =	sdelay $0x1  }
0x1a6: {  	v59 =	vadd.s32 $0x4E20, v2  }
0x1a7: {  	v1 =	vadd.s32 $0x7530, v1;
	_ =	sdelay $0x1  }
0x1a8: {  	v4 =	vmul.f32 v4, v3;
	_ =	sdelay $0x1  }
0x1a9: {  	[tilespmem:v59+s1+$0x0] =	vst.idx.add.f32.msk $0xffff, v4  }
0x1aa: {  	v1 =	vld.idx.msk [tilespmem:v1+s0+$0x0], $0xffff;
	_ =	sdelay $0x1  }
0x1ab: {  	v2 =	vadd.s32 $0x7530, v2;
	_ =	sdelay $0x2  }
0x1ac: {  	v1 =	vmul.f32 v1, v3;
	_ =	sdelay $0x1  }
0x1ad: {  	[tilespmem:v2+s1+$0x0] =	vst.idx.add.f32.msk $0xffff, v1  }
0x1ae: {  	v1 =	vld [tilespmem:s8+$0x10];
	_ =	sdelay $0x5  }
0x1af: {  	v2 =	vld [tilespmem:s9+$0x10]  }
0x1b0: {  	v3 =	vld [tilespmem:s10+$0x10]  }
0x1b1: {  	v4 =	vld.idx.msk [tilespmem:v1+s0+$0x0], $0xffff;
	_ =	sdelay $0x2  }
0x1b2: {  	v60 =	vadd.s32 $0x2710, v1;
	_ =	sdelay $0x1  }
0x1b3: {  	v4 =	vmul.f32 v4, v3;
	_ =	sdelay $0x1  }
0x1b4: {  	[tilespmem:v2+s1+$0x0] =	vst.idx.add.f32.msk $0xffff, v4  }
0x1b5: {  	v4 =	vld.idx.msk [tilespmem:v60+s0+$0x0], $0xffff;
	_ =	sdelay $0x1  }
0x1b6: {  	v61 =	vadd.s32 $0x2710, v2  }
0x1b7: {  	v62 =	vadd.s32 $0x4E20, v1;
	_ =	sdelay $0x1  }
0x1b8: {  	v4 =	vmul.f32 v4, v3;
	_ =	sdelay $0x1  }
0x1b9: {  	[tilespmem:v61+s1+$0x0] =	vst.idx.add.f32.msk $0xffff, v4  }
0x1ba: {  	v4 =	vld.idx.msk [tilespmem:v62+s0+$0x0], $0xffff;
	_ =	sdelay $0x1  }
0x1bb: {  	v63 =	vadd.s32 $0x4E20, v2  }
0x1bc: {  	v1 =	vadd.s32 $0x7530, v1;
	_ =	sdelay $0x1  }
0x1bd: {  	v4 =	vmul.f32 v4, v3;
	_ =	sdelay $0x1  }
0x1be: {  	[tilespmem:v63+s1+$0x0] =	vst.idx.add.f32.msk $0xffff, v4  }
0x1bf: {  	v1 =	vld.idx.msk [tilespmem:v1+s0+$0x0], $0xffff  }
0x1c0: {  	s7 =	sadd.s32 $0x4, s7  }
0x1c1: {  	p0 =	slt.u32 s7, $0x27C;
	v2 =	vadd.s32 $0x7530, v2  }
.Ltmp7:
0x1c2: {  	_ = 	snop;
	(pc) =	sbr.rel @p0 .LBB2_16-.Ltmp7, $3  }
0x1c3: {  	_ = 	snop  }
0x1c4: {  	v1 =	vmul.f32 v1, v3;
	_ =	sdelay $0x1  }
0x1c5: {  	s8 =	sadd.s32 $0x40, s8;
	s9 =	sadd.s32 $0x40, s9;
	s10 =	sadd.s32 $0x40, s10;
	[tilespmem:v2+s1+$0x0] =	vst.idx.add.f32.msk $0xffff, v1  }
0x1c6: {  	s7 =	simm.s32 $0x0  }
0x1c7: {  	[hbm4b:s19+s7] =	stream.linear.scatter [tilespmem:s1], [sflag:$0x1], $0x2710, $0x38;
	[tilespmem:$0x1B080] =	vst v63  }
0x1c8: {  	_ =	swait.ge [sflag:s31], $0x2710  }
0x1c9: {  	[sflag:s31] =	ssyncset.done $0x0  }
0x1ca: {  	[sflag:s31] =	ssyncadd.s32 $0xFFFFD8F0  }
0x1cb: {  	[hbm4b:s20+s7] =	stream.linear.scatter [tilespmem:s3], [sflag:$0x1], $0x2710, $0x38;
	[tilespmem:$0x1B080] =	vst v63  }
0x1cc: {  	_ =	swait.ge [sflag:s31], $0x2710  }
0x1cd: {  	[sflag:s31] =	ssyncset.done $0x0  }
0x1ce: {  	[sflag:s31] =	ssyncadd.s32 $0xFFFFD8F0  }
0x1cf: {  	[hbm4b:s21+s7] =	stream.linear.scatter [tilespmem:s4], [sflag:$0x1], $0x2710, $0x38;
	[tilespmem:$0x1B080] =	vst v63  }
0x1d0: {  	_ =	swait.ge [sflag:s31], $0x2710  }
0x1d1: {  	[sflag:s31] =	ssyncset.done $0x0  }
0x1d2: {  	[sflag:s31] =	ssyncadd.s32 $0xFFFFD8F0  }
0x1d3: {  	[hbm4b:s23+s7] =	stream.linear.scatter [tilespmem:s5], [sflag:$0x1], $0x2710, $0x38;
	[tilespmem:$0x1B080] =	vst v63  }
0x1d4: {  	_ =	swait.ge [sflag:s31], $0x2710  }
0x1d5: {  	s8 =	sand.u32 $0x3, s7;
	[sflag:s31] =	ssyncset.done $0x0  }
0x1d6: {  	s8 =	smul.u32 $0x9C40, s8;
	[sflag:s31] =	ssyncadd.s32 $0xFFFFD8F0  }
0x1d7: {  	[tilespmem:s0], [sflag:$0x1] =	stream.linear.gather [hbm4b:s22+s7], $0x9C40, $0x38;
	[tilespmem:$0x1B080] =	vst v63  }
0x1d8: {  	s9 =	sand.u32 $0xFFC0, s7;
	_ =	swait.ge [sflag:s31], $0x9C40  }
0x1d9: {  	s9 =	sshrl.u32 s9, $0x2;
	s8 =	sshrl.u32 s8, $0x2;
	[sflag:s31] =	ssyncset.done $0x0  }
0x1da: {  	s9 =	sadd.s32 s9, s8;
	[sflag:s31] =	ssyncadd.s32 $0xFFFF63C0  }
0x1db: {  	s8 =	simm.s32 $0x1;
	[tilespmem:s9+$0x11440] =	vst v0  }
.LBB2_18:
0x1dc: {  	s9 =	sand.u32 $0x3, s8  }
0x1dd: {  	p0 =	sne.s32 s8, $0x9C3;
	s8 =	sadd.s32 $0x1, s8;
	s9 =	smul.u32 $0x9C40, s9  }
.Ltmp8:
0x1de: {  	s7 =	sadd.s32 $0x10, s7;
	(pc) =	sbr.rel @p0 .LBB2_18-.Ltmp8, $4  }
0x1df: {  	s10 =	sand.u32 $0xFFC0, s7  }
0x1e0: {  	s10 =	sshrl.u32 s10, $0x2;
	s9 =	sshrl.u32 s9, $0x2  }
0x1e1: {  	s9 =	sadd.s32 s10, s9  }
0x1e2: {  	[tilespmem:s9+$0x11440] =	vst v0  }
0x1e3: {  	s7 =	simm.s32 $0xFFFFFFFC  }
0x1e4: {  	s8 =	simm.s32 $0x20;
	s9 =	simm.s32 $0x2820;
	s10 =	simm.s32 $0x5020  }
.LBB2_20:
0x1e5: {  	v1 =	vld [tilespmem:s8+$0xFFFFFFE0];
	_ =	sdelay $0x5  }
0x1e6: {  	v2 =	vld [tilespmem:s9+$0xFFFFFFE0]  }
0x1e7: {  	v3 =	vld [tilespmem:s10+$0xFFFFFFE0]  }
0x1e8: {  	v4 =	vld.idx.msk [tilespmem:v1+s0+$0x0], $0xffff;
	_ =	sdelay $0x2  }
0x1e9: {  	v5 =	vadd.s32 $0x2710, v1;
	_ =	sdelay $0x1  }
0x1ea: {  	v4 =	vmul.f32 v4, v3;
	_ =	sdelay $0x1  }
0x1eb: {  	[tilespmem:v2+s1+$0x0] =	vst.idx.add.f32.msk $0xffff, v4  }
0x1ec: {  	v4 =	vld.idx.msk [tilespmem:v5+s0+$0x0], $0xffff;
	_ =	sdelay $0x1  }
0x1ed: {  	v50 =	vadd.s32 $0x2710, v2  }
0x1ee: {  	v6 =	vadd.s32 $0x4E20, v1;
	_ =	sdelay $0x1  }
0x1ef: {  	v4 =	vmul.f32 v4, v3;
	_ =	sdelay $0x1  }
0x1f0: {  	[tilespmem:v50+s1+$0x0] =	vst.idx.add.f32.msk $0xffff, v4  }
0x1f1: {  	v4 =	vld.idx.msk [tilespmem:v6+s0+$0x0], $0xffff;
	_ =	sdelay $0x1  }
0x1f2: {  	v51 =	vadd.s32 $0x4E20, v2  }
0x1f3: {  	v1 =	vadd.s32 $0x7530, v1;
	_ =	sdelay $0x1  }
0x1f4: {  	v4 =	vmul.f32 v4, v3;
	_ =	sdelay $0x1  }
0x1f5: {  	[tilespmem:v51+s1+$0x0] =	vst.idx.add.f32.msk $0xffff, v4  }
0x1f6: {  	v1 =	vld.idx.msk [tilespmem:v1+s0+$0x0], $0xffff;
	_ =	sdelay $0x1  }
0x1f7: {  	v2 =	vadd.s32 $0x7530, v2;
	_ =	sdelay $0x2  }
0x1f8: {  	v1 =	vmul.f32 v1, v3;
	_ =	sdelay $0x1  }
0x1f9: {  	[tilespmem:v2+s1+$0x0] =	vst.idx.add.f32.msk $0xffff, v1  }
0x1fa: {  	v1 =	vld [tilespmem:s8+$0xFFFFFFF0];
	_ =	sdelay $0x5  }
0x1fb: {  	v2 =	vld [tilespmem:s9+$0xFFFFFFF0]  }
0x1fc: {  	v3 =	vld [tilespmem:s10+$0xFFFFFFF0]  }
0x1fd: {  	v4 =	vld.idx.msk [tilespmem:v1+s0+$0x0], $0xffff;
	_ =	sdelay $0x2  }
0x1fe: {  	v52 =	vadd.s32 $0x2710, v1;
	_ =	sdelay $0x1  }
0x1ff: {  	v4 =	vmul.f32 v4, v3;
	_ =	sdelay $0x1  }
0x200: {  	[tilespmem:v2+s1+$0x0] =	vst.idx.add.f32.msk $0xffff, v4  }
0x201: {  	v4 =	vld.idx.msk [tilespmem:v52+s0+$0x0], $0xffff;
	_ =	sdelay $0x1  }
0x202: {  	v53 =	vadd.s32 $0x2710, v2  }
0x203: {  	v54 =	vadd.s32 $0x4E20, v1;
	_ =	sdelay $0x1  }
0x204: {  	v4 =	vmul.f32 v4, v3;
	_ =	sdelay $0x1  }
0x205: {  	[tilespmem:v53+s1+$0x0] =	vst.idx.add.f32.msk $0xffff, v4  }
0x206: {  	v4 =	vld.idx.msk [tilespmem:v54+s0+$0x0], $0xffff;
	_ =	sdelay $0x1  }
0x207: {  	v55 =	vadd.s32 $0x4E20, v2  }
0x208: {  	v1 =	vadd.s32 $0x7530, v1;
	_ =	sdelay $0x1  }
0x209: {  	v4 =	vmul.f32 v4, v3;
	_ =	sdelay $0x1  }
0x20a: {  	[tilespmem:v55+s1+$0x0] =	vst.idx.add.f32.msk $0xffff, v4  }
0x20b: {  	v1 =	vld.idx.msk [tilespmem:v1+s0+$0x0], $0xffff;
	_ =	sdelay $0x1  }
0x20c: {  	v2 =	vadd.s32 $0x7530, v2;
	_ =	sdelay $0x2  }
0x20d: {  	v1 =	vmul.f32 v1, v3;
	_ =	sdelay $0x1  }
0x20e: {  	[tilespmem:v2+s1+$0x0] =	vst.idx.add.f32.msk $0xffff, v1  }
0x20f: {  	v1 =	vld [tilespmem:s8+$0x0];
	_ =	sdelay $0x5  }
0x210: {  	v2 =	vld [tilespmem:s9+$0x0]  }
0x211: {  	v3 =	vld [tilespmem:s10+$0x0]  }
0x212: {  	v4 =	vld.idx.msk [tilespmem:v1+s0+$0x0], $0xffff;
	_ =	sdelay $0x2  }
0x213: {  	v56 =	vadd.s32 $0x2710, v1;
	_ =	sdelay $0x1  }
0x214: {  	v4 =	vmul.f32 v4, v3;
	_ =	sdelay $0x1  }
0x215: {  	[tilespmem:v2+s1+$0x0] =	vst.idx.add.f32.msk $0xffff, v4  }
0x216: {  	v4 =	vld.idx.msk [tilespmem:v56+s0+$0x0], $0xffff;
	_ =	sdelay $0x1  }
0x217: {  	v57 =	vadd.s32 $0x2710, v2  }
0x218: {  	v58 =	vadd.s32 $0x4E20, v1;
	_ =	sdelay $0x1  }
0x219: {  	v4 =	vmul.f32 v4, v3;
	_ =	sdelay $0x1  }
0x21a: {  	[tilespmem:v57+s1+$0x0] =	vst.idx.add.f32.msk $0xffff, v4  }
0x21b: {  	v4 =	vld.idx.msk [tilespmem:v58+s0+$0x0], $0xffff;
	_ =	sdelay $0x1  }
0x21c: {  	v59 =	vadd.s32 $0x4E20, v2  }
0x21d: {  	v1 =	vadd.s32 $0x7530, v1;
	_ =	sdelay $0x1  }
0x21e: {  	v4 =	vmul.f32 v4, v3;
	_ =	sdelay $0x1  }
0x21f: {  	[tilespmem:v59+s1+$0x0] =	vst.idx.add.f32.msk $0xffff, v4  }
0x220: {  	v1 =	vld.idx.msk [tilespmem:v1+s0+$0x0], $0xffff;
	_ =	sdelay $0x1  }
0x221: {  	v2 =	vadd.s32 $0x7530, v2;
	_ =	sdelay $0x2  }
0x222: {  	v1 =	vmul.f32 v1, v3;
	_ =	sdelay $0x1  }
0x223: {  	[tilespmem:v2+s1+$0x0] =	vst.idx.add.f32.msk $0xffff, v1  }
0x224: {  	v1 =	vld [tilespmem:s8+$0x10];
	_ =	sdelay $0x5  }
0x225: {  	v2 =	vld [tilespmem:s9+$0x10]  }
0x226: {  	v3 =	vld [tilespmem:s10+$0x10]  }
0x227: {  	v4 =	vld.idx.msk [tilespmem:v1+s0+$0x0], $0xffff;
	_ =	sdelay $0x2  }
0x228: {  	v60 =	vadd.s32 $0x2710, v1;
	_ =	sdelay $0x1  }
0x229: {  	v4 =	vmul.f32 v4, v3;
	_ =	sdelay $0x1  }
0x22a: {  	[tilespmem:v2+s1+$0x0] =	vst.idx.add.f32.msk $0xffff, v4  }
0x22b: {  	v4 =	vld.idx.msk [tilespmem:v60+s0+$0x0], $0xffff;
	_ =	sdelay $0x1  }
0x22c: {  	v61 =	vadd.s32 $0x2710, v2  }
0x22d: {  	v62 =	vadd.s32 $0x4E20, v1;
	_ =	sdelay $0x1  }
0x22e: {  	v4 =	vmul.f32 v4, v3;
	_ =	sdelay $0x1  }
0x22f: {  	[tilespmem:v61+s1+$0x0] =	vst.idx.add.f32.msk $0xffff, v4  }
0x230: {  	v4 =	vld.idx.msk [tilespmem:v62+s0+$0x0], $0xffff;
	_ =	sdelay $0x1  }
0x231: {  	v63 =	vadd.s32 $0x4E20, v2  }
0x232: {  	v1 =	vadd.s32 $0x7530, v1;
	_ =	sdelay $0x1  }
0x233: {  	v4 =	vmul.f32 v4, v3;
	_ =	sdelay $0x1  }
0x234: {  	[tilespmem:v63+s1+$0x0] =	vst.idx.add.f32.msk $0xffff, v4  }
0x235: {  	v1 =	vld.idx.msk [tilespmem:v1+s0+$0x0], $0xffff  }
0x236: {  	s7 =	sadd.s32 $0x4, s7  }
0x237: {  	p0 =	slt.u32 s7, $0x27C;
	v2 =	vadd.s32 $0x7530, v2  }
.Ltmp9:
0x238: {  	_ = 	snop;
	(pc) =	sbr.rel @p0 .LBB2_20-.Ltmp9, $3  }
0x239: {  	_ = 	snop  }
0x23a: {  	v1 =	vmul.f32 v1, v3;
	_ =	sdelay $0x1  }
0x23b: {  	s8 =	sadd.s32 $0x40, s8;
	s9 =	sadd.s32 $0x40, s9;
	s10 =	sadd.s32 $0x40, s10;
	[tilespmem:v2+s1+$0x0] =	vst.idx.add.f32.msk $0xffff, v1  }
0x23c: {  	[hbm4b:s24+s2] =	stream.linear.scatter [tilespmem:s1], [sflag:$0x1], $0x2710, $0x38;
	[tilespmem:$0x1B080] =	vst v63  }
0x23d: {  	_ =	swait.ge [sflag:s31], $0x2710  }
0x23e: {  	[sflag:s31] =	ssyncset.done $0x0  }
0x23f: {  	[sflag:s31] =	ssyncadd.s32 $0xFFFFD8F0  }
0x240: {  	[hbm4b:s25+s2] =	stream.linear.scatter [tilespmem:s3], [sflag:$0x1], $0x2710, $0x38;
	[tilespmem:$0x1B080] =	vst v63  }
0x241: {  	_ =	swait.ge [sflag:s31], $0x2710  }
0x242: {  	[sflag:s31] =	ssyncset.done $0x0  }
0x243: {  	[sflag:s31] =	ssyncadd.s32 $0xFFFFD8F0  }
0x244: {  	[hbm4b:s26+s2] =	stream.linear.scatter [tilespmem:s4], [sflag:$0x1], $0x2710, $0x38;
	[tilespmem:$0x1B080] =	vst v63  }
0x245: {  	s6 =	sadd.s32 $0x1, s6;
	_ =	swait.ge [sflag:s31], $0x2710  }
0x246: {  	p0 =	sne.s32 s6, s29;
	[sflag:s31] =	ssyncset.done $0x0  }
.Ltmp10:
0x247: {  	[sflag:s31] =	ssyncadd.s32 $0xFFFFD8F0;
	(pc) =	sbr.rel @p0 .LBB2_1-.Ltmp10, $4  }
0x248: {  	[hbm4b:s28+s2] =	stream.linear.scatter [tilespmem:s5], [sflag:$0x1], $0x2710, $0x38;
	[tilespmem:$0x1B080] =	vst v63  }
0x249: {  	_ =	swait.ge [sflag:s31], $0x2710  }
0x24a: {  	[sflag:s31] =	ssyncset.done $0x0  }
0x24b: {  	[sflag:s31] =	ssyncadd.s32 $0xFFFFD8F0  }
0x24c: {  	_ =	sfence.sel $0x180000  }
0x24d: {  	[bflag:$0x0] =	sbarrier.arrive $0xFFFF  }
0x24e: {  	_ =	strace $0x9000004A  }
0x24f: {  	s0 =	stileid.u32;
	[bflag:$0x2] =	sbarrier.arrive $0xFFFF  }
0x250: {  	p0 =	sne.s32 s0, $0x0;
	s0 =	rddreg [dreg:$0x1]  }
0x251: {  	s0 =	sadd.s32 @!p0 $0x100000, s0  }
0x252: {  	[sflag:s0] =	ssyncadd.tile.s32 @!p0 $0x1;
	_ =	shalt  }
.Lfunc_end2:
_tile_overlayer_lowered:
.L_overlay_start_2:
0x253: {  	(tag) =	ssettag $0x2  }
0x254: {  	s0 =	rddreg [dreg:$0x0];
	s2 =	stileid.u32  }
0x255: {  	s1 =	rddreg [dreg:$0x1];
	p0 =	sne.s32 s2, $0x0  }
0x256: {  	s3 =	rddreg [dreg:$0x2];
	[bflag:$0x3] =	sbarrier.arrive $0xFFFF;
	s2 =	simm.s32 @!p0 $0x1C01  }
0x257: {  	[timem:s3], [sflag:s2] =	dma.local @!p0 [hbm:s0], s1  }
0x258: {  	s0 =	simm.s32 @!p0 $0x1  }
0x259: {  	_ =	swait.ge @!p0 [sflag:s0], s1  }
0x25a: {  	s1 =	ssub.s32 @!p0 $0x0, s1;
	[sflag:s0] =	ssyncset.done @!p0 $0x0  }
0x25b: {  	[sflag:s0] =	ssyncadd.s32 @!p0 s1  }
0x25c: {  	[bflag:$0x3] =	sbarrier.arrive $0xFFFF  }
0x25d: {  	_ =	shalt  }

// kernel: kernel.7.cloned.1.call-start
scs
__scs_entry_jumppad:
0x0: {  	(pc) =	sbr.rel $0x88, $3  }
0x1: {  	(tag) =	ssettag $0x0;
	lr =	simm.s32 $0x1  }
0x2: {  	[smem:$0x3F95] =	sst lr;
	_ =	strace $0xD0000000  }
0x3: {  	_ = 	snop  }
0x4: {  	_ = 	snop  }
0x5: {  	_ = 	snop  }
0x6: {  	_ = 	snop  }
0x7: {  	_ = 	snop  }
__scs_overlays_trampoline_lowered:
0x8: {  	[smem:$0x3FA4] =	sst s0  }
0x9: {  	[smem:$0x3FA5] =	sst s1  }
0xa: {  	[smem:$0x3FA6] =	sst s2  }
0xb: {  	[smem:$0x3FA7] =	sst s3  }
0xc: {  	[smem:$0x3FA8] =	sst s4  }
0xd: {  	[smem:$0x3FA9] =	sst s5  }
0xe: {  	[smem:$0x3FAA] =	sst s6  }
0xf: {  	[smem:$0x3FAB] =	sst s7  }
0x10: {  	[smem:$0x3FAC] =	sst s8  }
0x11: {  	[smem:$0x3FAD] =	sst s9;
	s0 =	simm.s32 @!p0 $0x0  }
0x12: {  	s1 =	sld [smem:$0x3F93];
	s0 =	simm.s32 @p0 $0x1  }
0x13: {  	[smem:$0x3FAE] =	sst s0;
	s0 =	simm.s32 @!p1 $0x0  }
0x14: {  	s2 =	sld [smem:$0x3F92];
	s0 =	simm.s32 @p1 $0x1  }
0x15: {  	[smem:$0x3FAF] =	sst s0;
	s0 =	simm.s32 @!p2 $0x0  }
0x16: {  	s3 =	sld [smem:$0x3FDB];
	s0 =	simm.s32 @p2 $0x1  }
0x17: {  	s4 =	simm.s32 $0x1BF5;
	[smem:$0x3FB1] =	sst s0  }
0x18: {  	s0 =	sld [smem:$0x3F94];
	_ =	swait.ge [sflag:s4], $0x0  }
0x19: {  	s7 =	sld [smem:$0x3F95]  }
0x1a: {  	s8 =	sadd.s32 $0xFFFFE003, lr  }
0x1b: {  	s9 =	sadd.s32 $0xFFFFFEF7, lr;
	s5 =	simm.s32 $0xFFFFFFFF;
	p2 =	slt.u32 s8, $0xFFFFF086  }
0x1c: {  	p1 =	slt.u32 s9, $0xF7A;
	s5 =	simm.s32 @!p2 $0x0  }
0x1d: {  	s5 =	simm.s32 @p1 $0x1;
	p0 =	seq.s32 s7, s2  }
0x1e: {  	s7 =	smul.u32 @!p0 $0xF7A, s2;
	p2 =	seq.s32 @!p0 s5, $0x0  }
0x1f: {  	s9 =	smul.u32 $0xF7A, s1;
	s8 =	simm.s32 @!p0 $0x1BF5;
	p2 =	por !p2, p0  }
0x20: {  	[sflag:s8] =	ssyncset.s32 @!p0 $0xFFFFF086;
	s6 =	sadd.s32 @!p0 s3, s7;
	s7 =	simm.s32 @!p0 $0x108  }
0x21: {  	s3 =	sadd.s32 s3, s9;
	s6 =	sadd.s32 @!p0 $0x88, s6;
	s7 =	simm.s32 @p2 $0x1082  }
0x22: {  	[simem:s7], [sflag:s8] =	dma.local @!p0 [hbm:s6], $0xF7A  }
0x23: {  	s9 =	sor.u32 $0xD0000000, s2;
	s6 =	simm.s32 $0x108;
	_ =	swait.ge @!p0 [sflag:s8], $0x0  }
0x24: {  	s3 =	sadd.s32 $0x88, s3;
	s6 =	simm.s32 @!p1 $0x1082;
	[sflag:s4] =	ssyncset.s32 $0xFFFFF086  }
0x25: {  	[simem:s6], [sflag:s4] =	dma.local [hbm:s3], $0xF7A  }
0x26: {  	[smem:$0x3F95] =	sst s1;
	(tag) =	ssettag s2;
	_ =	strace s9  }
0x27: {  	s1 =	sld [smem:$0x3FA5]  }
0x28: {  	s2 =	sld [smem:$0x3FA6]  }
0x29: {  	s4 =	sld [smem:$0x3FA8]  }
0x2a: {  	p0 =	seq.s32 s5, $0x0;
	s5 =	sld [smem:$0x3FA9]  }
0x2b: {  	s6 =	sld [smem:$0x3FAA]  }
0x2c: {  	s7 =	sld [smem:$0x3FAB]  }
0x2d: {  	s3 =	simm.s32 $0x108;
	s8 =	sld [smem:$0x3FAC]  }
0x2e: {  	s3 =	simm.s32 @!p0 $0x1082;
	s9 =	sld [smem:$0x3FAD]  }
0x2f: {  	lr =	sadd.s32 s0, s3;
	s0 =	sld [smem:$0x3FA4]  }
0x30: {  	s3 =	sld [smem:$0x3FA7]  }
0x31: {  	[smem:$0x3FB0] =	sst s10  }
0x32: {  	s10 =	sld [smem:$0x3FAE];
	_ =	sdelay $0x3  }
0x33: {  	p0 =	seq.s32 s10, $0x1;
	s10 =	sld [smem:$0x3FB0];
	_ =	sdelay $0x3  }
0x34: {  	[smem:$0x3FB0] =	sst s10  }
0x35: {  	s10 =	sld [smem:$0x3FAF];
	_ =	sdelay $0x3  }
0x36: {  	p1 =	seq.s32 s10, $0x1;
	s10 =	sld [smem:$0x3FB0];
	_ =	sdelay $0x3  }
0x37: {  	[smem:$0x3FB0] =	sst s10  }
0x38: {  	s10 =	sld [smem:$0x3FB1]  }
0x39: {  	_ = 	snop;
	(pc) =	sbr.ind lr, $3  }
0x3a: {  	_ = 	snop  }
0x3b: {  	_ = 	snop  }
0x3c: {  	p2 =	seq.s32 s10, $0x1;
	s10 =	sld [smem:$0x3FB0]  }
0x3d: {  	_ =	shalt  }
0x3e: {  	_ =	shalt  }
0x3f: {  	_ =	shalt  }
0x40: {  	_ =	shalt  }
0x41: {  	_ =	shalt  }
0x42: {  	_ =	shalt  }
0x43: {  	_ =	shalt  }
0x44: {  	_ =	shalt  }
0x45: {  	_ =	shalt  }
0x46: {  	_ =	shalt  }
0x47: {  	_ =	shalt  }
0x48: {  	_ =	shalt  }
0x49: {  	_ =	shalt  }
0x4a: {  	_ =	shalt  }
0x4b: {  	_ =	shalt  }
0x4c: {  	_ =	shalt  }
0x4d: {  	_ =	shalt  }
0x4e: {  	_ =	shalt  }
0x4f: {  	_ =	shalt  }
0x50: {  	_ =	shalt  }
0x51: {  	_ =	shalt  }
0x52: {  	_ =	shalt  }
0x53: {  	_ =	shalt  }
0x54: {  	_ =	shalt  }
0x55: {  	_ =	shalt  }
0x56: {  	_ =	shalt  }
0x57: {  	_ =	shalt  }
0x58: {  	_ =	shalt  }
0x59: {  	_ =	shalt  }
0x5a: {  	_ =	shalt  }
0x5b: {  	_ =	shalt  }
0x5c: {  	_ =	shalt  }
0x5d: {  	_ =	shalt  }
0x5e: {  	_ =	shalt  }
0x5f: {  	_ =	shalt  }
0x60: {  	_ =	shalt  }
0x61: {  	_ =	shalt  }
0x62: {  	_ =	shalt  }
0x63: {  	_ =	shalt  }
0x64: {  	_ =	shalt  }
0x65: {  	_ =	shalt  }
0x66: {  	_ =	shalt  }
0x67: {  	_ =	shalt  }
0x68: {  	_ =	shalt  }
0x69: {  	_ =	shalt  }
0x6a: {  	_ =	shalt  }
0x6b: {  	_ =	shalt  }
0x6c: {  	_ =	shalt  }
0x6d: {  	_ =	shalt  }
0x6e: {  	_ =	shalt  }
0x6f: {  	_ =	shalt  }
0x70: {  	_ =	shalt  }
0x71: {  	_ =	shalt  }
0x72: {  	_ =	shalt  }
0x73: {  	_ =	shalt  }
0x74: {  	_ =	shalt  }
0x75: {  	_ =	shalt  }
0x76: {  	_ =	shalt  }
0x77: {  	_ =	shalt  }
0x78: {  	_ =	shalt  }
0x79: {  	_ =	shalt  }
0x7a: {  	_ =	shalt  }
0x7b: {  	_ =	shalt  }
0x7c: {  	_ =	shalt  }
0x7d: {  	_ =	shalt  }
0x7e: {  	_ =	shalt  }
0x7f: {  	_ =	shalt  }
0x80: {  	_ =	shalt  }
0x81: {  	_ =	shalt  }
0x82: {  	_ =	shalt  }
0x83: {  	_ =	shalt  }
0x84: {  	_ =	shalt  }
0x85: {  	_ =	shalt  }
0x86: {  	_ =	shalt  }
0x87: {  	_ =	shalt  }
.Lfunc_end0:
.L_simem_size_0:
called_computation_lowered:
.L_overlay_start_0:
0x88: {  	s2 =	sld [smem:$0x3FD9]  }
0x89: {  	s3 =	sld [smem:$0x3FFE];
	_ =	sdelay $0x1  }
0x8a: {  	s1 =	srdreg.scid  }
0x8b: {  	s0 =	sand.u32 $0x1, s1  }
0x8c: {  	s16 =	sshll.u32 s0, $0xA;
	s2 =	sadd.s32 s3, s2  }
0x8d: {  	s2 =	sadd.s32 s2, s16  }
0x8e: {  	[smem:$0x3FBC] =	sst s2  }
0x8f: {  	_ = 	snop  }
0x90: {  	(tm) =	ssettm $0x1  }
0x91: {  	s17 =	sld [smem:$0x3FFB];
	_ =	sdelay $0x3  }
0x92: {  	_ =	strace s17  }
0x93: {  	s2 =	sld [smem:$0x3FFC];
	_ =	sdelay $0x3  }
0x94: {  	_ =	strace s2  }
0x95: {  	s2 =	sld [smem:$0x3FFD];
	_ =	sdelay $0x3  }
0x96: {  	_ =	strace s2  }
0x97: {  	_ =	strace $0x8FFFFFFF  }
0x98: {  	s18 =	sld [smem:$0x3FDB];
	_ =	sdelay $0x1  }
0x99: {  	s19 =	simm.s32 $_scs_section_size  }
0x9a: {  	s4 =	simm.s32 $_size__tile_overlayer_lowered;
	s5 =	simm.s32 $_tile_overlayer_lowered  }
0x9b: {  	s22 =	simm.s32 $0x1BFF;
	s21 =	sshll.u32 s5, $0x1;
	s2 =	sadd.s32 s19, s18  }
0x9c: {  	s6 =	simm.s32 $0x0;
	s20 =	sshll.u32 s4, $0x1;
	s4 =	sadd.s32 s21, s2  }
0x9d: {  	[timem:s6], [sflag:s22] =	dma.local [hbm:s4], s20  }
0x9e: {  	_ =	swait.ge [sflag:s22], s20  }
0x9f: {  	s3 =	ssub.s32 $0x0, s20;
	[sflag:s22] =	ssyncset.done $0x0  }
0xa0: {  	[sflag:s22] =	ssyncadd.s32 s3;
	_ =	sdelay $0x1  }
0xa1: {  	s23 =	simm.s32 $0x1B8B  }
0xa2: {  	_ =	swait.ge [sflag:s23], $0x1  }
0xa3: {  	[sflag:s23] =	ssyncset.done $0x0  }
0xa4: {  	s25 =	simm.s32 $0x1B8E;
	s24 =	sld [smem:$0x3FFE];
	[sflag:s23] =	ssyncadd.s32 $0xFFFFFFFF  }
0xa5: {  	s26 =	simm.s32 $execute0_lowered;
	[smem:$0x3FD2] =	sst s25  }
0xa6: {  	s4 =	sshll.u32 s26, $0x1;
	_ =	strace $0x80000046;
	[dreg:$0x1] =	wrdreg $0xFFFFFFFF  }
0xa7: {  	s28 =	simm.s32 $_size_execute0_lowered;
	s2 =	sadd.s32 s2, s4;
	[dreg:$0x0] =	wrdreg $0x0  }
0xa8: {  	s4 =	sshll.u32 s28, $0x1;
	[dreg:$0x2] =	wrdreg s2  }
0xa9: {  	[dreg:$0x3] =	wrdreg s4  }
0xaa: {  	[dreg:$0x4] =	wrdreg $0xC0  }
0xab: {  	_ =	task [dreg:s6], $0x5FFFF  }
0xac: {  	[dreg:$0x1] =	wrdreg $0xFFFFFFFF  }
0xad: {  	[dreg:$0x0] =	wrdreg $0x60  }
0xae: {  	[dreg:$0x2] =	wrdreg s24  }
0xaf: {  	[dreg:$0x3] =	wrdreg $0x9  }
0xb0: {  	_ =	task.clear_ibuf [dreg:s6], $0x4FFFF;
	_ =	strace $0x90000046  }
0xb1: {  	s29 =	simm.s32 $0x9;
	_ =	strace $0x80000048  }
0xb2: {  	_ =	swait.ge [sflag:s29], $0x1  }
0xb3: {  	[sflag:s29] =	ssyncadd.s32 $0xFFFFFFFF  }
0xb4: {  	_ =	strace $0x90000048  }
0xb5: {  	_ =	sfence  }
0xb6: {  	s30 =	sld [smem:$0x0];
	_ =	sdelay $0x2  }
0xb7: {  	s31 =	sshll.u32 s1, $0xD;
	s1 =	sshrl.u32 s1, $0x2  }
0xb8: {  	s3 =	sand.u32 $0x4000, s31;
	s1 =	sadd.s32 s1, s30  }
0xb9: {  	s0 =	sor.u32 s3, s0;
	s1 =	sshll.u32 s1, $0x11  }
0xba: {  	s0 =	sor.u32 s1, s0  }
0xbb: {  	s0 =	sadd.s32 $0x8F2B, s0  }
0xbc: {  	[sflag:s0] =	ssyncadd.remote.s32 $0x1  }
0xbd: {  	_ =	sfence.sel $0xFFFF  }
0xbe: {  	[dreg:$0x0] =	wrdreg $0xFFFFFFFF;
	(pc) =	sbr.abs _section_cstart, $3  }
0xbf: {  	[dreg:$0x1] =	wrdreg $0xFFFFFFFF  }
0xc0: {  	_ =	task.clear_ibuf [dreg:s6], $0x2FFFF;
	_ =	strace $0x9FFFFFFF  }
0xc1: {  	(tm) =	ssettm $0x7FFFFFFF  }
tec
execute0_lowered:
.L_overlay_start_1:
0x0: {  	(tag) =	ssettag $0x1  }
0x1: {  	s0 =	srdreg.scid;
	s7 =	stileid.u32  }
0x2: {  	s3 =	rddreg [dreg:$0x0];
	s2 =	simm.s32 $0x0;
	s31 =	simm.s32 $0x1  }
0x3: {  	s0 =	sand.u32 $0x1, s0;
	s1 =	sshll.u32 s7, $0x1;
	[smem:$0x7FF] =	sst s2  }
0x4: {  	s5 =	sadd.s32 $0x1A200, s3;
	s18 =	sadd.s32 $0x19C00, s3;
	s6 =	sadd.s32 $0x14C00, s3  }
0x5: {  	s30 =	smul.u32 $0x5000, s7;
	s1 =	sor.u32 s0, s1;
	_ =	strace $0x80000047  }
0x6: {  	[dreg:$0x2] =	wrdreg s5;
	s19 =	ssub.s32 $0x2, s0;
	s0 =	smul.u32 $0x2800, s0  }
0x7: {  	s13 =	sadd.s32 $0x15F88, s3;
	[dreg:$0x3] =	wrdreg s18;
	s4 =	smul.u32 $0x2800, s1  }
0x8: {  	[dreg:$0x4] =	wrdreg s6;
	s1 =	smul.u32 $0x2710, s1;
	s20 =	sshrl.u32 s19, $0x1  }
0x9: {  	s18 =	sadd.s32 $0x17310, s3;
	s6 =	simm.s32 $0x0;
	s5 =	ssub.s32 s19, s20  }
0xa: {  	s0 =	sadd.s32 s0, s30;
	s4 =	sshrl.u32 s4, $0x3;
	s1 =	sshrl.u32 s1, $0x3  }
0xb: {  	s29 =	smax.u32 s5, $0x1;
	s11 =	sor.u32 $0x30, s0;
	s4 =	sadd.s32 s4, s3  }
0xc: {  	s0 =	simm.s32 $0x7800;
	s5 =	simm.s32 $0x18970;
	s21 =	sadd.s32 $0xAC00, s4  }
0xd: {  	s1 =	sadd.s32 s1, s3;
	s4 =	sadd.s32 $0xC00, s4;
	[dreg:$0x5] =	wrdreg s21  }
0xe: {  	s22 =	sadd.s32 $0xB6C00, s1;
	s23 =	sadd.s32 $0x1A800, s1;
	[dreg:$0x6] =	wrdreg s4  }
0xf: {  	s24 =	sadd.s32 $0x24440, s1;
	s25 =	sadd.s32 $0x2E080, s1;
	[dreg:$0x7] =	wrdreg s22  }
0x10: {  	s26 =	sadd.s32 $0x37CC0, s1;
	s14 =	sadd.s32 $0x41900, s1;
	[dreg:$0x8] =	wrdreg s23  }
0x11: {  	s15 =	sadd.s32 $0x4B540, s1;
	s16 =	sadd.s32 $0x55180, s1;
	[dreg:$0x9] =	wrdreg s24  }
0x12: {  	s17 =	sadd.s32 $0x5EDC0, s1;
	s19 =	sadd.s32 $0x68A00, s1;
	[dreg:$0xa] =	wrdreg s25  }
0x13: {  	s20 =	sadd.s32 $0x72640, s1;
	s28 =	sadd.s32 $0xACFC0, s1;
	[dreg:$0xb] =	wrdreg s26  }
0x14: {  	s21 =	sadd.s32 $0x7C280, s1;
	s22 =	sadd.s32 $0x18698, s3;
	s23 =	sadd.s32 $0x85EC0, s1  }
0x15: {  	s24 =	sadd.s32 $0x8FB00, s1;
	s25 =	sadd.s32 $0x99740, s1;
	s26 =	sadd.s32 $0xA3380, s1  }
0x16: {  	v0 =	vimm.f32 $0.0e+00;
	s1 =	simm.s32 $0x11440;
	s3 =	simm.s32 $0x13B50;
	s4 =	simm.s32 $0x16260  }
.LBB2_1:
0x17: {  	s7 =	rddreg [dreg:$0x5]  }
0x18: {  	[tilespmem:s2], [sflag:$0x1] =	stream.linear.gather [hbm4b:s7+s2], $0x2800, $0x38;
	[tilespmem:$0x1B080] =	vst v63  }
0x19: {  	_ =	swait.ge [sflag:s31], $0x2800  }
0x1a: {  	[sflag:s31] =	ssyncset.done $0x0  }
0x1b: {  	s8 =	simm.s32 $0x2800;
	s9 =	rddreg [dreg:$0x6];
	[sflag:s31] =	ssyncadd.s32 $0xFFFFD800  }
0x1c: {  	[tilespmem:s8], [sflag:$0x1] =	stream.linear.gather [hbm4b:s9+s2], $0x2800, $0x38;
	[tilespmem:$0x1B080] =	vst v63  }
0x1d: {  	_ =	swait.ge [sflag:s31], $0x2800  }
0x1e: {  	[sflag:s31] =	ssyncset.done $0x0  }
0x1f: {  	s10 =	rddreg [dreg:$0x2];
	[sflag:s31] =	ssyncadd.s32 $0xFFFFD800  }
0x20: {  	[tilespmem:s0], [sflag:$0x1] =	stream.linear.gather [hbm4b:s10+s2], $0x2710, $0x38;
	[tilespmem:$0x1B080] =	vst v63  }
0x21: {  	_ =	swait.ge [sflag:s31], $0x2710  }
0x22: {  	[sflag:s31] =	ssyncset.done $0x0  }
0x23: {  	s30 =	simm.s32 $0x9F10;
	s12 =	rddreg [dreg:$0x3];
	[sflag:s31] =	ssyncadd.s32 $0xFFFFD8F0  }
0x24: {  	[tilespmem:s30], [sflag:$0x1] =	stream.linear.gather [hbm4b:s12+s2], $0x2710, $0x38;
	[tilespmem:$0x1B080] =	vst v63  }
0x25: {  	_ =	swait.ge [sflag:s31], $0x2710  }
0x26: {  	[sflag:s31] =	ssyncset.done $0x0  }
0x27: {  	s7 =	simm.s32 $0x0;
	[sflag:s31] =	ssyncadd.s32 $0xFFFFD8F0  }
.LBB2_2:
0x28: {  	p0 =	sne.s32 s7, $0x9C00  }
.Ltmp0:
0x29: {  	_ = 	snop;
	(pc) =	sbr.rel @p0 .LBB2_2-.Ltmp0, $3  }
0x2a: {  	_ =	sdelay $0x1  }
0x2b: {  	s8 =	sshra.s32 s7, $0x2  }
0x2c: {  	s7 =	sadd.s32 $0x40, s7;
	[tilespmem:s8+$0xC620] =	vst v0  }
0x2d: {  	s7 =	simm.s32 $0xFFFFFFFC;
	s8 =	simm.s32 $0x20  }
0x2e: {  	s9 =	simm.s32 $0x2820;
	s10 =	simm.s32 $0x5020;
	s30 =	smov.u32 s11  }
.LBB2_4:
0x2f: {  	v1 =	vld [tilespmem:s9+$0xFFFFFFE0]  }
0x30: {  	v2 =	vld [tilespmem:s8+$0xFFFFFFE0];
	_ =	sdelay $0x3  }
0x31: {  	v3 =	vadd.s32 $0x2710, v1;
	_ =	sdelay $0x3  }
0x32: {  	v2 =	vld.idx.msk [tilespmem:v2+s0+$0x0], $0xffff  }
0x33: {  	v3 =	vld.idx.msk [tilespmem:v3+s0+$0x0], $0xffff;
	_ =	sdelay $0x4  }
0x34: {  	v2 =	vadd.f32 v3, v2;
	_ =	sdelay $0x1  }
0x35: {  	v3 =	vmul.f32 $2.000000030e-01, v2;
	_ =	sdelay $0x1  }
0x36: {  	v2 =	vmax.f32 v2, v3  }
0x37: {  	v2 =	vmul.f32 $1.442695020e+00, v2;
	_ =	sdelay $0x1  }
0x38: {  	(erf) = vpow2.f32 v2;
	_ =	sdelay $0x5  }
0x39: {  	v1 =	vadd.s32 $0x4E20, v1;
	_ =	sdelay $0x1  }
0x3a: {  	s12 =	sadd.s32 $0xFFFFFFD0, s30  }
0x3b: {  	p0 =	slt.u32 s12, $0x4E200;
	v2 =	vpop (erf)  }
0x3c: {  	v2 =	vpsel !p0, $0x0, v2  }
0x3d: {  	[tilespmem:v1+s0+$0x0] =	vst.idx.add.f32.msk $0xffff, v2  }
0x3e: {  	[tilespmem:s10+$0xFFFFFFE0] =	vst v2  }
0x3f: {  	v1 =	vld [tilespmem:s9+$0xFFFFFFF0]  }
0x40: {  	v2 =	vld [tilespmem:s8+$0xFFFFFFF0];
	_ =	sdelay $0x3  }
0x41: {  	v3 =	vadd.s32 $0x2710, v1;
	_ =	sdelay $0x3  }
0x42: {  	v2 =	vld.idx.msk [tilespmem:v2+s0+$0x0], $0xffff  }
0x43: {  	v3 =	vld.idx.msk [tilespmem:v3+s0+$0x0], $0xffff;
	_ =	sdelay $0x4  }
0x44: {  	v2 =	vadd.f32 v3, v2;
	_ =	sdelay $0x1  }
0x45: {  	v3 =	vmul.f32 $2.000000030e-01, v2;
	_ =	sdelay $0x1  }
0x46: {  	v2 =	vmax.f32 v2, v3  }
0x47: {  	v2 =	vmul.f32 $1.442695020e+00, v2;
	_ =	sdelay $0x1  }
0x48: {  	(erf) = vpow2.f32 v2;
	_ =	sdelay $0x5  }
0x49: {  	v1 =	vadd.s32 $0x4E20, v1;
	_ =	sdelay $0x1  }
0x4a: {  	s12 =	sadd.s32 $0xFFFFFFE0, s30  }
0x4b: {  	p4 =	slt.u32 s12, $0x4E200;
	v2 =	vpop (erf)  }
0x4c: {  	v2 =	vpsel !p4, $0x0, v2  }
0x4d: {  	[tilespmem:v1+s0+$0x0] =	vst.idx.add.f32.msk $0xffff, v2  }
0x4e: {  	[tilespmem:s10+$0xFFFFFFF0] =	vst v2  }
0x4f: {  	v1 =	vld [tilespmem:s9+$0x0]  }
0x50: {  	v2 =	vld [tilespmem:s8+$0x0];
	_ =	sdelay $0x3  }
0x51: {  	v3 =	vadd.s32 $0x2710, v1;
	_ =	sdelay $0x3  }
0x52: {  	v2 =	vld.idx.msk [tilespmem:v2+s0+$0x0], $0xffff  }
0x53: {  	v3 =	vld.idx.msk [tilespmem:v3+s0+$0x0], $0xffff;
	_ =	sdelay $0x4  }
0x54: {  	v2 =	vadd.f32 v3, v2;
	_ =	sdelay $0x1  }
0x55: {  	v3 =	vmul.f32 $2.000000030e-01, v2;
	_ =	sdelay $0x1  }
0x56: {  	v2 =	vmax.f32 v2, v3  }
0x57: {  	v2 =	vmul.f32 $1.442695020e+00, v2;
	_ =	sdelay $0x1  }
0x58: {  	(erf) = vpow2.f32 v2;
	_ =	sdelay $0x5  }
0x59: {  	v1 =	vadd.s32 $0x4E20, v1;
	_ =	sdelay $0x1  }
0x5a: {  	s12 =	sadd.s32 $0xFFFFFFF0, s30  }
0x5b: {  	p5 =	slt.u32 s12, $0x4E200;
	v2 =	vpop (erf)  }
0x5c: {  	v2 =	vpsel !p5, $0x0, v2  }
0x5d: {  	[tilespmem:v1+s0+$0x0] =	vst.idx.add.f32.msk $0xffff, v2  }
0x5e: {  	[tilespmem:s10+$0x0] =	vst v2  }
0x5f: {  	v1 =	vld [tilespmem:s9+$0x10]  }
0x60: {  	v2 =	vld [tilespmem:s8+$0x10];
	_ =	sdelay $0x3  }
0x61: {  	v3 =	vadd.s32 $0x2710, v1;
	_ =	sdelay $0x3  }
0x62: {  	v2 =	vld.idx.msk [tilespmem:v2+s0+$0x0], $0xffff  }
0x63: {  	v3 =	vld.idx.msk [tilespmem:v3+s0+$0x0], $0xffff;
	_ =	sdelay $0x4  }
0x64: {  	v2 =	vadd.f32 v3, v2;
	_ =	sdelay $0x1  }
0x65: {  	v3 =	vmul.f32 $2.000000030e-01, v2;
	_ =	sdelay $0x1  }
0x66: {  	v2 =	vmax.f32 v2, v3  }
0x67: {  	v2 =	vmul.f32 $1.442695020e+00, v2;
	_ =	sdelay $0x1  }
0x68: {  	(erf) = vpow2.f32 v2;
	_ =	sdelay $0x5  }
0x69: {  	s7 =	sadd.s32 $0x4, s7;
	v1 =	vadd.s32 $0x4E20, v1  }
0x6a: {  	p0 =	slt.u32 s7, $0x27C  }
.Ltmp1:
0x6b: {  	_ = 	snop;
	(pc) =	sbr.rel @p0 .LBB2_4-.Ltmp1, $4  }
0x6c: {  	p6 =	slt.u32 s30, $0x4E200;
	v2 =	vpop (erf)  }
0x6d: {  	v2 =	vpsel !p6, $0x0, v2  }
0x6e: {  	s30 =	sadd.s32 $0x40, s30;
	[tilespmem:v1+s0+$0x0] =	vst.idx.add.f32.msk $0xffff, v2  }
0x6f: {  	s8 =	sadd.s32 $0x40, s8;
	s9 =	sadd.s32 $0x40, s9;
	[tilespmem:s10+$0x10] =	vst v2;
	s10 =	sadd.s32 $0x40, s10  }
0x70: {  	s7 =	simm.s32 $0x0;
	s8 =	rddreg [dreg:$0x7];
	s9 =	simm.s32 $0xC620  }
0x71: {  	[hbm4b:s8+s7] =	stream.linear.scatter [tilespmem:s9], [sflag:$0x1], $0x2710, $0x38;
	[tilespmem:$0x1B080] =	vst v63  }
0x72: {  	_ =	swait.ge [sflag:s31], $0x2710  }
0x73: {  	s12 =	sand.u32 $0x3, s7;
	[sflag:s31] =	ssyncset.done $0x0  }
0x74: {  	s8 =	smul.u32 $0x9C40, s12;
	s10 =	rddreg [dreg:$0x4];
	[sflag:s31] =	ssyncadd.s32 $0xFFFFD8F0  }
0x75: {  	[tilespmem:s0], [sflag:$0x1] =	stream.linear.gather [hbm4b:s10+s7], $0x9C40, $0x38;
	[tilespmem:$0x1B080] =	vst v63  }
0x76: {  	s30 =	sand.u32 $0xFFC0, s7;
	_ =	swait.ge [sflag:s31], $0x9C40  }
0x77: {  	s9 =	sshrl.u32 s30, $0x2;
	s8 =	sshrl.u32 s8, $0x2;
	[sflag:s31] =	ssyncset.done $0x0  }
0x78: {  	s9 =	sadd.s32 s9, s8;
	[sflag:s31] =	ssyncadd.s32 $0xFFFF63C0  }
0x79: {  	s8 =	simm.s32 $0x1;
	[tilespmem:s9+$0x11440] =	vst v0  }
.LBB2_6:
0x7a: {  	s9 =	sand.u32 $0x3, s8  }
0x7b: {  	p0 =	sne.s32 s8, $0x9C3;
	s8 =	sadd.s32 $0x1, s8;
	s9 =	smul.u32 $0x9C40, s9  }
.Ltmp2:
0x7c: {  	s7 =	sadd.s32 $0x10, s7;
	(pc) =	sbr.rel @p0 .LBB2_6-.Ltmp2, $4  }
0x7d: {  	s10 =	sand.u32 $0xFFC0, s7  }
0x7e: {  	s10 =	sshrl.u32 s10, $0x2;
	s9 =	sshrl.u32 s9, $0x2  }
0x7f: {  	s9 =	sadd.s32 s10, s9  }
0x80: {  	[tilespmem:s9+$0x11440] =	vst v0  }
0x81: {  	s7 =	simm.s32 $0xFFFFFFFC  }
0x82: {  	s8 =	simm.s32 $0x20;
	s9 =	simm.s32 $0x2820;
	s10 =	simm.s32 $0x5020  }
.LBB2_8:
0x83: {  	v1 =	vld [tilespmem:s8+$0xFFFFFFE0];
	_ =	sdelay $0x5  }
0x84: {  	v2 =	vld [tilespmem:s9+$0xFFFFFFE0]  }
0x85: {  	v3 =	vld [tilespmem:s10+$0xFFFFFFE0]  }
0x86: {  	v4 =	vld.idx.msk [tilespmem:v1+s0+$0x0], $0xffff;
	_ =	sdelay $0x2  }
0x87: {  	v5 =	vadd.s32 $0x2710, v1;
	_ =	sdelay $0x1  }
0x88: {  	v4 =	vmul.f32 v4, v3;
	_ =	sdelay $0x1  }
0x89: {  	[tilespmem:v2+s1+$0x0] =	vst.idx.add.f32.msk $0xffff, v4  }
0x8a: {  	v4 =	vld.idx.msk [tilespmem:v5+s0+$0x0], $0xffff;
	_ =	sdelay $0x1  }
0x8b: {  	v50 =	vadd.s32 $0x2710, v2  }
0x8c: {  	v6 =	vadd.s32 $0x4E20, v1;
	_ =	sdelay $0x1  }
0x8d: {  	v4 =	vmul.f32 v4, v3;
	_ =	sdelay $0x1  }
0x8e: {  	[tilespmem:v50+s1+$0x0] =	vst.idx.add.f32.msk $0xffff, v4  }
0x8f: {  	v4 =	vld.idx.msk [tilespmem:v6+s0+$0x0], $0xffff;
	_ =	sdelay $0x1  }
0x90: {  	v51 =	vadd.s32 $0x4E20, v2  }
0x91: {  	v1 =	vadd.s32 $0x7530, v1;
	_ =	sdelay $0x1  }
0x92: {  	v4 =	vmul.f32 v4, v3;
	_ =	sdelay $0x1  }
0x93: {  	[tilespmem:v51+s1+$0x0] =	vst.idx.add.f32.msk $0xffff, v4  }
0x94: {  	v1 =	vld.idx.msk [tilespmem:v1+s0+$0x0], $0xffff;
	_ =	sdelay $0x1  }
0x95: {  	v2 =	vadd.s32 $0x7530, v2;
	_ =	sdelay $0x2  }
0x96: {  	v1 =	vmul.f32 v1, v3;
	_ =	sdelay $0x1  }
0x97: {  	[tilespmem:v2+s1+$0x0] =	vst.idx.add.f32.msk $0xffff, v1  }
0x98: {  	v1 =	vld [tilespmem:s8+$0xFFFFFFF0];
	_ =	sdelay $0x5  }
0x99: {  	v2 =	vld [tilespmem:s9+$0xFFFFFFF0]  }
0x9a: {  	v3 =	vld [tilespmem:s10+$0xFFFFFFF0]  }
0x9b: {  	v4 =	vld.idx.msk [tilespmem:v1+s0+$0x0], $0xffff;
	_ =	sdelay $0x2  }
0x9c: {  	v52 =	vadd.s32 $0x2710, v1;
	_ =	sdelay $0x1  }
0x9d: {  	v4 =	vmul.f32 v4, v3;
	_ =	sdelay $0x1  }
0x9e: {  	[tilespmem:v2+s1+$0x0] =	vst.idx.add.f32.msk $0xffff, v4  }
0x9f: {  	v4 =	vld.idx.msk [tilespmem:v52+s0+$0x0], $0xffff;
	_ =	sdelay $0x1  }
0xa0: {  	v53 =	vadd.s32 $0x2710, v2  }
0xa1: {  	v54 =	vadd.s32 $0x4E20, v1;
	_ =	sdelay $0x1  }
0xa2: {  	v4 =	vmul.f32 v4, v3;
	_ =	sdelay $0x1  }
0xa3: {  	[tilespmem:v53+s1+$0x0] =	vst.idx.add.f32.msk $0xffff, v4  }
0xa4: {  	v4 =	vld.idx.msk [tilespmem:v54+s0+$0x0], $0xffff;
	_ =	sdelay $0x1  }
0xa5: {  	v55 =	vadd.s32 $0x4E20, v2  }
0xa6: {  	v1 =	vadd.s32 $0x7530, v1;
	_ =	sdelay $0x1  }
0xa7: {  	v4 =	vmul.f32 v4, v3;
	_ =	sdelay $0x1  }
0xa8: {  	[tilespmem:v55+s1+$0x0] =	vst.idx.add.f32.msk $0xffff, v4  }
0xa9: {  	v1 =	vld.idx.msk [tilespmem:v1+s0+$0x0], $0xffff;
	_ =	sdelay $0x1  }
0xaa: {  	v2 =	vadd.s32 $0x7530, v2;
	_ =	sdelay $0x2  }
0xab: {  	v1 =	vmul.f32 v1, v3;
	_ =	sdelay $0x1  }
0xac: {  	[tilespmem:v2+s1+$0x0] =	vst.idx.add.f32.msk $0xffff, v1  }
0xad: {  	v1 =	vld [tilespmem:s8+$0x0];
	_ =	sdelay $0x5  }
0xae: {  	v2 =	vld [tilespmem:s9+$0x0]  }
0xaf: {  	v3 =	vld [tilespmem:s10+$0x0]  }
0xb0: {  	v4 =	vld.idx.msk [tilespmem:v1+s0+$0x0], $0xffff;
	_ =	sdelay $0x2  }
0xb1: {  	v56 =	vadd.s32 $0x2710, v1;
	_ =	sdelay $0x1  }
0xb2: {  	v4 =	vmul.f32 v4, v3;
	_ =	sdelay $0x1  }
0xb3: {  	[tilespmem:v2+s1+$0x0] =	vst.idx.add.f32.msk $0xffff, v4  }
0xb4: {  	v4 =	vld.idx.msk [tilespmem:v56+s0+$0x0], $0xffff;
	_ =	sdelay $0x1  }
0xb5: {  	v57 =	vadd.s32 $0x2710, v2  }
0xb6: {  	v58 =	vadd.s32 $0x4E20, v1;
	_ =	sdelay $0x1  }
0xb7: {  	v4 =	vmul.f32 v4, v3;
	_ =	sdelay $0x1  }
0xb8: {  	[tilespmem:v57+s1+$0x0] =	vst.idx.add.f32.msk $0xffff, v4  }
0xb9: {  	v4 =	vld.idx.msk [tilespmem:v58+s0+$0x0], $0xffff;
	_ =	sdelay $0x1  }
0xba: {  	v59 =	vadd.s32 $0x4E20, v2  }
0xbb: {  	v1 =	vadd.s32 $0x7530, v1;
	_ =	sdelay $0x1  }
0xbc: {  	v4 =	vmul.f32 v4, v3;
	_ =	sdelay $0x1  }
0xbd: {  	[tilespmem:v59+s1+$0x0] =	vst.idx.add.f32.msk $0xffff, v4  }
0xbe: {  	v1 =	vld.idx.msk [tilespmem:v1+s0+$0x0], $0xffff;
	_ =	sdelay $0x1  }
0xbf: {  	v2 =	vadd.s32 $0x7530, v2;
	_ =	sdelay $0x2  }
0xc0: {  	v1 =	vmul.f32 v1, v3;
	_ =	sdelay $0x1  }
0xc1: {  	[tilespmem:v2+s1+$0x0] =	vst.idx.add.f32.msk $0xffff, v1  }
0xc2: {  	v1 =	vld [tilespmem:s8+$0x10];
	_ =	sdelay $0x5  }
0xc3: {  	v2 =	vld [tilespmem:s9+$0x10]  }
0xc4: {  	v3 =	vld [tilespmem:s10+$0x10]  }
0xc5: {  	v4 =	vld.idx.msk [tilespmem:v1+s0+$0x0], $0xffff;
	_ =	sdelay $0x2  }
0xc6: {  	v60 =	vadd.s32 $0x2710, v1;
	_ =	sdelay $0x1  }
0xc7: {  	v4 =	vmul.f32 v4, v3;
	_ =	sdelay $0x1  }
0xc8: {  	[tilespmem:v2+s1+$0x0] =	vst.idx.add.f32.msk $0xffff, v4  }
0xc9: {  	v4 =	vld.idx.msk [tilespmem:v60+s0+$0x0], $0xffff;
	_ =	sdelay $0x1  }
0xca: {  	v61 =	vadd.s32 $0x2710, v2  }
0xcb: {  	v62 =	vadd.s32 $0x4E20, v1;
	_ =	sdelay $0x1  }
0xcc: {  	v4 =	vmul.f32 v4, v3;
	_ =	sdelay $0x1  }
0xcd: {  	[tilespmem:v61+s1+$0x0] =	vst.idx.add.f32.msk $0xffff, v4  }
0xce: {  	v4 =	vld.idx.msk [tilespmem:v62+s0+$0x0], $0xffff;
	_ =	sdelay $0x1  }
0xcf: {  	v63 =	vadd.s32 $0x4E20, v2  }
0xd0: {  	v1 =	vadd.s32 $0x7530, v1;
	_ =	sdelay $0x1  }
0xd1: {  	v4 =	vmul.f32 v4, v3;
	_ =	sdelay $0x1  }
0xd2: {  	[tilespmem:v63+s1+$0x0] =	vst.idx.add.f32.msk $0xffff, v4  }
0xd3: {  	v1 =	vld.idx.msk [tilespmem:v1+s0+$0x0], $0xffff  }
0xd4: {  	s7 =	sadd.s32 $0x4, s7  }
0xd5: {  	p0 =	slt.u32 s7, $0x27C;
	v2 =	vadd.s32 $0x7530, v2  }
.Ltmp3:
0xd6: {  	_ = 	snop;
	(pc) =	sbr.rel @p0 .LBB2_8-.Ltmp3, $3  }
0xd7: {  	_ = 	snop  }
0xd8: {  	v1 =	vmul.f32 v1, v3;
	_ =	sdelay $0x1  }
0xd9: {  	s8 =	sadd.s32 $0x40, s8;
	s9 =	sadd.s32 $0x40, s9;
	s10 =	sadd.s32 $0x40, s10;
	[tilespmem:v2+s1+$0x0] =	vst.idx.add.f32.msk $0xffff, v1  }
0xda: {  	s7 =	simm.s32 $0x0;
	s8 =	rddreg [dreg:$0x8]  }
0xdb: {  	[hbm4b:s8+s7] =	stream.linear.scatter [tilespmem:s1], [sflag:$0x1], $0x2710, $0x38;
	[tilespmem:$0x1B080] =	vst v63  }
0xdc: {  	_ =	swait.ge [sflag:s31], $0x2710  }
0xdd: {  	[sflag:s31] =	ssyncset.done $0x0  }
0xde: {  	s9 =	rddreg [dreg:$0x9];
	[sflag:s31] =	ssyncadd.s32 $0xFFFFD8F0  }
0xdf: {  	[hbm4b:s9+s7] =	stream.linear.scatter [tilespmem:s3], [sflag:$0x1], $0x2710, $0x38;
	[tilespmem:$0x1B080] =	vst v63  }
0xe0: {  	_ =	swait.ge [sflag:s31], $0x2710  }
0xe1: {  	[sflag:s31] =	ssyncset.done $0x0  }
0xe2: {  	s10 =	rddreg [dreg:$0xa];
	[sflag:s31] =	ssyncadd.s32 $0xFFFFD8F0  }
0xe3: {  	[hbm4b:s10+s7] =	stream.linear.scatter [tilespmem:s4], [sflag:$0x1], $0x2710, $0x38;
	[tilespmem:$0x1B080] =	vst v63  }
0xe4: {  	_ =	swait.ge [sflag:s31], $0x2710  }
0xe5: {  	[sflag:s31] =	ssyncset.done $0x0  }
0xe6: {  	s12 =	rddreg [dreg:$0xb];
	[sflag:s31] =	ssyncadd.s32 $0xFFFFD8F0  }
0xe7: {  	[hbm4b:s12+s7] =	stream.linear.scatter [tilespmem:s5], [sflag:$0x1], $0x2710, $0x38;
	[tilespmem:$0x1B080] =	vst v63  }
0xe8: {  	_ =	swait.ge [sflag:s31], $0x2710  }
0xe9: {  	s30 =	sand.u32 $0x3, s7;
	[sflag:s31] =	ssyncset.done $0x0  }
0xea: {  	s8 =	smul.u32 $0x9C40, s30;
	[sflag:s31] =	ssyncadd.s32 $0xFFFFD8F0  }
0xeb: {  	[tilespmem:s0], [sflag:$0x1] =	stream.linear.gather [hbm4b:s13+s7], $0x9C40, $0x38;
	[tilespmem:$0x1B080] =	vst v63  }
0xec: {  	s9 =	sand.u32 $0xFFC0, s7;
	_ =	swait.ge [sflag:s31], $0x9C40  }
0xed: {  	s8 =	sshrl.u32 s8, $0x2;
	s9 =	sshrl.u32 s9, $0x2;
	[sflag:s31] =	ssyncset.done $0x0  }
0xee: {  	s9 =	sadd.s32 s9, s8;
	[sflag:s31] =	ssyncadd.s32 $0xFFFF63C0  }
0xef: {  	s8 =	simm.s32 $0x1;
	[tilespmem:s9+$0x11440] =	vst v0  }
.LBB2_10:
0xf0: {  	s9 =	sand.u32 $0x3, s8  }
0xf1: {  	p0 =	sne.s32 s8, $0x9C3;
	s8 =	sadd.s32 $0x1, s8;
	s9 =	smul.u32 $0x9C40, s9  }
.Ltmp4:
0xf2: {  	s7 =	sadd.s32 $0x10, s7;
	(pc) =	sbr.rel @p0 .LBB2_10-.Ltmp4, $4  }
0xf3: {  	s10 =	sand.u32 $0xFFC0, s7  }
0xf4: {  	s10 =	sshrl.u32 s10, $0x2;
	s9 =	sshrl.u32 s9, $0x2  }
0xf5: {  	s9 =	sadd.s32 s10, s9  }
0xf6: {  	[tilespmem:s9+$0x11440] =	vst v0  }
0xf7: {  	s7 =	simm.s32 $0xFFFFFFFC  }
0xf8: {  	s8 =	simm.s32 $0x20;
	s9 =	simm.s32 $0x2820;
	s10 =	simm.s32 $0x5020  }
.LBB2_12:
0xf9: {  	v1 =	vld [tilespmem:s8+$0xFFFFFFE0];
	_ =	sdelay $0x5  }
0xfa: {  	v2 =	vld [tilespmem:s9+$0xFFFFFFE0]  }
0xfb: {  	v3 =	vld [tilespmem:s10+$0xFFFFFFE0]  }
0xfc: {  	v4 =	vld.idx.msk [tilespmem:v1+s0+$0x0], $0xffff;
	_ =	sdelay $0x2  }
0xfd: {  	v5 =	vadd.s32 $0x2710, v1;
	_ =	sdelay $0x1  }
0xfe: {  	v4 =	vmul.f32 v4, v3;
	_ =	sdelay $0x1  }
0xff: {  	[tilespmem:v2+s1+$0x0] =	vst.idx.add.f32.msk $0xffff, v4  }
0x100: {  	v4 =	vld.idx.msk [tilespmem:v5+s0+$0x0], $0xffff;
	_ =	sdelay $0x1  }
0x101: {  	v50 =	vadd.s32 $0x2710, v2  }
0x102: {  	v6 =	vadd.s32 $0x4E20, v1;
	_ =	sdelay $0x1  }
0x103: {  	v4 =	vmul.f32 v4, v3;
	_ =	sdelay $0x1  }
0x104: {  	[tilespmem:v50+s1+$0x0] =	vst.idx.add.f32.msk $0xffff, v4  }
0x105: {  	v4 =	vld.idx.msk [tilespmem:v6+s0+$0x0], $0xffff;
	_ =	sdelay $0x1  }
0x106: {  	v51 =	vadd.s32 $0x4E20, v2  }
0x107: {  	v1 =	vadd.s32 $0x7530, v1;
	_ =	sdelay $0x1  }
0x108: {  	v4 =	vmul.f32 v4, v3;
	_ =	sdelay $0x1  }
0x109: {  	[tilespmem:v51+s1+$0x0] =	vst.idx.add.f32.msk $0xffff, v4  }
0x10a: {  	v1 =	vld.idx.msk [tilespmem:v1+s0+$0x0], $0xffff;
	_ =	sdelay $0x1  }
0x10b: {  	v2 =	vadd.s32 $0x7530, v2;
	_ =	sdelay $0x2  }
0x10c: {  	v1 =	vmul.f32 v1, v3;
	_ =	sdelay $0x1  }
0x10d: {  	[tilespmem:v2+s1+$0x0] =	vst.idx.add.f32.msk $0xffff, v1  }
0x10e: {  	v1 =	vld [tilespmem:s8+$0xFFFFFFF0];
	_ =	sdelay $0x5  }
0x10f: {  	v2 =	vld [tilespmem:s9+$0xFFFFFFF0]  }
0x110: {  	v3 =	vld [tilespmem:s10+$0xFFFFFFF0]  }
0x111: {  	v4 =	vld.idx.msk [tilespmem:v1+s0+$0x0], $0xffff;
	_ =	sdelay $0x2  }
0x112: {  	v52 =	vadd.s32 $0x2710, v1;
	_ =	sdelay $0x1  }
0x113: {  	v4 =	vmul.f32 v4, v3;
	_ =	sdelay $0x1  }
0x114: {  	[tilespmem:v2+s1+$0x0] =	vst.idx.add.f32.msk $0xffff, v4  }
0x115: {  	v4 =	vld.idx.msk [tilespmem:v52+s0+$0x0], $0xffff;
	_ =	sdelay $0x1  }
0x116: {  	v53 =	vadd.s32 $0x2710, v2  }
0x117: {  	v54 =	vadd.s32 $0x4E20, v1;
	_ =	sdelay $0x1  }
0x118: {  	v4 =	vmul.f32 v4, v3;
	_ =	sdelay $0x1  }
0x119: {  	[tilespmem:v53+s1+$0x0] =	vst.idx.add.f32.msk $0xffff, v4  }
0x11a: {  	v4 =	vld.idx.msk [tilespmem:v54+s0+$0x0], $0xffff;
	_ =	sdelay $0x1  }
0x11b: {  	v55 =	vadd.s32 $0x4E20, v2  }
0x11c: {  	v1 =	vadd.s32 $0x7530, v1;
	_ =	sdelay $0x1  }
0x11d: {  	v4 =	vmul.f32 v4, v3;
	_ =	sdelay $0x1  }
0x11e: {  	[tilespmem:v55+s1+$0x0] =	vst.idx.add.f32.msk $0xffff, v4  }
0x11f: {  	v1 =	vld.idx.msk [tilespmem:v1+s0+$0x0], $0xffff;
	_ =	sdelay $0x1  }
0x120: {  	v2 =	vadd.s32 $0x7530, v2;
	_ =	sdelay $0x2  }
0x121: {  	v1 =	vmul.f32 v1, v3;
	_ =	sdelay $0x1  }
0x122: {  	[tilespmem:v2+s1+$0x0] =	vst.idx.add.f32.msk $0xffff, v1  }
0x123: {  	v1 =	vld [tilespmem:s8+$0x0];
	_ =	sdelay $0x5  }
0x124: {  	v2 =	vld [tilespmem:s9+$0x0]  }
0x125: {  	v3 =	vld [tilespmem:s10+$0x0]  }
0x126: {  	v4 =	vld.idx.msk [tilespmem:v1+s0+$0x0], $0xffff;
	_ =	sdelay $0x2  }
0x127: {  	v56 =	vadd.s32 $0x2710, v1;
	_ =	sdelay $0x1  }
0x128: {  	v4 =	vmul.f32 v4, v3;
	_ =	sdelay $0x1  }
0x129: {  	[tilespmem:v2+s1+$0x0] =	vst.idx.add.f32.msk $0xffff, v4  }
0x12a: {  	v4 =	vld.idx.msk [tilespmem:v56+s0+$0x0], $0xffff;
	_ =	sdelay $0x1  }
0x12b: {  	v57 =	vadd.s32 $0x2710, v2  }
0x12c: {  	v58 =	vadd.s32 $0x4E20, v1;
	_ =	sdelay $0x1  }
0x12d: {  	v4 =	vmul.f32 v4, v3;
	_ =	sdelay $0x1  }
0x12e: {  	[tilespmem:v57+s1+$0x0] =	vst.idx.add.f32.msk $0xffff, v4  }
0x12f: {  	v4 =	vld.idx.msk [tilespmem:v58+s0+$0x0], $0xffff;
	_ =	sdelay $0x1  }
0x130: {  	v59 =	vadd.s32 $0x4E20, v2  }
0x131: {  	v1 =	vadd.s32 $0x7530, v1;
	_ =	sdelay $0x1  }
0x132: {  	v4 =	vmul.f32 v4, v3;
	_ =	sdelay $0x1  }
0x133: {  	[tilespmem:v59+s1+$0x0] =	vst.idx.add.f32.msk $0xffff, v4  }
0x134: {  	v1 =	vld.idx.msk [tilespmem:v1+s0+$0x0], $0xffff;
	_ =	sdelay $0x1  }
0x135: {  	v2 =	vadd.s32 $0x7530, v2;
	_ =	sdelay $0x2  }
0x136: {  	v1 =	vmul.f32 v1, v3;
	_ =	sdelay $0x1  }
0x137: {  	[tilespmem:v2+s1+$0x0] =	vst.idx.add.f32.msk $0xffff, v1  }
0x138: {  	v1 =	vld [tilespmem:s8+$0x10];
	_ =	sdelay $0x5  }
0x139: {  	v2 =	vld [tilespmem:s9+$0x10]  }
0x13a: {  	v3 =	vld [tilespmem:s10+$0x10]  }
0x13b: {  	v4 =	vld.idx.msk [tilespmem:v1+s0+$0x0], $0xffff;
	_ =	sdelay $0x2  }
0x13c: {  	v60 =	vadd.s32 $0x2710, v1;
	_ =	sdelay $0x1  }
0x13d: {  	v4 =	vmul.f32 v4, v3;
	_ =	sdelay $0x1  }
0x13e: {  	[tilespmem:v2+s1+$0x0] =	vst.idx.add.f32.msk $0xffff, v4  }
0x13f: {  	v4 =	vld.idx.msk [tilespmem:v60+s0+$0x0], $0xffff;
	_ =	sdelay $0x1  }
0x140: {  	v61 =	vadd.s32 $0x2710, v2  }
0x141: {  	v62 =	vadd.s32 $0x4E20, v1;
	_ =	sdelay $0x1  }
0x142: {  	v4 =	vmul.f32 v4, v3;
	_ =	sdelay $0x1  }
0x143: {  	[tilespmem:v61+s1+$0x0] =	vst.idx.add.f32.msk $0xffff, v4  }
0x144: {  	v4 =	vld.idx.msk [tilespmem:v62+s0+$0x0], $0xffff;
	_ =	sdelay $0x1  }
0x145: {  	v63 =	vadd.s32 $0x4E20, v2  }
0x146: {  	v1 =	vadd.s32 $0x7530, v1;
	_ =	sdelay $0x1  }
0x147: {  	v4 =	vmul.f32 v4, v3;
	_ =	sdelay $0x1  }
0x148: {  	[tilespmem:v63+s1+$0x0] =	vst.idx.add.f32.msk $0xffff, v4  }
0x149: {  	v1 =	vld.idx.msk [tilespmem:v1+s0+$0x0], $0xffff  }
0x14a: {  	s7 =	sadd.s32 $0x4, s7  }
0x14b: {  	p0 =	slt.u32 s7, $0x27C;
	v2 =	vadd.s32 $0x7530, v2  }
.Ltmp5:
0x14c: {  	_ = 	snop;
	(pc) =	sbr.rel @p0 .LBB2_12-.Ltmp5, $3  }
0x14d: {  	_ = 	snop  }
0x14e: {  	v1 =	vmul.f32 v1, v3;
	_ =	sdelay $0x1  }
0x14f: {  	s8 =	sadd.s32 $0x40, s8;
	s9 =	sadd.s32 $0x40, s9;
	s10 =	sadd.s32 $0x40, s10;
	[tilespmem:v2+s1+$0x0] =	vst.idx.add.f32.msk $0xffff, v1  }
0x150: {  	s7 =	simm.s32 $0x0  }
0x151: {  	[hbm4b:s14+s7] =	stream.linear.scatter [tilespmem:s1], [sflag:$0x1], $0x2710, $0x38;
	[tilespmem:$0x1B080] =	vst v63  }
0x152: {  	_ =	swait.ge [sflag:s31], $0x2710  }
0x153: {  	[sflag:s31] =	ssyncset.done $0x0  }
0x154: {  	[sflag:s31] =	ssyncadd.s32 $0xFFFFD8F0  }
0x155: {  	[hbm4b:s15+s7] =	stream.linear.scatter [tilespmem:s3], [sflag:$0x1], $0x2710, $0x38;
	[tilespmem:$0x1B080] =	vst v63  }
0x156: {  	_ =	swait.ge [sflag:s31], $0x2710  }
0x157: {  	[sflag:s31] =	ssyncset.done $0x0  }
0x158: {  	[sflag:s31] =	ssyncadd.s32 $0xFFFFD8F0  }
0x159: {  	[hbm4b:s16+s7] =	stream.linear.scatter [tilespmem:s4], [sflag:$0x1], $0x2710, $0x38;
	[tilespmem:$0x1B080] =	vst v63  }
0x15a: {  	_ =	swait.ge [sflag:s31], $0x2710  }
0x15b: {  	[sflag:s31] =	ssyncset.done $0x0  }
0x15c: {  	[sflag:s31] =	ssyncadd.s32 $0xFFFFD8F0  }
0x15d: {  	[hbm4b:s17+s7] =	stream.linear.scatter [tilespmem:s5], [sflag:$0x1], $0x2710, $0x38;
	[tilespmem:$0x1B080] =	vst v63  }
0x15e: {  	_ =	swait.ge [sflag:s31], $0x2710  }
0x15f: {  	s8 =	sand.u32 $0x3, s7;
	[sflag:s31] =	ssyncset.done $0x0  }
0x160: {  	s8 =	smul.u32 $0x9C40, s8;
	[sflag:s31] =	ssyncadd.s32 $0xFFFFD8F0  }
0x161: {  	[tilespmem:s0], [sflag:$0x1] =	stream.linear.gather [hbm4b:s18+s7], $0x9C40, $0x38;
	[tilespmem:$0x1B080] =	vst v63  }
0x162: {  	s9 =	sand.u32 $0xFFC0, s7;
	_ =	swait.ge [sflag:s31], $0x9C40  }
0x163: {  	s9 =	sshrl.u32 s9, $0x2;
	s8 =	sshrl.u32 s8, $0x2;
	[sflag:s31] =	ssyncset.done $0x0  }
0x164: {  	s9 =	sadd.s32 s9, s8;
	[sflag:s31] =	ssyncadd.s32 $0xFFFF63C0  }
0x165: {  	s8 =	simm.s32 $0x1;
	[tilespmem:s9+$0x11440] =	vst v0  }
.LBB2_14:
0x166: {  	s9 =	sand.u32 $0x3, s8  }
0x167: {  	p0 =	sne.s32 s8, $0x9C3;
	s8 =	sadd.s32 $0x1, s8;
	s9 =	smul.u32 $0x9C40, s9  }
.Ltmp6:
0x168: {  	s7 =	sadd.s32 $0x10, s7;
	(pc) =	sbr.rel @p0 .LBB2_14-.Ltmp6, $4  }
0x169: {  	s10 =	sand.u32 $0xFFC0, s7  }
0x16a: {  	s10 =	sshrl.u32 s10, $0x2;
	s9 =	sshrl.u32 s9, $0x2  }
0x16b: {  	s9 =	sadd.s32 s10, s9  }
0x16c: {  	[tilespmem:s9+$0x11440] =	vst v0  }
0x16d: {  	s7 =	simm.s32 $0xFFFFFFFC  }
0x16e: {  	s8 =	simm.s32 $0x20;
	s9 =	simm.s32 $0x2820;
	s10 =	simm.s32 $0x5020  }
.LBB2_16:
0x16f: {  	v1 =	vld [tilespmem:s8+$0xFFFFFFE0];
	_ =	sdelay $0x5  }
0x170: {  	v2 =	vld [tilespmem:s9+$0xFFFFFFE0]  }
0x171: {  	v3 =	vld [tilespmem:s10+$0xFFFFFFE0]  }
0x172: {  	v4 =	vld.idx.msk [tilespmem:v1+s0+$0x0], $0xffff;
	_ =	sdelay $0x2  }
0x173: {  	v5 =	vadd.s32 $0x2710, v1;
	_ =	sdelay $0x1  }
0x174: {  	v4 =	vmul.f32 v4, v3;
	_ =	sdelay $0x1  }
0x175: {  	[tilespmem:v2+s1+$0x0] =	vst.idx.add.f32.msk $0xffff, v4  }
0x176: {  	v4 =	vld.idx.msk [tilespmem:v5+s0+$0x0], $0xffff;
	_ =	sdelay $0x1  }
0x177: {  	v50 =	vadd.s32 $0x2710, v2  }
0x178: {  	v6 =	vadd.s32 $0x4E20, v1;
	_ =	sdelay $0x1  }
0x179: {  	v4 =	vmul.f32 v4, v3;
	_ =	sdelay $0x1  }
0x17a: {  	[tilespmem:v50+s1+$0x0] =	vst.idx.add.f32.msk $0xffff, v4  }
0x17b: {  	v4 =	vld.idx.msk [tilespmem:v6+s0+$0x0], $0xffff;
	_ =	sdelay $0x1  }
0x17c: {  	v51 =	vadd.s32 $0x4E20, v2  }
0x17d: {  	v1 =	vadd.s32 $0x7530, v1;
	_ =	sdelay $0x1  }
0x17e: {  	v4 =	vmul.f32 v4, v3;
	_ =	sdelay $0x1  }
0x17f: {  	[tilespmem:v51+s1+$0x0] =	vst.idx.add.f32.msk $0xffff, v4  }
0x180: {  	v1 =	vld.idx.msk [tilespmem:v1+s0+$0x0], $0xffff;
	_ =	sdelay $0x1  }
0x181: {  	v2 =	vadd.s32 $0x7530, v2;
	_ =	sdelay $0x2  }
0x182: {  	v1 =	vmul.f32 v1, v3;
	_ =	sdelay $0x1  }
0x183: {  	[tilespmem:v2+s1+$0x0] =	vst.idx.add.f32.msk $0xffff, v1  }
0x184: {  	v1 =	vld [tilespmem:s8+$0xFFFFFFF0];
	_ =	sdelay $0x5  }
0x185: {  	v2 =	vld [tilespmem:s9+$0xFFFFFFF0]  }
0x186: {  	v3 =	vld [tilespmem:s10+$0xFFFFFFF0]  }
0x187: {  	v4 =	vld.idx.msk [tilespmem:v1+s0+$0x0], $0xffff;
	_ =	sdelay $0x2  }
0x188: {  	v52 =	vadd.s32 $0x2710, v1;
	_ =	sdelay $0x1  }
0x189: {  	v4 =	vmul.f32 v4, v3;
	_ =	sdelay $0x1  }
0x18a: {  	[tilespmem:v2+s1+$0x0] =	vst.idx.add.f32.msk $0xffff, v4  }
0x18b: {  	v4 =	vld.idx.msk [tilespmem:v52+s0+$0x0], $0xffff;
	_ =	sdelay $0x1  }
0x18c: {  	v53 =	vadd.s32 $0x2710, v2  }
0x18d: {  	v54 =	vadd.s32 $0x4E20, v1;
	_ =	sdelay $0x1  }
0x18e: {  	v4 =	vmul.f32 v4, v3;
	_ =	sdelay $0x1  }
0x18f: {  	[tilespmem:v53+s1+$0x0] =	vst.idx.add.f32.msk $0xffff, v4  }
0x190: {  	v4 =	vld.idx.msk [tilespmem:v54+s0+$0x0], $0xffff;
	_ =	sdelay $0x1  }
0x191: {  	v55 =	vadd.s32 $0x4E20, v2  }
0x192: {  	v1 =	vadd.s32 $0x7530, v1;
	_ =	sdelay $0x1  }
0x193: {  	v4 =	vmul.f32 v4, v3;
	_ =	sdelay $0x1  }
0x194: {  	[tilespmem:v55+s1+$0x0] =	vst.idx.add.f32.msk $0xffff, v4  }
0x195: {  	v1 =	vld.idx.msk [tilespmem:v1+s0+$0x0], $0xffff;
	_ =	sdelay $0x1  }
0x196: {  	v2 =	vadd.s32 $0x7530, v2;
	_ =	sdelay $0x2  }
0x197: {  	v1 =	vmul.f32 v1, v3;
	_ =	sdelay $0x1  }
0x198: {  	[tilespmem:v2+s1+$0x0] =	vst.idx.add.f32.msk $0xffff, v1  }
0x199: {  	v1 =	vld [tilespmem:s8+$0x0];
	_ =	sdelay $0x5  }
0x19a: {  	v2 =	vld [tilespmem:s9+$0x0]  }
0x19b: {  	v3 =	vld [tilespmem:s10+$0x0]  }
0x19c: {  	v4 =	vld.idx.msk [tilespmem:v1+s0+$0x0], $0xffff;
	_ =	sdelay $0x2  }
0x19d: {  	v56 =	vadd.s32 $0x2710, v1;
	_ =	sdelay $0x1  }
0x19e: {  	v4 =	vmul.f32 v4, v3;
	_ =	sdelay $0x1  }
0x19f: {  	[tilespmem:v2+s1+$0x0] =	vst.idx.add.f32.msk $0xffff, v4  }
0x1a0: {  	v4 =	vld.idx.msk [tilespmem:v56+s0+$0x0], $0xffff;
	_ =	sdelay $0x1  }
0x1a1: {  	v57 =	vadd.s32 $0x2710, v2  }
0x1a2: {  	v58 =	vadd.s32 $0x4E20, v1;
	_ =	sdelay $0x1  }
0x1a3: {  	v4 =	vmul.f32 v4, v3;
	_ =	sdelay $0x1  }
0x1a4: {  	[tilespmem:v57+s1+$0x0] =	vst.idx.add.f32.msk $0xffff, v4  }
0x1a5: {  	v4 =	vld.idx.msk [tilespmem:v58+s0+$0x0], $0xffff;
	_ =	sdelay $0x1  }
0x1a6: {  	v59 =	vadd.s32 $0x4E20, v2  }
0x1a7: {  	v1 =	vadd.s32 $0x7530, v1;
	_ =	sdelay $0x1  }
0x1a8: {  	v4 =	vmul.f32 v4, v3;
	_ =	sdelay $0x1  }
0x1a9: {  	[tilespmem:v59+s1+$0x0] =	vst.idx.add.f32.msk $0xffff, v4  }
0x1aa: {  	v1 =	vld.idx.msk [tilespmem:v1+s0+$0x0], $0xffff;
	_ =	sdelay $0x1  }
0x1ab: {  	v2 =	vadd.s32 $0x7530, v2;
	_ =	sdelay $0x2  }
0x1ac: {  	v1 =	vmul.f32 v1, v3;
	_ =	sdelay $0x1  }
0x1ad: {  	[tilespmem:v2+s1+$0x0] =	vst.idx.add.f32.msk $0xffff, v1  }
0x1ae: {  	v1 =	vld [tilespmem:s8+$0x10];
	_ =	sdelay $0x5  }
0x1af: {  	v2 =	vld [tilespmem:s9+$0x10]  }
0x1b0: {  	v3 =	vld [tilespmem:s10+$0x10]  }
0x1b1: {  	v4 =	vld.idx.msk [tilespmem:v1+s0+$0x0], $0xffff;
	_ =	sdelay $0x2  }
0x1b2: {  	v60 =	vadd.s32 $0x2710, v1;
	_ =	sdelay $0x1  }
0x1b3: {  	v4 =	vmul.f32 v4, v3;
	_ =	sdelay $0x1  }
0x1b4: {  	[tilespmem:v2+s1+$0x0] =	vst.idx.add.f32.msk $0xffff, v4  }
0x1b5: {  	v4 =	vld.idx.msk [tilespmem:v60+s0+$0x0], $0xffff;
	_ =	sdelay $0x1  }
0x1b6: {  	v61 =	vadd.s32 $0x2710, v2  }
0x1b7: {  	v62 =	vadd.s32 $0x4E20, v1;
	_ =	sdelay $0x1  }
0x1b8: {  	v4 =	vmul.f32 v4, v3;
	_ =	sdelay $0x1  }
0x1b9: {  	[tilespmem:v61+s1+$0x0] =	vst.idx.add.f32.msk $0xffff, v4  }
0x1ba: {  	v4 =	vld.idx.msk [tilespmem:v62+s0+$0x0], $0xffff;
	_ =	sdelay $0x1  }
0x1bb: {  	v63 =	vadd.s32 $0x4E20, v2  }
0x1bc: {  	v1 =	vadd.s32 $0x7530, v1;
	_ =	sdelay $0x1  }
0x1bd: {  	v4 =	vmul.f32 v4, v3;
	_ =	sdelay $0x1  }
0x1be: {  	[tilespmem:v63+s1+$0x0] =	vst.idx.add.f32.msk $0xffff, v4  }
0x1bf: {  	v1 =	vld.idx.msk [tilespmem:v1+s0+$0x0], $0xffff  }
0x1c0: {  	s7 =	sadd.s32 $0x4, s7  }
0x1c1: {  	p0 =	slt.u32 s7, $0x27C;
	v2 =	vadd.s32 $0x7530, v2  }
.Ltmp7:
0x1c2: {  	_ = 	snop;
	(pc) =	sbr.rel @p0 .LBB2_16-.Ltmp7, $3  }
0x1c3: {  	_ = 	snop  }
0x1c4: {  	v1 =	vmul.f32 v1, v3;
	_ =	sdelay $0x1  }
0x1c5: {  	s8 =	sadd.s32 $0x40, s8;
	s9 =	sadd.s32 $0x40, s9;
	s10 =	sadd.s32 $0x40, s10;
	[tilespmem:v2+s1+$0x0] =	vst.idx.add.f32.msk $0xffff, v1  }
0x1c6: {  	s7 =	simm.s32 $0x0  }
0x1c7: {  	[hbm4b:s19+s7] =	stream.linear.scatter [tilespmem:s1], [sflag:$0x1], $0x2710, $0x38;
	[tilespmem:$0x1B080] =	vst v63  }
0x1c8: {  	_ =	swait.ge [sflag:s31], $0x2710  }
0x1c9: {  	[sflag:s31] =	ssyncset.done $0x0  }
0x1ca: {  	[sflag:s31] =	ssyncadd.s32 $0xFFFFD8F0  }
0x1cb: {  	[hbm4b:s20+s7] =	stream.linear.scatter [tilespmem:s3], [sflag:$0x1], $0x2710, $0x38;
	[tilespmem:$0x1B080] =	vst v63  }
0x1cc: {  	_ =	swait.ge [sflag:s31], $0x2710  }
0x1cd: {  	[sflag:s31] =	ssyncset.done $0x0  }
0x1ce: {  	[sflag:s31] =	ssyncadd.s32 $0xFFFFD8F0  }
0x1cf: {  	[hbm4b:s21+s7] =	stream.linear.scatter [tilespmem:s4], [sflag:$0x1], $0x2710, $0x38;
	[tilespmem:$0x1B080] =	vst v63  }
0x1d0: {  	_ =	swait.ge [sflag:s31], $0x2710  }
0x1d1: {  	[sflag:s31] =	ssyncset.done $0x0  }
0x1d2: {  	[sflag:s31] =	ssyncadd.s32 $0xFFFFD8F0  }
0x1d3: {  	[hbm4b:s23+s7] =	stream.linear.scatter [tilespmem:s5], [sflag:$0x1], $0x2710, $0x38;
	[tilespmem:$0x1B080] =	vst v63  }
0x1d4: {  	_ =	swait.ge [sflag:s31], $0x2710  }
0x1d5: {  	s8 =	sand.u32 $0x3, s7;
	[sflag:s31] =	ssyncset.done $0x0  }
0x1d6: {  	s8 =	smul.u32 $0x9C40, s8;
	[sflag:s31] =	ssyncadd.s32 $0xFFFFD8F0  }
0x1d7: {  	[tilespmem:s0], [sflag:$0x1] =	stream.linear.gather [hbm4b:s22+s7], $0x9C40, $0x38;
	[tilespmem:$0x1B080] =	vst v63  }
0x1d8: {  	s9 =	sand.u32 $0xFFC0, s7;
	_ =	swait.ge [sflag:s31], $0x9C40  }
0x1d9: {  	s9 =	sshrl.u32 s9, $0x2;
	s8 =	sshrl.u32 s8, $0x2;
	[sflag:s31] =	ssyncset.done $0x0  }
0x1da: {  	s9 =	sadd.s32 s9, s8;
	[sflag:s31] =	ssyncadd.s32 $0xFFFF63C0  }
0x1db: {  	s8 =	simm.s32 $0x1;
	[tilespmem:s9+$0x11440] =	vst v0  }
.LBB2_18:
0x1dc: {  	s9 =	sand.u32 $0x3, s8  }
0x1dd: {  	p0 =	sne.s32 s8, $0x9C3;
	s8 =	sadd.s32 $0x1, s8;
	s9 =	smul.u32 $0x9C40, s9  }
.Ltmp8:
0x1de: {  	s7 =	sadd.s32 $0x10, s7;
	(pc) =	sbr.rel @p0 .LBB2_18-.Ltmp8, $4  }
0x1df: {  	s10 =	sand.u32 $0xFFC0, s7  }
0x1e0: {  	s10 =	sshrl.u32 s10, $0x2;
	s9 =	sshrl.u32 s9, $0x2  }
0x1e1: {  	s9 =	sadd.s32 s10, s9  }
0x1e2: {  	[tilespmem:s9+$0x11440] =	vst v0  }
0x1e3: {  	s7 =	simm.s32 $0xFFFFFFFC  }
0x1e4: {  	s8 =	simm.s32 $0x20;
	s9 =	simm.s32 $0x2820;
	s10 =	simm.s32 $0x5020  }
.LBB2_20:
0x1e5: {  	v1 =	vld [tilespmem:s8+$0xFFFFFFE0];
	_ =	sdelay $0x5  }
0x1e6: {  	v2 =	vld [tilespmem:s9+$0xFFFFFFE0]  }
0x1e7: {  	v3 =	vld [tilespmem:s10+$0xFFFFFFE0]  }
0x1e8: {  	v4 =	vld.idx.msk [tilespmem:v1+s0+$0x0], $0xffff;
	_ =	sdelay $0x2  }
0x1e9: {  	v5 =	vadd.s32 $0x2710, v1;
	_ =	sdelay $0x1  }
0x1ea: {  	v4 =	vmul.f32 v4, v3;
	_ =	sdelay $0x1  }
0x1eb: {  	[tilespmem:v2+s1+$0x0] =	vst.idx.add.f32.msk $0xffff, v4  }
0x1ec: {  	v4 =	vld.idx.msk [tilespmem:v5+s0+$0x0], $0xffff;
	_ =	sdelay $0x1  }
0x1ed: {  	v50 =	vadd.s32 $0x2710, v2  }
0x1ee: {  	v6 =	vadd.s32 $0x4E20, v1;
	_ =	sdelay $0x1  }
0x1ef: {  	v4 =	vmul.f32 v4, v3;
	_ =	sdelay $0x1  }
0x1f0: {  	[tilespmem:v50+s1+$0x0] =	vst.idx.add.f32.msk $0xffff, v4  }
0x1f1: {  	v4 =	vld.idx.msk [tilespmem:v6+s0+$0x0], $0xffff;
	_ =	sdelay $0x1  }
0x1f2: {  	v51 =	vadd.s32 $0x4E20, v2  }
0x1f3: {  	v1 =	vadd.s32 $0x7530, v1;
	_ =	sdelay $0x1  }
0x1f4: {  	v4 =	vmul.f32 v4, v3;
	_ =	sdelay $0x1  }
0x1f5: {  	[tilespmem:v51+s1+$0x0] =	vst.idx.add.f32.msk $0xffff, v4  }
0x1f6: {  	v1 =	vld.idx.msk [tilespmem:v1+s0+$0x0], $0xffff;
	_ =	sdelay $0x1  }
0x1f7: {  	v2 =	vadd.s32 $0x7530, v2;
	_ =	sdelay $0x2  }
0x1f8: {  	v1 =	vmul.f32 v1, v3;
	_ =	sdelay $0x1  }
0x1f9: {  	[tilespmem:v2+s1+$0x0] =	vst.idx.add.f32.msk $0xffff, v1  }
0x1fa: {  	v1 =	vld [tilespmem:s8+$0xFFFFFFF0];
	_ =	sdelay $0x5  }
0x1fb: {  	v2 =	vld [tilespmem:s9+$0xFFFFFFF0]  }
0x1fc: {  	v3 =	vld [tilespmem:s10+$0xFFFFFFF0]  }
0x1fd: {  	v4 =	vld.idx.msk [tilespmem:v1+s0+$0x0], $0xffff;
	_ =	sdelay $0x2  }
0x1fe: {  	v52 =	vadd.s32 $0x2710, v1;
	_ =	sdelay $0x1  }
0x1ff: {  	v4 =	vmul.f32 v4, v3;
	_ =	sdelay $0x1  }
0x200: {  	[tilespmem:v2+s1+$0x0] =	vst.idx.add.f32.msk $0xffff, v4  }
0x201: {  	v4 =	vld.idx.msk [tilespmem:v52+s0+$0x0], $0xffff;
	_ =	sdelay $0x1  }
0x202: {  	v53 =	vadd.s32 $0x2710, v2  }
0x203: {  	v54 =	vadd.s32 $0x4E20, v1;
	_ =	sdelay $0x1  }
0x204: {  	v4 =	vmul.f32 v4, v3;
	_ =	sdelay $0x1  }
0x205: {  	[tilespmem:v53+s1+$0x0] =	vst.idx.add.f32.msk $0xffff, v4  }
0x206: {  	v4 =	vld.idx.msk [tilespmem:v54+s0+$0x0], $0xffff;
	_ =	sdelay $0x1  }
0x207: {  	v55 =	vadd.s32 $0x4E20, v2  }
0x208: {  	v1 =	vadd.s32 $0x7530, v1;
	_ =	sdelay $0x1  }
0x209: {  	v4 =	vmul.f32 v4, v3;
	_ =	sdelay $0x1  }
0x20a: {  	[tilespmem:v55+s1+$0x0] =	vst.idx.add.f32.msk $0xffff, v4  }
0x20b: {  	v1 =	vld.idx.msk [tilespmem:v1+s0+$0x0], $0xffff;
	_ =	sdelay $0x1  }
0x20c: {  	v2 =	vadd.s32 $0x7530, v2;
	_ =	sdelay $0x2  }
0x20d: {  	v1 =	vmul.f32 v1, v3;
	_ =	sdelay $0x1  }
0x20e: {  	[tilespmem:v2+s1+$0x0] =	vst.idx.add.f32.msk $0xffff, v1  }
0x20f: {  	v1 =	vld [tilespmem:s8+$0x0];
	_ =	sdelay $0x5  }
0x210: {  	v2 =	vld [tilespmem:s9+$0x0]  }
0x211: {  	v3 =	vld [tilespmem:s10+$0x0]  }
0x212: {  	v4 =	vld.idx.msk [tilespmem:v1+s0+$0x0], $0xffff;
	_ =	sdelay $0x2  }
0x213: {  	v56 =	vadd.s32 $0x2710, v1;
	_ =	sdelay $0x1  }
0x214: {  	v4 =	vmul.f32 v4, v3;
	_ =	sdelay $0x1  }
0x215: {  	[tilespmem:v2+s1+$0x0] =	vst.idx.add.f32.msk $0xffff, v4  }
0x216: {  	v4 =	vld.idx.msk [tilespmem:v56+s0+$0x0], $0xffff;
	_ =	sdelay $0x1  }
0x217: {  	v57 =	vadd.s32 $0x2710, v2  }
0x218: {  	v58 =	vadd.s32 $0x4E20, v1;
	_ =	sdelay $0x1  }
0x219: {  	v4 =	vmul.f32 v4, v3;
	_ =	sdelay $0x1  }
0x21a: {  	[tilespmem:v57+s1+$0x0] =	vst.idx.add.f32.msk $0xffff, v4  }
0x21b: {  	v4 =	vld.idx.msk [tilespmem:v58+s0+$0x0], $0xffff;
	_ =	sdelay $0x1  }
0x21c: {  	v59 =	vadd.s32 $0x4E20, v2  }
0x21d: {  	v1 =	vadd.s32 $0x7530, v1;
	_ =	sdelay $0x1  }
0x21e: {  	v4 =	vmul.f32 v4, v3;
	_ =	sdelay $0x1  }
0x21f: {  	[tilespmem:v59+s1+$0x0] =	vst.idx.add.f32.msk $0xffff, v4  }
0x220: {  	v1 =	vld.idx.msk [tilespmem:v1+s0+$0x0], $0xffff;
	_ =	sdelay $0x1  }
0x221: {  	v2 =	vadd.s32 $0x7530, v2;
	_ =	sdelay $0x2  }
0x222: {  	v1 =	vmul.f32 v1, v3;
	_ =	sdelay $0x1  }
0x223: {  	[tilespmem:v2+s1+$0x0] =	vst.idx.add.f32.msk $0xffff, v1  }
0x224: {  	v1 =	vld [tilespmem:s8+$0x10];
	_ =	sdelay $0x5  }
0x225: {  	v2 =	vld [tilespmem:s9+$0x10]  }
0x226: {  	v3 =	vld [tilespmem:s10+$0x10]  }
0x227: {  	v4 =	vld.idx.msk [tilespmem:v1+s0+$0x0], $0xffff;
	_ =	sdelay $0x2  }
0x228: {  	v60 =	vadd.s32 $0x2710, v1;
	_ =	sdelay $0x1  }
0x229: {  	v4 =	vmul.f32 v4, v3;
	_ =	sdelay $0x1  }
0x22a: {  	[tilespmem:v2+s1+$0x0] =	vst.idx.add.f32.msk $0xffff, v4  }
0x22b: {  	v4 =	vld.idx.msk [tilespmem:v60+s0+$0x0], $0xffff;
	_ =	sdelay $0x1  }
0x22c: {  	v61 =	vadd.s32 $0x2710, v2  }
0x22d: {  	v62 =	vadd.s32 $0x4E20, v1;
	_ =	sdelay $0x1  }
0x22e: {  	v4 =	vmul.f32 v4, v3;
	_ =	sdelay $0x1  }
0x22f: {  	[tilespmem:v61+s1+$0x0] =	vst.idx.add.f32.msk $0xffff, v4  }
0x230: {  	v4 =	vld.idx.msk [tilespmem:v62+s0+$0x0], $0xffff;
	_ =	sdelay $0x1  }
0x231: {  	v63 =	vadd.s32 $0x4E20, v2  }
0x232: {  	v1 =	vadd.s32 $0x7530, v1;
	_ =	sdelay $0x1  }
0x233: {  	v4 =	vmul.f32 v4, v3;
	_ =	sdelay $0x1  }
0x234: {  	[tilespmem:v63+s1+$0x0] =	vst.idx.add.f32.msk $0xffff, v4  }
0x235: {  	v1 =	vld.idx.msk [tilespmem:v1+s0+$0x0], $0xffff  }
0x236: {  	s7 =	sadd.s32 $0x4, s7  }
0x237: {  	p0 =	slt.u32 s7, $0x27C;
	v2 =	vadd.s32 $0x7530, v2  }
.Ltmp9:
0x238: {  	_ = 	snop;
	(pc) =	sbr.rel @p0 .LBB2_20-.Ltmp9, $3  }
0x239: {  	_ = 	snop  }
0x23a: {  	v1 =	vmul.f32 v1, v3;
	_ =	sdelay $0x1  }
0x23b: {  	s8 =	sadd.s32 $0x40, s8;
	s9 =	sadd.s32 $0x40, s9;
	s10 =	sadd.s32 $0x40, s10;
	[tilespmem:v2+s1+$0x0] =	vst.idx.add.f32.msk $0xffff, v1  }
0x23c: {  	[hbm4b:s24+s2] =	stream.linear.scatter [tilespmem:s1], [sflag:$0x1], $0x2710, $0x38;
	[tilespmem:$0x1B080] =	vst v63  }
0x23d: {  	_ =	swait.ge [sflag:s31], $0x2710  }
0x23e: {  	[sflag:s31] =	ssyncset.done $0x0  }
0x23f: {  	[sflag:s31] =	ssyncadd.s32 $0xFFFFD8F0  }
0x240: {  	[hbm4b:s25+s2] =	stream.linear.scatter [tilespmem:s3], [sflag:$0x1], $0x2710, $0x38;
	[tilespmem:$0x1B080] =	vst v63  }
0x241: {  	_ =	swait.ge [sflag:s31], $0x2710  }
0x242: {  	[sflag:s31] =	ssyncset.done $0x0  }
0x243: {  	[sflag:s31] =	ssyncadd.s32 $0xFFFFD8F0  }
0x244: {  	[hbm4b:s26+s2] =	stream.linear.scatter [tilespmem:s4], [sflag:$0x1], $0x2710, $0x38;
	[tilespmem:$0x1B080] =	vst v63  }
0x245: {  	s6 =	sadd.s32 $0x1, s6;
	_ =	swait.ge [sflag:s31], $0x2710  }
0x246: {  	p0 =	sne.s32 s6, s29;
	[sflag:s31] =	ssyncset.done $0x0  }
.Ltmp10:
0x247: {  	[sflag:s31] =	ssyncadd.s32 $0xFFFFD8F0;
	(pc) =	sbr.rel @p0 .LBB2_1-.Ltmp10, $4  }
0x248: {  	[hbm4b:s28+s2] =	stream.linear.scatter [tilespmem:s5], [sflag:$0x1], $0x2710, $0x38;
	[tilespmem:$0x1B080] =	vst v63  }
0x249: {  	_ =	swait.ge [sflag:s31], $0x2710  }
0x24a: {  	[sflag:s31] =	ssyncset.done $0x0  }
0x24b: {  	[sflag:s31] =	ssyncadd.s32 $0xFFFFD8F0  }
0x24c: {  	_ =	sfence.sel $0x180000  }
0x24d: {  	[bflag:$0x0] =	sbarrier.arrive $0xFFFF  }
0x24e: {  	_ =	strace $0x90000047  }
0x24f: {  	s0 =	stileid.u32;
	[bflag:$0x2] =	sbarrier.arrive $0xFFFF  }
0x250: {  	p0 =	sne.s32 s0, $0x0;
	s0 =	rddreg [dreg:$0x1]  }
0x251: {  	s0 =	sadd.s32 @!p0 $0x100000, s0  }
0x252: {  	[sflag:s0] =	ssyncadd.tile.s32 @!p0 $0x1;
	_ =	shalt  }
.Lfunc_end2:
_tile_overlayer_lowered:
.L_overlay_start_2:
0x253: {  	(tag) =	ssettag $0x2  }
0x254: {  	s0 =	rddreg [dreg:$0x0];
	s2 =	stileid.u32  }
0x255: {  	s1 =	rddreg [dreg:$0x1];
	p0 =	sne.s32 s2, $0x0  }
0x256: {  	s3 =	rddreg [dreg:$0x2];
	[bflag:$0x3] =	sbarrier.arrive $0xFFFF;
	s2 =	simm.s32 @!p0 $0x1C01  }
0x257: {  	[timem:s3], [sflag:s2] =	dma.local @!p0 [hbm:s0], s1  }
0x258: {  	s0 =	simm.s32 @!p0 $0x1  }
0x259: {  	_ =	swait.ge @!p0 [sflag:s0], s1  }
0x25a: {  	s1 =	ssub.s32 @!p0 $0x0, s1;
	[sflag:s0] =	ssyncset.done @!p0 $0x0  }
0x25b: {  	[sflag:s0] =	ssyncadd.s32 @!p0 s1  }
0x25c: {  	[bflag:$0x3] =	sbarrier.arrive $0xFFFF  }
0x25d: {  	_ =	shalt  }

</sc_bundles>
